<compile_context>
chip_gen: v7x
topology: tpu7x:2x2x1
jax: 0.10.2.dev20260603
libtpu: 0.0.44.dev20260713+nightly
codegen_flags: <defaults>
</compile_context>

<pallas_src>
import math

import jax
import jax.numpy as jnp
from jax import lax
from jax.experimental import pallas as pl
from jax.experimental.pallas import tpu as pltpu
from jax.experimental.pallas import tpu_sc as plsc

NC = 2
NS = 16
NW = NC * NS
EDGE_CHUNK = 128
CPT = 80
NBUF = 3
PAD_ROWS = 16
BN_SCALE = 1.0 / math.sqrt(1.0 + 1e-5)


def _scatter_body(z_hbm, src_hbm, dst_hbm, zero_hbm, out_hbm,
                  sb0, sb1, sb2, db0, db1, db2, db3, rows, acc,
                  gs0, gs1, ss0, ss1, ss2, ss3,
                  iss0, iss1, iss2, isd0, isd1, isd2, isd3):
    sbufs, dbufs = (sb0, sb1, sb2), (db0, db1, db2, db3)
    gsems, ssems = (gs0, gs1), (ss0, ss1, ss2, ss3)
    isems_s, isems_d = (iss0, iss1, iss2), (isd0, isd1, isd2, isd3)
    cid = lax.axis_index("c")
    sid = lax.axis_index("s")
    n = z_hbm.shape[0]
    wid = cid * NS + sid
    c0 = wid * CPT

    def idx_start(j, s3, s4):
        off = (c0 + j) * EDGE_CHUNK
        pltpu.async_copy(src_hbm.at[pl.ds(off, EDGE_CHUNK)], sbufs[s3],
                         isems_s[s3])
        pltpu.async_copy(dst_hbm.at[pl.ds(off, EDGE_CHUNK)], dbufs[s4],
                         isems_d[s4])

    def idx_wait(j, s3, s4):
        off = (c0 + j) * EDGE_CHUNK
        pltpu.make_async_copy(src_hbm.at[pl.ds(off, EDGE_CHUNK)], sbufs[s3],
                              isems_s[s3]).wait()
        pltpu.make_async_copy(dst_hbm.at[pl.ds(off, EDGE_CHUNK)], dbufs[s4],
                              isems_d[s4]).wait()

    def gather_start(s3, g2):
        pltpu.async_copy(z_hbm.at[sbufs[s3]], rows.at[s3], gsems[g2])

    def gather_wait(s3, g2):
        pltpu.make_async_copy(z_hbm.at[sbufs[s3]], rows.at[s3],
                              gsems[g2]).wait()

    def scat_start(s3, s4):
        pltpu.async_copy(rows.at[s3], acc.at[dbufs[s4]], ssems[s4], add=True)

    def scat_wait(s3, s4):
        pltpu.make_async_copy(rows.at[s3], acc.at[dbufs[s4]],
                              ssems[s4]).wait()

    idx_start(0, 0, 0)
    idx_start(1, 1, 1)

    cp = ((n // NS + 7) // 8) * 8
    tail = n - cp * (NS - 1)
    r0 = sid * cp

    def _init_range(start, length):
        @pl.when(cid == 0)
        def _():
            pltpu.sync_copy(z_hbm.at[pl.ds(start, length)],
                            acc.at[pl.ds(start, length)])

        @pl.when(cid == 1)
        def _():
            pltpu.sync_copy(zero_hbm.at[pl.ds(0, length)],
                            acc.at[pl.ds(start, length)])

    @pl.when(sid < NS - 1)
    def _():
        _init_range(r0, cp)

    @pl.when(sid == NS - 1)
    def _():
        _init_range(cp * (NS - 1), tail)

    idx_wait(0, 0, 0)
    gather_start(0, 0)
    plsc.subcore_barrier()

    def step(j, s3, s4, g2, scat_w, idx_st, nxt):
        if scat_w:
            scat_wait((s3 + 1) % 3, (s4 + 2) % 4)
        if nxt:
            idx_wait(j + 1, (s3 + 1) % 3, (s4 + 1) % 4)
            gather_start((s3 + 1) % 3, (g2 + 1) % 2)
        if idx_st:
            idx_start(j + 2, (s3 + 2) % 3, (s4 + 2) % 4)
        gather_wait(s3, g2)
        scat_start(s3, s4)

    for jj in range(4):
        step(jj, jj % 3, jj % 4, jj % 2,
             scat_w=(jj >= 2), idx_st=True, nxt=True)

    def body(k, carry):
        base = 4 + 12 * k
        for t in range(12):
            step(base + t, (4 + t) % 3, t % 4, t % 2,
                 scat_w=True, idx_st=True, nxt=True)
        return carry

    lax.fori_loop(0, (CPT - 8) // 12, body, 0)

    for jj in range(CPT - 4, CPT):
        step(jj, jj % 3, jj % 4, jj % 2,
             scat_w=True, idx_st=(jj + 2 < CPT), nxt=(jj + 1 < CPT))
    scat_wait((CPT - 2) % 3, (CPT - 2) % 4)
    scat_wait((CPT - 1) % 3, (CPT - 1) % 4)

    plsc.subcore_barrier()

    def _pub_range(start, length):
        pltpu.sync_copy(acc.at[pl.ds(start, length)],
                        out_hbm.at[pl.ds(cid * n + start, length)])

    @pl.when(sid < NS - 1)
    def _():
        _pub_range(r0, cp)

    @pl.when(sid == NS - 1)
    def _():
        _pub_range(cp * (NS - 1), tail)


def _make_scatter(n, d, dtype):
    mesh = plsc.VectorSubcoreMesh(core_axis_name="c", subcore_axis_name="s",
                                  num_cores=NC, num_subcores=NS)
    return pl.kernel(
        _scatter_body,
        out_type=jax.ShapeDtypeStruct((NC * n, d), dtype),
        mesh=mesh,
        scratch_types=(
            [pltpu.VMEM((EDGE_CHUNK,), jnp.int32) for _ in range(7)]
            + [pltpu.VMEM((NBUF, EDGE_CHUNK, d), dtype),
               pltpu.VMEM_SHARED((n + PAD_ROWS, d), dtype)]
            + [pltpu.SemaphoreType.DMA for _ in range(13)]
        ),
    )


def _mlp_body(p0_ref, p1_ref, wa_ref, ba_ref, wb_ref, bb_ref, o_ref):
    h = p0_ref[...] + p1_ref[...]
    h = jnp.maximum(
        jnp.dot(h, wa_ref[...], preferred_element_type=jnp.float32)
        + ba_ref[...], 0.0)
    h = jnp.dot(h, wb_ref[...], preferred_element_type=jnp.float32) + bb_ref[...]
    o_ref[...] = jnp.maximum(h, 0.0)


def _tail_body(p0_ref, p1_ref, wa_ref, ba_ref, wb_ref, bb_ref,
               bng_ref, bnb_ref, wp_ref, bp_ref, bn2g_ref, bn2b_ref, pa_ref,
               z_ref, p_ref):
    h = p0_ref[...] + p1_ref[...]
    h = jnp.maximum(
        jnp.dot(h, wa_ref[...], preferred_element_type=jnp.float32)
        + ba_ref[...], 0.0)
    h = jnp.dot(h, wb_ref[...], preferred_element_type=jnp.float32) + bb_ref[...]
    h = jnp.maximum(h, 0.0)
    z = h * (bng_ref[...] * BN_SCALE) + bnb_ref[...]
    z_ref[...] = z
    q = jnp.dot(z, wp_ref[...], preferred_element_type=jnp.float32) + bp_ref[...]
    q = q * (bn2g_ref[...] * BN_SCALE) + bn2b_ref[...]
    p_ref[...] = jnp.where(q > 0, q, pa_ref[0, 0] * q)


_BLK = 2000


def _row_spec(d):
    return pl.BlockSpec((_BLK, d), lambda i: (i, 0))


def _rep_spec(r, c):
    return pl.BlockSpec((r, c), lambda i: (0, 0))


def _half_spec(d, half_blocks):
    return pl.BlockSpec((_BLK, d), lambda i, h=half_blocks: (i + h, 0))


def _mlp_call(agg, wa, ba, wb, bb):
    n = agg.shape[0] // 2
    d = agg.shape[1]
    h = wa.shape[1]
    nb = n // _BLK
    return pl.pallas_call(
        _mlp_body,
        grid=(nb,),
        in_specs=[_half_spec(d, 0), _half_spec(d, nb),
                  _rep_spec(d, h), _rep_spec(1, h),
                  _rep_spec(h, h), _rep_spec(1, h)],
        out_specs=_row_spec(h),
        out_shape=jax.ShapeDtypeStruct((n, h), agg.dtype),
    )(agg, agg, wa, ba.reshape(1, h), wb, bb.reshape(1, h))


def _tail_call(agg, wa, ba, wb, bb, bng, bnb, wp, bp, bn2g, bn2b, pa):
    n = agg.shape[0] // 2
    d = agg.shape[1]
    h = wa.shape[1]
    nb = n // _BLK
    vecs = [a.reshape(1, h) for a in (ba, bb, bng, bnb, bp, bn2g, bn2b)]
    return pl.pallas_call(
        _tail_body,
        grid=(nb,),
        in_specs=[_half_spec(d, 0), _half_spec(d, nb),
                  _rep_spec(d, h), _rep_spec(1, h),
                  _rep_spec(h, h), _rep_spec(1, h),
                  _rep_spec(1, h), _rep_spec(1, h),
                  _rep_spec(h, h), _rep_spec(1, h),
                  _rep_spec(1, h), _rep_spec(1, h),
                  pl.BlockSpec(memory_space=pltpu.SMEM)],
        out_specs=[_row_spec(h), _row_spec(h)],
        out_shape=[jax.ShapeDtypeStruct((n, h), agg.dtype),
                   jax.ShapeDtypeStruct((n, h), agg.dtype)],
    )(agg, agg, wa, vecs[0], wb, vecs[1], vecs[2], vecs[3], wp, vecs[4],
      vecs[5], vecs[6], pa.reshape(1, 1))


def kernel(x, edge_index, W1a, b1a, W1b, b1b, W2a, b2a, W2b, b2b,
           bn_gamma, bn_beta, Wp, bp, bn2_gamma, bn2_beta, prelu_a):
    n, d = x.shape
    e = edge_index.shape[1]
    e_pad = NW * CPT * EDGE_CHUNK
    ar = jnp.arange(e_pad - e, dtype=jnp.int32)
    src = jnp.concatenate([edge_index[0], ar % n])
    dst = jnp.concatenate([edge_index[1], n + (ar % PAD_ROWS)])
    cp = ((n // NS + 7) // 8) * 8
    zeros = jnp.zeros((cp, d), x.dtype)
    scat = _make_scatter(n, d, x.dtype)

    agg1 = scat(x, src, dst, zeros)
    z1 = _mlp_call(agg1, W1a, b1a, W1b, b1b)
    agg2 = scat(z1, src, dst, zeros)
    z, p = _tail_call(agg2, W2a, b2a, W2b, b2b,
                      bn_gamma, bn_beta, Wp, bp, bn2_gamma, bn2_beta, prelu_a)
    return (z, p)

# --- scband reference (transcript-rebuilt; emitter-appended) ---
"""Pipeline reference for scband-encoder-44744969290566 (READ-ONLY COPY).

The authoritative reference and input builder live on the scoring server;
editing this copy changes nothing except your own understanding.
"""

import jax, jax.numpy as jnp
import numpy as np

N = 10000
E = 320000
D = 128
H = 128
BN_EPS = 1e-5


def setup_inputs(seed: int = 0) -> dict:
    key = jax.random.key(seed)
    ks = jax.random.split(key, 16)
    x = jax.random.normal(ks[0], (N, D), dtype=jnp.float32)
    edge_index = jax.random.randint(ks[1], (2, E), 0, N, dtype=jnp.int32)
    s_in = 1.0 / np.sqrt(D)
    s_h = 1.0 / np.sqrt(H)
    # GIN layer 1 MLP: Linear(D,H) -> ReLU -> Linear(H,H)
    W1a = jax.random.uniform(ks[2], (D, H), jnp.float32, -s_in, s_in)
    b1a = jax.random.uniform(ks[3], (H,), jnp.float32, -s_in, s_in)
    W1b = jax.random.uniform(ks[4], (H, H), jnp.float32, -s_h, s_h)
    b1b = jax.random.uniform(ks[5], (H,), jnp.float32, -s_h, s_h)
    # GIN layer 2 MLP: Linear(H,H) -> ReLU -> Linear(H,H)
    W2a = jax.random.uniform(ks[6], (H, H), jnp.float32, -s_h, s_h)
    b2a = jax.random.uniform(ks[7], (H,), jnp.float32, -s_h, s_h)
    W2b = jax.random.uniform(ks[8], (H, H), jnp.float32, -s_h, s_h)
    b2b = jax.random.uniform(ks[9], (H,), jnp.float32, -s_h, s_h)
    # encoder BatchNorm1d (eval mode: running_mean=0, running_var=1)
    bn_gamma = jnp.ones((H,), jnp.float32)
    bn_beta = jnp.zeros((H,), jnp.float32)
    # projection head: Linear(H,H) -> BatchNorm1d -> PReLU -> Dropout(eval: no-op)
    Wp = jax.random.uniform(ks[10], (H, H), jnp.float32, -s_h, s_h)
    bp = jax.random.uniform(ks[11], (H,), jnp.float32, -s_h, s_h)
    bn2_gamma = jnp.ones((H,), jnp.float32)
    bn2_beta = jnp.zeros((H,), jnp.float32)
    prelu_a = jnp.array(0.25, jnp.float32)
    return {"x": x, "edge_index": edge_index,
            "W1a": W1a, "b1a": b1a, "W1b": W1b, "b1b": b1b,
            "W2a": W2a, "b2a": b2a, "W2b": W2b, "b2b": b2b,
            "bn_gamma": bn_gamma, "bn_beta": bn_beta,
            "Wp": Wp, "bp": bp,
            "bn2_gamma": bn2_gamma, "bn2_beta": bn2_beta,
            "prelu_a": prelu_a}


def _gin_conv(z, edge_index, Wa, ba, Wb, bb):
    src = edge_index[0]
    dst = edge_index[1]
    # sum aggregation of neighbor messages (eps = 0)
    agg = jnp.zeros_like(z).at[dst].add(z[src])
    h = z + agg  # (1 + eps) * x + sum_j x_j with eps=0
    h = jnp.maximum(h @ Wa + ba, 0.0)
    h = h @ Wb + bb
    return h


def _bn_eval(z, gamma, beta):
    # BatchNorm1d eval: running_mean=0, running_var=1
    return z / jnp.sqrt(1.0 + BN_EPS) * gamma + beta


def reference(x, edge_index, W1a, b1a, W1b, b1b, W2a, b2a, W2b, b2b,
              bn_gamma, bn_beta, Wp, bp, bn2_gamma, bn2_beta, prelu_a):
    z = x
    z = _gin_conv(z, edge_index, W1a, b1a, W1b, b1b)
    z = jnp.maximum(z, 0.0)  # activation (ReLU); dropout no-op in eval
    z = _gin_conv(z, edge_index, W2a, b2a, W2b, b2b)
    z = jnp.maximum(z, 0.0)
    z = _bn_eval(z, bn_gamma, bn_beta)
    # projection head
    p = z @ Wp + bp
    p = _bn_eval(p, bn2_gamma, bn2_beta)
    p = jnp.where(p > 0, p, prelu_a * p)  # PReLU; dropout no-op in eval
    return (z, p)

if __name__ == "__main__":
    import jax
    _d = setup_inputs()
    print(jax.jit(kernel)(*tuple(_d.values())))

</pallas_src>

<mosaic_0001>
#map = affine_map<(d0, d1) -> (0, 0)>
#map1 = affine_map<(d0, d1) -> (0)>
module attributes {stable_mosaic.version = 14 : i64} {
  func.func @_scatter_body(%arg0: i32, %arg1: i32, %arg2: memref<10000x128xf32, #tpu.memory_space<hbm>>, %arg3: memref<327680xi32, #tpu.memory_space<hbm>>, %arg4: memref<327680xi32, #tpu.memory_space<hbm>>, %arg5: memref<632x128xf32, #tpu.memory_space<hbm>>, %arg6: memref<20000x128xf32, #tpu.memory_space<hbm>>, %arg7: memref<128xi32, #tpu.memory_space<vmem>>, %arg8: memref<128xi32, #tpu.memory_space<vmem>>, %arg9: memref<128xi32, #tpu.memory_space<vmem>>, %arg10: memref<128xi32, #tpu.memory_space<vmem>>, %arg11: memref<128xi32, #tpu.memory_space<vmem>>, %arg12: memref<128xi32, #tpu.memory_space<vmem>>, %arg13: memref<128xi32, #tpu.memory_space<vmem>>, %arg14: memref<3x128x128xf32, #tpu.memory_space<vmem>>, %arg15: memref<10016x128xf32, #tpu.memory_space<vmem_shared>>, %arg16: memref<!tpu.dma_semaphore, #tpu.memory_space<semaphore_mem>>, %arg17: memref<!tpu.dma_semaphore, #tpu.memory_space<semaphore_mem>>, %arg18: memref<!tpu.dma_semaphore, #tpu.memory_space<semaphore_mem>>, %arg19: memref<!tpu.dma_semaphore, #tpu.memory_space<semaphore_mem>>, %arg20: memref<!tpu.dma_semaphore, #tpu.memory_space<semaphore_mem>>, %arg21: memref<!tpu.dma_semaphore, #tpu.memory_space<semaphore_mem>>, %arg22: memref<!tpu.dma_semaphore, #tpu.memory_space<semaphore_mem>>, %arg23: memref<!tpu.dma_semaphore, #tpu.memory_space<semaphore_mem>>, %arg24: memref<!tpu.dma_semaphore, #tpu.memory_space<semaphore_mem>>, %arg25: memref<!tpu.dma_semaphore, #tpu.memory_space<semaphore_mem>>, %arg26: memref<!tpu.dma_semaphore, #tpu.memory_space<semaphore_mem>>, %arg27: memref<!tpu.dma_semaphore, #tpu.memory_space<semaphore_mem>>, %arg28: memref<!tpu.dma_semaphore, #tpu.memory_space<semaphore_mem>>) attributes {dimension_semantics = [#tpu.dimension_semantics<core_parallel>, #tpu.dimension_semantics<subcore_parallel>], iteration_bounds = array<i64: 2, 16>, scalar_prefetch = 0 : i64, scratch_operands = 22 : i64, tpu.core_type = #tpu.core_type<sc_vector_subcore>, window_params = [{transform_indices = #map}, {transform_indices = #map1}, {transform_indices = #map1}, {transform_indices = #map}, {transform_indices = #map}]} {
    %mul3A = arith.constant 16 : i32
    %mul3A_0 = arith.muli %arg0, %mul3A : i32
    %add3A = arith.addi %mul3A_0, %arg1 : i32
    %mul3A_1 = arith.constant 80 : i32
    %mul3A_2 = arith.muli %add3A, %mul3A_1 : i32
    %add3A_3 = arith.constant 0 : i32
    %add3A_4 = arith.addi %mul3A_2, %add3A_3 : i32
    %mul3A_5 = arith.constant 128 : i32
    %mul3A_6 = arith.muli %add3A_4, %mul3A_5 : i32
    %dma_start3A = tpu.memref_slice %arg3[%mul3A_6] : memref<327680xi32, #tpu.memory_space<hbm>> -> memref<128xi32, #tpu.memory_space<hbm>>
    %dma_start3A_7 = tpu.memref_slice %arg3[%mul3A_6] : memref<327680xi32, #tpu.memory_space<hbm>> -> memref<128xi32, #tpu.memory_space<hbm>>
    tpu.enqueue_dma source(%dma_start3A_7 : memref<128xi32, #tpu.memory_space<hbm>>) target(%arg7 : memref<128xi32, #tpu.memory_space<vmem>>) target_semaphore(%arg22 : memref<!tpu.dma_semaphore, #tpu.memory_space<semaphore_mem>>)
    %dma_start3A_8 = tpu.memref_slice %arg4[%mul3A_6] : memref<327680xi32, #tpu.memory_space<hbm>> -> memref<128xi32, #tpu.memory_space<hbm>>
    %dma_start3A_9 = tpu.memref_slice %arg4[%mul3A_6] : memref<327680xi32, #tpu.memory_space<hbm>> -> memref<128xi32, #tpu.memory_space<hbm>>
    tpu.enqueue_dma source(%dma_start3A_9 : memref<128xi32, #tpu.memory_space<hbm>>) target(%arg10 : memref<128xi32, #tpu.memory_space<vmem>>) target_semaphore(%arg25 : memref<!tpu.dma_semaphore, #tpu.memory_space<semaphore_mem>>)
    %add3A_10 = arith.constant 1 : i32
    %add3A_11 = arith.addi %mul3A_2, %add3A_10 : i32
    %mul3A_12 = arith.constant 128 : i32
    %mul3A_13 = arith.muli %add3A_11, %mul3A_12 : i32
    %dma_start3A_14 = tpu.memref_slice %arg3[%mul3A_13] : memref<327680xi32, #tpu.memory_space<hbm>> -> memref<128xi32, #tpu.memory_space<hbm>>
    %dma_start3A_15 = tpu.memref_slice %arg3[%mul3A_13] : memref<327680xi32, #tpu.memory_space<hbm>> -> memref<128xi32, #tpu.memory_space<hbm>>
    tpu.enqueue_dma source(%dma_start3A_15 : memref<128xi32, #tpu.memory_space<hbm>>) target(%arg8 : memref<128xi32, #tpu.memory_space<vmem>>) target_semaphore(%arg23 : memref<!tpu.dma_semaphore, #tpu.memory_space<semaphore_mem>>)
    %dma_start3A_16 = tpu.memref_slice %arg4[%mul3A_13] : memref<327680xi32, #tpu.memory_space<hbm>> -> memref<128xi32, #tpu.memory_space<hbm>>
    %dma_start3A_17 = tpu.memref_slice %arg4[%mul3A_13] : memref<327680xi32, #tpu.memory_space<hbm>> -> memref<128xi32, #tpu.memory_space<hbm>>
    tpu.enqueue_dma source(%dma_start3A_17 : memref<128xi32, #tpu.memory_space<hbm>>) target(%arg11 : memref<128xi32, #tpu.memory_space<vmem>>) target_semaphore(%arg26 : memref<!tpu.dma_semaphore, #tpu.memory_space<semaphore_mem>>)
    %mul3A_18 = arith.constant 632 : i32
    %mul3A_19 = arith.muli %arg1, %mul3A_18 : i32
    %lt3A = arith.constant 15 : i32
    %lt3A_20 = arith.cmpi slt, %arg1, %lt3A : i32
    %convert_element_type3A = arith.extui %lt3A_20 : i1 to i32
    %cond3A = arith.constant 0 : i32
    %cond3A_21 = arith.cmpi ne, %convert_element_type3A, %cond3A : i32
    scf.if %cond3A_21 {
      %eq3A_409 = arith.constant 0 : i32
      %eq3A_410 = arith.cmpi eq, %arg0, %eq3A_409 : i32
      %convert_element_type3A_411 = arith.extui %eq3A_410 : i1 to i32
      %cond3A_412 = arith.constant 0 : i32
      %cond3A_413 = arith.cmpi ne, %convert_element_type3A_411, %cond3A_412 : i32
      scf.if %cond3A_413 {
        "tpu.region"() ({
          %run_scoped3A = tpu.sem_alloc : memref<!tpu.dma_semaphore, #tpu.memory_space<semaphore_mem>>
          %dma_start3A_419 = arith.constant 0 : i32
          %dma_start3A_420 = tpu.memref_slice %arg15[%mul3A_19, %dma_start3A_419] : memref<10016x128xf32, #tpu.memory_space<vmem_shared>> -> memref<632x128xf32, #tpu.memory_space<vmem_shared>>
          %dma_start3A_421 = arith.constant 0 : i32
          %dma_start3A_422 = tpu.memref_slice %arg2[%mul3A_19, %dma_start3A_421] : memref<10000x128xf32, #tpu.memory_space<hbm>> -> memref<632x128xf32, #tpu.memory_space<hbm>>
          tpu.enqueue_dma source(%dma_start3A_422 : memref<632x128xf32, #tpu.memory_space<hbm>>) target(%dma_start3A_420 : memref<632x128xf32, #tpu.memory_space<vmem_shared>>) target_semaphore(%run_scoped3A : memref<!tpu.dma_semaphore, #tpu.memory_space<semaphore_mem>>)
          %dma_wait3A_423 = arith.constant 0 : i32
          %dma_wait3A_424 = tpu.memref_slice %arg15[%mul3A_19, %dma_wait3A_423] : memref<10016x128xf32, #tpu.memory_space<vmem_shared>> -> memref<632x128xf32, #tpu.memory_space<vmem_shared>>
          %dma_wait3A_425 = arith.constant 0 : i32
          %dma_wait3A_426 = tpu.memref_slice %arg2[%mul3A_19, %dma_wait3A_425] : memref<10000x128xf32, #tpu.memory_space<hbm>> -> memref<632x128xf32, #tpu.memory_space<hbm>>
          tpu.wait_dma2 semaphore(%run_scoped3A : memref<!tpu.dma_semaphore, #tpu.memory_space<semaphore_mem>>) src(%dma_wait3A_426 : memref<632x128xf32, #tpu.memory_space<hbm>>) dst(%dma_wait3A_424 : memref<632x128xf32, #tpu.memory_space<vmem_shared>>)
          tpu.yield
        }) : () -> ()
      } else {
      }
      %eq3A_414 = arith.constant 1 : i32
      %eq3A_415 = arith.cmpi eq, %arg0, %eq3A_414 : i32
      %convert_element_type3A_416 = arith.extui %eq3A_415 : i1 to i32
      %cond3A_417 = arith.constant 0 : i32
      %cond3A_418 = arith.cmpi ne, %convert_element_type3A_416, %cond3A_417 : i32
      scf.if %cond3A_418 {
        "tpu.region"() ({
          %run_scoped3A = tpu.sem_alloc : memref<!tpu.dma_semaphore, #tpu.memory_space<semaphore_mem>>
          %dma_start3A_419 = arith.constant 0 : i32
          %dma_start3A_420 = tpu.memref_slice %arg15[%mul3A_19, %dma_start3A_419] : memref<10016x128xf32, #tpu.memory_space<vmem_shared>> -> memref<632x128xf32, #tpu.memory_space<vmem_shared>>
          %dma_start3A_421 = arith.constant 0 : i32
          %dma_start3A_422 = arith.constant 0 : i32
          %dma_start3A_423 = tpu.memref_slice %arg5[%dma_start3A_421, %dma_start3A_422] : memref<632x128xf32, #tpu.memory_space<hbm>> -> memref<632x128xf32, #tpu.memory_space<hbm>>
          tpu.enqueue_dma source(%dma_start3A_423 : memref<632x128xf32, #tpu.memory_space<hbm>>) target(%dma_start3A_420 : memref<632x128xf32, #tpu.memory_space<vmem_shared>>) target_semaphore(%run_scoped3A : memref<!tpu.dma_semaphore, #tpu.memory_space<semaphore_mem>>)
          %dma_wait3A_424 = arith.constant 0 : i32
          %dma_wait3A_425 = tpu.memref_slice %arg15[%mul3A_19, %dma_wait3A_424] : memref<10016x128xf32, #tpu.memory_space<vmem_shared>> -> memref<632x128xf32, #tpu.memory_space<vmem_shared>>
          %dma_wait3A_426 = arith.constant 0 : i32
          %dma_wait3A_427 = arith.constant 0 : i32
          %dma_wait3A_428 = tpu.memref_slice %arg5[%dma_wait3A_426, %dma_wait3A_427] : memref<632x128xf32, #tpu.memory_space<hbm>> -> memref<632x128xf32, #tpu.memory_space<hbm>>
          tpu.wait_dma2 semaphore(%run_scoped3A : memref<!tpu.dma_semaphore, #tpu.memory_space<semaphore_mem>>) src(%dma_wait3A_428 : memref<632x128xf32, #tpu.memory_space<hbm>>) dst(%dma_wait3A_425 : memref<632x128xf32, #tpu.memory_space<vmem_shared>>)
          tpu.yield
        }) : () -> ()
      } else {
      }
    } else {
    }
    %eq3A = arith.constant 15 : i32
    %eq3A_22 = arith.cmpi eq, %arg1, %eq3A : i32
    %convert_element_type3A_23 = arith.extui %eq3A_22 : i1 to i32
    %cond3A_24 = arith.constant 0 : i32
    %cond3A_25 = arith.cmpi ne, %convert_element_type3A_23, %cond3A_24 : i32
    scf.if %cond3A_25 {
      %eq3A_409 = arith.constant 0 : i32
      %eq3A_410 = arith.cmpi eq, %arg0, %eq3A_409 : i32
      %convert_element_type3A_411 = arith.extui %eq3A_410 : i1 to i32
      %cond3A_412 = arith.constant 0 : i32
      %cond3A_413 = arith.cmpi ne, %convert_element_type3A_411, %cond3A_412 : i32
      scf.if %cond3A_413 {
        "tpu.region"() ({
          %run_scoped3A = tpu.sem_alloc : memref<!tpu.dma_semaphore, #tpu.memory_space<semaphore_mem>>
          %dma_start3A_419 = arith.constant 9480 : i32
          %dma_start3A_420 = arith.constant 0 : i32
          %dma_start3A_421 = tpu.memref_slice %arg15[%dma_start3A_419, %dma_start3A_420] : memref<10016x128xf32, #tpu.memory_space<vmem_shared>> -> memref<520x128xf32, #tpu.memory_space<vmem_shared>>
          %dma_start3A_422 = arith.constant 9480 : i32
          %dma_start3A_423 = arith.constant 0 : i32
          %dma_start3A_424 = tpu.memref_slice %arg2[%dma_start3A_422, %dma_start3A_423] : memref<10000x128xf32, #tpu.memory_space<hbm>> -> memref<520x128xf32, #tpu.memory_space<hbm>>
          tpu.enqueue_dma source(%dma_start3A_424 : memref<520x128xf32, #tpu.memory_space<hbm>>) target(%dma_start3A_421 : memref<520x128xf32, #tpu.memory_space<vmem_shared>>) target_semaphore(%run_scoped3A : memref<!tpu.dma_semaphore, #tpu.memory_space<semaphore_mem>>)
          %dma_wait3A_425 = arith.constant 9480 : i32
          %dma_wait3A_426 = arith.constant 0 : i32
          %dma_wait3A_427 = tpu.memref_slice %arg15[%dma_wait3A_425, %dma_wait3A_426] : memref<10016x128xf32, #tpu.memory_space<vmem_shared>> -> memref<520x128xf32, #tpu.memory_space<vmem_shared>>
          %dma_wait3A_428 = arith.constant 9480 : i32
          %dma_wait3A_429 = arith.constant 0 : i32
          %dma_wait3A_430 = tpu.memref_slice %arg2[%dma_wait3A_428, %dma_wait3A_429] : memref<10000x128xf32, #tpu.memory_space<hbm>> -> memref<520x128xf32, #tpu.memory_space<hbm>>
          tpu.wait_dma2 semaphore(%run_scoped3A : memref<!tpu.dma_semaphore, #tpu.memory_space<semaphore_mem>>) src(%dma_wait3A_430 : memref<520x128xf32, #tpu.memory_space<hbm>>) dst(%dma_wait3A_427 : memref<520x128xf32, #tpu.memory_space<vmem_shared>>)
          tpu.yield
        }) : () -> ()
      } else {
      }
      %eq3A_414 = arith.constant 1 : i32
      %eq3A_415 = arith.cmpi eq, %arg0, %eq3A_414 : i32
      %convert_element_type3A_416 = arith.extui %eq3A_415 : i1 to i32
      %cond3A_417 = arith.constant 0 : i32
      %cond3A_418 = arith.cmpi ne, %convert_element_type3A_416, %cond3A_417 : i32
      scf.if %cond3A_418 {
        "tpu.region"() ({
          %run_scoped3A = tpu.sem_alloc : memref<!tpu.dma_semaphore, #tpu.memory_space<semaphore_mem>>
          %dma_start3A_419 = arith.constant 9480 : i32
          %dma_start3A_420 = arith.constant 0 : i32
          %dma_start3A_421 = tpu.memref_slice %arg15[%dma_start3A_419, %dma_start3A_420] : memref<10016x128xf32, #tpu.memory_space<vmem_shared>> -> memref<520x128xf32, #tpu.memory_space<vmem_shared>>
          %dma_start3A_422 = arith.constant 0 : i32
          %dma_start3A_423 = arith.constant 0 : i32
          %dma_start3A_424 = tpu.memref_slice %arg5[%dma_start3A_422, %dma_start3A_423] : memref<632x128xf32, #tpu.memory_space<hbm>> -> memref<520x128xf32, #tpu.memory_space<hbm>>
          tpu.enqueue_dma source(%dma_start3A_424 : memref<520x128xf32, #tpu.memory_space<hbm>>) target(%dma_start3A_421 : memref<520x128xf32, #tpu.memory_space<vmem_shared>>) target_semaphore(%run_scoped3A : memref<!tpu.dma_semaphore, #tpu.memory_space<semaphore_mem>>)
          %dma_wait3A_425 = arith.constant 9480 : i32
          %dma_wait3A_426 = arith.constant 0 : i32
          %dma_wait3A_427 = tpu.memref_slice %arg15[%dma_wait3A_425, %dma_wait3A_426] : memref<10016x128xf32, #tpu.memory_space<vmem_shared>> -> memref<520x128xf32, #tpu.memory_space<vmem_shared>>
          %dma_wait3A_428 = arith.constant 0 : i32
          %dma_wait3A_429 = arith.constant 0 : i32
          %dma_wait3A_430 = tpu.memref_slice %arg5[%dma_wait3A_428, %dma_wait3A_429] : memref<632x128xf32, #tpu.memory_space<hbm>> -> memref<520x128xf32, #tpu.memory_space<hbm>>
          tpu.wait_dma2 semaphore(%run_scoped3A : memref<!tpu.dma_semaphore, #tpu.memory_space<semaphore_mem>>) src(%dma_wait3A_430 : memref<520x128xf32, #tpu.memory_space<hbm>>) dst(%dma_wait3A_427 : memref<520x128xf32, #tpu.memory_space<vmem_shared>>)
          tpu.yield
        }) : () -> ()
      } else {
      }
    } else {
    }
    %add3A_26 = arith.constant 0 : i32
    %add3A_27 = arith.addi %mul3A_2, %add3A_26 : i32
    %mul3A_28 = arith.constant 128 : i32
    %mul3A_29 = arith.muli %add3A_27, %mul3A_28 : i32
    %dma_wait3A = tpu.memref_slice %arg3[%mul3A_29] : memref<327680xi32, #tpu.memory_space<hbm>> -> memref<128xi32, #tpu.memory_space<hbm>>
    %dma_wait3A_30 = tpu.memref_slice %arg3[%mul3A_29] : memref<327680xi32, #tpu.memory_space<hbm>> -> memref<128xi32, #tpu.memory_space<hbm>>
    tpu.wait_dma2 semaphore(%arg22 : memref<!tpu.dma_semaphore, #tpu.memory_space<semaphore_mem>>) src(%dma_wait3A_30 : memref<128xi32, #tpu.memory_space<hbm>>) dst(%arg7 : memref<128xi32, #tpu.memory_space<vmem>>)
    %dma_wait3A_31 = tpu.memref_slice %arg4[%mul3A_29] : memref<327680xi32, #tpu.memory_space<hbm>> -> memref<128xi32, #tpu.memory_space<hbm>>
    %dma_wait3A_32 = tpu.memref_slice %arg4[%mul3A_29] : memref<327680xi32, #tpu.memory_space<hbm>> -> memref<128xi32, #tpu.memory_space<hbm>>
    tpu.wait_dma2 semaphore(%arg25 : memref<!tpu.dma_semaphore, #tpu.memory_space<semaphore_mem>>) src(%dma_wait3A_32 : memref<128xi32, #tpu.memory_space<hbm>>) dst(%arg10 : memref<128xi32, #tpu.memory_space<vmem>>)
    %dma_start3A_33 = arith.constant 0 : i32
    %dma_start3A_34 = arith.constant 0 : i32
    %dma_start3A_35 = arith.constant 0 : i32
    %dma_start3A_36 = tpu.memref_slice %arg14[%dma_start3A_33, %dma_start3A_34, %dma_start3A_35] : memref<3x128x128xf32, #tpu.memory_space<vmem>> -> memref<1x128x128xf32, #tpu.memory_space<vmem>>
    %dma_start3A_37 = tpu.memref_squeeze %dma_start3A_36 : memref<1x128x128xf32, #tpu.memory_space<vmem>> -> memref<128x128xf32, #tpu.memory_space<vmem>>
    %dma_start3A_38 = arith.constant 0 : i32
    %dma_start3A_39 = arith.constant 0 : i32
    %dma_start3A_40 = tpu.memref_slice %arg2[%dma_start3A_38, %dma_start3A_39] : memref<10000x128xf32, #tpu.memory_space<hbm>> -> memref<10000x128xf32, #tpu.memory_space<hbm>>
    tpu.enqueue_indirect_dma source(%dma_start3A_40 : memref<10000x128xf32, #tpu.memory_space<hbm>>) target(%dma_start3A_37 : memref<128x128xf32, #tpu.memory_space<vmem>>) offsets(%arg7 : memref<128xi32, #tpu.memory_space<vmem>>) semaphore(%arg16 : memref<!tpu.dma_semaphore, #tpu.memory_space<semaphore_mem>>)
    %barrier3A = arith.constant 0 : index
    tpu.barrier barrier_id(%barrier3A)
    %add3A_41 = arith.constant 1 : i32
    %add3A_42 = arith.addi %mul3A_2, %add3A_41 : i32
    %mul3A_43 = arith.constant 128 : i32
    %mul3A_44 = arith.muli %add3A_42, %mul3A_43 : i32
    %dma_wait3A_45 = tpu.memref_slice %arg3[%mul3A_44] : memref<327680xi32, #tpu.memory_space<hbm>> -> memref<128xi32, #tpu.memory_space<hbm>>
    %dma_wait3A_46 = tpu.memref_slice %arg3[%mul3A_44] : memref<327680xi32, #tpu.memory_space<hbm>> -> memref<128xi32, #tpu.memory_space<hbm>>
    tpu.wait_dma2 semaphore(%arg23 : memref<!tpu.dma_semaphore, #tpu.memory_space<semaphore_mem>>) src(%dma_wait3A_46 : memref<128xi32, #tpu.memory_space<hbm>>) dst(%arg8 : memref<128xi32, #tpu.memory_space<vmem>>)
    %dma_wait3A_47 = tpu.memref_slice %arg4[%mul3A_44] : memref<327680xi32, #tpu.memory_space<hbm>> -> memref<128xi32, #tpu.memory_space<hbm>>
    %dma_wait3A_48 = tpu.memref_slice %arg4[%mul3A_44] : memref<327680xi32, #tpu.memory_space<hbm>> -> memref<128xi32, #tpu.memory_space<hbm>>
    tpu.wait_dma2 semaphore(%arg26 : memref<!tpu.dma_semaphore, #tpu.memory_space<semaphore_mem>>) src(%dma_wait3A_48 : memref<128xi32, #tpu.memory_space<hbm>>) dst(%arg11 : memref<128xi32, #tpu.memory_space<vmem>>)
    %dma_start3A_49 = arith.constant 1 : i32
    %dma_start3A_50 = arith.constant 0 : i32
    %dma_start3A_51 = arith.constant 0 : i32
    %dma_start3A_52 = tpu.memref_slice %arg14[%dma_start3A_49, %dma_start3A_50, %dma_start3A_51] : memref<3x128x128xf32, #tpu.memory_space<vmem>> -> memref<1x128x128xf32, #tpu.memory_space<vmem>>
    %dma_start3A_53 = tpu.memref_squeeze %dma_start3A_52 : memref<1x128x128xf32, #tpu.memory_space<vmem>> -> memref<128x128xf32, #tpu.memory_space<vmem>>
    %dma_start3A_54 = arith.constant 0 : i32
    %dma_start3A_55 = arith.constant 0 : i32
    %dma_start3A_56 = tpu.memref_slice %arg2[%dma_start3A_54, %dma_start3A_55] : memref<10000x128xf32, #tpu.memory_space<hbm>> -> memref<10000x128xf32, #tpu.memory_space<hbm>>
    tpu.enqueue_indirect_dma source(%dma_start3A_56 : memref<10000x128xf32, #tpu.memory_space<hbm>>) target(%dma_start3A_53 : memref<128x128xf32, #tpu.memory_space<vmem>>) offsets(%arg8 : memref<128xi32, #tpu.memory_space<vmem>>) semaphore(%arg17 : memref<!tpu.dma_semaphore, #tpu.memory_space<semaphore_mem>>)
    %add3A_57 = arith.constant 2 : i32
    %add3A_58 = arith.addi %mul3A_2, %add3A_57 : i32
    %mul3A_59 = arith.constant 128 : i32
    %mul3A_60 = arith.muli %add3A_58, %mul3A_59 : i32
    %dma_start3A_61 = tpu.memref_slice %arg3[%mul3A_60] : memref<327680xi32, #tpu.memory_space<hbm>> -> memref<128xi32, #tpu.memory_space<hbm>>
    %dma_start3A_62 = tpu.memref_slice %arg3[%mul3A_60] : memref<327680xi32, #tpu.memory_space<hbm>> -> memref<128xi32, #tpu.memory_space<hbm>>
    tpu.enqueue_dma source(%dma_start3A_62 : memref<128xi32, #tpu.memory_space<hbm>>) target(%arg9 : memref<128xi32, #tpu.memory_space<vmem>>) target_semaphore(%arg24 : memref<!tpu.dma_semaphore, #tpu.memory_space<semaphore_mem>>)
    %dma_start3A_63 = tpu.memref_slice %arg4[%mul3A_60] : memref<327680xi32, #tpu.memory_space<hbm>> -> memref<128xi32, #tpu.memory_space<hbm>>
    %dma_start3A_64 = tpu.memref_slice %arg4[%mul3A_60] : memref<327680xi32, #tpu.memory_space<hbm>> -> memref<128xi32, #tpu.memory_space<hbm>>
    tpu.enqueue_dma source(%dma_start3A_64 : memref<128xi32, #tpu.memory_space<hbm>>) target(%arg12 : memref<128xi32, #tpu.memory_space<vmem>>) target_semaphore(%arg27 : memref<!tpu.dma_semaphore, #tpu.memory_space<semaphore_mem>>)
    %dma_wait3A_65 = arith.constant 0 : i32
    %dma_wait3A_66 = arith.constant 0 : i32
    %dma_wait3A_67 = arith.constant 0 : i32
    %dma_wait3A_68 = tpu.memref_slice %arg14[%dma_wait3A_65, %dma_wait3A_66, %dma_wait3A_67] : memref<3x128x128xf32, #tpu.memory_space<vmem>> -> memref<1x128x128xf32, #tpu.memory_space<vmem>>
    %dma_wait3A_69 = tpu.memref_squeeze %dma_wait3A_68 : memref<1x128x128xf32, #tpu.memory_space<vmem>> -> memref<128x128xf32, #tpu.memory_space<vmem>>
    %dma_wait3A_70 = arith.constant 0 : i32
    %dma_wait3A_71 = arith.constant 0 : i32
    %dma_wait3A_72 = tpu.memref_slice %arg2[%dma_wait3A_70, %dma_wait3A_71] : memref<10000x128xf32, #tpu.memory_space<hbm>> -> memref<10000x128xf32, #tpu.memory_space<hbm>>
    tpu.wait_indirect_dma semaphore(%arg16 : memref<!tpu.dma_semaphore, #tpu.memory_space<semaphore_mem>>) src(%dma_wait3A_72 : memref<10000x128xf32, #tpu.memory_space<hbm>>) dst(%dma_wait3A_69 : memref<128x128xf32, #tpu.memory_space<vmem>>)
    %dma_start3A_73 = arith.constant 0 : i32
    %dma_start3A_74 = arith.constant 0 : i32
    %dma_start3A_75 = arith.constant 0 : i32
    %dma_start3A_76 = tpu.memref_slice %arg14[%dma_start3A_73, %dma_start3A_74, %dma_start3A_75] : memref<3x128x128xf32, #tpu.memory_space<vmem>> -> memref<1x128x128xf32, #tpu.memory_space<vmem>>
    %dma_start3A_77 = tpu.memref_squeeze %dma_start3A_76 : memref<1x128x128xf32, #tpu.memory_space<vmem>> -> memref<128x128xf32, #tpu.memory_space<vmem>>
    %dma_start3A_78 = arith.constant 0 : i32
    %dma_start3A_79 = arith.constant 0 : i32
    %dma_start3A_80 = tpu.memref_slice %arg15[%dma_start3A_78, %dma_start3A_79] : memref<10016x128xf32, #tpu.memory_space<vmem_shared>> -> memref<10016x128xf32, #tpu.memory_space<vmem_shared>>
    tpu.enqueue_indirect_dma source(%dma_start3A_77 : memref<128x128xf32, #tpu.memory_space<vmem>>) target(%dma_start3A_80 : memref<10016x128xf32, #tpu.memory_space<vmem_shared>>) offsets(%arg10 : memref<128xi32, #tpu.memory_space<vmem>>) semaphore(%arg18 : memref<!tpu.dma_semaphore, #tpu.memory_space<semaphore_mem>>) {add = true}
    %add3A_81 = arith.constant 2 : i32
    %add3A_82 = arith.addi %mul3A_2, %add3A_81 : i32
    %mul3A_83 = arith.constant 128 : i32
    %mul3A_84 = arith.muli %add3A_82, %mul3A_83 : i32
    %dma_wait3A_85 = tpu.memref_slice %arg3[%mul3A_84] : memref<327680xi32, #tpu.memory_space<hbm>> -> memref<128xi32, #tpu.memory_space<hbm>>
    %dma_wait3A_86 = tpu.memref_slice %arg3[%mul3A_84] : memref<327680xi32, #tpu.memory_space<hbm>> -> memref<128xi32, #tpu.memory_space<hbm>>
    tpu.wait_dma2 semaphore(%arg24 : memref<!tpu.dma_semaphore, #tpu.memory_space<semaphore_mem>>) src(%dma_wait3A_86 : memref<128xi32, #tpu.memory_space<hbm>>) dst(%arg9 : memref<128xi32, #tpu.memory_space<vmem>>)
    %dma_wait3A_87 = tpu.memref_slice %arg4[%mul3A_84] : memref<327680xi32, #tpu.memory_space<hbm>> -> memref<128xi32, #tpu.memory_space<hbm>>
    %dma_wait3A_88 = tpu.memref_slice %arg4[%mul3A_84] : memref<327680xi32, #tpu.memory_space<hbm>> -> memref<128xi32, #tpu.memory_space<hbm>>
    tpu.wait_dma2 semaphore(%arg27 : memref<!tpu.dma_semaphore, #tpu.memory_space<semaphore_mem>>) src(%dma_wait3A_88 : memref<128xi32, #tpu.memory_space<hbm>>) dst(%arg12 : memref<128xi32, #tpu.memory_space<vmem>>)
    %dma_start3A_89 = arith.constant 2 : i32
    %dma_start3A_90 = arith.constant 0 : i32
    %dma_start3A_91 = arith.constant 0 : i32
    %dma_start3A_92 = tpu.memref_slice %arg14[%dma_start3A_89, %dma_start3A_90, %dma_start3A_91] : memref<3x128x128xf32, #tpu.memory_space<vmem>> -> memref<1x128x128xf32, #tpu.memory_space<vmem>>
    %dma_start3A_93 = tpu.memref_squeeze %dma_start3A_92 : memref<1x128x128xf32, #tpu.memory_space<vmem>> -> memref<128x128xf32, #tpu.memory_space<vmem>>
    %dma_start3A_94 = arith.constant 0 : i32
    %dma_start3A_95 = arith.constant 0 : i32
    %dma_start3A_96 = tpu.memref_slice %arg2[%dma_start3A_94, %dma_start3A_95] : memref<10000x128xf32, #tpu.memory_space<hbm>> -> memref<10000x128xf32, #tpu.memory_space<hbm>>
    tpu.enqueue_indirect_dma source(%dma_start3A_96 : memref<10000x128xf32, #tpu.memory_space<hbm>>) target(%dma_start3A_93 : memref<128x128xf32, #tpu.memory_space<vmem>>) offsets(%arg9 : memref<128xi32, #tpu.memory_space<vmem>>) semaphore(%arg16 : memref<!tpu.dma_semaphore, #tpu.memory_space<semaphore_mem>>)
    %add3A_97 = arith.constant 3 : i32
    %add3A_98 = arith.addi %mul3A_2, %add3A_97 : i32
    %mul3A_99 = arith.constant 128 : i32
    %mul3A_100 = arith.muli %add3A_98, %mul3A_99 : i32
    %dma_start3A_101 = tpu.memref_slice %arg3[%mul3A_100] : memref<327680xi32, #tpu.memory_space<hbm>> -> memref<128xi32, #tpu.memory_space<hbm>>
    %dma_start3A_102 = tpu.memref_slice %arg3[%mul3A_100] : memref<327680xi32, #tpu.memory_space<hbm>> -> memref<128xi32, #tpu.memory_space<hbm>>
    tpu.enqueue_dma source(%dma_start3A_102 : memref<128xi32, #tpu.memory_space<hbm>>) target(%arg7 : memref<128xi32, #tpu.memory_space<vmem>>) target_semaphore(%arg22 : memref<!tpu.dma_semaphore, #tpu.memory_space<semaphore_mem>>)
    %dma_start3A_103 = tpu.memref_slice %arg4[%mul3A_100] : memref<327680xi32, #tpu.memory_space<hbm>> -> memref<128xi32, #tpu.memory_space<hbm>>
    %dma_start3A_104 = tpu.memref_slice %arg4[%mul3A_100] : memref<327680xi32, #tpu.memory_space<hbm>> -> memref<128xi32, #tpu.memory_space<hbm>>
    tpu.enqueue_dma source(%dma_start3A_104 : memref<128xi32, #tpu.memory_space<hbm>>) target(%arg13 : memref<128xi32, #tpu.memory_space<vmem>>) target_semaphore(%arg28 : memref<!tpu.dma_semaphore, #tpu.memory_space<semaphore_mem>>)
    %dma_wait3A_105 = arith.constant 1 : i32
    %dma_wait3A_106 = arith.constant 0 : i32
    %dma_wait3A_107 = arith.constant 0 : i32
    %dma_wait3A_108 = tpu.memref_slice %arg14[%dma_wait3A_105, %dma_wait3A_106, %dma_wait3A_107] : memref<3x128x128xf32, #tpu.memory_space<vmem>> -> memref<1x128x128xf32, #tpu.memory_space<vmem>>
    %dma_wait3A_109 = tpu.memref_squeeze %dma_wait3A_108 : memref<1x128x128xf32, #tpu.memory_space<vmem>> -> memref<128x128xf32, #tpu.memory_space<vmem>>
    %dma_wait3A_110 = arith.constant 0 : i32
    %dma_wait3A_111 = arith.constant 0 : i32
    %dma_wait3A_112 = tpu.memref_slice %arg2[%dma_wait3A_110, %dma_wait3A_111] : memref<10000x128xf32, #tpu.memory_space<hbm>> -> memref<10000x128xf32, #tpu.memory_space<hbm>>
    tpu.wait_indirect_dma semaphore(%arg17 : memref<!tpu.dma_semaphore, #tpu.memory_space<semaphore_mem>>) src(%dma_wait3A_112 : memref<10000x128xf32, #tpu.memory_space<hbm>>) dst(%dma_wait3A_109 : memref<128x128xf32, #tpu.memory_space<vmem>>)
    %dma_start3A_113 = arith.constant 1 : i32
    %dma_start3A_114 = arith.constant 0 : i32
    %dma_start3A_115 = arith.constant 0 : i32
    %dma_start3A_116 = tpu.memref_slice %arg14[%dma_start3A_113, %dma_start3A_114, %dma_start3A_115] : memref<3x128x128xf32, #tpu.memory_space<vmem>> -> memref<1x128x128xf32, #tpu.memory_space<vmem>>
    %dma_start3A_117 = tpu.memref_squeeze %dma_start3A_116 : memref<1x128x128xf32, #tpu.memory_space<vmem>> -> memref<128x128xf32, #tpu.memory_space<vmem>>
    %dma_start3A_118 = arith.constant 0 : i32
    %dma_start3A_119 = arith.constant 0 : i32
    %dma_start3A_120 = tpu.memref_slice %arg15[%dma_start3A_118, %dma_start3A_119] : memref<10016x128xf32, #tpu.memory_space<vmem_shared>> -> memref<10016x128xf32, #tpu.memory_space<vmem_shared>>
    tpu.enqueue_indirect_dma source(%dma_start3A_117 : memref<128x128xf32, #tpu.memory_space<vmem>>) target(%dma_start3A_120 : memref<10016x128xf32, #tpu.memory_space<vmem_shared>>) offsets(%arg11 : memref<128xi32, #tpu.memory_space<vmem>>) semaphore(%arg19 : memref<!tpu.dma_semaphore, #tpu.memory_space<semaphore_mem>>) {add = true}
    %dma_wait3A_121 = arith.constant 0 : i32
    %dma_wait3A_122 = arith.constant 0 : i32
    %dma_wait3A_123 = arith.constant 0 : i32
    %dma_wait3A_124 = tpu.memref_slice %arg14[%dma_wait3A_121, %dma_wait3A_122, %dma_wait3A_123] : memref<3x128x128xf32, #tpu.memory_space<vmem>> -> memref<1x128x128xf32, #tpu.memory_space<vmem>>
    %dma_wait3A_125 = tpu.memref_squeeze %dma_wait3A_124 : memref<1x128x128xf32, #tpu.memory_space<vmem>> -> memref<128x128xf32, #tpu.memory_space<vmem>>
    %dma_wait3A_126 = arith.constant 0 : i32
    %dma_wait3A_127 = arith.constant 0 : i32
    %dma_wait3A_128 = tpu.memref_slice %arg15[%dma_wait3A_126, %dma_wait3A_127] : memref<10016x128xf32, #tpu.memory_space<vmem_shared>> -> memref<10016x128xf32, #tpu.memory_space<vmem_shared>>
    tpu.wait_indirect_dma semaphore(%arg18 : memref<!tpu.dma_semaphore, #tpu.memory_space<semaphore_mem>>) src(%dma_wait3A_125 : memref<128x128xf32, #tpu.memory_space<vmem>>) dst(%dma_wait3A_128 : memref<10016x128xf32, #tpu.memory_space<vmem_shared>>)
    %add3A_129 = arith.constant 3 : i32
    %add3A_130 = arith.addi %mul3A_2, %add3A_129 : i32
    %mul3A_131 = arith.constant 128 : i32
    %mul3A_132 = arith.muli %add3A_130, %mul3A_131 : i32
    %dma_wait3A_133 = tpu.memref_slice %arg3[%mul3A_132] : memref<327680xi32, #tpu.memory_space<hbm>> -> memref<128xi32, #tpu.memory_space<hbm>>
    %dma_wait3A_134 = tpu.memref_slice %arg3[%mul3A_132] : memref<327680xi32, #tpu.memory_space<hbm>> -> memref<128xi32, #tpu.memory_space<hbm>>
    tpu.wait_dma2 semaphore(%arg22 : memref<!tpu.dma_semaphore, #tpu.memory_space<semaphore_mem>>) src(%dma_wait3A_134 : memref<128xi32, #tpu.memory_space<hbm>>) dst(%arg7 : memref<128xi32, #tpu.memory_space<vmem>>)
    %dma_wait3A_135 = tpu.memref_slice %arg4[%mul3A_132] : memref<327680xi32, #tpu.memory_space<hbm>> -> memref<128xi32, #tpu.memory_space<hbm>>
    %dma_wait3A_136 = tpu.memref_slice %arg4[%mul3A_132] : memref<327680xi32, #tpu.memory_space<hbm>> -> memref<128xi32, #tpu.memory_space<hbm>>
    tpu.wait_dma2 semaphore(%arg28 : memref<!tpu.dma_semaphore, #tpu.memory_space<semaphore_mem>>) src(%dma_wait3A_136 : memref<128xi32, #tpu.memory_space<hbm>>) dst(%arg13 : memref<128xi32, #tpu.memory_space<vmem>>)
    %dma_start3A_137 = arith.constant 0 : i32
    %dma_start3A_138 = arith.constant 0 : i32
    %dma_start3A_139 = arith.constant 0 : i32
    %dma_start3A_140 = tpu.memref_slice %arg14[%dma_start3A_137, %dma_start3A_138, %dma_start3A_139] : memref<3x128x128xf32, #tpu.memory_space<vmem>> -> memref<1x128x128xf32, #tpu.memory_space<vmem>>
    %dma_start3A_141 = tpu.memref_squeeze %dma_start3A_140 : memref<1x128x128xf32, #tpu.memory_space<vmem>> -> memref<128x128xf32, #tpu.memory_space<vmem>>
    %dma_start3A_142 = arith.constant 0 : i32
    %dma_start3A_143 = arith.constant 0 : i32
    %dma_start3A_144 = tpu.memref_slice %arg2[%dma_start3A_142, %dma_start3A_143] : memref<10000x128xf32, #tpu.memory_space<hbm>> -> memref<10000x128xf32, #tpu.memory_space<hbm>>
    tpu.enqueue_indirect_dma source(%dma_start3A_144 : memref<10000x128xf32, #tpu.memory_space<hbm>>) target(%dma_start3A_141 : memref<128x128xf32, #tpu.memory_space<vmem>>) offsets(%arg7 : memref<128xi32, #tpu.memory_space<vmem>>) semaphore(%arg17 : memref<!tpu.dma_semaphore, #tpu.memory_space<semaphore_mem>>)
    %add3A_145 = arith.constant 4 : i32
    %add3A_146 = arith.addi %mul3A_2, %add3A_145 : i32
    %mul3A_147 = arith.constant 128 : i32
    %mul3A_148 = arith.muli %add3A_146, %mul3A_147 : i32
    %dma_start3A_149 = tpu.memref_slice %arg3[%mul3A_148] : memref<327680xi32, #tpu.memory_space<hbm>> -> memref<128xi32, #tpu.memory_space<hbm>>
    %dma_start3A_150 = tpu.memref_slice %arg3[%mul3A_148] : memref<327680xi32, #tpu.memory_space<hbm>> -> memref<128xi32, #tpu.memory_space<hbm>>
    tpu.enqueue_dma source(%dma_start3A_150 : memref<128xi32, #tpu.memory_space<hbm>>) target(%arg8 : memref<128xi32, #tpu.memory_space<vmem>>) target_semaphore(%arg23 : memref<!tpu.dma_semaphore, #tpu.memory_space<semaphore_mem>>)
    %dma_start3A_151 = tpu.memref_slice %arg4[%mul3A_148] : memref<327680xi32, #tpu.memory_space<hbm>> -> memref<128xi32, #tpu.memory_space<hbm>>
    %dma_start3A_152 = tpu.memref_slice %arg4[%mul3A_148] : memref<327680xi32, #tpu.memory_space<hbm>> -> memref<128xi32, #tpu.memory_space<hbm>>
    tpu.enqueue_dma source(%dma_start3A_152 : memref<128xi32, #tpu.memory_space<hbm>>) target(%arg10 : memref<128xi32, #tpu.memory_space<vmem>>) target_semaphore(%arg25 : memref<!tpu.dma_semaphore, #tpu.memory_space<semaphore_mem>>)
    %dma_wait3A_153 = arith.constant 2 : i32
    %dma_wait3A_154 = arith.constant 0 : i32
    %dma_wait3A_155 = arith.constant 0 : i32
    %dma_wait3A_156 = tpu.memref_slice %arg14[%dma_wait3A_153, %dma_wait3A_154, %dma_wait3A_155] : memref<3x128x128xf32, #tpu.memory_space<vmem>> -> memref<1x128x128xf32, #tpu.memory_space<vmem>>
    %dma_wait3A_157 = tpu.memref_squeeze %dma_wait3A_156 : memref<1x128x128xf32, #tpu.memory_space<vmem>> -> memref<128x128xf32, #tpu.memory_space<vmem>>
    %dma_wait3A_158 = arith.constant 0 : i32
    %dma_wait3A_159 = arith.constant 0 : i32
    %dma_wait3A_160 = tpu.memref_slice %arg2[%dma_wait3A_158, %dma_wait3A_159] : memref<10000x128xf32, #tpu.memory_space<hbm>> -> memref<10000x128xf32, #tpu.memory_space<hbm>>
    tpu.wait_indirect_dma semaphore(%arg16 : memref<!tpu.dma_semaphore, #tpu.memory_space<semaphore_mem>>) src(%dma_wait3A_160 : memref<10000x128xf32, #tpu.memory_space<hbm>>) dst(%dma_wait3A_157 : memref<128x128xf32, #tpu.memory_space<vmem>>)
    %dma_start3A_161 = arith.constant 2 : i32
    %dma_start3A_162 = arith.constant 0 : i32
    %dma_start3A_163 = arith.constant 0 : i32
    %dma_start3A_164 = tpu.memref_slice %arg14[%dma_start3A_161, %dma_start3A_162, %dma_start3A_163] : memref<3x128x128xf32, #tpu.memory_space<vmem>> -> memref<1x128x128xf32, #tpu.memory_space<vmem>>
    %dma_start3A_165 = tpu.memref_squeeze %dma_start3A_164 : memref<1x128x128xf32, #tpu.memory_space<vmem>> -> memref<128x128xf32, #tpu.memory_space<vmem>>
    %dma_start3A_166 = arith.constant 0 : i32
    %dma_start3A_167 = arith.constant 0 : i32
    %dma_start3A_168 = tpu.memref_slice %arg15[%dma_start3A_166, %dma_start3A_167] : memref<10016x128xf32, #tpu.memory_space<vmem_shared>> -> memref<10016x128xf32, #tpu.memory_space<vmem_shared>>
    tpu.enqueue_indirect_dma source(%dma_start3A_165 : memref<128x128xf32, #tpu.memory_space<vmem>>) target(%dma_start3A_168 : memref<10016x128xf32, #tpu.memory_space<vmem_shared>>) offsets(%arg12 : memref<128xi32, #tpu.memory_space<vmem>>) semaphore(%arg20 : memref<!tpu.dma_semaphore, #tpu.memory_space<semaphore_mem>>) {add = true}
    %dma_wait3A_169 = arith.constant 1 : i32
    %dma_wait3A_170 = arith.constant 0 : i32
    %dma_wait3A_171 = arith.constant 0 : i32
    %dma_wait3A_172 = tpu.memref_slice %arg14[%dma_wait3A_169, %dma_wait3A_170, %dma_wait3A_171] : memref<3x128x128xf32, #tpu.memory_space<vmem>> -> memref<1x128x128xf32, #tpu.memory_space<vmem>>
    %dma_wait3A_173 = tpu.memref_squeeze %dma_wait3A_172 : memref<1x128x128xf32, #tpu.memory_space<vmem>> -> memref<128x128xf32, #tpu.memory_space<vmem>>
    %dma_wait3A_174 = arith.constant 0 : i32
    %dma_wait3A_175 = arith.constant 0 : i32
    %dma_wait3A_176 = tpu.memref_slice %arg15[%dma_wait3A_174, %dma_wait3A_175] : memref<10016x128xf32, #tpu.memory_space<vmem_shared>> -> memref<10016x128xf32, #tpu.memory_space<vmem_shared>>
    tpu.wait_indirect_dma semaphore(%arg19 : memref<!tpu.dma_semaphore, #tpu.memory_space<semaphore_mem>>) src(%dma_wait3A_173 : memref<128x128xf32, #tpu.memory_space<vmem>>) dst(%dma_wait3A_176 : memref<10016x128xf32, #tpu.memory_space<vmem_shared>>)
    %add3A_177 = arith.constant 4 : i32
    %add3A_178 = arith.addi %mul3A_2, %add3A_177 : i32
    %mul3A_179 = arith.constant 128 : i32
    %mul3A_180 = arith.muli %add3A_178, %mul3A_179 : i32
    %dma_wait3A_181 = tpu.memref_slice %arg3[%mul3A_180] : memref<327680xi32, #tpu.memory_space<hbm>> -> memref<128xi32, #tpu.memory_space<hbm>>
    %dma_wait3A_182 = tpu.memref_slice %arg3[%mul3A_180] : memref<327680xi32, #tpu.memory_space<hbm>> -> memref<128xi32, #tpu.memory_space<hbm>>
    tpu.wait_dma2 semaphore(%arg23 : memref<!tpu.dma_semaphore, #tpu.memory_space<semaphore_mem>>) src(%dma_wait3A_182 : memref<128xi32, #tpu.memory_space<hbm>>) dst(%arg8 : memref<128xi32, #tpu.memory_space<vmem>>)
    %dma_wait3A_183 = tpu.memref_slice %arg4[%mul3A_180] : memref<327680xi32, #tpu.memory_space<hbm>> -> memref<128xi32, #tpu.memory_space<hbm>>
    %dma_wait3A_184 = tpu.memref_slice %arg4[%mul3A_180] : memref<327680xi32, #tpu.memory_space<hbm>> -> memref<128xi32, #tpu.memory_space<hbm>>
    tpu.wait_dma2 semaphore(%arg25 : memref<!tpu.dma_semaphore, #tpu.memory_space<semaphore_mem>>) src(%dma_wait3A_184 : memref<128xi32, #tpu.memory_space<hbm>>) dst(%arg10 : memref<128xi32, #tpu.memory_space<vmem>>)
    %dma_start3A_185 = arith.constant 1 : i32
    %dma_start3A_186 = arith.constant 0 : i32
    %dma_start3A_187 = arith.constant 0 : i32
    %dma_start3A_188 = tpu.memref_slice %arg14[%dma_start3A_185, %dma_start3A_186, %dma_start3A_187] : memref<3x128x128xf32, #tpu.memory_space<vmem>> -> memref<1x128x128xf32, #tpu.memory_space<vmem>>
    %dma_start3A_189 = tpu.memref_squeeze %dma_start3A_188 : memref<1x128x128xf32, #tpu.memory_space<vmem>> -> memref<128x128xf32, #tpu.memory_space<vmem>>
    %dma_start3A_190 = arith.constant 0 : i32
    %dma_start3A_191 = arith.constant 0 : i32
    %dma_start3A_192 = tpu.memref_slice %arg2[%dma_start3A_190, %dma_start3A_191] : memref<10000x128xf32, #tpu.memory_space<hbm>> -> memref<10000x128xf32, #tpu.memory_space<hbm>>
    tpu.enqueue_indirect_dma source(%dma_start3A_192 : memref<10000x128xf32, #tpu.memory_space<hbm>>) target(%dma_start3A_189 : memref<128x128xf32, #tpu.memory_space<vmem>>) offsets(%arg8 : memref<128xi32, #tpu.memory_space<vmem>>) semaphore(%arg16 : memref<!tpu.dma_semaphore, #tpu.memory_space<semaphore_mem>>)
    %add3A_193 = arith.constant 5 : i32
    %add3A_194 = arith.addi %mul3A_2, %add3A_193 : i32
    %mul3A_195 = arith.constant 128 : i32
    %mul3A_196 = arith.muli %add3A_194, %mul3A_195 : i32
    %dma_start3A_197 = tpu.memref_slice %arg3[%mul3A_196] : memref<327680xi32, #tpu.memory_space<hbm>> -> memref<128xi32, #tpu.memory_space<hbm>>
    %dma_start3A_198 = tpu.memref_slice %arg3[%mul3A_196] : memref<327680xi32, #tpu.memory_space<hbm>> -> memref<128xi32, #tpu.memory_space<hbm>>
    tpu.enqueue_dma source(%dma_start3A_198 : memref<128xi32, #tpu.memory_space<hbm>>) target(%arg9 : memref<128xi32, #tpu.memory_space<vmem>>) target_semaphore(%arg24 : memref<!tpu.dma_semaphore, #tpu.memory_space<semaphore_mem>>)
    %dma_start3A_199 = tpu.memref_slice %arg4[%mul3A_196] : memref<327680xi32, #tpu.memory_space<hbm>> -> memref<128xi32, #tpu.memory_space<hbm>>
    %dma_start3A_200 = tpu.memref_slice %arg4[%mul3A_196] : memref<327680xi32, #tpu.memory_space<hbm>> -> memref<128xi32, #tpu.memory_space<hbm>>
    tpu.enqueue_dma source(%dma_start3A_200 : memref<128xi32, #tpu.memory_space<hbm>>) target(%arg11 : memref<128xi32, #tpu.memory_space<vmem>>) target_semaphore(%arg26 : memref<!tpu.dma_semaphore, #tpu.memory_space<semaphore_mem>>)
    %dma_wait3A_201 = arith.constant 0 : i32
    %dma_wait3A_202 = arith.constant 0 : i32
    %dma_wait3A_203 = arith.constant 0 : i32
    %dma_wait3A_204 = tpu.memref_slice %arg14[%dma_wait3A_201, %dma_wait3A_202, %dma_wait3A_203] : memref<3x128x128xf32, #tpu.memory_space<vmem>> -> memref<1x128x128xf32, #tpu.memory_space<vmem>>
    %dma_wait3A_205 = tpu.memref_squeeze %dma_wait3A_204 : memref<1x128x128xf32, #tpu.memory_space<vmem>> -> memref<128x128xf32, #tpu.memory_space<vmem>>
    %dma_wait3A_206 = arith.constant 0 : i32
    %dma_wait3A_207 = arith.constant 0 : i32
    %dma_wait3A_208 = tpu.memref_slice %arg2[%dma_wait3A_206, %dma_wait3A_207] : memref<10000x128xf32, #tpu.memory_space<hbm>> -> memref<10000x128xf32, #tpu.memory_space<hbm>>
    tpu.wait_indirect_dma semaphore(%arg17 : memref<!tpu.dma_semaphore, #tpu.memory_space<semaphore_mem>>) src(%dma_wait3A_208 : memref<10000x128xf32, #tpu.memory_space<hbm>>) dst(%dma_wait3A_205 : memref<128x128xf32, #tpu.memory_space<vmem>>)
    %dma_start3A_209 = arith.constant 0 : i32
    %dma_start3A_210 = arith.constant 0 : i32
    %dma_start3A_211 = arith.constant 0 : i32
    %dma_start3A_212 = tpu.memref_slice %arg14[%dma_start3A_209, %dma_start3A_210, %dma_start3A_211] : memref<3x128x128xf32, #tpu.memory_space<vmem>> -> memref<1x128x128xf32, #tpu.memory_space<vmem>>
    %dma_start3A_213 = tpu.memref_squeeze %dma_start3A_212 : memref<1x128x128xf32, #tpu.memory_space<vmem>> -> memref<128x128xf32, #tpu.memory_space<vmem>>
    %dma_start3A_214 = arith.constant 0 : i32
    %dma_start3A_215 = arith.constant 0 : i32
    %dma_start3A_216 = tpu.memref_slice %arg15[%dma_start3A_214, %dma_start3A_215] : memref<10016x128xf32, #tpu.memory_space<vmem_shared>> -> memref<10016x128xf32, #tpu.memory_space<vmem_shared>>
    tpu.enqueue_indirect_dma source(%dma_start3A_213 : memref<128x128xf32, #tpu.memory_space<vmem>>) target(%dma_start3A_216 : memref<10016x128xf32, #tpu.memory_space<vmem_shared>>) offsets(%arg13 : memref<128xi32, #tpu.memory_space<vmem>>) semaphore(%arg21 : memref<!tpu.dma_semaphore, #tpu.memory_space<semaphore_mem>>) {add = true}
    %scan3A = arith.constant 0 : i32
    %scan3A_217 = arith.constant 0 : i32
    %scan3A_218 = arith.constant 6 : i32
    %scan3A_219 = arith.addi %scan3A_217, %scan3A_218 : i32
    %scan3A_220 = arith.constant 1 : i32
    scf.for %scan3A_409 = %scan3A_217 to %scan3A_219 step %scan3A_220  : i32 {
      %mul3A_410 = arith.constant 12 : i32
      %mul3A_411 = arith.muli %mul3A_410, %scan3A_409 : i32
      %add3A_412 = arith.constant 4 : i32
      %add3A_413 = arith.addi %add3A_412, %mul3A_411 : i32
      %add3A_414 = arith.constant 0 : i32
      %add3A_415 = arith.addi %add3A_413, %add3A_414 : i32
      %dma_wait3A_416 = arith.constant 2 : i32
      %dma_wait3A_417 = arith.constant 0 : i32
      %dma_wait3A_418 = arith.constant 0 : i32
      %dma_wait3A_419 = tpu.memref_slice %arg14[%dma_wait3A_416, %dma_wait3A_417, %dma_wait3A_418] : memref<3x128x128xf32, #tpu.memory_space<vmem>> -> memref<1x128x128xf32, #tpu.memory_space<vmem>>
      %dma_wait3A_420 = tpu.memref_squeeze %dma_wait3A_419 : memref<1x128x128xf32, #tpu.memory_space<vmem>> -> memref<128x128xf32, #tpu.memory_space<vmem>>
      %dma_wait3A_421 = arith.constant 0 : i32
      %dma_wait3A_422 = arith.constant 0 : i32
      %dma_wait3A_423 = tpu.memref_slice %arg15[%dma_wait3A_421, %dma_wait3A_422] : memref<10016x128xf32, #tpu.memory_space<vmem_shared>> -> memref<10016x128xf32, #tpu.memory_space<vmem_shared>>
      tpu.wait_indirect_dma semaphore(%arg20 : memref<!tpu.dma_semaphore, #tpu.memory_space<semaphore_mem>>) src(%dma_wait3A_420 : memref<128x128xf32, #tpu.memory_space<vmem>>) dst(%dma_wait3A_423 : memref<10016x128xf32, #tpu.memory_space<vmem_shared>>)
      %add3A_424 = arith.constant 1 : i32
      %add3A_425 = arith.addi %add3A_415, %add3A_424 : i32
      %add3A_426 = arith.addi %mul3A_2, %add3A_425 : i32
      %mul3A_427 = arith.constant 128 : i32
      %mul3A_428 = arith.muli %add3A_426, %mul3A_427 : i32
      %dma_wait3A_429 = tpu.memref_slice %arg3[%mul3A_428] : memref<327680xi32, #tpu.memory_space<hbm>> -> memref<128xi32, #tpu.memory_space<hbm>>
      %dma_wait3A_430 = tpu.memref_slice %arg3[%mul3A_428] : memref<327680xi32, #tpu.memory_space<hbm>> -> memref<128xi32, #tpu.memory_space<hbm>>
      tpu.wait_dma2 semaphore(%arg24 : memref<!tpu.dma_semaphore, #tpu.memory_space<semaphore_mem>>) src(%dma_wait3A_430 : memref<128xi32, #tpu.memory_space<hbm>>) dst(%arg9 : memref<128xi32, #tpu.memory_space<vmem>>)
      %dma_wait3A_431 = tpu.memref_slice %arg4[%mul3A_428] : memref<327680xi32, #tpu.memory_space<hbm>> -> memref<128xi32, #tpu.memory_space<hbm>>
      %dma_wait3A_432 = tpu.memref_slice %arg4[%mul3A_428] : memref<327680xi32, #tpu.memory_space<hbm>> -> memref<128xi32, #tpu.memory_space<hbm>>
      tpu.wait_dma2 semaphore(%arg26 : memref<!tpu.dma_semaphore, #tpu.memory_space<semaphore_mem>>) src(%dma_wait3A_432 : memref<128xi32, #tpu.memory_space<hbm>>) dst(%arg11 : memref<128xi32, #tpu.memory_space<vmem>>)
      %dma_start3A_433 = arith.constant 2 : i32
      %dma_start3A_434 = arith.constant 0 : i32
      %dma_start3A_435 = arith.constant 0 : i32
      %dma_start3A_436 = tpu.memref_slice %arg14[%dma_start3A_433, %dma_start3A_434, %dma_start3A_435] : memref<3x128x128xf32, #tpu.memory_space<vmem>> -> memref<1x128x128xf32, #tpu.memory_space<vmem>>
      %dma_start3A_437 = tpu.memref_squeeze %dma_start3A_436 : memref<1x128x128xf32, #tpu.memory_space<vmem>> -> memref<128x128xf32, #tpu.memory_space<vmem>>
      %dma_start3A_438 = arith.constant 0 : i32
      %dma_start3A_439 = arith.constant 0 : i32
      %dma_start3A_440 = tpu.memref_slice %arg2[%dma_start3A_438, %dma_start3A_439] : memref<10000x128xf32, #tpu.memory_space<hbm>> -> memref<10000x128xf32, #tpu.memory_space<hbm>>
      tpu.enqueue_indirect_dma source(%dma_start3A_440 : memref<10000x128xf32, #tpu.memory_space<hbm>>) target(%dma_start3A_437 : memref<128x128xf32, #tpu.memory_space<vmem>>) offsets(%arg9 : memref<128xi32, #tpu.memory_space<vmem>>) semaphore(%arg17 : memref<!tpu.dma_semaphore, #tpu.memory_space<semaphore_mem>>)
      %add3A_441 = arith.constant 2 : i32
      %add3A_442 = arith.addi %add3A_415, %add3A_441 : i32
      %add3A_443 = arith.addi %mul3A_2, %add3A_442 : i32
      %mul3A_444 = arith.constant 128 : i32
      %mul3A_445 = arith.muli %add3A_443, %mul3A_444 : i32
      %dma_start3A_446 = tpu.memref_slice %arg3[%mul3A_445] : memref<327680xi32, #tpu.memory_space<hbm>> -> memref<128xi32, #tpu.memory_space<hbm>>
      %dma_start3A_447 = tpu.memref_slice %arg3[%mul3A_445] : memref<327680xi32, #tpu.memory_space<hbm>> -> memref<128xi32, #tpu.memory_space<hbm>>
      tpu.enqueue_dma source(%dma_start3A_447 : memref<128xi32, #tpu.memory_space<hbm>>) target(%arg7 : memref<128xi32, #tpu.memory_space<vmem>>) target_semaphore(%arg22 : memref<!tpu.dma_semaphore, #tpu.memory_space<semaphore_mem>>)
      %dma_start3A_448 = tpu.memref_slice %arg4[%mul3A_445] : memref<327680xi32, #tpu.memory_space<hbm>> -> memref<128xi32, #tpu.memory_space<hbm>>
      %dma_start3A_449 = tpu.memref_slice %arg4[%mul3A_445] : memref<327680xi32, #tpu.memory_space<hbm>> -> memref<128xi32, #tpu.memory_space<hbm>>
      tpu.enqueue_dma source(%dma_start3A_449 : memref<128xi32, #tpu.memory_space<hbm>>) target(%arg12 : memref<128xi32, #tpu.memory_space<vmem>>) target_semaphore(%arg27 : memref<!tpu.dma_semaphore, #tpu.memory_space<semaphore_mem>>)
      %dma_wait3A_450 = arith.constant 1 : i32
      %dma_wait3A_451 = arith.constant 0 : i32
      %dma_wait3A_452 = arith.constant 0 : i32
      %dma_wait3A_453 = tpu.memref_slice %arg14[%dma_wait3A_450, %dma_wait3A_451, %dma_wait3A_452] : memref<3x128x128xf32, #tpu.memory_space<vmem>> -> memref<1x128x128xf32, #tpu.memory_space<vmem>>
      %dma_wait3A_454 = tpu.memref_squeeze %dma_wait3A_453 : memref<1x128x128xf32, #tpu.memory_space<vmem>> -> memref<128x128xf32, #tpu.memory_space<vmem>>
      %dma_wait3A_455 = arith.constant 0 : i32
      %dma_wait3A_456 = arith.constant 0 : i32
      %dma_wait3A_457 = tpu.memref_slice %arg2[%dma_wait3A_455, %dma_wait3A_456] : memref<10000x128xf32, #tpu.memory_space<hbm>> -> memref<10000x128xf32, #tpu.memory_space<hbm>>
      tpu.wait_indirect_dma semaphore(%arg16 : memref<!tpu.dma_semaphore, #tpu.memory_space<semaphore_mem>>) src(%dma_wait3A_457 : memref<10000x128xf32, #tpu.memory_space<hbm>>) dst(%dma_wait3A_454 : memref<128x128xf32, #tpu.memory_space<vmem>>)
      %dma_start3A_458 = arith.constant 1 : i32
      %dma_start3A_459 = arith.constant 0 : i32
      %dma_start3A_460 = arith.constant 0 : i32
      %dma_start3A_461 = tpu.memref_slice %arg14[%dma_start3A_458, %dma_start3A_459, %dma_start3A_460] : memref<3x128x128xf32, #tpu.memory_space<vmem>> -> memref<1x128x128xf32, #tpu.memory_space<vmem>>
      %dma_start3A_462 = tpu.memref_squeeze %dma_start3A_461 : memref<1x128x128xf32, #tpu.memory_space<vmem>> -> memref<128x128xf32, #tpu.memory_space<vmem>>
      %dma_start3A_463 = arith.constant 0 : i32
      %dma_start3A_464 = arith.constant 0 : i32
      %dma_start3A_465 = tpu.memref_slice %arg15[%dma_start3A_463, %dma_start3A_464] : memref<10016x128xf32, #tpu.memory_space<vmem_shared>> -> memref<10016x128xf32, #tpu.memory_space<vmem_shared>>
      tpu.enqueue_indirect_dma source(%dma_start3A_462 : memref<128x128xf32, #tpu.memory_space<vmem>>) target(%dma_start3A_465 : memref<10016x128xf32, #tpu.memory_space<vmem_shared>>) offsets(%arg10 : memref<128xi32, #tpu.memory_space<vmem>>) semaphore(%arg18 : memref<!tpu.dma_semaphore, #tpu.memory_space<semaphore_mem>>) {add = true}
      %add3A_466 = arith.constant 1 : i32
      %add3A_467 = arith.addi %add3A_413, %add3A_466 : i32
      %dma_wait3A_468 = arith.constant 0 : i32
      %dma_wait3A_469 = arith.constant 0 : i32
      %dma_wait3A_470 = arith.constant 0 : i32
      %dma_wait3A_471 = tpu.memref_slice %arg14[%dma_wait3A_468, %dma_wait3A_469, %dma_wait3A_470] : memref<3x128x128xf32, #tpu.memory_space<vmem>> -> memref<1x128x128xf32, #tpu.memory_space<vmem>>
      %dma_wait3A_472 = tpu.memref_squeeze %dma_wait3A_471 : memref<1x128x128xf32, #tpu.memory_space<vmem>> -> memref<128x128xf32, #tpu.memory_space<vmem>>
      %dma_wait3A_473 = arith.constant 0 : i32
      %dma_wait3A_474 = arith.constant 0 : i32
      %dma_wait3A_475 = tpu.memref_slice %arg15[%dma_wait3A_473, %dma_wait3A_474] : memref<10016x128xf32, #tpu.memory_space<vmem_shared>> -> memref<10016x128xf32, #tpu.memory_space<vmem_shared>>
      tpu.wait_indirect_dma semaphore(%arg21 : memref<!tpu.dma_semaphore, #tpu.memory_space<semaphore_mem>>) src(%dma_wait3A_472 : memref<128x128xf32, #tpu.memory_space<vmem>>) dst(%dma_wait3A_475 : memref<10016x128xf32, #tpu.memory_space<vmem_shared>>)
      %add3A_476 = arith.constant 1 : i32
      %add3A_477 = arith.addi %add3A_467, %add3A_476 : i32
      %add3A_478 = arith.addi %mul3A_2, %add3A_477 : i32
      %mul3A_479 = arith.constant 128 : i32
      %mul3A_480 = arith.muli %add3A_478, %mul3A_479 : i32
      %dma_wait3A_481 = tpu.memref_slice %arg3[%mul3A_480] : memref<327680xi32, #tpu.memory_space<hbm>> -> memref<128xi32, #tpu.memory_space<hbm>>
      %dma_wait3A_482 = tpu.memref_slice %arg3[%mul3A_480] : memref<327680xi32, #tpu.memory_space<hbm>> -> memref<128xi32, #tpu.memory_space<hbm>>
      tpu.wait_dma2 semaphore(%arg22 : memref<!tpu.dma_semaphore, #tpu.memory_space<semaphore_mem>>) src(%dma_wait3A_482 : memref<128xi32, #tpu.memory_space<hbm>>) dst(%arg7 : memref<128xi32, #tpu.memory_space<vmem>>)
      %dma_wait3A_483 = tpu.memref_slice %arg4[%mul3A_480] : memref<327680xi32, #tpu.memory_space<hbm>> -> memref<128xi32, #tpu.memory_space<hbm>>
      %dma_wait3A_484 = tpu.memref_slice %arg4[%mul3A_480] : memref<327680xi32, #tpu.memory_space<hbm>> -> memref<128xi32, #tpu.memory_space<hbm>>
      tpu.wait_dma2 semaphore(%arg27 : memref<!tpu.dma_semaphore, #tpu.memory_space<semaphore_mem>>) src(%dma_wait3A_484 : memref<128xi32, #tpu.memory_space<hbm>>) dst(%arg12 : memref<128xi32, #tpu.memory_space<vmem>>)
      %dma_start3A_485 = arith.constant 0 : i32
      %dma_start3A_486 = arith.constant 0 : i32
      %dma_start3A_487 = arith.constant 0 : i32
      %dma_start3A_488 = tpu.memref_slice %arg14[%dma_start3A_485, %dma_start3A_486, %dma_start3A_487] : memref<3x128x128xf32, #tpu.memory_space<vmem>> -> memref<1x128x128xf32, #tpu.memory_space<vmem>>
      %dma_start3A_489 = tpu.memref_squeeze %dma_start3A_488 : memref<1x128x128xf32, #tpu.memory_space<vmem>> -> memref<128x128xf32, #tpu.memory_space<vmem>>
      %dma_start3A_490 = arith.constant 0 : i32
      %dma_start3A_491 = arith.constant 0 : i32
      %dma_start3A_492 = tpu.memref_slice %arg2[%dma_start3A_490, %dma_start3A_491] : memref<10000x128xf32, #tpu.memory_space<hbm>> -> memref<10000x128xf32, #tpu.memory_space<hbm>>
      tpu.enqueue_indirect_dma source(%dma_start3A_492 : memref<10000x128xf32, #tpu.memory_space<hbm>>) target(%dma_start3A_489 : memref<128x128xf32, #tpu.memory_space<vmem>>) offsets(%arg7 : memref<128xi32, #tpu.memory_space<vmem>>) semaphore(%arg16 : memref<!tpu.dma_semaphore, #tpu.memory_space<semaphore_mem>>)
      %add3A_493 = arith.constant 2 : i32
      %add3A_494 = arith.addi %add3A_467, %add3A_493 : i32
      %add3A_495 = arith.addi %mul3A_2, %add3A_494 : i32
      %mul3A_496 = arith.constant 128 : i32
      %mul3A_497 = arith.muli %add3A_495, %mul3A_496 : i32
      %dma_start3A_498 = tpu.memref_slice %arg3[%mul3A_497] : memref<327680xi32, #tpu.memory_space<hbm>> -> memref<128xi32, #tpu.memory_space<hbm>>
      %dma_start3A_499 = tpu.memref_slice %arg3[%mul3A_497] : memref<327680xi32, #tpu.memory_space<hbm>> -> memref<128xi32, #tpu.memory_space<hbm>>
      tpu.enqueue_dma source(%dma_start3A_499 : memref<128xi32, #tpu.memory_space<hbm>>) target(%arg8 : memref<128xi32, #tpu.memory_space<vmem>>) target_semaphore(%arg23 : memref<!tpu.dma_semaphore, #tpu.memory_space<semaphore_mem>>)
      %dma_start3A_500 = tpu.memref_slice %arg4[%mul3A_497] : memref<327680xi32, #tpu.memory_space<hbm>> -> memref<128xi32, #tpu.memory_space<hbm>>
      %dma_start3A_501 = tpu.memref_slice %arg4[%mul3A_497] : memref<327680xi32, #tpu.memory_space<hbm>> -> memref<128xi32, #tpu.memory_space<hbm>>
      tpu.enqueue_dma source(%dma_start3A_501 : memref<128xi32, #tpu.memory_space<hbm>>) target(%arg13 : memref<128xi32, #tpu.memory_space<vmem>>) target_semaphore(%arg28 : memref<!tpu.dma_semaphore, #tpu.memory_space<semaphore_mem>>)
      %dma_wait3A_502 = arith.constant 2 : i32
      %dma_wait3A_503 = arith.constant 0 : i32
      %dma_wait3A_504 = arith.constant 0 : i32
      %dma_wait3A_505 = tpu.memref_slice %arg14[%dma_wait3A_502, %dma_wait3A_503, %dma_wait3A_504] : memref<3x128x128xf32, #tpu.memory_space<vmem>> -> memref<1x128x128xf32, #tpu.memory_space<vmem>>
      %dma_wait3A_506 = tpu.memref_squeeze %dma_wait3A_505 : memref<1x128x128xf32, #tpu.memory_space<vmem>> -> memref<128x128xf32, #tpu.memory_space<vmem>>
      %dma_wait3A_507 = arith.constant 0 : i32
      %dma_wait3A_508 = arith.constant 0 : i32
      %dma_wait3A_509 = tpu.memref_slice %arg2[%dma_wait3A_507, %dma_wait3A_508] : memref<10000x128xf32, #tpu.memory_space<hbm>> -> memref<10000x128xf32, #tpu.memory_space<hbm>>
      tpu.wait_indirect_dma semaphore(%arg17 : memref<!tpu.dma_semaphore, #tpu.memory_space<semaphore_mem>>) src(%dma_wait3A_509 : memref<10000x128xf32, #tpu.memory_space<hbm>>) dst(%dma_wait3A_506 : memref<128x128xf32, #tpu.memory_space<vmem>>)
      %dma_start3A_510 = arith.constant 2 : i32
      %dma_start3A_511 = arith.constant 0 : i32
      %dma_start3A_512 = arith.constant 0 : i32
      %dma_start3A_513 = tpu.memref_slice %arg14[%dma_start3A_510, %dma_start3A_511, %dma_start3A_512] : memref<3x128x128xf32, #tpu.memory_space<vmem>> -> memref<1x128x128xf32, #tpu.memory_space<vmem>>
      %dma_start3A_514 = tpu.memref_squeeze %dma_start3A_513 : memref<1x128x128xf32, #tpu.memory_space<vmem>> -> memref<128x128xf32, #tpu.memory_space<vmem>>
      %dma_start3A_515 = arith.constant 0 : i32
      %dma_start3A_516 = arith.constant 0 : i32
      %dma_start3A_517 = tpu.memref_slice %arg15[%dma_start3A_515, %dma_start3A_516] : memref<10016x128xf32, #tpu.memory_space<vmem_shared>> -> memref<10016x128xf32, #tpu.memory_space<vmem_shared>>
      tpu.enqueue_indirect_dma source(%dma_start3A_514 : memref<128x128xf32, #tpu.memory_space<vmem>>) target(%dma_start3A_517 : memref<10016x128xf32, #tpu.memory_space<vmem_shared>>) offsets(%arg11 : memref<128xi32, #tpu.memory_space<vmem>>) semaphore(%arg19 : memref<!tpu.dma_semaphore, #tpu.memory_space<semaphore_mem>>) {add = true}
      %add3A_518 = arith.constant 2 : i32
      %add3A_519 = arith.addi %add3A_413, %add3A_518 : i32
      %dma_wait3A_520 = arith.constant 1 : i32
      %dma_wait3A_521 = arith.constant 0 : i32
      %dma_wait3A_522 = arith.constant 0 : i32
      %dma_wait3A_523 = tpu.memref_slice %arg14[%dma_wait3A_520, %dma_wait3A_521, %dma_wait3A_522] : memref<3x128x128xf32, #tpu.memory_space<vmem>> -> memref<1x128x128xf32, #tpu.memory_space<vmem>>
      %dma_wait3A_524 = tpu.memref_squeeze %dma_wait3A_523 : memref<1x128x128xf32, #tpu.memory_space<vmem>> -> memref<128x128xf32, #tpu.memory_space<vmem>>
      %dma_wait3A_525 = arith.constant 0 : i32
      %dma_wait3A_526 = arith.constant 0 : i32
      %dma_wait3A_527 = tpu.memref_slice %arg15[%dma_wait3A_525, %dma_wait3A_526] : memref<10016x128xf32, #tpu.memory_space<vmem_shared>> -> memref<10016x128xf32, #tpu.memory_space<vmem_shared>>
      tpu.wait_indirect_dma semaphore(%arg18 : memref<!tpu.dma_semaphore, #tpu.memory_space<semaphore_mem>>) src(%dma_wait3A_524 : memref<128x128xf32, #tpu.memory_space<vmem>>) dst(%dma_wait3A_527 : memref<10016x128xf32, #tpu.memory_space<vmem_shared>>)
      %add3A_528 = arith.constant 1 : i32
      %add3A_529 = arith.addi %add3A_519, %add3A_528 : i32
      %add3A_530 = arith.addi %mul3A_2, %add3A_529 : i32
      %mul3A_531 = arith.constant 128 : i32
      %mul3A_532 = arith.muli %add3A_530, %mul3A_531 : i32
      %dma_wait3A_533 = tpu.memref_slice %arg3[%mul3A_532] : memref<327680xi32, #tpu.memory_space<hbm>> -> memref<128xi32, #tpu.memory_space<hbm>>
      %dma_wait3A_534 = tpu.memref_slice %arg3[%mul3A_532] : memref<327680xi32, #tpu.memory_space<hbm>> -> memref<128xi32, #tpu.memory_space<hbm>>
      tpu.wait_dma2 semaphore(%arg23 : memref<!tpu.dma_semaphore, #tpu.memory_space<semaphore_mem>>) src(%dma_wait3A_534 : memref<128xi32, #tpu.memory_space<hbm>>) dst(%arg8 : memref<128xi32, #tpu.memory_space<vmem>>)
      %dma_wait3A_535 = tpu.memref_slice %arg4[%mul3A_532] : memref<327680xi32, #tpu.memory_space<hbm>> -> memref<128xi32, #tpu.memory_space<hbm>>
      %dma_wait3A_536 = tpu.memref_slice %arg4[%mul3A_532] : memref<327680xi32, #tpu.memory_space<hbm>> -> memref<128xi32, #tpu.memory_space<hbm>>
      tpu.wait_dma2 semaphore(%arg28 : memref<!tpu.dma_semaphore, #tpu.memory_space<semaphore_mem>>) src(%dma_wait3A_536 : memref<128xi32, #tpu.memory_space<hbm>>) dst(%arg13 : memref<128xi32, #tpu.memory_space<vmem>>)
      %dma_start3A_537 = arith.constant 1 : i32
      %dma_start3A_538 = arith.constant 0 : i32
      %dma_start3A_539 = arith.constant 0 : i32
      %dma_start3A_540 = tpu.memref_slice %arg14[%dma_start3A_537, %dma_start3A_538, %dma_start3A_539] : memref<3x128x128xf32, #tpu.memory_space<vmem>> -> memref<1x128x128xf32, #tpu.memory_space<vmem>>
      %dma_start3A_541 = tpu.memref_squeeze %dma_start3A_540 : memref<1x128x128xf32, #tpu.memory_space<vmem>> -> memref<128x128xf32, #tpu.memory_space<vmem>>
      %dma_start3A_542 = arith.constant 0 : i32
      %dma_start3A_543 = arith.constant 0 : i32
      %dma_start3A_544 = tpu.memref_slice %arg2[%dma_start3A_542, %dma_start3A_543] : memref<10000x128xf32, #tpu.memory_space<hbm>> -> memref<10000x128xf32, #tpu.memory_space<hbm>>
      tpu.enqueue_indirect_dma source(%dma_start3A_544 : memref<10000x128xf32, #tpu.memory_space<hbm>>) target(%dma_start3A_541 : memref<128x128xf32, #tpu.memory_space<vmem>>) offsets(%arg8 : memref<128xi32, #tpu.memory_space<vmem>>) semaphore(%arg17 : memref<!tpu.dma_semaphore, #tpu.memory_space<semaphore_mem>>)
      %add3A_545 = arith.constant 2 : i32
      %add3A_546 = arith.addi %add3A_519, %add3A_545 : i32
      %add3A_547 = arith.addi %mul3A_2, %add3A_546 : i32
      %mul3A_548 = arith.constant 128 : i32
      %mul3A_549 = arith.muli %add3A_547, %mul3A_548 : i32
      %dma_start3A_550 = tpu.memref_slice %arg3[%mul3A_549] : memref<327680xi32, #tpu.memory_space<hbm>> -> memref<128xi32, #tpu.memory_space<hbm>>
      %dma_start3A_551 = tpu.memref_slice %arg3[%mul3A_549] : memref<327680xi32, #tpu.memory_space<hbm>> -> memref<128xi32, #tpu.memory_space<hbm>>
      tpu.enqueue_dma source(%dma_start3A_551 : memref<128xi32, #tpu.memory_space<hbm>>) target(%arg9 : memref<128xi32, #tpu.memory_space<vmem>>) target_semaphore(%arg24 : memref<!tpu.dma_semaphore, #tpu.memory_space<semaphore_mem>>)
      %dma_start3A_552 = tpu.memref_slice %arg4[%mul3A_549] : memref<327680xi32, #tpu.memory_space<hbm>> -> memref<128xi32, #tpu.memory_space<hbm>>
      %dma_start3A_553 = tpu.memref_slice %arg4[%mul3A_549] : memref<327680xi32, #tpu.memory_space<hbm>> -> memref<128xi32, #tpu.memory_space<hbm>>
      tpu.enqueue_dma source(%dma_start3A_553 : memref<128xi32, #tpu.memory_space<hbm>>) target(%arg10 : memref<128xi32, #tpu.memory_space<vmem>>) target_semaphore(%arg25 : memref<!tpu.dma_semaphore, #tpu.memory_space<semaphore_mem>>)
      %dma_wait3A_554 = arith.constant 0 : i32
      %dma_wait3A_555 = arith.constant 0 : i32
      %dma_wait3A_556 = arith.constant 0 : i32
      %dma_wait3A_557 = tpu.memref_slice %arg14[%dma_wait3A_554, %dma_wait3A_555, %dma_wait3A_556] : memref<3x128x128xf32, #tpu.memory_space<vmem>> -> memref<1x128x128xf32, #tpu.memory_space<vmem>>
      %dma_wait3A_558 = tpu.memref_squeeze %dma_wait3A_557 : memref<1x128x128xf32, #tpu.memory_space<vmem>> -> memref<128x128xf32, #tpu.memory_space<vmem>>
      %dma_wait3A_559 = arith.constant 0 : i32
      %dma_wait3A_560 = arith.constant 0 : i32
      %dma_wait3A_561 = tpu.memref_slice %arg2[%dma_wait3A_559, %dma_wait3A_560] : memref<10000x128xf32, #tpu.memory_space<hbm>> -> memref<10000x128xf32, #tpu.memory_space<hbm>>
      tpu.wait_indirect_dma semaphore(%arg16 : memref<!tpu.dma_semaphore, #tpu.memory_space<semaphore_mem>>) src(%dma_wait3A_561 : memref<10000x128xf32, #tpu.memory_space<hbm>>) dst(%dma_wait3A_558 : memref<128x128xf32, #tpu.memory_space<vmem>>)
      %dma_start3A_562 = arith.constant 0 : i32
      %dma_start3A_563 = arith.constant 0 : i32
      %dma_start3A_564 = arith.constant 0 : i32
      %dma_start3A_565 = tpu.memref_slice %arg14[%dma_start3A_562, %dma_start3A_563, %dma_start3A_564] : memref<3x128x128xf32, #tpu.memory_space<vmem>> -> memref<1x128x128xf32, #tpu.memory_space<vmem>>
      %dma_start3A_566 = tpu.memref_squeeze %dma_start3A_565 : memref<1x128x128xf32, #tpu.memory_space<vmem>> -> memref<128x128xf32, #tpu.memory_space<vmem>>
      %dma_start3A_567 = arith.constant 0 : i32
      %dma_start3A_568 = arith.constant 0 : i32
      %dma_start3A_569 = tpu.memref_slice %arg15[%dma_start3A_567, %dma_start3A_568] : memref<10016x128xf32, #tpu.memory_space<vmem_shared>> -> memref<10016x128xf32, #tpu.memory_space<vmem_shared>>
      tpu.enqueue_indirect_dma source(%dma_start3A_566 : memref<128x128xf32, #tpu.memory_space<vmem>>) target(%dma_start3A_569 : memref<10016x128xf32, #tpu.memory_space<vmem_shared>>) offsets(%arg12 : memref<128xi32, #tpu.memory_space<vmem>>) semaphore(%arg20 : memref<!tpu.dma_semaphore, #tpu.memory_space<semaphore_mem>>) {add = true}
      %add3A_570 = arith.constant 3 : i32
      %add3A_571 = arith.addi %add3A_413, %add3A_570 : i32
      %dma_wait3A_572 = arith.constant 2 : i32
      %dma_wait3A_573 = arith.constant 0 : i32
      %dma_wait3A_574 = arith.constant 0 : i32
      %dma_wait3A_575 = tpu.memref_slice %arg14[%dma_wait3A_572, %dma_wait3A_573, %dma_wait3A_574] : memref<3x128x128xf32, #tpu.memory_space<vmem>> -> memref<1x128x128xf32, #tpu.memory_space<vmem>>
      %dma_wait3A_576 = tpu.memref_squeeze %dma_wait3A_575 : memref<1x128x128xf32, #tpu.memory_space<vmem>> -> memref<128x128xf32, #tpu.memory_space<vmem>>
      %dma_wait3A_577 = arith.constant 0 : i32
      %dma_wait3A_578 = arith.constant 0 : i32
      %dma_wait3A_579 = tpu.memref_slice %arg15[%dma_wait3A_577, %dma_wait3A_578] : memref<10016x128xf32, #tpu.memory_space<vmem_shared>> -> memref<10016x128xf32, #tpu.memory_space<vmem_shared>>
      tpu.wait_indirect_dma semaphore(%arg19 : memref<!tpu.dma_semaphore, #tpu.memory_space<semaphore_mem>>) src(%dma_wait3A_576 : memref<128x128xf32, #tpu.memory_space<vmem>>) dst(%dma_wait3A_579 : memref<10016x128xf32, #tpu.memory_space<vmem_shared>>)
      %add3A_580 = arith.constant 1 : i32
      %add3A_581 = arith.addi %add3A_571, %add3A_580 : i32
      %add3A_582 = arith.addi %mul3A_2, %add3A_581 : i32
      %mul3A_583 = arith.constant 128 : i32
      %mul3A_584 = arith.muli %add3A_582, %mul3A_583 : i32
      %dma_wait3A_585 = tpu.memref_slice %arg3[%mul3A_584] : memref<327680xi32, #tpu.memory_space<hbm>> -> memref<128xi32, #tpu.memory_space<hbm>>
      %dma_wait3A_586 = tpu.memref_slice %arg3[%mul3A_584] : memref<327680xi32, #tpu.memory_space<hbm>> -> memref<128xi32, #tpu.memory_space<hbm>>
      tpu.wait_dma2 semaphore(%arg24 : memref<!tpu.dma_semaphore, #tpu.memory_space<semaphore_mem>>) src(%dma_wait3A_586 : memref<128xi32, #tpu.memory_space<hbm>>) dst(%arg9 : memref<128xi32, #tpu.memory_space<vmem>>)
      %dma_wait3A_587 = tpu.memref_slice %arg4[%mul3A_584] : memref<327680xi32, #tpu.memory_space<hbm>> -> memref<128xi32, #tpu.memory_space<hbm>>
      %dma_wait3A_588 = tpu.memref_slice %arg4[%mul3A_584] : memref<327680xi32, #tpu.memory_space<hbm>> -> memref<128xi32, #tpu.memory_space<hbm>>
      tpu.wait_dma2 semaphore(%arg25 : memref<!tpu.dma_semaphore, #tpu.memory_space<semaphore_mem>>) src(%dma_wait3A_588 : memref<128xi32, #tpu.memory_space<hbm>>) dst(%arg10 : memref<128xi32, #tpu.memory_space<vmem>>)
      %dma_start3A_589 = arith.constant 2 : i32
      %dma_start3A_590 = arith.constant 0 : i32
      %dma_start3A_591 = arith.constant 0 : i32
      %dma_start3A_592 = tpu.memref_slice %arg14[%dma_start3A_589, %dma_start3A_590, %dma_start3A_591] : memref<3x128x128xf32, #tpu.memory_space<vmem>> -> memref<1x128x128xf32, #tpu.memory_space<vmem>>
      %dma_start3A_593 = tpu.memref_squeeze %dma_start3A_592 : memref<1x128x128xf32, #tpu.memory_space<vmem>> -> memref<128x128xf32, #tpu.memory_space<vmem>>
      %dma_start3A_594 = arith.constant 0 : i32
      %dma_start3A_595 = arith.constant 0 : i32
      %dma_start3A_596 = tpu.memref_slice %arg2[%dma_start3A_594, %dma_start3A_595] : memref<10000x128xf32, #tpu.memory_space<hbm>> -> memref<10000x128xf32, #tpu.memory_space<hbm>>
      tpu.enqueue_indirect_dma source(%dma_start3A_596 : memref<10000x128xf32, #tpu.memory_space<hbm>>) target(%dma_start3A_593 : memref<128x128xf32, #tpu.memory_space<vmem>>) offsets(%arg9 : memref<128xi32, #tpu.memory_space<vmem>>) semaphore(%arg16 : memref<!tpu.dma_semaphore, #tpu.memory_space<semaphore_mem>>)
      %add3A_597 = arith.constant 2 : i32
      %add3A_598 = arith.addi %add3A_571, %add3A_597 : i32
      %add3A_599 = arith.addi %mul3A_2, %add3A_598 : i32
      %mul3A_600 = arith.constant 128 : i32
      %mul3A_601 = arith.muli %add3A_599, %mul3A_600 : i32
      %dma_start3A_602 = tpu.memref_slice %arg3[%mul3A_601] : memref<327680xi32, #tpu.memory_space<hbm>> -> memref<128xi32, #tpu.memory_space<hbm>>
      %dma_start3A_603 = tpu.memref_slice %arg3[%mul3A_601] : memref<327680xi32, #tpu.memory_space<hbm>> -> memref<128xi32, #tpu.memory_space<hbm>>
      tpu.enqueue_dma source(%dma_start3A_603 : memref<128xi32, #tpu.memory_space<hbm>>) target(%arg7 : memref<128xi32, #tpu.memory_space<vmem>>) target_semaphore(%arg22 : memref<!tpu.dma_semaphore, #tpu.memory_space<semaphore_mem>>)
      %dma_start3A_604 = tpu.memref_slice %arg4[%mul3A_601] : memref<327680xi32, #tpu.memory_space<hbm>> -> memref<128xi32, #tpu.memory_space<hbm>>
      %dma_start3A_605 = tpu.memref_slice %arg4[%mul3A_601] : memref<327680xi32, #tpu.memory_space<hbm>> -> memref<128xi32, #tpu.memory_space<hbm>>
      tpu.enqueue_dma source(%dma_start3A_605 : memref<128xi32, #tpu.memory_space<hbm>>) target(%arg11 : memref<128xi32, #tpu.memory_space<vmem>>) target_semaphore(%arg26 : memref<!tpu.dma_semaphore, #tpu.memory_space<semaphore_mem>>)
      %dma_wait3A_606 = arith.constant 1 : i32
      %dma_wait3A_607 = arith.constant 0 : i32
      %dma_wait3A_608 = arith.constant 0 : i32
      %dma_wait3A_609 = tpu.memref_slice %arg14[%dma_wait3A_606, %dma_wait3A_607, %dma_wait3A_608] : memref<3x128x128xf32, #tpu.memory_space<vmem>> -> memref<1x128x128xf32, #tpu.memory_space<vmem>>
      %dma_wait3A_610 = tpu.memref_squeeze %dma_wait3A_609 : memref<1x128x128xf32, #tpu.memory_space<vmem>> -> memref<128x128xf32, #tpu.memory_space<vmem>>
      %dma_wait3A_611 = arith.constant 0 : i32
      %dma_wait3A_612 = arith.constant 0 : i32
      %dma_wait3A_613 = tpu.memref_slice %arg2[%dma_wait3A_611, %dma_wait3A_612] : memref<10000x128xf32, #tpu.memory_space<hbm>> -> memref<10000x128xf32, #tpu.memory_space<hbm>>
      tpu.wait_indirect_dma semaphore(%arg17 : memref<!tpu.dma_semaphore, #tpu.memory_space<semaphore_mem>>) src(%dma_wait3A_613 : memref<10000x128xf32, #tpu.memory_space<hbm>>) dst(%dma_wait3A_610 : memref<128x128xf32, #tpu.memory_space<vmem>>)
      %dma_start3A_614 = arith.constant 1 : i32
      %dma_start3A_615 = arith.constant 0 : i32
      %dma_start3A_616 = arith.constant 0 : i32
      %dma_start3A_617 = tpu.memref_slice %arg14[%dma_start3A_614, %dma_start3A_615, %dma_start3A_616] : memref<3x128x128xf32, #tpu.memory_space<vmem>> -> memref<1x128x128xf32, #tpu.memory_space<vmem>>
      %dma_start3A_618 = tpu.memref_squeeze %dma_start3A_617 : memref<1x128x128xf32, #tpu.memory_space<vmem>> -> memref<128x128xf32, #tpu.memory_space<vmem>>
      %dma_start3A_619 = arith.constant 0 : i32
      %dma_start3A_620 = arith.constant 0 : i32
      %dma_start3A_621 = tpu.memref_slice %arg15[%dma_start3A_619, %dma_start3A_620] : memref<10016x128xf32, #tpu.memory_space<vmem_shared>> -> memref<10016x128xf32, #tpu.memory_space<vmem_shared>>
      tpu.enqueue_indirect_dma source(%dma_start3A_618 : memref<128x128xf32, #tpu.memory_space<vmem>>) target(%dma_start3A_621 : memref<10016x128xf32, #tpu.memory_space<vmem_shared>>) offsets(%arg13 : memref<128xi32, #tpu.memory_space<vmem>>) semaphore(%arg21 : memref<!tpu.dma_semaphore, #tpu.memory_space<semaphore_mem>>) {add = true}
      %add3A_622 = arith.constant 4 : i32
      %add3A_623 = arith.addi %add3A_413, %add3A_622 : i32
      %dma_wait3A_624 = arith.constant 0 : i32
      %dma_wait3A_625 = arith.constant 0 : i32
      %dma_wait3A_626 = arith.constant 0 : i32
      %dma_wait3A_627 = tpu.memref_slice %arg14[%dma_wait3A_624, %dma_wait3A_625, %dma_wait3A_626] : memref<3x128x128xf32, #tpu.memory_space<vmem>> -> memref<1x128x128xf32, #tpu.memory_space<vmem>>
      %dma_wait3A_628 = tpu.memref_squeeze %dma_wait3A_627 : memref<1x128x128xf32, #tpu.memory_space<vmem>> -> memref<128x128xf32, #tpu.memory_space<vmem>>
      %dma_wait3A_629 = arith.constant 0 : i32
      %dma_wait3A_630 = arith.constant 0 : i32
      %dma_wait3A_631 = tpu.memref_slice %arg15[%dma_wait3A_629, %dma_wait3A_630] : memref<10016x128xf32, #tpu.memory_space<vmem_shared>> -> memref<10016x128xf32, #tpu.memory_space<vmem_shared>>
      tpu.wait_indirect_dma semaphore(%arg20 : memref<!tpu.dma_semaphore, #tpu.memory_space<semaphore_mem>>) src(%dma_wait3A_628 : memref<128x128xf32, #tpu.memory_space<vmem>>) dst(%dma_wait3A_631 : memref<10016x128xf32, #tpu.memory_space<vmem_shared>>)
      %add3A_632 = arith.constant 1 : i32
      %add3A_633 = arith.addi %add3A_623, %add3A_632 : i32
      %add3A_634 = arith.addi %mul3A_2, %add3A_633 : i32
      %mul3A_635 = arith.constant 128 : i32
      %mul3A_636 = arith.muli %add3A_634, %mul3A_635 : i32
      %dma_wait3A_637 = tpu.memref_slice %arg3[%mul3A_636] : memref<327680xi32, #tpu.memory_space<hbm>> -> memref<128xi32, #tpu.memory_space<hbm>>
      %dma_wait3A_638 = tpu.memref_slice %arg3[%mul3A_636] : memref<327680xi32, #tpu.memory_space<hbm>> -> memref<128xi32, #tpu.memory_space<hbm>>
      tpu.wait_dma2 semaphore(%arg22 : memref<!tpu.dma_semaphore, #tpu.memory_space<semaphore_mem>>) src(%dma_wait3A_638 : memref<128xi32, #tpu.memory_space<hbm>>) dst(%arg7 : memref<128xi32, #tpu.memory_space<vmem>>)
      %dma_wait3A_639 = tpu.memref_slice %arg4[%mul3A_636] : memref<327680xi32, #tpu.memory_space<hbm>> -> memref<128xi32, #tpu.memory_space<hbm>>
      %dma_wait3A_640 = tpu.memref_slice %arg4[%mul3A_636] : memref<327680xi32, #tpu.memory_space<hbm>> -> memref<128xi32, #tpu.memory_space<hbm>>
      tpu.wait_dma2 semaphore(%arg26 : memref<!tpu.dma_semaphore, #tpu.memory_space<semaphore_mem>>) src(%dma_wait3A_640 : memref<128xi32, #tpu.memory_space<hbm>>) dst(%arg11 : memref<128xi32, #tpu.memory_space<vmem>>)
      %dma_start3A_641 = arith.constant 0 : i32
      %dma_start3A_642 = arith.constant 0 : i32
      %dma_start3A_643 = arith.constant 0 : i32
      %dma_start3A_644 = tpu.memref_slice %arg14[%dma_start3A_641, %dma_start3A_642, %dma_start3A_643] : memref<3x128x128xf32, #tpu.memory_space<vmem>> -> memref<1x128x128xf32, #tpu.memory_space<vmem>>
      %dma_start3A_645 = tpu.memref_squeeze %dma_start3A_644 : memref<1x128x128xf32, #tpu.memory_space<vmem>> -> memref<128x128xf32, #tpu.memory_space<vmem>>
      %dma_start3A_646 = arith.constant 0 : i32
      %dma_start3A_647 = arith.constant 0 : i32
      %dma_start3A_648 = tpu.memref_slice %arg2[%dma_start3A_646, %dma_start3A_647] : memref<10000x128xf32, #tpu.memory_space<hbm>> -> memref<10000x128xf32, #tpu.memory_space<hbm>>
      tpu.enqueue_indirect_dma source(%dma_start3A_648 : memref<10000x128xf32, #tpu.memory_space<hbm>>) target(%dma_start3A_645 : memref<128x128xf32, #tpu.memory_space<vmem>>) offsets(%arg7 : memref<128xi32, #tpu.memory_space<vmem>>) semaphore(%arg17 : memref<!tpu.dma_semaphore, #tpu.memory_space<semaphore_mem>>)
      %add3A_649 = arith.constant 2 : i32
      %add3A_650 = arith.addi %add3A_623, %add3A_649 : i32
      %add3A_651 = arith.addi %mul3A_2, %add3A_650 : i32
      %mul3A_652 = arith.constant 128 : i32
      %mul3A_653 = arith.muli %add3A_651, %mul3A_652 : i32
      %dma_start3A_654 = tpu.memref_slice %arg3[%mul3A_653] : memref<327680xi32, #tpu.memory_space<hbm>> -> memref<128xi32, #tpu.memory_space<hbm>>
      %dma_start3A_655 = tpu.memref_slice %arg3[%mul3A_653] : memref<327680xi32, #tpu.memory_space<hbm>> -> memref<128xi32, #tpu.memory_space<hbm>>
      tpu.enqueue_dma source(%dma_start3A_655 : memref<128xi32, #tpu.memory_space<hbm>>) target(%arg8 : memref<128xi32, #tpu.memory_space<vmem>>) target_semaphore(%arg23 : memref<!tpu.dma_semaphore, #tpu.memory_space<semaphore_mem>>)
      %dma_start3A_656 = tpu.memref_slice %arg4[%mul3A_653] : memref<327680xi32, #tpu.memory_space<hbm>> -> memref<128xi32, #tpu.memory_space<hbm>>
      %dma_start3A_657 = tpu.memref_slice %arg4[%mul3A_653] : memref<327680xi32, #tpu.memory_space<hbm>> -> memref<128xi32, #tpu.memory_space<hbm>>
      tpu.enqueue_dma source(%dma_start3A_657 : memref<128xi32, #tpu.memory_space<hbm>>) target(%arg12 : memref<128xi32, #tpu.memory_space<vmem>>) target_semaphore(%arg27 : memref<!tpu.dma_semaphore, #tpu.memory_space<semaphore_mem>>)
      %dma_wait3A_658 = arith.constant 2 : i32
      %dma_wait3A_659 = arith.constant 0 : i32
      %dma_wait3A_660 = arith.constant 0 : i32
      %dma_wait3A_661 = tpu.memref_slice %arg14[%dma_wait3A_658, %dma_wait3A_659, %dma_wait3A_660] : memref<3x128x128xf32, #tpu.memory_space<vmem>> -> memref<1x128x128xf32, #tpu.memory_space<vmem>>
      %dma_wait3A_662 = tpu.memref_squeeze %dma_wait3A_661 : memref<1x128x128xf32, #tpu.memory_space<vmem>> -> memref<128x128xf32, #tpu.memory_space<vmem>>
      %dma_wait3A_663 = arith.constant 0 : i32
      %dma_wait3A_664 = arith.constant 0 : i32
      %dma_wait3A_665 = tpu.memref_slice %arg2[%dma_wait3A_663, %dma_wait3A_664] : memref<10000x128xf32, #tpu.memory_space<hbm>> -> memref<10000x128xf32, #tpu.memory_space<hbm>>
      tpu.wait_indirect_dma semaphore(%arg16 : memref<!tpu.dma_semaphore, #tpu.memory_space<semaphore_mem>>) src(%dma_wait3A_665 : memref<10000x128xf32, #tpu.memory_space<hbm>>) dst(%dma_wait3A_662 : memref<128x128xf32, #tpu.memory_space<vmem>>)
      %dma_start3A_666 = arith.constant 2 : i32
      %dma_start3A_667 = arith.constant 0 : i32
      %dma_start3A_668 = arith.constant 0 : i32
      %dma_start3A_669 = tpu.memref_slice %arg14[%dma_start3A_666, %dma_start3A_667, %dma_start3A_668] : memref<3x128x128xf32, #tpu.memory_space<vmem>> -> memref<1x128x128xf32, #tpu.memory_space<vmem>>
      %dma_start3A_670 = tpu.memref_squeeze %dma_start3A_669 : memref<1x128x128xf32, #tpu.memory_space<vmem>> -> memref<128x128xf32, #tpu.memory_space<vmem>>
      %dma_start3A_671 = arith.constant 0 : i32
      %dma_start3A_672 = arith.constant 0 : i32
      %dma_start3A_673 = tpu.memref_slice %arg15[%dma_start3A_671, %dma_start3A_672] : memref<10016x128xf32, #tpu.memory_space<vmem_shared>> -> memref<10016x128xf32, #tpu.memory_space<vmem_shared>>
      tpu.enqueue_indirect_dma source(%dma_start3A_670 : memref<128x128xf32, #tpu.memory_space<vmem>>) target(%dma_start3A_673 : memref<10016x128xf32, #tpu.memory_space<vmem_shared>>) offsets(%arg10 : memref<128xi32, #tpu.memory_space<vmem>>) semaphore(%arg18 : memref<!tpu.dma_semaphore, #tpu.memory_space<semaphore_mem>>) {add = true}
      %add3A_674 = arith.constant 5 : i32
      %add3A_675 = arith.addi %add3A_413, %add3A_674 : i32
      %dma_wait3A_676 = arith.constant 1 : i32
      %dma_wait3A_677 = arith.constant 0 : i32
      %dma_wait3A_678 = arith.constant 0 : i32
      %dma_wait3A_679 = tpu.memref_slice %arg14[%dma_wait3A_676, %dma_wait3A_677, %dma_wait3A_678] : memref<3x128x128xf32, #tpu.memory_space<vmem>> -> memref<1x128x128xf32, #tpu.memory_space<vmem>>
      %dma_wait3A_680 = tpu.memref_squeeze %dma_wait3A_679 : memref<1x128x128xf32, #tpu.memory_space<vmem>> -> memref<128x128xf32, #tpu.memory_space<vmem>>
      %dma_wait3A_681 = arith.constant 0 : i32
      %dma_wait3A_682 = arith.constant 0 : i32
      %dma_wait3A_683 = tpu.memref_slice %arg15[%dma_wait3A_681, %dma_wait3A_682] : memref<10016x128xf32, #tpu.memory_space<vmem_shared>> -> memref<10016x128xf32, #tpu.memory_space<vmem_shared>>
      tpu.wait_indirect_dma semaphore(%arg21 : memref<!tpu.dma_semaphore, #tpu.memory_space<semaphore_mem>>) src(%dma_wait3A_680 : memref<128x128xf32, #tpu.memory_space<vmem>>) dst(%dma_wait3A_683 : memref<10016x128xf32, #tpu.memory_space<vmem_shared>>)
      %add3A_684 = arith.constant 1 : i32
      %add3A_685 = arith.addi %add3A_675, %add3A_684 : i32
      %add3A_686 = arith.addi %mul3A_2, %add3A_685 : i32
      %mul3A_687 = arith.constant 128 : i32
      %mul3A_688 = arith.muli %add3A_686, %mul3A_687 : i32
      %dma_wait3A_689 = tpu.memref_slice %arg3[%mul3A_688] : memref<327680xi32, #tpu.memory_space<hbm>> -> memref<128xi32, #tpu.memory_space<hbm>>
      %dma_wait3A_690 = tpu.memref_slice %arg3[%mul3A_688] : memref<327680xi32, #tpu.memory_space<hbm>> -> memref<128xi32, #tpu.memory_space<hbm>>
      tpu.wait_dma2 semaphore(%arg23 : memref<!tpu.dma_semaphore, #tpu.memory_space<semaphore_mem>>) src(%dma_wait3A_690 : memref<128xi32, #tpu.memory_space<hbm>>) dst(%arg8 : memref<128xi32, #tpu.memory_space<vmem>>)
      %dma_wait3A_691 = tpu.memref_slice %arg4[%mul3A_688] : memref<327680xi32, #tpu.memory_space<hbm>> -> memref<128xi32, #tpu.memory_space<hbm>>
      %dma_wait3A_692 = tpu.memref_slice %arg4[%mul3A_688] : memref<327680xi32, #tpu.memory_space<hbm>> -> memref<128xi32, #tpu.memory_space<hbm>>
      tpu.wait_dma2 semaphore(%arg27 : memref<!tpu.dma_semaphore, #tpu.memory_space<semaphore_mem>>) src(%dma_wait3A_692 : memref<128xi32, #tpu.memory_space<hbm>>) dst(%arg12 : memref<128xi32, #tpu.memory_space<vmem>>)
      %dma_start3A_693 = arith.constant 1 : i32
      %dma_start3A_694 = arith.constant 0 : i32
      %dma_start3A_695 = arith.constant 0 : i32
      %dma_start3A_696 = tpu.memref_slice %arg14[%dma_start3A_693, %dma_start3A_694, %dma_start3A_695] : memref<3x128x128xf32, #tpu.memory_space<vmem>> -> memref<1x128x128xf32, #tpu.memory_space<vmem>>
      %dma_start3A_697 = tpu.memref_squeeze %dma_start3A_696 : memref<1x128x128xf32, #tpu.memory_space<vmem>> -> memref<128x128xf32, #tpu.memory_space<vmem>>
      %dma_start3A_698 = arith.constant 0 : i32
      %dma_start3A_699 = arith.constant 0 : i32
      %dma_start3A_700 = tpu.memref_slice %arg2[%dma_start3A_698, %dma_start3A_699] : memref<10000x128xf32, #tpu.memory_space<hbm>> -> memref<10000x128xf32, #tpu.memory_space<hbm>>
      tpu.enqueue_indirect_dma source(%dma_start3A_700 : memref<10000x128xf32, #tpu.memory_space<hbm>>) target(%dma_start3A_697 : memref<128x128xf32, #tpu.memory_space<vmem>>) offsets(%arg8 : memref<128xi32, #tpu.memory_space<vmem>>) semaphore(%arg16 : memref<!tpu.dma_semaphore, #tpu.memory_space<semaphore_mem>>)
      %add3A_701 = arith.constant 2 : i32
      %add3A_702 = arith.addi %add3A_675, %add3A_701 : i32
      %add3A_703 = arith.addi %mul3A_2, %add3A_702 : i32
      %mul3A_704 = arith.constant 128 : i32
      %mul3A_705 = arith.muli %add3A_703, %mul3A_704 : i32
      %dma_start3A_706 = tpu.memref_slice %arg3[%mul3A_705] : memref<327680xi32, #tpu.memory_space<hbm>> -> memref<128xi32, #tpu.memory_space<hbm>>
      %dma_start3A_707 = tpu.memref_slice %arg3[%mul3A_705] : memref<327680xi32, #tpu.memory_space<hbm>> -> memref<128xi32, #tpu.memory_space<hbm>>
      tpu.enqueue_dma source(%dma_start3A_707 : memref<128xi32, #tpu.memory_space<hbm>>) target(%arg9 : memref<128xi32, #tpu.memory_space<vmem>>) target_semaphore(%arg24 : memref<!tpu.dma_semaphore, #tpu.memory_space<semaphore_mem>>)
      %dma_start3A_708 = tpu.memref_slice %arg4[%mul3A_705] : memref<327680xi32, #tpu.memory_space<hbm>> -> memref<128xi32, #tpu.memory_space<hbm>>
      %dma_start3A_709 = tpu.memref_slice %arg4[%mul3A_705] : memref<327680xi32, #tpu.memory_space<hbm>> -> memref<128xi32, #tpu.memory_space<hbm>>
      tpu.enqueue_dma source(%dma_start3A_709 : memref<128xi32, #tpu.memory_space<hbm>>) target(%arg13 : memref<128xi32, #tpu.memory_space<vmem>>) target_semaphore(%arg28 : memref<!tpu.dma_semaphore, #tpu.memory_space<semaphore_mem>>)
      %dma_wait3A_710 = arith.constant 0 : i32
      %dma_wait3A_711 = arith.constant 0 : i32
      %dma_wait3A_712 = arith.constant 0 : i32
      %dma_wait3A_713 = tpu.memref_slice %arg14[%dma_wait3A_710, %dma_wait3A_711, %dma_wait3A_712] : memref<3x128x128xf32, #tpu.memory_space<vmem>> -> memref<1x128x128xf32, #tpu.memory_space<vmem>>
      %dma_wait3A_714 = tpu.memref_squeeze %dma_wait3A_713 : memref<1x128x128xf32, #tpu.memory_space<vmem>> -> memref<128x128xf32, #tpu.memory_space<vmem>>
      %dma_wait3A_715 = arith.constant 0 : i32
      %dma_wait3A_716 = arith.constant 0 : i32
      %dma_wait3A_717 = tpu.memref_slice %arg2[%dma_wait3A_715, %dma_wait3A_716] : memref<10000x128xf32, #tpu.memory_space<hbm>> -> memref<10000x128xf32, #tpu.memory_space<hbm>>
      tpu.wait_indirect_dma semaphore(%arg17 : memref<!tpu.dma_semaphore, #tpu.memory_space<semaphore_mem>>) src(%dma_wait3A_717 : memref<10000x128xf32, #tpu.memory_space<hbm>>) dst(%dma_wait3A_714 : memref<128x128xf32, #tpu.memory_space<vmem>>)
      %dma_start3A_718 = arith.constant 0 : i32
      %dma_start3A_719 = arith.constant 0 : i32
      %dma_start3A_720 = arith.constant 0 : i32
      %dma_start3A_721 = tpu.memref_slice %arg14[%dma_start3A_718, %dma_start3A_719, %dma_start3A_720] : memref<3x128x128xf32, #tpu.memory_space<vmem>> -> memref<1x128x128xf32, #tpu.memory_space<vmem>>
      %dma_start3A_722 = tpu.memref_squeeze %dma_start3A_721 : memref<1x128x128xf32, #tpu.memory_space<vmem>> -> memref<128x128xf32, #tpu.memory_space<vmem>>
      %dma_start3A_723 = arith.constant 0 : i32
      %dma_start3A_724 = arith.constant 0 : i32
      %dma_start3A_725 = tpu.memref_slice %arg15[%dma_start3A_723, %dma_start3A_724] : memref<10016x128xf32, #tpu.memory_space<vmem_shared>> -> memref<10016x128xf32, #tpu.memory_space<vmem_shared>>
      tpu.enqueue_indirect_dma source(%dma_start3A_722 : memref<128x128xf32, #tpu.memory_space<vmem>>) target(%dma_start3A_725 : memref<10016x128xf32, #tpu.memory_space<vmem_shared>>) offsets(%arg11 : memref<128xi32, #tpu.memory_space<vmem>>) semaphore(%arg19 : memref<!tpu.dma_semaphore, #tpu.memory_space<semaphore_mem>>) {add = true}
      %add3A_726 = arith.constant 6 : i32
      %add3A_727 = arith.addi %add3A_413, %add3A_726 : i32
      %dma_wait3A_728 = arith.constant 2 : i32
      %dma_wait3A_729 = arith.constant 0 : i32
      %dma_wait3A_730 = arith.constant 0 : i32
      %dma_wait3A_731 = tpu.memref_slice %arg14[%dma_wait3A_728, %dma_wait3A_729, %dma_wait3A_730] : memref<3x128x128xf32, #tpu.memory_space<vmem>> -> memref<1x128x128xf32, #tpu.memory_space<vmem>>
      %dma_wait3A_732 = tpu.memref_squeeze %dma_wait3A_731 : memref<1x128x128xf32, #tpu.memory_space<vmem>> -> memref<128x128xf32, #tpu.memory_space<vmem>>
      %dma_wait3A_733 = arith.constant 0 : i32
      %dma_wait3A_734 = arith.constant 0 : i32
      %dma_wait3A_735 = tpu.memref_slice %arg15[%dma_wait3A_733, %dma_wait3A_734] : memref<10016x128xf32, #tpu.memory_space<vmem_shared>> -> memref<10016x128xf32, #tpu.memory_space<vmem_shared>>
      tpu.wait_indirect_dma semaphore(%arg18 : memref<!tpu.dma_semaphore, #tpu.memory_space<semaphore_mem>>) src(%dma_wait3A_732 : memref<128x128xf32, #tpu.memory_space<vmem>>) dst(%dma_wait3A_735 : memref<10016x128xf32, #tpu.memory_space<vmem_shared>>)
      %add3A_736 = arith.constant 1 : i32
      %add3A_737 = arith.addi %add3A_727, %add3A_736 : i32
      %add3A_738 = arith.addi %mul3A_2, %add3A_737 : i32
      %mul3A_739 = arith.constant 128 : i32
      %mul3A_740 = arith.muli %add3A_738, %mul3A_739 : i32
      %dma_wait3A_741 = tpu.memref_slice %arg3[%mul3A_740] : memref<327680xi32, #tpu.memory_space<hbm>> -> memref<128xi32, #tpu.memory_space<hbm>>
      %dma_wait3A_742 = tpu.memref_slice %arg3[%mul3A_740] : memref<327680xi32, #tpu.memory_space<hbm>> -> memref<128xi32, #tpu.memory_space<hbm>>
      tpu.wait_dma2 semaphore(%arg24 : memref<!tpu.dma_semaphore, #tpu.memory_space<semaphore_mem>>) src(%dma_wait3A_742 : memref<128xi32, #tpu.memory_space<hbm>>) dst(%arg9 : memref<128xi32, #tpu.memory_space<vmem>>)
      %dma_wait3A_743 = tpu.memref_slice %arg4[%mul3A_740] : memref<327680xi32, #tpu.memory_space<hbm>> -> memref<128xi32, #tpu.memory_space<hbm>>
      %dma_wait3A_744 = tpu.memref_slice %arg4[%mul3A_740] : memref<327680xi32, #tpu.memory_space<hbm>> -> memref<128xi32, #tpu.memory_space<hbm>>
      tpu.wait_dma2 semaphore(%arg28 : memref<!tpu.dma_semaphore, #tpu.memory_space<semaphore_mem>>) src(%dma_wait3A_744 : memref<128xi32, #tpu.memory_space<hbm>>) dst(%arg13 : memref<128xi32, #tpu.memory_space<vmem>>)
      %dma_start3A_745 = arith.constant 2 : i32
      %dma_start3A_746 = arith.constant 0 : i32
      %dma_start3A_747 = arith.constant 0 : i32
      %dma_start3A_748 = tpu.memref_slice %arg14[%dma_start3A_745, %dma_start3A_746, %dma_start3A_747] : memref<3x128x128xf32, #tpu.memory_space<vmem>> -> memref<1x128x128xf32, #tpu.memory_space<vmem>>
      %dma_start3A_749 = tpu.memref_squeeze %dma_start3A_748 : memref<1x128x128xf32, #tpu.memory_space<vmem>> -> memref<128x128xf32, #tpu.memory_space<vmem>>
      %dma_start3A_750 = arith.constant 0 : i32
      %dma_start3A_751 = arith.constant 0 : i32
      %dma_start3A_752 = tpu.memref_slice %arg2[%dma_start3A_750, %dma_start3A_751] : memref<10000x128xf32, #tpu.memory_space<hbm>> -> memref<10000x128xf32, #tpu.memory_space<hbm>>
      tpu.enqueue_indirect_dma source(%dma_start3A_752 : memref<10000x128xf32, #tpu.memory_space<hbm>>) target(%dma_start3A_749 : memref<128x128xf32, #tpu.memory_space<vmem>>) offsets(%arg9 : memref<128xi32, #tpu.memory_space<vmem>>) semaphore(%arg17 : memref<!tpu.dma_semaphore, #tpu.memory_space<semaphore_mem>>)
      %add3A_753 = arith.constant 2 : i32
      %add3A_754 = arith.addi %add3A_727, %add3A_753 : i32
      %add3A_755 = arith.addi %mul3A_2, %add3A_754 : i32
      %mul3A_756 = arith.constant 128 : i32
      %mul3A_757 = arith.muli %add3A_755, %mul3A_756 : i32
      %dma_start3A_758 = tpu.memref_slice %arg3[%mul3A_757] : memref<327680xi32, #tpu.memory_space<hbm>> -> memref<128xi32, #tpu.memory_space<hbm>>
      %dma_start3A_759 = tpu.memref_slice %arg3[%mul3A_757] : memref<327680xi32, #tpu.memory_space<hbm>> -> memref<128xi32, #tpu.memory_space<hbm>>
      tpu.enqueue_dma source(%dma_start3A_759 : memref<128xi32, #tpu.memory_space<hbm>>) target(%arg7 : memref<128xi32, #tpu.memory_space<vmem>>) target_semaphore(%arg22 : memref<!tpu.dma_semaphore, #tpu.memory_space<semaphore_mem>>)
      %dma_start3A_760 = tpu.memref_slice %arg4[%mul3A_757] : memref<327680xi32, #tpu.memory_space<hbm>> -> memref<128xi32, #tpu.memory_space<hbm>>
      %dma_start3A_761 = tpu.memref_slice %arg4[%mul3A_757] : memref<327680xi32, #tpu.memory_space<hbm>> -> memref<128xi32, #tpu.memory_space<hbm>>
      tpu.enqueue_dma source(%dma_start3A_761 : memref<128xi32, #tpu.memory_space<hbm>>) target(%arg10 : memref<128xi32, #tpu.memory_space<vmem>>) target_semaphore(%arg25 : memref<!tpu.dma_semaphore, #tpu.memory_space<semaphore_mem>>)
      %dma_wait3A_762 = arith.constant 1 : i32
      %dma_wait3A_763 = arith.constant 0 : i32
      %dma_wait3A_764 = arith.constant 0 : i32
      %dma_wait3A_765 = tpu.memref_slice %arg14[%dma_wait3A_762, %dma_wait3A_763, %dma_wait3A_764] : memref<3x128x128xf32, #tpu.memory_space<vmem>> -> memref<1x128x128xf32, #tpu.memory_space<vmem>>
      %dma_wait3A_766 = tpu.memref_squeeze %dma_wait3A_765 : memref<1x128x128xf32, #tpu.memory_space<vmem>> -> memref<128x128xf32, #tpu.memory_space<vmem>>
      %dma_wait3A_767 = arith.constant 0 : i32
      %dma_wait3A_768 = arith.constant 0 : i32
      %dma_wait3A_769 = tpu.memref_slice %arg2[%dma_wait3A_767, %dma_wait3A_768] : memref<10000x128xf32, #tpu.memory_space<hbm>> -> memref<10000x128xf32, #tpu.memory_space<hbm>>
      tpu.wait_indirect_dma semaphore(%arg16 : memref<!tpu.dma_semaphore, #tpu.memory_space<semaphore_mem>>) src(%dma_wait3A_769 : memref<10000x128xf32, #tpu.memory_space<hbm>>) dst(%dma_wait3A_766 : memref<128x128xf32, #tpu.memory_space<vmem>>)
      %dma_start3A_770 = arith.constant 1 : i32
      %dma_start3A_771 = arith.constant 0 : i32
      %dma_start3A_772 = arith.constant 0 : i32
      %dma_start3A_773 = tpu.memref_slice %arg14[%dma_start3A_770, %dma_start3A_771, %dma_start3A_772] : memref<3x128x128xf32, #tpu.memory_space<vmem>> -> memref<1x128x128xf32, #tpu.memory_space<vmem>>
      %dma_start3A_774 = tpu.memref_squeeze %dma_start3A_773 : memref<1x128x128xf32, #tpu.memory_space<vmem>> -> memref<128x128xf32, #tpu.memory_space<vmem>>
      %dma_start3A_775 = arith.constant 0 : i32
      %dma_start3A_776 = arith.constant 0 : i32
      %dma_start3A_777 = tpu.memref_slice %arg15[%dma_start3A_775, %dma_start3A_776] : memref<10016x128xf32, #tpu.memory_space<vmem_shared>> -> memref<10016x128xf32, #tpu.memory_space<vmem_shared>>
      tpu.enqueue_indirect_dma source(%dma_start3A_774 : memref<128x128xf32, #tpu.memory_space<vmem>>) target(%dma_start3A_777 : memref<10016x128xf32, #tpu.memory_space<vmem_shared>>) offsets(%arg12 : memref<128xi32, #tpu.memory_space<vmem>>) semaphore(%arg20 : memref<!tpu.dma_semaphore, #tpu.memory_space<semaphore_mem>>) {add = true}
      %add3A_778 = arith.constant 7 : i32
      %add3A_779 = arith.addi %add3A_413, %add3A_778 : i32
      %dma_wait3A_780 = arith.constant 0 : i32
      %dma_wait3A_781 = arith.constant 0 : i32
      %dma_wait3A_782 = arith.constant 0 : i32
      %dma_wait3A_783 = tpu.memref_slice %arg14[%dma_wait3A_780, %dma_wait3A_781, %dma_wait3A_782] : memref<3x128x128xf32, #tpu.memory_space<vmem>> -> memref<1x128x128xf32, #tpu.memory_space<vmem>>
      %dma_wait3A_784 = tpu.memref_squeeze %dma_wait3A_783 : memref<1x128x128xf32, #tpu.memory_space<vmem>> -> memref<128x128xf32, #tpu.memory_space<vmem>>
      %dma_wait3A_785 = arith.constant 0 : i32
      %dma_wait3A_786 = arith.constant 0 : i32
      %dma_wait3A_787 = tpu.memref_slice %arg15[%dma_wait3A_785, %dma_wait3A_786] : memref<10016x128xf32, #tpu.memory_space<vmem_shared>> -> memref<10016x128xf32, #tpu.memory_space<vmem_shared>>
      tpu.wait_indirect_dma semaphore(%arg19 : memref<!tpu.dma_semaphore, #tpu.memory_space<semaphore_mem>>) src(%dma_wait3A_784 : memref<128x128xf32, #tpu.memory_space<vmem>>) dst(%dma_wait3A_787 : memref<10016x128xf32, #tpu.memory_space<vmem_shared>>)
      %add3A_788 = arith.constant 1 : i32
      %add3A_789 = arith.addi %add3A_779, %add3A_788 : i32
      %add3A_790 = arith.addi %mul3A_2, %add3A_789 : i32
      %mul3A_791 = arith.constant 128 : i32
      %mul3A_792 = arith.muli %add3A_790, %mul3A_791 : i32
      %dma_wait3A_793 = tpu.memref_slice %arg3[%mul3A_792] : memref<327680xi32, #tpu.memory_space<hbm>> -> memref<128xi32, #tpu.memory_space<hbm>>
      %dma_wait3A_794 = tpu.memref_slice %arg3[%mul3A_792] : memref<327680xi32, #tpu.memory_space<hbm>> -> memref<128xi32, #tpu.memory_space<hbm>>
      tpu.wait_dma2 semaphore(%arg22 : memref<!tpu.dma_semaphore, #tpu.memory_space<semaphore_mem>>) src(%dma_wait3A_794 : memref<128xi32, #tpu.memory_space<hbm>>) dst(%arg7 : memref<128xi32, #tpu.memory_space<vmem>>)
      %dma_wait3A_795 = tpu.memref_slice %arg4[%mul3A_792] : memref<327680xi32, #tpu.memory_space<hbm>> -> memref<128xi32, #tpu.memory_space<hbm>>
      %dma_wait3A_796 = tpu.memref_slice %arg4[%mul3A_792] : memref<327680xi32, #tpu.memory_space<hbm>> -> memref<128xi32, #tpu.memory_space<hbm>>
      tpu.wait_dma2 semaphore(%arg25 : memref<!tpu.dma_semaphore, #tpu.memory_space<semaphore_mem>>) src(%dma_wait3A_796 : memref<128xi32, #tpu.memory_space<hbm>>) dst(%arg10 : memref<128xi32, #tpu.memory_space<vmem>>)
      %dma_start3A_797 = arith.constant 0 : i32
      %dma_start3A_798 = arith.constant 0 : i32
      %dma_start3A_799 = arith.constant 0 : i32
      %dma_start3A_800 = tpu.memref_slice %arg14[%dma_start3A_797, %dma_start3A_798, %dma_start3A_799] : memref<3x128x128xf32, #tpu.memory_space<vmem>> -> memref<1x128x128xf32, #tpu.memory_space<vmem>>
      %dma_start3A_801 = tpu.memref_squeeze %dma_start3A_800 : memref<1x128x128xf32, #tpu.memory_space<vmem>> -> memref<128x128xf32, #tpu.memory_space<vmem>>
      %dma_start3A_802 = arith.constant 0 : i32
      %dma_start3A_803 = arith.constant 0 : i32
      %dma_start3A_804 = tpu.memref_slice %arg2[%dma_start3A_802, %dma_start3A_803] : memref<10000x128xf32, #tpu.memory_space<hbm>> -> memref<10000x128xf32, #tpu.memory_space<hbm>>
      tpu.enqueue_indirect_dma source(%dma_start3A_804 : memref<10000x128xf32, #tpu.memory_space<hbm>>) target(%dma_start3A_801 : memref<128x128xf32, #tpu.memory_space<vmem>>) offsets(%arg7 : memref<128xi32, #tpu.memory_space<vmem>>) semaphore(%arg16 : memref<!tpu.dma_semaphore, #tpu.memory_space<semaphore_mem>>)
      %add3A_805 = arith.constant 2 : i32
      %add3A_806 = arith.addi %add3A_779, %add3A_805 : i32
      %add3A_807 = arith.addi %mul3A_2, %add3A_806 : i32
      %mul3A_808 = arith.constant 128 : i32
      %mul3A_809 = arith.muli %add3A_807, %mul3A_808 : i32
      %dma_start3A_810 = tpu.memref_slice %arg3[%mul3A_809] : memref<327680xi32, #tpu.memory_space<hbm>> -> memref<128xi32, #tpu.memory_space<hbm>>
      %dma_start3A_811 = tpu.memref_slice %arg3[%mul3A_809] : memref<327680xi32, #tpu.memory_space<hbm>> -> memref<128xi32, #tpu.memory_space<hbm>>
      tpu.enqueue_dma source(%dma_start3A_811 : memref<128xi32, #tpu.memory_space<hbm>>) target(%arg8 : memref<128xi32, #tpu.memory_space<vmem>>) target_semaphore(%arg23 : memref<!tpu.dma_semaphore, #tpu.memory_space<semaphore_mem>>)
      %dma_start3A_812 = tpu.memref_slice %arg4[%mul3A_809] : memref<327680xi32, #tpu.memory_space<hbm>> -> memref<128xi32, #tpu.memory_space<hbm>>
      %dma_start3A_813 = tpu.memref_slice %arg4[%mul3A_809] : memref<327680xi32, #tpu.memory_space<hbm>> -> memref<128xi32, #tpu.memory_space<hbm>>
      tpu.enqueue_dma source(%dma_start3A_813 : memref<128xi32, #tpu.memory_space<hbm>>) target(%arg11 : memref<128xi32, #tpu.memory_space<vmem>>) target_semaphore(%arg26 : memref<!tpu.dma_semaphore, #tpu.memory_space<semaphore_mem>>)
      %dma_wait3A_814 = arith.constant 2 : i32
      %dma_wait3A_815 = arith.constant 0 : i32
      %dma_wait3A_816 = arith.constant 0 : i32
      %dma_wait3A_817 = tpu.memref_slice %arg14[%dma_wait3A_814, %dma_wait3A_815, %dma_wait3A_816] : memref<3x128x128xf32, #tpu.memory_space<vmem>> -> memref<1x128x128xf32, #tpu.memory_space<vmem>>
      %dma_wait3A_818 = tpu.memref_squeeze %dma_wait3A_817 : memref<1x128x128xf32, #tpu.memory_space<vmem>> -> memref<128x128xf32, #tpu.memory_space<vmem>>
      %dma_wait3A_819 = arith.constant 0 : i32
      %dma_wait3A_820 = arith.constant 0 : i32
      %dma_wait3A_821 = tpu.memref_slice %arg2[%dma_wait3A_819, %dma_wait3A_820] : memref<10000x128xf32, #tpu.memory_space<hbm>> -> memref<10000x128xf32, #tpu.memory_space<hbm>>
      tpu.wait_indirect_dma semaphore(%arg17 : memref<!tpu.dma_semaphore, #tpu.memory_space<semaphore_mem>>) src(%dma_wait3A_821 : memref<10000x128xf32, #tpu.memory_space<hbm>>) dst(%dma_wait3A_818 : memref<128x128xf32, #tpu.memory_space<vmem>>)
      %dma_start3A_822 = arith.constant 2 : i32
      %dma_start3A_823 = arith.constant 0 : i32
      %dma_start3A_824 = arith.constant 0 : i32
      %dma_start3A_825 = tpu.memref_slice %arg14[%dma_start3A_822, %dma_start3A_823, %dma_start3A_824] : memref<3x128x128xf32, #tpu.memory_space<vmem>> -> memref<1x128x128xf32, #tpu.memory_space<vmem>>
      %dma_start3A_826 = tpu.memref_squeeze %dma_start3A_825 : memref<1x128x128xf32, #tpu.memory_space<vmem>> -> memref<128x128xf32, #tpu.memory_space<vmem>>
      %dma_start3A_827 = arith.constant 0 : i32
      %dma_start3A_828 = arith.constant 0 : i32
      %dma_start3A_829 = tpu.memref_slice %arg15[%dma_start3A_827, %dma_start3A_828] : memref<10016x128xf32, #tpu.memory_space<vmem_shared>> -> memref<10016x128xf32, #tpu.memory_space<vmem_shared>>
      tpu.enqueue_indirect_dma source(%dma_start3A_826 : memref<128x128xf32, #tpu.memory_space<vmem>>) target(%dma_start3A_829 : memref<10016x128xf32, #tpu.memory_space<vmem_shared>>) offsets(%arg13 : memref<128xi32, #tpu.memory_space<vmem>>) semaphore(%arg21 : memref<!tpu.dma_semaphore, #tpu.memory_space<semaphore_mem>>) {add = true}
      %add3A_830 = arith.constant 8 : i32
      %add3A_831 = arith.addi %add3A_413, %add3A_830 : i32
      %dma_wait3A_832 = arith.constant 1 : i32
      %dma_wait3A_833 = arith.constant 0 : i32
      %dma_wait3A_834 = arith.constant 0 : i32
      %dma_wait3A_835 = tpu.memref_slice %arg14[%dma_wait3A_832, %dma_wait3A_833, %dma_wait3A_834] : memref<3x128x128xf32, #tpu.memory_space<vmem>> -> memref<1x128x128xf32, #tpu.memory_space<vmem>>
      %dma_wait3A_836 = tpu.memref_squeeze %dma_wait3A_835 : memref<1x128x128xf32, #tpu.memory_space<vmem>> -> memref<128x128xf32, #tpu.memory_space<vmem>>
      %dma_wait3A_837 = arith.constant 0 : i32
      %dma_wait3A_838 = arith.constant 0 : i32
      %dma_wait3A_839 = tpu.memref_slice %arg15[%dma_wait3A_837, %dma_wait3A_838] : memref<10016x128xf32, #tpu.memory_space<vmem_shared>> -> memref<10016x128xf32, #tpu.memory_space<vmem_shared>>
      tpu.wait_indirect_dma semaphore(%arg20 : memref<!tpu.dma_semaphore, #tpu.memory_space<semaphore_mem>>) src(%dma_wait3A_836 : memref<128x128xf32, #tpu.memory_space<vmem>>) dst(%dma_wait3A_839 : memref<10016x128xf32, #tpu.memory_space<vmem_shared>>)
      %add3A_840 = arith.constant 1 : i32
      %add3A_841 = arith.addi %add3A_831, %add3A_840 : i32
      %add3A_842 = arith.addi %mul3A_2, %add3A_841 : i32
      %mul3A_843 = arith.constant 128 : i32
      %mul3A_844 = arith.muli %add3A_842, %mul3A_843 : i32
      %dma_wait3A_845 = tpu.memref_slice %arg3[%mul3A_844] : memref<327680xi32, #tpu.memory_space<hbm>> -> memref<128xi32, #tpu.memory_space<hbm>>
      %dma_wait3A_846 = tpu.memref_slice %arg3[%mul3A_844] : memref<327680xi32, #tpu.memory_space<hbm>> -> memref<128xi32, #tpu.memory_space<hbm>>
      tpu.wait_dma2 semaphore(%arg23 : memref<!tpu.dma_semaphore, #tpu.memory_space<semaphore_mem>>) src(%dma_wait3A_846 : memref<128xi32, #tpu.memory_space<hbm>>) dst(%arg8 : memref<128xi32, #tpu.memory_space<vmem>>)
      %dma_wait3A_847 = tpu.memref_slice %arg4[%mul3A_844] : memref<327680xi32, #tpu.memory_space<hbm>> -> memref<128xi32, #tpu.memory_space<hbm>>
      %dma_wait3A_848 = tpu.memref_slice %arg4[%mul3A_844] : memref<327680xi32, #tpu.memory_space<hbm>> -> memref<128xi32, #tpu.memory_space<hbm>>
      tpu.wait_dma2 semaphore(%arg26 : memref<!tpu.dma_semaphore, #tpu.memory_space<semaphore_mem>>) src(%dma_wait3A_848 : memref<128xi32, #tpu.memory_space<hbm>>) dst(%arg11 : memref<128xi32, #tpu.memory_space<vmem>>)
      %dma_start3A_849 = arith.constant 1 : i32
      %dma_start3A_850 = arith.constant 0 : i32
      %dma_start3A_851 = arith.constant 0 : i32
      %dma_start3A_852 = tpu.memref_slice %arg14[%dma_start3A_849, %dma_start3A_850, %dma_start3A_851] : memref<3x128x128xf32, #tpu.memory_space<vmem>> -> memref<1x128x128xf32, #tpu.memory_space<vmem>>
      %dma_start3A_853 = tpu.memref_squeeze %dma_start3A_852 : memref<1x128x128xf32, #tpu.memory_space<vmem>> -> memref<128x128xf32, #tpu.memory_space<vmem>>
      %dma_start3A_854 = arith.constant 0 : i32
      %dma_start3A_855 = arith.constant 0 : i32
      %dma_start3A_856 = tpu.memref_slice %arg2[%dma_start3A_854, %dma_start3A_855] : memref<10000x128xf32, #tpu.memory_space<hbm>> -> memref<10000x128xf32, #tpu.memory_space<hbm>>
      tpu.enqueue_indirect_dma source(%dma_start3A_856 : memref<10000x128xf32, #tpu.memory_space<hbm>>) target(%dma_start3A_853 : memref<128x128xf32, #tpu.memory_space<vmem>>) offsets(%arg8 : memref<128xi32, #tpu.memory_space<vmem>>) semaphore(%arg17 : memref<!tpu.dma_semaphore, #tpu.memory_space<semaphore_mem>>)
      %add3A_857 = arith.constant 2 : i32
      %add3A_858 = arith.addi %add3A_831, %add3A_857 : i32
      %add3A_859 = arith.addi %mul3A_2, %add3A_858 : i32
      %mul3A_860 = arith.constant 128 : i32
      %mul3A_861 = arith.muli %add3A_859, %mul3A_860 : i32
      %dma_start3A_862 = tpu.memref_slice %arg3[%mul3A_861] : memref<327680xi32, #tpu.memory_space<hbm>> -> memref<128xi32, #tpu.memory_space<hbm>>
      %dma_start3A_863 = tpu.memref_slice %arg3[%mul3A_861] : memref<327680xi32, #tpu.memory_space<hbm>> -> memref<128xi32, #tpu.memory_space<hbm>>
      tpu.enqueue_dma source(%dma_start3A_863 : memref<128xi32, #tpu.memory_space<hbm>>) target(%arg9 : memref<128xi32, #tpu.memory_space<vmem>>) target_semaphore(%arg24 : memref<!tpu.dma_semaphore, #tpu.memory_space<semaphore_mem>>)
      %dma_start3A_864 = tpu.memref_slice %arg4[%mul3A_861] : memref<327680xi32, #tpu.memory_space<hbm>> -> memref<128xi32, #tpu.memory_space<hbm>>
      %dma_start3A_865 = tpu.memref_slice %arg4[%mul3A_861] : memref<327680xi32, #tpu.memory_space<hbm>> -> memref<128xi32, #tpu.memory_space<hbm>>
      tpu.enqueue_dma source(%dma_start3A_865 : memref<128xi32, #tpu.memory_space<hbm>>) target(%arg12 : memref<128xi32, #tpu.memory_space<vmem>>) target_semaphore(%arg27 : memref<!tpu.dma_semaphore, #tpu.memory_space<semaphore_mem>>)
      %dma_wait3A_866 = arith.constant 0 : i32
      %dma_wait3A_867 = arith.constant 0 : i32
      %dma_wait3A_868 = arith.constant 0 : i32
      %dma_wait3A_869 = tpu.memref_slice %arg14[%dma_wait3A_866, %dma_wait3A_867, %dma_wait3A_868] : memref<3x128x128xf32, #tpu.memory_space<vmem>> -> memref<1x128x128xf32, #tpu.memory_space<vmem>>
      %dma_wait3A_870 = tpu.memref_squeeze %dma_wait3A_869 : memref<1x128x128xf32, #tpu.memory_space<vmem>> -> memref<128x128xf32, #tpu.memory_space<vmem>>
      %dma_wait3A_871 = arith.constant 0 : i32
      %dma_wait3A_872 = arith.constant 0 : i32
      %dma_wait3A_873 = tpu.memref_slice %arg2[%dma_wait3A_871, %dma_wait3A_872] : memref<10000x128xf32, #tpu.memory_space<hbm>> -> memref<10000x128xf32, #tpu.memory_space<hbm>>
      tpu.wait_indirect_dma semaphore(%arg16 : memref<!tpu.dma_semaphore, #tpu.memory_space<semaphore_mem>>) src(%dma_wait3A_873 : memref<10000x128xf32, #tpu.memory_space<hbm>>) dst(%dma_wait3A_870 : memref<128x128xf32, #tpu.memory_space<vmem>>)
      %dma_start3A_874 = arith.constant 0 : i32
      %dma_start3A_875 = arith.constant 0 : i32
      %dma_start3A_876 = arith.constant 0 : i32
      %dma_start3A_877 = tpu.memref_slice %arg14[%dma_start3A_874, %dma_start3A_875, %dma_start3A_876] : memref<3x128x128xf32, #tpu.memory_space<vmem>> -> memref<1x128x128xf32, #tpu.memory_space<vmem>>
      %dma_start3A_878 = tpu.memref_squeeze %dma_start3A_877 : memref<1x128x128xf32, #tpu.memory_space<vmem>> -> memref<128x128xf32, #tpu.memory_space<vmem>>
      %dma_start3A_879 = arith.constant 0 : i32
      %dma_start3A_880 = arith.constant 0 : i32
      %dma_start3A_881 = tpu.memref_slice %arg15[%dma_start3A_879, %dma_start3A_880] : memref<10016x128xf32, #tpu.memory_space<vmem_shared>> -> memref<10016x128xf32, #tpu.memory_space<vmem_shared>>
      tpu.enqueue_indirect_dma source(%dma_start3A_878 : memref<128x128xf32, #tpu.memory_space<vmem>>) target(%dma_start3A_881 : memref<10016x128xf32, #tpu.memory_space<vmem_shared>>) offsets(%arg10 : memref<128xi32, #tpu.memory_space<vmem>>) semaphore(%arg18 : memref<!tpu.dma_semaphore, #tpu.memory_space<semaphore_mem>>) {add = true}
      %add3A_882 = arith.constant 9 : i32
      %add3A_883 = arith.addi %add3A_413, %add3A_882 : i32
      %dma_wait3A_884 = arith.constant 2 : i32
      %dma_wait3A_885 = arith.constant 0 : i32
      %dma_wait3A_886 = arith.constant 0 : i32
      %dma_wait3A_887 = tpu.memref_slice %arg14[%dma_wait3A_884, %dma_wait3A_885, %dma_wait3A_886] : memref<3x128x128xf32, #tpu.memory_space<vmem>> -> memref<1x128x128xf32, #tpu.memory_space<vmem>>
      %dma_wait3A_888 = tpu.memref_squeeze %dma_wait3A_887 : memref<1x128x128xf32, #tpu.memory_space<vmem>> -> memref<128x128xf32, #tpu.memory_space<vmem>>
      %dma_wait3A_889 = arith.constant 0 : i32
      %dma_wait3A_890 = arith.constant 0 : i32
      %dma_wait3A_891 = tpu.memref_slice %arg15[%dma_wait3A_889, %dma_wait3A_890] : memref<10016x128xf32, #tpu.memory_space<vmem_shared>> -> memref<10016x128xf32, #tpu.memory_space<vmem_shared>>
      tpu.wait_indirect_dma semaphore(%arg21 : memref<!tpu.dma_semaphore, #tpu.memory_space<semaphore_mem>>) src(%dma_wait3A_888 : memref<128x128xf32, #tpu.memory_space<vmem>>) dst(%dma_wait3A_891 : memref<10016x128xf32, #tpu.memory_space<vmem_shared>>)
      %add3A_892 = arith.constant 1 : i32
      %add3A_893 = arith.addi %add3A_883, %add3A_892 : i32
      %add3A_894 = arith.addi %mul3A_2, %add3A_893 : i32
      %mul3A_895 = arith.constant 128 : i32
      %mul3A_896 = arith.muli %add3A_894, %mul3A_895 : i32
      %dma_wait3A_897 = tpu.memref_slice %arg3[%mul3A_896] : memref<327680xi32, #tpu.memory_space<hbm>> -> memref<128xi32, #tpu.memory_space<hbm>>
      %dma_wait3A_898 = tpu.memref_slice %arg3[%mul3A_896] : memref<327680xi32, #tpu.memory_space<hbm>> -> memref<128xi32, #tpu.memory_space<hbm>>
      tpu.wait_dma2 semaphore(%arg24 : memref<!tpu.dma_semaphore, #tpu.memory_space<semaphore_mem>>) src(%dma_wait3A_898 : memref<128xi32, #tpu.memory_space<hbm>>) dst(%arg9 : memref<128xi32, #tpu.memory_space<vmem>>)
      %dma_wait3A_899 = tpu.memref_slice %arg4[%mul3A_896] : memref<327680xi32, #tpu.memory_space<hbm>> -> memref<128xi32, #tpu.memory_space<hbm>>
      %dma_wait3A_900 = tpu.memref_slice %arg4[%mul3A_896] : memref<327680xi32, #tpu.memory_space<hbm>> -> memref<128xi32, #tpu.memory_space<hbm>>
      tpu.wait_dma2 semaphore(%arg27 : memref<!tpu.dma_semaphore, #tpu.memory_space<semaphore_mem>>) src(%dma_wait3A_900 : memref<128xi32, #tpu.memory_space<hbm>>) dst(%arg12 : memref<128xi32, #tpu.memory_space<vmem>>)
      %dma_start3A_901 = arith.constant 2 : i32
      %dma_start3A_902 = arith.constant 0 : i32
      %dma_start3A_903 = arith.constant 0 : i32
      %dma_start3A_904 = tpu.memref_slice %arg14[%dma_start3A_901, %dma_start3A_902, %dma_start3A_903] : memref<3x128x128xf32, #tpu.memory_space<vmem>> -> memref<1x128x128xf32, #tpu.memory_space<vmem>>
      %dma_start3A_905 = tpu.memref_squeeze %dma_start3A_904 : memref<1x128x128xf32, #tpu.memory_space<vmem>> -> memref<128x128xf32, #tpu.memory_space<vmem>>
      %dma_start3A_906 = arith.constant 0 : i32
      %dma_start3A_907 = arith.constant 0 : i32
      %dma_start3A_908 = tpu.memref_slice %arg2[%dma_start3A_906, %dma_start3A_907] : memref<10000x128xf32, #tpu.memory_space<hbm>> -> memref<10000x128xf32, #tpu.memory_space<hbm>>
      tpu.enqueue_indirect_dma source(%dma_start3A_908 : memref<10000x128xf32, #tpu.memory_space<hbm>>) target(%dma_start3A_905 : memref<128x128xf32, #tpu.memory_space<vmem>>) offsets(%arg9 : memref<128xi32, #tpu.memory_space<vmem>>) semaphore(%arg16 : memref<!tpu.dma_semaphore, #tpu.memory_space<semaphore_mem>>)
      %add3A_909 = arith.constant 2 : i32
      %add3A_910 = arith.addi %add3A_883, %add3A_909 : i32
      %add3A_911 = arith.addi %mul3A_2, %add3A_910 : i32
      %mul3A_912 = arith.constant 128 : i32
      %mul3A_913 = arith.muli %add3A_911, %mul3A_912 : i32
      %dma_start3A_914 = tpu.memref_slice %arg3[%mul3A_913] : memref<327680xi32, #tpu.memory_space<hbm>> -> memref<128xi32, #tpu.memory_space<hbm>>
      %dma_start3A_915 = tpu.memref_slice %arg3[%mul3A_913] : memref<327680xi32, #tpu.memory_space<hbm>> -> memref<128xi32, #tpu.memory_space<hbm>>
      tpu.enqueue_dma source(%dma_start3A_915 : memref<128xi32, #tpu.memory_space<hbm>>) target(%arg7 : memref<128xi32, #tpu.memory_space<vmem>>) target_semaphore(%arg22 : memref<!tpu.dma_semaphore, #tpu.memory_space<semaphore_mem>>)
      %dma_start3A_916 = tpu.memref_slice %arg4[%mul3A_913] : memref<327680xi32, #tpu.memory_space<hbm>> -> memref<128xi32, #tpu.memory_space<hbm>>
      %dma_start3A_917 = tpu.memref_slice %arg4[%mul3A_913] : memref<327680xi32, #tpu.memory_space<hbm>> -> memref<128xi32, #tpu.memory_space<hbm>>
      tpu.enqueue_dma source(%dma_start3A_917 : memref<128xi32, #tpu.memory_space<hbm>>) target(%arg13 : memref<128xi32, #tpu.memory_space<vmem>>) target_semaphore(%arg28 : memref<!tpu.dma_semaphore, #tpu.memory_space<semaphore_mem>>)
      %dma_wait3A_918 = arith.constant 1 : i32
      %dma_wait3A_919 = arith.constant 0 : i32
      %dma_wait3A_920 = arith.constant 0 : i32
      %dma_wait3A_921 = tpu.memref_slice %arg14[%dma_wait3A_918, %dma_wait3A_919, %dma_wait3A_920] : memref<3x128x128xf32, #tpu.memory_space<vmem>> -> memref<1x128x128xf32, #tpu.memory_space<vmem>>
      %dma_wait3A_922 = tpu.memref_squeeze %dma_wait3A_921 : memref<1x128x128xf32, #tpu.memory_space<vmem>> -> memref<128x128xf32, #tpu.memory_space<vmem>>
      %dma_wait3A_923 = arith.constant 0 : i32
      %dma_wait3A_924 = arith.constant 0 : i32
      %dma_wait3A_925 = tpu.memref_slice %arg2[%dma_wait3A_923, %dma_wait3A_924] : memref<10000x128xf32, #tpu.memory_space<hbm>> -> memref<10000x128xf32, #tpu.memory_space<hbm>>
      tpu.wait_indirect_dma semaphore(%arg17 : memref<!tpu.dma_semaphore, #tpu.memory_space<semaphore_mem>>) src(%dma_wait3A_925 : memref<10000x128xf32, #tpu.memory_space<hbm>>) dst(%dma_wait3A_922 : memref<128x128xf32, #tpu.memory_space<vmem>>)
      %dma_start3A_926 = arith.constant 1 : i32
      %dma_start3A_927 = arith.constant 0 : i32
      %dma_start3A_928 = arith.constant 0 : i32
      %dma_start3A_929 = tpu.memref_slice %arg14[%dma_start3A_926, %dma_start3A_927, %dma_start3A_928] : memref<3x128x128xf32, #tpu.memory_space<vmem>> -> memref<1x128x128xf32, #tpu.memory_space<vmem>>
      %dma_start3A_930 = tpu.memref_squeeze %dma_start3A_929 : memref<1x128x128xf32, #tpu.memory_space<vmem>> -> memref<128x128xf32, #tpu.memory_space<vmem>>
      %dma_start3A_931 = arith.constant 0 : i32
      %dma_start3A_932 = arith.constant 0 : i32
      %dma_start3A_933 = tpu.memref_slice %arg15[%dma_start3A_931, %dma_start3A_932] : memref<10016x128xf32, #tpu.memory_space<vmem_shared>> -> memref<10016x128xf32, #tpu.memory_space<vmem_shared>>
      tpu.enqueue_indirect_dma source(%dma_start3A_930 : memref<128x128xf32, #tpu.memory_space<vmem>>) target(%dma_start3A_933 : memref<10016x128xf32, #tpu.memory_space<vmem_shared>>) offsets(%arg11 : memref<128xi32, #tpu.memory_space<vmem>>) semaphore(%arg19 : memref<!tpu.dma_semaphore, #tpu.memory_space<semaphore_mem>>) {add = true}
      %add3A_934 = arith.constant 10 : i32
      %add3A_935 = arith.addi %add3A_413, %add3A_934 : i32
      %dma_wait3A_936 = arith.constant 0 : i32
      %dma_wait3A_937 = arith.constant 0 : i32
      %dma_wait3A_938 = arith.constant 0 : i32
      %dma_wait3A_939 = tpu.memref_slice %arg14[%dma_wait3A_936, %dma_wait3A_937, %dma_wait3A_938] : memref<3x128x128xf32, #tpu.memory_space<vmem>> -> memref<1x128x128xf32, #tpu.memory_space<vmem>>
      %dma_wait3A_940 = tpu.memref_squeeze %dma_wait3A_939 : memref<1x128x128xf32, #tpu.memory_space<vmem>> -> memref<128x128xf32, #tpu.memory_space<vmem>>
      %dma_wait3A_941 = arith.constant 0 : i32
      %dma_wait3A_942 = arith.constant 0 : i32
      %dma_wait3A_943 = tpu.memref_slice %arg15[%dma_wait3A_941, %dma_wait3A_942] : memref<10016x128xf32, #tpu.memory_space<vmem_shared>> -> memref<10016x128xf32, #tpu.memory_space<vmem_shared>>
      tpu.wait_indirect_dma semaphore(%arg18 : memref<!tpu.dma_semaphore, #tpu.memory_space<semaphore_mem>>) src(%dma_wait3A_940 : memref<128x128xf32, #tpu.memory_space<vmem>>) dst(%dma_wait3A_943 : memref<10016x128xf32, #tpu.memory_space<vmem_shared>>)
      %add3A_944 = arith.constant 1 : i32
      %add3A_945 = arith.addi %add3A_935, %add3A_944 : i32
      %add3A_946 = arith.addi %mul3A_2, %add3A_945 : i32
      %mul3A_947 = arith.constant 128 : i32
      %mul3A_948 = arith.muli %add3A_946, %mul3A_947 : i32
      %dma_wait3A_949 = tpu.memref_slice %arg3[%mul3A_948] : memref<327680xi32, #tpu.memory_space<hbm>> -> memref<128xi32, #tpu.memory_space<hbm>>
      %dma_wait3A_950 = tpu.memref_slice %arg3[%mul3A_948] : memref<327680xi32, #tpu.memory_space<hbm>> -> memref<128xi32, #tpu.memory_space<hbm>>
      tpu.wait_dma2 semaphore(%arg22 : memref<!tpu.dma_semaphore, #tpu.memory_space<semaphore_mem>>) src(%dma_wait3A_950 : memref<128xi32, #tpu.memory_space<hbm>>) dst(%arg7 : memref<128xi32, #tpu.memory_space<vmem>>)
      %dma_wait3A_951 = tpu.memref_slice %arg4[%mul3A_948] : memref<327680xi32, #tpu.memory_space<hbm>> -> memref<128xi32, #tpu.memory_space<hbm>>
      %dma_wait3A_952 = tpu.memref_slice %arg4[%mul3A_948] : memref<327680xi32, #tpu.memory_space<hbm>> -> memref<128xi32, #tpu.memory_space<hbm>>
      tpu.wait_dma2 semaphore(%arg28 : memref<!tpu.dma_semaphore, #tpu.memory_space<semaphore_mem>>) src(%dma_wait3A_952 : memref<128xi32, #tpu.memory_space<hbm>>) dst(%arg13 : memref<128xi32, #tpu.memory_space<vmem>>)
      %dma_start3A_953 = arith.constant 0 : i32
      %dma_start3A_954 = arith.constant 0 : i32
      %dma_start3A_955 = arith.constant 0 : i32
      %dma_start3A_956 = tpu.memref_slice %arg14[%dma_start3A_953, %dma_start3A_954, %dma_start3A_955] : memref<3x128x128xf32, #tpu.memory_space<vmem>> -> memref<1x128x128xf32, #tpu.memory_space<vmem>>
      %dma_start3A_957 = tpu.memref_squeeze %dma_start3A_956 : memref<1x128x128xf32, #tpu.memory_space<vmem>> -> memref<128x128xf32, #tpu.memory_space<vmem>>
      %dma_start3A_958 = arith.constant 0 : i32
      %dma_start3A_959 = arith.constant 0 : i32
      %dma_start3A_960 = tpu.memref_slice %arg2[%dma_start3A_958, %dma_start3A_959] : memref<10000x128xf32, #tpu.memory_space<hbm>> -> memref<10000x128xf32, #tpu.memory_space<hbm>>
      tpu.enqueue_indirect_dma source(%dma_start3A_960 : memref<10000x128xf32, #tpu.memory_space<hbm>>) target(%dma_start3A_957 : memref<128x128xf32, #tpu.memory_space<vmem>>) offsets(%arg7 : memref<128xi32, #tpu.memory_space<vmem>>) semaphore(%arg17 : memref<!tpu.dma_semaphore, #tpu.memory_space<semaphore_mem>>)
      %add3A_961 = arith.constant 2 : i32
      %add3A_962 = arith.addi %add3A_935, %add3A_961 : i32
      %add3A_963 = arith.addi %mul3A_2, %add3A_962 : i32
      %mul3A_964 = arith.constant 128 : i32
      %mul3A_965 = arith.muli %add3A_963, %mul3A_964 : i32
      %dma_start3A_966 = tpu.memref_slice %arg3[%mul3A_965] : memref<327680xi32, #tpu.memory_space<hbm>> -> memref<128xi32, #tpu.memory_space<hbm>>
      %dma_start3A_967 = tpu.memref_slice %arg3[%mul3A_965] : memref<327680xi32, #tpu.memory_space<hbm>> -> memref<128xi32, #tpu.memory_space<hbm>>
      tpu.enqueue_dma source(%dma_start3A_967 : memref<128xi32, #tpu.memory_space<hbm>>) target(%arg8 : memref<128xi32, #tpu.memory_space<vmem>>) target_semaphore(%arg23 : memref<!tpu.dma_semaphore, #tpu.memory_space<semaphore_mem>>)
      %dma_start3A_968 = tpu.memref_slice %arg4[%mul3A_965] : memref<327680xi32, #tpu.memory_space<hbm>> -> memref<128xi32, #tpu.memory_space<hbm>>
      %dma_start3A_969 = tpu.memref_slice %arg4[%mul3A_965] : memref<327680xi32, #tpu.memory_space<hbm>> -> memref<128xi32, #tpu.memory_space<hbm>>
      tpu.enqueue_dma source(%dma_start3A_969 : memref<128xi32, #tpu.memory_space<hbm>>) target(%arg10 : memref<128xi32, #tpu.memory_space<vmem>>) target_semaphore(%arg25 : memref<!tpu.dma_semaphore, #tpu.memory_space<semaphore_mem>>)
      %dma_wait3A_970 = arith.constant 2 : i32
      %dma_wait3A_971 = arith.constant 0 : i32
      %dma_wait3A_972 = arith.constant 0 : i32
      %dma_wait3A_973 = tpu.memref_slice %arg14[%dma_wait3A_970, %dma_wait3A_971, %dma_wait3A_972] : memref<3x128x128xf32, #tpu.memory_space<vmem>> -> memref<1x128x128xf32, #tpu.memory_space<vmem>>
      %dma_wait3A_974 = tpu.memref_squeeze %dma_wait3A_973 : memref<1x128x128xf32, #tpu.memory_space<vmem>> -> memref<128x128xf32, #tpu.memory_space<vmem>>
      %dma_wait3A_975 = arith.constant 0 : i32
      %dma_wait3A_976 = arith.constant 0 : i32
      %dma_wait3A_977 = tpu.memref_slice %arg2[%dma_wait3A_975, %dma_wait3A_976] : memref<10000x128xf32, #tpu.memory_space<hbm>> -> memref<10000x128xf32, #tpu.memory_space<hbm>>
      tpu.wait_indirect_dma semaphore(%arg16 : memref<!tpu.dma_semaphore, #tpu.memory_space<semaphore_mem>>) src(%dma_wait3A_977 : memref<10000x128xf32, #tpu.memory_space<hbm>>) dst(%dma_wait3A_974 : memref<128x128xf32, #tpu.memory_space<vmem>>)
      %dma_start3A_978 = arith.constant 2 : i32
      %dma_start3A_979 = arith.constant 0 : i32
      %dma_start3A_980 = arith.constant 0 : i32
      %dma_start3A_981 = tpu.memref_slice %arg14[%dma_start3A_978, %dma_start3A_979, %dma_start3A_980] : memref<3x128x128xf32, #tpu.memory_space<vmem>> -> memref<1x128x128xf32, #tpu.memory_space<vmem>>
      %dma_start3A_982 = tpu.memref_squeeze %dma_start3A_981 : memref<1x128x128xf32, #tpu.memory_space<vmem>> -> memref<128x128xf32, #tpu.memory_space<vmem>>
      %dma_start3A_983 = arith.constant 0 : i32
      %dma_start3A_984 = arith.constant 0 : i32
      %dma_start3A_985 = tpu.memref_slice %arg15[%dma_start3A_983, %dma_start3A_984] : memref<10016x128xf32, #tpu.memory_space<vmem_shared>> -> memref<10016x128xf32, #tpu.memory_space<vmem_shared>>
      tpu.enqueue_indirect_dma source(%dma_start3A_982 : memref<128x128xf32, #tpu.memory_space<vmem>>) target(%dma_start3A_985 : memref<10016x128xf32, #tpu.memory_space<vmem_shared>>) offsets(%arg12 : memref<128xi32, #tpu.memory_space<vmem>>) semaphore(%arg20 : memref<!tpu.dma_semaphore, #tpu.memory_space<semaphore_mem>>) {add = true}
      %add3A_986 = arith.constant 11 : i32
      %add3A_987 = arith.addi %add3A_413, %add3A_986 : i32
      %dma_wait3A_988 = arith.constant 1 : i32
      %dma_wait3A_989 = arith.constant 0 : i32
      %dma_wait3A_990 = arith.constant 0 : i32
      %dma_wait3A_991 = tpu.memref_slice %arg14[%dma_wait3A_988, %dma_wait3A_989, %dma_wait3A_990] : memref<3x128x128xf32, #tpu.memory_space<vmem>> -> memref<1x128x128xf32, #tpu.memory_space<vmem>>
      %dma_wait3A_992 = tpu.memref_squeeze %dma_wait3A_991 : memref<1x128x128xf32, #tpu.memory_space<vmem>> -> memref<128x128xf32, #tpu.memory_space<vmem>>
      %dma_wait3A_993 = arith.constant 0 : i32
      %dma_wait3A_994 = arith.constant 0 : i32
      %dma_wait3A_995 = tpu.memref_slice %arg15[%dma_wait3A_993, %dma_wait3A_994] : memref<10016x128xf32, #tpu.memory_space<vmem_shared>> -> memref<10016x128xf32, #tpu.memory_space<vmem_shared>>
      tpu.wait_indirect_dma semaphore(%arg19 : memref<!tpu.dma_semaphore, #tpu.memory_space<semaphore_mem>>) src(%dma_wait3A_992 : memref<128x128xf32, #tpu.memory_space<vmem>>) dst(%dma_wait3A_995 : memref<10016x128xf32, #tpu.memory_space<vmem_shared>>)
      %add3A_996 = arith.constant 1 : i32
      %add3A_997 = arith.addi %add3A_987, %add3A_996 : i32
      %add3A_998 = arith.addi %mul3A_2, %add3A_997 : i32
      %mul3A_999 = arith.constant 128 : i32
      %mul3A_1000 = arith.muli %add3A_998, %mul3A_999 : i32
      %dma_wait3A_1001 = tpu.memref_slice %arg3[%mul3A_1000] : memref<327680xi32, #tpu.memory_space<hbm>> -> memref<128xi32, #tpu.memory_space<hbm>>
      %dma_wait3A_1002 = tpu.memref_slice %arg3[%mul3A_1000] : memref<327680xi32, #tpu.memory_space<hbm>> -> memref<128xi32, #tpu.memory_space<hbm>>
      tpu.wait_dma2 semaphore(%arg23 : memref<!tpu.dma_semaphore, #tpu.memory_space<semaphore_mem>>) src(%dma_wait3A_1002 : memref<128xi32, #tpu.memory_space<hbm>>) dst(%arg8 : memref<128xi32, #tpu.memory_space<vmem>>)
      %dma_wait3A_1003 = tpu.memref_slice %arg4[%mul3A_1000] : memref<327680xi32, #tpu.memory_space<hbm>> -> memref<128xi32, #tpu.memory_space<hbm>>
      %dma_wait3A_1004 = tpu.memref_slice %arg4[%mul3A_1000] : memref<327680xi32, #tpu.memory_space<hbm>> -> memref<128xi32, #tpu.memory_space<hbm>>
      tpu.wait_dma2 semaphore(%arg25 : memref<!tpu.dma_semaphore, #tpu.memory_space<semaphore_mem>>) src(%dma_wait3A_1004 : memref<128xi32, #tpu.memory_space<hbm>>) dst(%arg10 : memref<128xi32, #tpu.memory_space<vmem>>)
      %dma_start3A_1005 = arith.constant 1 : i32
      %dma_start3A_1006 = arith.constant 0 : i32
      %dma_start3A_1007 = arith.constant 0 : i32
      %dma_start3A_1008 = tpu.memref_slice %arg14[%dma_start3A_1005, %dma_start3A_1006, %dma_start3A_1007] : memref<3x128x128xf32, #tpu.memory_space<vmem>> -> memref<1x128x128xf32, #tpu.memory_space<vmem>>
      %dma_start3A_1009 = tpu.memref_squeeze %dma_start3A_1008 : memref<1x128x128xf32, #tpu.memory_space<vmem>> -> memref<128x128xf32, #tpu.memory_space<vmem>>
      %dma_start3A_1010 = arith.constant 0 : i32
      %dma_start3A_1011 = arith.constant 0 : i32
      %dma_start3A_1012 = tpu.memref_slice %arg2[%dma_start3A_1010, %dma_start3A_1011] : memref<10000x128xf32, #tpu.memory_space<hbm>> -> memref<10000x128xf32, #tpu.memory_space<hbm>>
      tpu.enqueue_indirect_dma source(%dma_start3A_1012 : memref<10000x128xf32, #tpu.memory_space<hbm>>) target(%dma_start3A_1009 : memref<128x128xf32, #tpu.memory_space<vmem>>) offsets(%arg8 : memref<128xi32, #tpu.memory_space<vmem>>) semaphore(%arg16 : memref<!tpu.dma_semaphore, #tpu.memory_space<semaphore_mem>>)
      %add3A_1013 = arith.constant 2 : i32
      %add3A_1014 = arith.addi %add3A_987, %add3A_1013 : i32
      %add3A_1015 = arith.addi %mul3A_2, %add3A_1014 : i32
      %mul3A_1016 = arith.constant 128 : i32
      %mul3A_1017 = arith.muli %add3A_1015, %mul3A_1016 : i32
      %dma_start3A_1018 = tpu.memref_slice %arg3[%mul3A_1017] : memref<327680xi32, #tpu.memory_space<hbm>> -> memref<128xi32, #tpu.memory_space<hbm>>
      %dma_start3A_1019 = tpu.memref_slice %arg3[%mul3A_1017] : memref<327680xi32, #tpu.memory_space<hbm>> -> memref<128xi32, #tpu.memory_space<hbm>>
      tpu.enqueue_dma source(%dma_start3A_1019 : memref<128xi32, #tpu.memory_space<hbm>>) target(%arg9 : memref<128xi32, #tpu.memory_space<vmem>>) target_semaphore(%arg24 : memref<!tpu.dma_semaphore, #tpu.memory_space<semaphore_mem>>)
      %dma_start3A_1020 = tpu.memref_slice %arg4[%mul3A_1017] : memref<327680xi32, #tpu.memory_space<hbm>> -> memref<128xi32, #tpu.memory_space<hbm>>
      %dma_start3A_1021 = tpu.memref_slice %arg4[%mul3A_1017] : memref<327680xi32, #tpu.memory_space<hbm>> -> memref<128xi32, #tpu.memory_space<hbm>>
      tpu.enqueue_dma source(%dma_start3A_1021 : memref<128xi32, #tpu.memory_space<hbm>>) target(%arg11 : memref<128xi32, #tpu.memory_space<vmem>>) target_semaphore(%arg26 : memref<!tpu.dma_semaphore, #tpu.memory_space<semaphore_mem>>)
      %dma_wait3A_1022 = arith.constant 0 : i32
      %dma_wait3A_1023 = arith.constant 0 : i32
      %dma_wait3A_1024 = arith.constant 0 : i32
      %dma_wait3A_1025 = tpu.memref_slice %arg14[%dma_wait3A_1022, %dma_wait3A_1023, %dma_wait3A_1024] : memref<3x128x128xf32, #tpu.memory_space<vmem>> -> memref<1x128x128xf32, #tpu.memory_space<vmem>>
      %dma_wait3A_1026 = tpu.memref_squeeze %dma_wait3A_1025 : memref<1x128x128xf32, #tpu.memory_space<vmem>> -> memref<128x128xf32, #tpu.memory_space<vmem>>
      %dma_wait3A_1027 = arith.constant 0 : i32
      %dma_wait3A_1028 = arith.constant 0 : i32
      %dma_wait3A_1029 = tpu.memref_slice %arg2[%dma_wait3A_1027, %dma_wait3A_1028] : memref<10000x128xf32, #tpu.memory_space<hbm>> -> memref<10000x128xf32, #tpu.memory_space<hbm>>
      tpu.wait_indirect_dma semaphore(%arg17 : memref<!tpu.dma_semaphore, #tpu.memory_space<semaphore_mem>>) src(%dma_wait3A_1029 : memref<10000x128xf32, #tpu.memory_space<hbm>>) dst(%dma_wait3A_1026 : memref<128x128xf32, #tpu.memory_space<vmem>>)
      %dma_start3A_1030 = arith.constant 0 : i32
      %dma_start3A_1031 = arith.constant 0 : i32
      %dma_start3A_1032 = arith.constant 0 : i32
      %dma_start3A_1033 = tpu.memref_slice %arg14[%dma_start3A_1030, %dma_start3A_1031, %dma_start3A_1032] : memref<3x128x128xf32, #tpu.memory_space<vmem>> -> memref<1x128x128xf32, #tpu.memory_space<vmem>>
      %dma_start3A_1034 = tpu.memref_squeeze %dma_start3A_1033 : memref<1x128x128xf32, #tpu.memory_space<vmem>> -> memref<128x128xf32, #tpu.memory_space<vmem>>
      %dma_start3A_1035 = arith.constant 0 : i32
      %dma_start3A_1036 = arith.constant 0 : i32
      %dma_start3A_1037 = tpu.memref_slice %arg15[%dma_start3A_1035, %dma_start3A_1036] : memref<10016x128xf32, #tpu.memory_space<vmem_shared>> -> memref<10016x128xf32, #tpu.memory_space<vmem_shared>>
      tpu.enqueue_indirect_dma source(%dma_start3A_1034 : memref<128x128xf32, #tpu.memory_space<vmem>>) target(%dma_start3A_1037 : memref<10016x128xf32, #tpu.memory_space<vmem_shared>>) offsets(%arg13 : memref<128xi32, #tpu.memory_space<vmem>>) semaphore(%arg21 : memref<!tpu.dma_semaphore, #tpu.memory_space<semaphore_mem>>) {add = true}
    }
    %scan3A_221 = arith.constant 6 : i32
    %dma_wait3A_222 = arith.constant 2 : i32
    %dma_wait3A_223 = arith.constant 0 : i32
    %dma_wait3A_224 = arith.constant 0 : i32
    %dma_wait3A_225 = tpu.memref_slice %arg14[%dma_wait3A_222, %dma_wait3A_223, %dma_wait3A_224] : memref<3x128x128xf32, #tpu.memory_space<vmem>> -> memref<1x128x128xf32, #tpu.memory_space<vmem>>
    %dma_wait3A_226 = tpu.memref_squeeze %dma_wait3A_225 : memref<1x128x128xf32, #tpu.memory_space<vmem>> -> memref<128x128xf32, #tpu.memory_space<vmem>>
    %dma_wait3A_227 = arith.constant 0 : i32
    %dma_wait3A_228 = arith.constant 0 : i32
    %dma_wait3A_229 = tpu.memref_slice %arg15[%dma_wait3A_227, %dma_wait3A_228] : memref<10016x128xf32, #tpu.memory_space<vmem_shared>> -> memref<10016x128xf32, #tpu.memory_space<vmem_shared>>
    tpu.wait_indirect_dma semaphore(%arg20 : memref<!tpu.dma_semaphore, #tpu.memory_space<semaphore_mem>>) src(%dma_wait3A_226 : memref<128x128xf32, #tpu.memory_space<vmem>>) dst(%dma_wait3A_229 : memref<10016x128xf32, #tpu.memory_space<vmem_shared>>)
    %add3A_230 = arith.constant 77 : i32
    %add3A_231 = arith.addi %mul3A_2, %add3A_230 : i32
    %mul3A_232 = arith.constant 128 : i32
    %mul3A_233 = arith.muli %add3A_231, %mul3A_232 : i32
    %dma_wait3A_234 = tpu.memref_slice %arg3[%mul3A_233] : memref<327680xi32, #tpu.memory_space<hbm>> -> memref<128xi32, #tpu.memory_space<hbm>>
    %dma_wait3A_235 = tpu.memref_slice %arg3[%mul3A_233] : memref<327680xi32, #tpu.memory_space<hbm>> -> memref<128xi32, #tpu.memory_space<hbm>>
    tpu.wait_dma2 semaphore(%arg24 : memref<!tpu.dma_semaphore, #tpu.memory_space<semaphore_mem>>) src(%dma_wait3A_235 : memref<128xi32, #tpu.memory_space<hbm>>) dst(%arg9 : memref<128xi32, #tpu.memory_space<vmem>>)
    %dma_wait3A_236 = tpu.memref_slice %arg4[%mul3A_233] : memref<327680xi32, #tpu.memory_space<hbm>> -> memref<128xi32, #tpu.memory_space<hbm>>
    %dma_wait3A_237 = tpu.memref_slice %arg4[%mul3A_233] : memref<327680xi32, #tpu.memory_space<hbm>> -> memref<128xi32, #tpu.memory_space<hbm>>
    tpu.wait_dma2 semaphore(%arg26 : memref<!tpu.dma_semaphore, #tpu.memory_space<semaphore_mem>>) src(%dma_wait3A_237 : memref<128xi32, #tpu.memory_space<hbm>>) dst(%arg11 : memref<128xi32, #tpu.memory_space<vmem>>)
    %dma_start3A_238 = arith.constant 2 : i32
    %dma_start3A_239 = arith.constant 0 : i32
    %dma_start3A_240 = arith.constant 0 : i32
    %dma_start3A_241 = tpu.memref_slice %arg14[%dma_start3A_238, %dma_start3A_239, %dma_start3A_240] : memref<3x128x128xf32, #tpu.memory_space<vmem>> -> memref<1x128x128xf32, #tpu.memory_space<vmem>>
    %dma_start3A_242 = tpu.memref_squeeze %dma_start3A_241 : memref<1x128x128xf32, #tpu.memory_space<vmem>> -> memref<128x128xf32, #tpu.memory_space<vmem>>
    %dma_start3A_243 = arith.constant 0 : i32
    %dma_start3A_244 = arith.constant 0 : i32
    %dma_start3A_245 = tpu.memref_slice %arg2[%dma_start3A_243, %dma_start3A_244] : memref<10000x128xf32, #tpu.memory_space<hbm>> -> memref<10000x128xf32, #tpu.memory_space<hbm>>
    tpu.enqueue_indirect_dma source(%dma_start3A_245 : memref<10000x128xf32, #tpu.memory_space<hbm>>) target(%dma_start3A_242 : memref<128x128xf32, #tpu.memory_space<vmem>>) offsets(%arg9 : memref<128xi32, #tpu.memory_space<vmem>>) semaphore(%arg17 : memref<!tpu.dma_semaphore, #tpu.memory_space<semaphore_mem>>)
    %add3A_246 = arith.constant 78 : i32
    %add3A_247 = arith.addi %mul3A_2, %add3A_246 : i32
    %mul3A_248 = arith.constant 128 : i32
    %mul3A_249 = arith.muli %add3A_247, %mul3A_248 : i32
    %dma_start3A_250 = tpu.memref_slice %arg3[%mul3A_249] : memref<327680xi32, #tpu.memory_space<hbm>> -> memref<128xi32, #tpu.memory_space<hbm>>
    %dma_start3A_251 = tpu.memref_slice %arg3[%mul3A_249] : memref<327680xi32, #tpu.memory_space<hbm>> -> memref<128xi32, #tpu.memory_space<hbm>>
    tpu.enqueue_dma source(%dma_start3A_251 : memref<128xi32, #tpu.memory_space<hbm>>) target(%arg7 : memref<128xi32, #tpu.memory_space<vmem>>) target_semaphore(%arg22 : memref<!tpu.dma_semaphore, #tpu.memory_space<semaphore_mem>>)
    %dma_start3A_252 = tpu.memref_slice %arg4[%mul3A_249] : memref<327680xi32, #tpu.memory_space<hbm>> -> memref<128xi32, #tpu.memory_space<hbm>>
    %dma_start3A_253 = tpu.memref_slice %arg4[%mul3A_249] : memref<327680xi32, #tpu.memory_space<hbm>> -> memref<128xi32, #tpu.memory_space<hbm>>
    tpu.enqueue_dma source(%dma_start3A_253 : memref<128xi32, #tpu.memory_space<hbm>>) target(%arg12 : memref<128xi32, #tpu.memory_space<vmem>>) target_semaphore(%arg27 : memref<!tpu.dma_semaphore, #tpu.memory_space<semaphore_mem>>)
    %dma_wait3A_254 = arith.constant 1 : i32
    %dma_wait3A_255 = arith.constant 0 : i32
    %dma_wait3A_256 = arith.constant 0 : i32
    %dma_wait3A_257 = tpu.memref_slice %arg14[%dma_wait3A_254, %dma_wait3A_255, %dma_wait3A_256] : memref<3x128x128xf32, #tpu.memory_space<vmem>> -> memref<1x128x128xf32, #tpu.memory_space<vmem>>
    %dma_wait3A_258 = tpu.memref_squeeze %dma_wait3A_257 : memref<1x128x128xf32, #tpu.memory_space<vmem>> -> memref<128x128xf32, #tpu.memory_space<vmem>>
    %dma_wait3A_259 = arith.constant 0 : i32
    %dma_wait3A_260 = arith.constant 0 : i32
    %dma_wait3A_261 = tpu.memref_slice %arg2[%dma_wait3A_259, %dma_wait3A_260] : memref<10000x128xf32, #tpu.memory_space<hbm>> -> memref<10000x128xf32, #tpu.memory_space<hbm>>
    tpu.wait_indirect_dma semaphore(%arg16 : memref<!tpu.dma_semaphore, #tpu.memory_space<semaphore_mem>>) src(%dma_wait3A_261 : memref<10000x128xf32, #tpu.memory_space<hbm>>) dst(%dma_wait3A_258 : memref<128x128xf32, #tpu.memory_space<vmem>>)
    %dma_start3A_262 = arith.constant 1 : i32
    %dma_start3A_263 = arith.constant 0 : i32
    %dma_start3A_264 = arith.constant 0 : i32
    %dma_start3A_265 = tpu.memref_slice %arg14[%dma_start3A_262, %dma_start3A_263, %dma_start3A_264] : memref<3x128x128xf32, #tpu.memory_space<vmem>> -> memref<1x128x128xf32, #tpu.memory_space<vmem>>
    %dma_start3A_266 = tpu.memref_squeeze %dma_start3A_265 : memref<1x128x128xf32, #tpu.memory_space<vmem>> -> memref<128x128xf32, #tpu.memory_space<vmem>>
    %dma_start3A_267 = arith.constant 0 : i32
    %dma_start3A_268 = arith.constant 0 : i32
    %dma_start3A_269 = tpu.memref_slice %arg15[%dma_start3A_267, %dma_start3A_268] : memref<10016x128xf32, #tpu.memory_space<vmem_shared>> -> memref<10016x128xf32, #tpu.memory_space<vmem_shared>>
    tpu.enqueue_indirect_dma source(%dma_start3A_266 : memref<128x128xf32, #tpu.memory_space<vmem>>) target(%dma_start3A_269 : memref<10016x128xf32, #tpu.memory_space<vmem_shared>>) offsets(%arg10 : memref<128xi32, #tpu.memory_space<vmem>>) semaphore(%arg18 : memref<!tpu.dma_semaphore, #tpu.memory_space<semaphore_mem>>) {add = true}
    %dma_wait3A_270 = arith.constant 0 : i32
    %dma_wait3A_271 = arith.constant 0 : i32
    %dma_wait3A_272 = arith.constant 0 : i32
    %dma_wait3A_273 = tpu.memref_slice %arg14[%dma_wait3A_270, %dma_wait3A_271, %dma_wait3A_272] : memref<3x128x128xf32, #tpu.memory_space<vmem>> -> memref<1x128x128xf32, #tpu.memory_space<vmem>>
    %dma_wait3A_274 = tpu.memref_squeeze %dma_wait3A_273 : memref<1x128x128xf32, #tpu.memory_space<vmem>> -> memref<128x128xf32, #tpu.memory_space<vmem>>
    %dma_wait3A_275 = arith.constant 0 : i32
    %dma_wait3A_276 = arith.constant 0 : i32
    %dma_wait3A_277 = tpu.memref_slice %arg15[%dma_wait3A_275, %dma_wait3A_276] : memref<10016x128xf32, #tpu.memory_space<vmem_shared>> -> memref<10016x128xf32, #tpu.memory_space<vmem_shared>>
    tpu.wait_indirect_dma semaphore(%arg21 : memref<!tpu.dma_semaphore, #tpu.memory_space<semaphore_mem>>) src(%dma_wait3A_274 : memref<128x128xf32, #tpu.memory_space<vmem>>) dst(%dma_wait3A_277 : memref<10016x128xf32, #tpu.memory_space<vmem_shared>>)
    %add3A_278 = arith.constant 78 : i32
    %add3A_279 = arith.addi %mul3A_2, %add3A_278 : i32
    %mul3A_280 = arith.constant 128 : i32
    %mul3A_281 = arith.muli %add3A_279, %mul3A_280 : i32
    %dma_wait3A_282 = tpu.memref_slice %arg3[%mul3A_281] : memref<327680xi32, #tpu.memory_space<hbm>> -> memref<128xi32, #tpu.memory_space<hbm>>
    %dma_wait3A_283 = tpu.memref_slice %arg3[%mul3A_281] : memref<327680xi32, #tpu.memory_space<hbm>> -> memref<128xi32, #tpu.memory_space<hbm>>
    tpu.wait_dma2 semaphore(%arg22 : memref<!tpu.dma_semaphore, #tpu.memory_space<semaphore_mem>>) src(%dma_wait3A_283 : memref<128xi32, #tpu.memory_space<hbm>>) dst(%arg7 : memref<128xi32, #tpu.memory_space<vmem>>)
    %dma_wait3A_284 = tpu.memref_slice %arg4[%mul3A_281] : memref<327680xi32, #tpu.memory_space<hbm>> -> memref<128xi32, #tpu.memory_space<hbm>>
    %dma_wait3A_285 = tpu.memref_slice %arg4[%mul3A_281] : memref<327680xi32, #tpu.memory_space<hbm>> -> memref<128xi32, #tpu.memory_space<hbm>>
    tpu.wait_dma2 semaphore(%arg27 : memref<!tpu.dma_semaphore, #tpu.memory_space<semaphore_mem>>) src(%dma_wait3A_285 : memref<128xi32, #tpu.memory_space<hbm>>) dst(%arg12 : memref<128xi32, #tpu.memory_space<vmem>>)
    %dma_start3A_286 = arith.constant 0 : i32
    %dma_start3A_287 = arith.constant 0 : i32
    %dma_start3A_288 = arith.constant 0 : i32
    %dma_start3A_289 = tpu.memref_slice %arg14[%dma_start3A_286, %dma_start3A_287, %dma_start3A_288] : memref<3x128x128xf32, #tpu.memory_space<vmem>> -> memref<1x128x128xf32, #tpu.memory_space<vmem>>
    %dma_start3A_290 = tpu.memref_squeeze %dma_start3A_289 : memref<1x128x128xf32, #tpu.memory_space<vmem>> -> memref<128x128xf32, #tpu.memory_space<vmem>>
    %dma_start3A_291 = arith.constant 0 : i32
    %dma_start3A_292 = arith.constant 0 : i32
    %dma_start3A_293 = tpu.memref_slice %arg2[%dma_start3A_291, %dma_start3A_292] : memref<10000x128xf32, #tpu.memory_space<hbm>> -> memref<10000x128xf32, #tpu.memory_space<hbm>>
    tpu.enqueue_indirect_dma source(%dma_start3A_293 : memref<10000x128xf32, #tpu.memory_space<hbm>>) target(%dma_start3A_290 : memref<128x128xf32, #tpu.memory_space<vmem>>) offsets(%arg7 : memref<128xi32, #tpu.memory_space<vmem>>) semaphore(%arg16 : memref<!tpu.dma_semaphore, #tpu.memory_space<semaphore_mem>>)
    %add3A_294 = arith.constant 79 : i32
    %add3A_295 = arith.addi %mul3A_2, %add3A_294 : i32
    %mul3A_296 = arith.constant 128 : i32
    %mul3A_297 = arith.muli %add3A_295, %mul3A_296 : i32
    %dma_start3A_298 = tpu.memref_slice %arg3[%mul3A_297] : memref<327680xi32, #tpu.memory_space<hbm>> -> memref<128xi32, #tpu.memory_space<hbm>>
    %dma_start3A_299 = tpu.memref_slice %arg3[%mul3A_297] : memref<327680xi32, #tpu.memory_space<hbm>> -> memref<128xi32, #tpu.memory_space<hbm>>
    tpu.enqueue_dma source(%dma_start3A_299 : memref<128xi32, #tpu.memory_space<hbm>>) target(%arg8 : memref<128xi32, #tpu.memory_space<vmem>>) target_semaphore(%arg23 : memref<!tpu.dma_semaphore, #tpu.memory_space<semaphore_mem>>)
    %dma_start3A_300 = tpu.memref_slice %arg4[%mul3A_297] : memref<327680xi32, #tpu.memory_space<hbm>> -> memref<128xi32, #tpu.memory_space<hbm>>
    %dma_start3A_301 = tpu.memref_slice %arg4[%mul3A_297] : memref<327680xi32, #tpu.memory_space<hbm>> -> memref<128xi32, #tpu.memory_space<hbm>>
    tpu.enqueue_dma source(%dma_start3A_301 : memref<128xi32, #tpu.memory_space<hbm>>) target(%arg13 : memref<128xi32, #tpu.memory_space<vmem>>) target_semaphore(%arg28 : memref<!tpu.dma_semaphore, #tpu.memory_space<semaphore_mem>>)
    %dma_wait3A_302 = arith.constant 2 : i32
    %dma_wait3A_303 = arith.constant 0 : i32
    %dma_wait3A_304 = arith.constant 0 : i32
    %dma_wait3A_305 = tpu.memref_slice %arg14[%dma_wait3A_302, %dma_wait3A_303, %dma_wait3A_304] : memref<3x128x128xf32, #tpu.memory_space<vmem>> -> memref<1x128x128xf32, #tpu.memory_space<vmem>>
    %dma_wait3A_306 = tpu.memref_squeeze %dma_wait3A_305 : memref<1x128x128xf32, #tpu.memory_space<vmem>> -> memref<128x128xf32, #tpu.memory_space<vmem>>
    %dma_wait3A_307 = arith.constant 0 : i32
    %dma_wait3A_308 = arith.constant 0 : i32
    %dma_wait3A_309 = tpu.memref_slice %arg2[%dma_wait3A_307, %dma_wait3A_308] : memref<10000x128xf32, #tpu.memory_space<hbm>> -> memref<10000x128xf32, #tpu.memory_space<hbm>>
    tpu.wait_indirect_dma semaphore(%arg17 : memref<!tpu.dma_semaphore, #tpu.memory_space<semaphore_mem>>) src(%dma_wait3A_309 : memref<10000x128xf32, #tpu.memory_space<hbm>>) dst(%dma_wait3A_306 : memref<128x128xf32, #tpu.memory_space<vmem>>)
    %dma_start3A_310 = arith.constant 2 : i32
    %dma_start3A_311 = arith.constant 0 : i32
    %dma_start3A_312 = arith.constant 0 : i32
    %dma_start3A_313 = tpu.memref_slice %arg14[%dma_start3A_310, %dma_start3A_311, %dma_start3A_312] : memref<3x128x128xf32, #tpu.memory_space<vmem>> -> memref<1x128x128xf32, #tpu.memory_space<vmem>>
    %dma_start3A_314 = tpu.memref_squeeze %dma_start3A_313 : memref<1x128x128xf32, #tpu.memory_space<vmem>> -> memref<128x128xf32, #tpu.memory_space<vmem>>
    %dma_start3A_315 = arith.constant 0 : i32
    %dma_start3A_316 = arith.constant 0 : i32
    %dma_start3A_317 = tpu.memref_slice %arg15[%dma_start3A_315, %dma_start3A_316] : memref<10016x128xf32, #tpu.memory_space<vmem_shared>> -> memref<10016x128xf32, #tpu.memory_space<vmem_shared>>
    tpu.enqueue_indirect_dma source(%dma_start3A_314 : memref<128x128xf32, #tpu.memory_space<vmem>>) target(%dma_start3A_317 : memref<10016x128xf32, #tpu.memory_space<vmem_shared>>) offsets(%arg11 : memref<128xi32, #tpu.memory_space<vmem>>) semaphore(%arg19 : memref<!tpu.dma_semaphore, #tpu.memory_space<semaphore_mem>>) {add = true}
    %dma_wait3A_318 = arith.constant 1 : i32
    %dma_wait3A_319 = arith.constant 0 : i32
    %dma_wait3A_320 = arith.constant 0 : i32
    %dma_wait3A_321 = tpu.memref_slice %arg14[%dma_wait3A_318, %dma_wait3A_319, %dma_wait3A_320] : memref<3x128x128xf32, #tpu.memory_space<vmem>> -> memref<1x128x128xf32, #tpu.memory_space<vmem>>
    %dma_wait3A_322 = tpu.memref_squeeze %dma_wait3A_321 : memref<1x128x128xf32, #tpu.memory_space<vmem>> -> memref<128x128xf32, #tpu.memory_space<vmem>>
    %dma_wait3A_323 = arith.constant 0 : i32
    %dma_wait3A_324 = arith.constant 0 : i32
    %dma_wait3A_325 = tpu.memref_slice %arg15[%dma_wait3A_323, %dma_wait3A_324] : memref<10016x128xf32, #tpu.memory_space<vmem_shared>> -> memref<10016x128xf32, #tpu.memory_space<vmem_shared>>
    tpu.wait_indirect_dma semaphore(%arg18 : memref<!tpu.dma_semaphore, #tpu.memory_space<semaphore_mem>>) src(%dma_wait3A_322 : memref<128x128xf32, #tpu.memory_space<vmem>>) dst(%dma_wait3A_325 : memref<10016x128xf32, #tpu.memory_space<vmem_shared>>)
    %add3A_326 = arith.constant 79 : i32
    %add3A_327 = arith.addi %mul3A_2, %add3A_326 : i32
    %mul3A_328 = arith.constant 128 : i32
    %mul3A_329 = arith.muli %add3A_327, %mul3A_328 : i32
    %dma_wait3A_330 = tpu.memref_slice %arg3[%mul3A_329] : memref<327680xi32, #tpu.memory_space<hbm>> -> memref<128xi32, #tpu.memory_space<hbm>>
    %dma_wait3A_331 = tpu.memref_slice %arg3[%mul3A_329] : memref<327680xi32, #tpu.memory_space<hbm>> -> memref<128xi32, #tpu.memory_space<hbm>>
    tpu.wait_dma2 semaphore(%arg23 : memref<!tpu.dma_semaphore, #tpu.memory_space<semaphore_mem>>) src(%dma_wait3A_331 : memref<128xi32, #tpu.memory_space<hbm>>) dst(%arg8 : memref<128xi32, #tpu.memory_space<vmem>>)
    %dma_wait3A_332 = tpu.memref_slice %arg4[%mul3A_329] : memref<327680xi32, #tpu.memory_space<hbm>> -> memref<128xi32, #tpu.memory_space<hbm>>
    %dma_wait3A_333 = tpu.memref_slice %arg4[%mul3A_329] : memref<327680xi32, #tpu.memory_space<hbm>> -> memref<128xi32, #tpu.memory_space<hbm>>
    tpu.wait_dma2 semaphore(%arg28 : memref<!tpu.dma_semaphore, #tpu.memory_space<semaphore_mem>>) src(%dma_wait3A_333 : memref<128xi32, #tpu.memory_space<hbm>>) dst(%arg13 : memref<128xi32, #tpu.memory_space<vmem>>)
    %dma_start3A_334 = arith.constant 1 : i32
    %dma_start3A_335 = arith.constant 0 : i32
    %dma_start3A_336 = arith.constant 0 : i32
    %dma_start3A_337 = tpu.memref_slice %arg14[%dma_start3A_334, %dma_start3A_335, %dma_start3A_336] : memref<3x128x128xf32, #tpu.memory_space<vmem>> -> memref<1x128x128xf32, #tpu.memory_space<vmem>>
    %dma_start3A_338 = tpu.memref_squeeze %dma_start3A_337 : memref<1x128x128xf32, #tpu.memory_space<vmem>> -> memref<128x128xf32, #tpu.memory_space<vmem>>
    %dma_start3A_339 = arith.constant 0 : i32
    %dma_start3A_340 = arith.constant 0 : i32
    %dma_start3A_341 = tpu.memref_slice %arg2[%dma_start3A_339, %dma_start3A_340] : memref<10000x128xf32, #tpu.memory_space<hbm>> -> memref<10000x128xf32, #tpu.memory_space<hbm>>
    tpu.enqueue_indirect_dma source(%dma_start3A_341 : memref<10000x128xf32, #tpu.memory_space<hbm>>) target(%dma_start3A_338 : memref<128x128xf32, #tpu.memory_space<vmem>>) offsets(%arg8 : memref<128xi32, #tpu.memory_space<vmem>>) semaphore(%arg17 : memref<!tpu.dma_semaphore, #tpu.memory_space<semaphore_mem>>)
    %dma_wait3A_342 = arith.constant 0 : i32
    %dma_wait3A_343 = arith.constant 0 : i32
    %dma_wait3A_344 = arith.constant 0 : i32
    %dma_wait3A_345 = tpu.memref_slice %arg14[%dma_wait3A_342, %dma_wait3A_343, %dma_wait3A_344] : memref<3x128x128xf32, #tpu.memory_space<vmem>> -> memref<1x128x128xf32, #tpu.memory_space<vmem>>
    %dma_wait3A_346 = tpu.memref_squeeze %dma_wait3A_345 : memref<1x128x128xf32, #tpu.memory_space<vmem>> -> memref<128x128xf32, #tpu.memory_space<vmem>>
    %dma_wait3A_347 = arith.constant 0 : i32
    %dma_wait3A_348 = arith.constant 0 : i32
    %dma_wait3A_349 = tpu.memref_slice %arg2[%dma_wait3A_347, %dma_wait3A_348] : memref<10000x128xf32, #tpu.memory_space<hbm>> -> memref<10000x128xf32, #tpu.memory_space<hbm>>
    tpu.wait_indirect_dma semaphore(%arg16 : memref<!tpu.dma_semaphore, #tpu.memory_space<semaphore_mem>>) src(%dma_wait3A_349 : memref<10000x128xf32, #tpu.memory_space<hbm>>) dst(%dma_wait3A_346 : memref<128x128xf32, #tpu.memory_space<vmem>>)
    %dma_start3A_350 = arith.constant 0 : i32
    %dma_start3A_351 = arith.constant 0 : i32
    %dma_start3A_352 = arith.constant 0 : i32
    %dma_start3A_353 = tpu.memref_slice %arg14[%dma_start3A_350, %dma_start3A_351, %dma_start3A_352] : memref<3x128x128xf32, #tpu.memory_space<vmem>> -> memref<1x128x128xf32, #tpu.memory_space<vmem>>
    %dma_start3A_354 = tpu.memref_squeeze %dma_start3A_353 : memref<1x128x128xf32, #tpu.memory_space<vmem>> -> memref<128x128xf32, #tpu.memory_space<vmem>>
    %dma_start3A_355 = arith.constant 0 : i32
    %dma_start3A_356 = arith.constant 0 : i32
    %dma_start3A_357 = tpu.memref_slice %arg15[%dma_start3A_355, %dma_start3A_356] : memref<10016x128xf32, #tpu.memory_space<vmem_shared>> -> memref<10016x128xf32, #tpu.memory_space<vmem_shared>>
    tpu.enqueue_indirect_dma source(%dma_start3A_354 : memref<128x128xf32, #tpu.memory_space<vmem>>) target(%dma_start3A_357 : memref<10016x128xf32, #tpu.memory_space<vmem_shared>>) offsets(%arg12 : memref<128xi32, #tpu.memory_space<vmem>>) semaphore(%arg20 : memref<!tpu.dma_semaphore, #tpu.memory_space<semaphore_mem>>) {add = true}
    %dma_wait3A_358 = arith.constant 2 : i32
    %dma_wait3A_359 = arith.constant 0 : i32
    %dma_wait3A_360 = arith.constant 0 : i32
    %dma_wait3A_361 = tpu.memref_slice %arg14[%dma_wait3A_358, %dma_wait3A_359, %dma_wait3A_360] : memref<3x128x128xf32, #tpu.memory_space<vmem>> -> memref<1x128x128xf32, #tpu.memory_space<vmem>>
    %dma_wait3A_362 = tpu.memref_squeeze %dma_wait3A_361 : memref<1x128x128xf32, #tpu.memory_space<vmem>> -> memref<128x128xf32, #tpu.memory_space<vmem>>
    %dma_wait3A_363 = arith.constant 0 : i32
    %dma_wait3A_364 = arith.constant 0 : i32
    %dma_wait3A_365 = tpu.memref_slice %arg15[%dma_wait3A_363, %dma_wait3A_364] : memref<10016x128xf32, #tpu.memory_space<vmem_shared>> -> memref<10016x128xf32, #tpu.memory_space<vmem_shared>>
    tpu.wait_indirect_dma semaphore(%arg19 : memref<!tpu.dma_semaphore, #tpu.memory_space<semaphore_mem>>) src(%dma_wait3A_362 : memref<128x128xf32, #tpu.memory_space<vmem>>) dst(%dma_wait3A_365 : memref<10016x128xf32, #tpu.memory_space<vmem_shared>>)
    %dma_wait3A_366 = arith.constant 1 : i32
    %dma_wait3A_367 = arith.constant 0 : i32
    %dma_wait3A_368 = arith.constant 0 : i32
    %dma_wait3A_369 = tpu.memref_slice %arg14[%dma_wait3A_366, %dma_wait3A_367, %dma_wait3A_368] : memref<3x128x128xf32, #tpu.memory_space<vmem>> -> memref<1x128x128xf32, #tpu.memory_space<vmem>>
    %dma_wait3A_370 = tpu.memref_squeeze %dma_wait3A_369 : memref<1x128x128xf32, #tpu.memory_space<vmem>> -> memref<128x128xf32, #tpu.memory_space<vmem>>
    %dma_wait3A_371 = arith.constant 0 : i32
    %dma_wait3A_372 = arith.constant 0 : i32
    %dma_wait3A_373 = tpu.memref_slice %arg2[%dma_wait3A_371, %dma_wait3A_372] : memref<10000x128xf32, #tpu.memory_space<hbm>> -> memref<10000x128xf32, #tpu.memory_space<hbm>>
    tpu.wait_indirect_dma semaphore(%arg17 : memref<!tpu.dma_semaphore, #tpu.memory_space<semaphore_mem>>) src(%dma_wait3A_373 : memref<10000x128xf32, #tpu.memory_space<hbm>>) dst(%dma_wait3A_370 : memref<128x128xf32, #tpu.memory_space<vmem>>)
    %dma_start3A_374 = arith.constant 1 : i32
    %dma_start3A_375 = arith.constant 0 : i32
    %dma_start3A_376 = arith.constant 0 : i32
    %dma_start3A_377 = tpu.memref_slice %arg14[%dma_start3A_374, %dma_start3A_375, %dma_start3A_376] : memref<3x128x128xf32, #tpu.memory_space<vmem>> -> memref<1x128x128xf32, #tpu.memory_space<vmem>>
    %dma_start3A_378 = tpu.memref_squeeze %dma_start3A_377 : memref<1x128x128xf32, #tpu.memory_space<vmem>> -> memref<128x128xf32, #tpu.memory_space<vmem>>
    %dma_start3A_379 = arith.constant 0 : i32
    %dma_start3A_380 = arith.constant 0 : i32
    %dma_start3A_381 = tpu.memref_slice %arg15[%dma_start3A_379, %dma_start3A_380] : memref<10016x128xf32, #tpu.memory_space<vmem_shared>> -> memref<10016x128xf32, #tpu.memory_space<vmem_shared>>
    tpu.enqueue_indirect_dma source(%dma_start3A_378 : memref<128x128xf32, #tpu.memory_space<vmem>>) target(%dma_start3A_381 : memref<10016x128xf32, #tpu.memory_space<vmem_shared>>) offsets(%arg13 : memref<128xi32, #tpu.memory_space<vmem>>) semaphore(%arg21 : memref<!tpu.dma_semaphore, #tpu.memory_space<semaphore_mem>>) {add = true}
    %dma_wait3A_382 = arith.constant 0 : i32
    %dma_wait3A_383 = arith.constant 0 : i32
    %dma_wait3A_384 = arith.constant 0 : i32
    %dma_wait3A_385 = tpu.memref_slice %arg14[%dma_wait3A_382, %dma_wait3A_383, %dma_wait3A_384] : memref<3x128x128xf32, #tpu.memory_space<vmem>> -> memref<1x128x128xf32, #tpu.memory_space<vmem>>
    %dma_wait3A_386 = tpu.memref_squeeze %dma_wait3A_385 : memref<1x128x128xf32, #tpu.memory_space<vmem>> -> memref<128x128xf32, #tpu.memory_space<vmem>>
    %dma_wait3A_387 = arith.constant 0 : i32
    %dma_wait3A_388 = arith.constant 0 : i32
    %dma_wait3A_389 = tpu.memref_slice %arg15[%dma_wait3A_387, %dma_wait3A_388] : memref<10016x128xf32, #tpu.memory_space<vmem_shared>> -> memref<10016x128xf32, #tpu.memory_space<vmem_shared>>
    tpu.wait_indirect_dma semaphore(%arg20 : memref<!tpu.dma_semaphore, #tpu.memory_space<semaphore_mem>>) src(%dma_wait3A_386 : memref<128x128xf32, #tpu.memory_space<vmem>>) dst(%dma_wait3A_389 : memref<10016x128xf32, #tpu.memory_space<vmem_shared>>)
    %dma_wait3A_390 = arith.constant 1 : i32
    %dma_wait3A_391 = arith.constant 0 : i32
    %dma_wait3A_392 = arith.constant 0 : i32
    %dma_wait3A_393 = tpu.memref_slice %arg14[%dma_wait3A_390, %dma_wait3A_391, %dma_wait3A_392] : memref<3x128x128xf32, #tpu.memory_space<vmem>> -> memref<1x128x128xf32, #tpu.memory_space<vmem>>
    %dma_wait3A_394 = tpu.memref_squeeze %dma_wait3A_393 : memref<1x128x128xf32, #tpu.memory_space<vmem>> -> memref<128x128xf32, #tpu.memory_space<vmem>>
    %dma_wait3A_395 = arith.constant 0 : i32
    %dma_wait3A_396 = arith.constant 0 : i32
    %dma_wait3A_397 = tpu.memref_slice %arg15[%dma_wait3A_395, %dma_wait3A_396] : memref<10016x128xf32, #tpu.memory_space<vmem_shared>> -> memref<10016x128xf32, #tpu.memory_space<vmem_shared>>
    tpu.wait_indirect_dma semaphore(%arg21 : memref<!tpu.dma_semaphore, #tpu.memory_space<semaphore_mem>>) src(%dma_wait3A_394 : memref<128x128xf32, #tpu.memory_space<vmem>>) dst(%dma_wait3A_397 : memref<10016x128xf32, #tpu.memory_space<vmem_shared>>)
    %barrier3A_398 = arith.constant 0 : index
    tpu.barrier barrier_id(%barrier3A_398)
    %lt3A_399 = arith.constant 15 : i32
    %lt3A_400 = arith.cmpi slt, %arg1, %lt3A_399 : i32
    %convert_element_type3A_401 = arith.extui %lt3A_400 : i1 to i32
    %cond3A_402 = arith.constant 0 : i32
    %cond3A_403 = arith.cmpi ne, %convert_element_type3A_401, %cond3A_402 : i32
    scf.if %cond3A_403 {
      %mul3A_409 = arith.constant 10000 : i32
      %mul3A_410 = arith.muli %arg0, %mul3A_409 : i32
      %add3A_411 = arith.addi %mul3A_410, %mul3A_19 : i32
      "tpu.region"() ({
        %run_scoped3A = tpu.sem_alloc : memref<!tpu.dma_semaphore, #tpu.memory_space<semaphore_mem>>
        %dma_start3A_412 = arith.constant 0 : i32
        %dma_start3A_413 = tpu.memref_slice %arg6[%add3A_411, %dma_start3A_412] : memref<20000x128xf32, #tpu.memory_space<hbm>> -> memref<632x128xf32, #tpu.memory_space<hbm>>
        %dma_start3A_414 = arith.constant 0 : i32
        %dma_start3A_415 = tpu.memref_slice %arg15[%mul3A_19, %dma_start3A_414] : memref<10016x128xf32, #tpu.memory_space<vmem_shared>> -> memref<632x128xf32, #tpu.memory_space<vmem_shared>>
        tpu.enqueue_dma source(%dma_start3A_415 : memref<632x128xf32, #tpu.memory_space<vmem_shared>>) target(%dma_start3A_413 : memref<632x128xf32, #tpu.memory_space<hbm>>) target_semaphore(%run_scoped3A : memref<!tpu.dma_semaphore, #tpu.memory_space<semaphore_mem>>)
        %dma_wait3A_416 = arith.constant 0 : i32
        %dma_wait3A_417 = tpu.memref_slice %arg6[%add3A_411, %dma_wait3A_416] : memref<20000x128xf32, #tpu.memory_space<hbm>> -> memref<632x128xf32, #tpu.memory_space<hbm>>
        %dma_wait3A_418 = arith.constant 0 : i32
        %dma_wait3A_419 = tpu.memref_slice %arg15[%mul3A_19, %dma_wait3A_418] : memref<10016x128xf32, #tpu.memory_space<vmem_shared>> -> memref<632x128xf32, #tpu.memory_space<vmem_shared>>
        tpu.wait_dma2 semaphore(%run_scoped3A : memref<!tpu.dma_semaphore, #tpu.memory_space<semaphore_mem>>) src(%dma_wait3A_419 : memref<632x128xf32, #tpu.memory_space<vmem_shared>>) dst(%dma_wait3A_417 : memref<632x128xf32, #tpu.memory_space<hbm>>)
        tpu.yield
      }) : () -> ()
    } else {
    }
    %eq3A_404 = arith.constant 15 : i32
    %eq3A_405 = arith.cmpi eq, %arg1, %eq3A_404 : i32
    %convert_element_type3A_406 = arith.extui %eq3A_405 : i1 to i32
    %cond3A_407 = arith.constant 0 : i32
    %cond3A_408 = arith.cmpi ne, %convert_element_type3A_406, %cond3A_407 : i32
    scf.if %cond3A_408 {
      %mul3A_409 = arith.constant 10000 : i32
      %mul3A_410 = arith.muli %arg0, %mul3A_409 : i32
      %add3A_411 = arith.constant 9480 : i32
      %add3A_412 = arith.addi %mul3A_410, %add3A_411 : i32
      "tpu.region"() ({
        %run_scoped3A = tpu.sem_alloc : memref<!tpu.dma_semaphore, #tpu.memory_space<semaphore_mem>>
        %dma_start3A_413 = arith.constant 0 : i32
        %dma_start3A_414 = tpu.memref_slice %arg6[%add3A_412, %dma_start3A_413] : memref<20000x128xf32, #tpu.memory_space<hbm>> -> memref<520x128xf32, #tpu.memory_space<hbm>>
        %dma_start3A_415 = arith.constant 9480 : i32
        %dma_start3A_416 = arith.constant 0 : i32
        %dma_start3A_417 = tpu.memref_slice %arg15[%dma_start3A_415, %dma_start3A_416] : memref<10016x128xf32, #tpu.memory_space<vmem_shared>> -> memref<520x128xf32, #tpu.memory_space<vmem_shared>>
        tpu.enqueue_dma source(%dma_start3A_417 : memref<520x128xf32, #tpu.memory_space<vmem_shared>>) target(%dma_start3A_414 : memref<520x128xf32, #tpu.memory_space<hbm>>) target_semaphore(%run_scoped3A : memref<!tpu.dma_semaphore, #tpu.memory_space<semaphore_mem>>)
        %dma_wait3A_418 = arith.constant 0 : i32
        %dma_wait3A_419 = tpu.memref_slice %arg6[%add3A_412, %dma_wait3A_418] : memref<20000x128xf32, #tpu.memory_space<hbm>> -> memref<520x128xf32, #tpu.memory_space<hbm>>
        %dma_wait3A_420 = arith.constant 9480 : i32
        %dma_wait3A_421 = arith.constant 0 : i32
        %dma_wait3A_422 = tpu.memref_slice %arg15[%dma_wait3A_420, %dma_wait3A_421] : memref<10016x128xf32, #tpu.memory_space<vmem_shared>> -> memref<520x128xf32, #tpu.memory_space<vmem_shared>>
        tpu.wait_dma2 semaphore(%run_scoped3A : memref<!tpu.dma_semaphore, #tpu.memory_space<semaphore_mem>>) src(%dma_wait3A_422 : memref<520x128xf32, #tpu.memory_space<vmem_shared>>) dst(%dma_wait3A_419 : memref<520x128xf32, #tpu.memory_space<hbm>>)
        tpu.yield
      }) : () -> ()
    } else {
    }
    return
  }
}

#map = affine_map<(d0, d1) -> (0, 0)>
#map1 = affine_map<(d0, d1) -> (0)>
module attributes {stable_mosaic.version = 14 : i64} {
  func.func @_scatter_body(%arg0: i32, %arg1: i32, %arg2: memref<10000x128xf32, #tpu.memory_space<hbm>>, %arg3: memref<327680xi32, #tpu.memory_space<hbm>>, %arg4: memref<327680xi32, #tpu.memory_space<hbm>>, %arg5: memref<632x128xf32, #tpu.memory_space<hbm>>, %arg6: memref<20000x128xf32, #tpu.memory_space<hbm>>, %arg7: memref<128xi32, #tpu.memory_space<vmem>>, %arg8: memref<128xi32, #tpu.memory_space<vmem>>, %arg9: memref<128xi32, #tpu.memory_space<vmem>>, %arg10: memref<128xi32, #tpu.memory_space<vmem>>, %arg11: memref<128xi32, #tpu.memory_space<vmem>>, %arg12: memref<128xi32, #tpu.memory_space<vmem>>, %arg13: memref<128xi32, #tpu.memory_space<vmem>>, %arg14: memref<3x128x128xf32, #tpu.memory_space<vmem>>, %arg15: memref<10016x128xf32, #tpu.memory_space<vmem_shared>>, %arg16: memref<!tpu.dma_semaphore, #tpu.memory_space<semaphore_mem>>, %arg17: memref<!tpu.dma_semaphore, #tpu.memory_space<semaphore_mem>>, %arg18: memref<!tpu.dma_semaphore, #tpu.memory_space<semaphore_mem>>, %arg19: memref<!tpu.dma_semaphore, #tpu.memory_space<semaphore_mem>>, %arg20: memref<!tpu.dma_semaphore, #tpu.memory_space<semaphore_mem>>, %arg21: memref<!tpu.dma_semaphore, #tpu.memory_space<semaphore_mem>>, %arg22: memref<!tpu.dma_semaphore, #tpu.memory_space<semaphore_mem>>, %arg23: memref<!tpu.dma_semaphore, #tpu.memory_space<semaphore_mem>>, %arg24: memref<!tpu.dma_semaphore, #tpu.memory_space<semaphore_mem>>, %arg25: memref<!tpu.dma_semaphore, #tpu.memory_space<semaphore_mem>>, %arg26: memref<!tpu.dma_semaphore, #tpu.memory_space<semaphore_mem>>, %arg27: memref<!tpu.dma_semaphore, #tpu.memory_space<semaphore_mem>>, %arg28: memref<!tpu.dma_semaphore, #tpu.memory_space<semaphore_mem>>) attributes {dimension_semantics = [#tpu.dimension_semantics<core_parallel>, #tpu.dimension_semantics<subcore_parallel>], iteration_bounds = array<i64: 2, 16>, scalar_prefetch = 0 : i64, scratch_operands = 22 : i64, tpu.core_type = #tpu.core_type<sc_vector_subcore>, window_params = [{transform_indices = #map}, {transform_indices = #map1}, {transform_indices = #map1}, {transform_indices = #map}, {transform_indices = #map}]} {
    %mul3A = arith.constant 16 : i32
    %mul3A_0 = arith.muli %arg0, %mul3A : i32
    %add3A = arith.addi %mul3A_0, %arg1 : i32
    %mul3A_1 = arith.constant 80 : i32
    %mul3A_2 = arith.muli %add3A, %mul3A_1 : i32
    %add3A_3 = arith.constant 0 : i32
    %add3A_4 = arith.addi %mul3A_2, %add3A_3 : i32
    %mul3A_5 = arith.constant 128 : i32
    %mul3A_6 = arith.muli %add3A_4, %mul3A_5 : i32
    %dma_start3A = tpu.memref_slice %arg3[%mul3A_6] : memref<327680xi32, #tpu.memory_space<hbm>> -> memref<128xi32, #tpu.memory_space<hbm>>
    %dma_start3A_7 = tpu.memref_slice %arg3[%mul3A_6] : memref<327680xi32, #tpu.memory_space<hbm>> -> memref<128xi32, #tpu.memory_space<hbm>>
    tpu.enqueue_dma source(%dma_start3A_7 : memref<128xi32, #tpu.memory_space<hbm>>) target(%arg7 : memref<128xi32, #tpu.memory_space<vmem>>) target_semaphore(%arg22 : memref<!tpu.dma_semaphore, #tpu.memory_space<semaphore_mem>>)
    %dma_start3A_8 = tpu.memref_slice %arg4[%mul3A_6] : memref<327680xi32, #tpu.memory_space<hbm>> -> memref<128xi32, #tpu.memory_space<hbm>>
    %dma_start3A_9 = tpu.memref_slice %arg4[%mul3A_6] : memref<327680xi32, #tpu.memory_space<hbm>> -> memref<128xi32, #tpu.memory_space<hbm>>
    tpu.enqueue_dma source(%dma_start3A_9 : memref<128xi32, #tpu.memory_space<hbm>>) target(%arg10 : memref<128xi32, #tpu.memory_space<vmem>>) target_semaphore(%arg25 : memref<!tpu.dma_semaphore, #tpu.memory_space<semaphore_mem>>)
    %add3A_10 = arith.constant 1 : i32
    %add3A_11 = arith.addi %mul3A_2, %add3A_10 : i32
    %mul3A_12 = arith.constant 128 : i32
    %mul3A_13 = arith.muli %add3A_11, %mul3A_12 : i32
    %dma_start3A_14 = tpu.memref_slice %arg3[%mul3A_13] : memref<327680xi32, #tpu.memory_space<hbm>> -> memref<128xi32, #tpu.memory_space<hbm>>
    %dma_start3A_15 = tpu.memref_slice %arg3[%mul3A_13] : memref<327680xi32, #tpu.memory_space<hbm>> -> memref<128xi32, #tpu.memory_space<hbm>>
    tpu.enqueue_dma source(%dma_start3A_15 : memref<128xi32, #tpu.memory_space<hbm>>) target(%arg8 : memref<128xi32, #tpu.memory_space<vmem>>) target_semaphore(%arg23 : memref<!tpu.dma_semaphore, #tpu.memory_space<semaphore_mem>>)
    %dma_start3A_16 = tpu.memref_slice %arg4[%mul3A_13] : memref<327680xi32, #tpu.memory_space<hbm>> -> memref<128xi32, #tpu.memory_space<hbm>>
    %dma_start3A_17 = tpu.memref_slice %arg4[%mul3A_13] : memref<327680xi32, #tpu.memory_space<hbm>> -> memref<128xi32, #tpu.memory_space<hbm>>
    tpu.enqueue_dma source(%dma_start3A_17 : memref<128xi32, #tpu.memory_space<hbm>>) target(%arg11 : memref<128xi32, #tpu.memory_space<vmem>>) target_semaphore(%arg26 : memref<!tpu.dma_semaphore, #tpu.memory_space<semaphore_mem>>)
    %mul3A_18 = arith.constant 632 : i32
    %mul3A_19 = arith.muli %arg1, %mul3A_18 : i32
    %lt3A = arith.constant 15 : i32
    %lt3A_20 = arith.cmpi slt, %arg1, %lt3A : i32
    %convert_element_type3A = arith.extui %lt3A_20 : i1 to i32
    %cond3A = arith.constant 0 : i32
    %cond3A_21 = arith.cmpi ne, %convert_element_type3A, %cond3A : i32
    scf.if %cond3A_21 {
      %eq3A_409 = arith.constant 0 : i32
      %eq3A_410 = arith.cmpi eq, %arg0, %eq3A_409 : i32
      %convert_element_type3A_411 = arith.extui %eq3A_410 : i1 to i32
      %cond3A_412 = arith.constant 0 : i32
      %cond3A_413 = arith.cmpi ne, %convert_element_type3A_411, %cond3A_412 : i32
      scf.if %cond3A_413 {
        "tpu.region"() ({
          %run_scoped3A = tpu.sem_alloc : memref<!tpu.dma_semaphore, #tpu.memory_space<semaphore_mem>>
          %dma_start3A_419 = arith.constant 0 : i32
          %dma_start3A_420 = tpu.memref_slice %arg15[%mul3A_19, %dma_start3A_419] : memref<10016x128xf32, #tpu.memory_space<vmem_shared>> -> memref<632x128xf32, #tpu.memory_space<vmem_shared>>
          %dma_start3A_421 = arith.constant 0 : i32
          %dma_start3A_422 = tpu.memref_slice %arg2[%mul3A_19, %dma_start3A_421] : memref<10000x128xf32, #tpu.memory_space<hbm>> -> memref<632x128xf32, #tpu.memory_space<hbm>>
          tpu.enqueue_dma source(%dma_start3A_422 : memref<632x128xf32, #tpu.memory_space<hbm>>) target(%dma_start3A_420 : memref<632x128xf32, #tpu.memory_space<vmem_shared>>) target_semaphore(%run_scoped3A : memref<!tpu.dma_semaphore, #tpu.memory_space<semaphore_mem>>)
          %dma_wait3A_423 = arith.constant 0 : i32
          %dma_wait3A_424 = tpu.memref_slice %arg15[%mul3A_19, %dma_wait3A_423] : memref<10016x128xf32, #tpu.memory_space<vmem_shared>> -> memref<632x128xf32, #tpu.memory_space<vmem_shared>>
          %dma_wait3A_425 = arith.constant 0 : i32
          %dma_wait3A_426 = tpu.memref_slice %arg2[%mul3A_19, %dma_wait3A_425] : memref<10000x128xf32, #tpu.memory_space<hbm>> -> memref<632x128xf32, #tpu.memory_space<hbm>>
          tpu.wait_dma2 semaphore(%run_scoped3A : memref<!tpu.dma_semaphore, #tpu.memory_space<semaphore_mem>>) src(%dma_wait3A_426 : memref<632x128xf32, #tpu.memory_space<hbm>>) dst(%dma_wait3A_424 : memref<632x128xf32, #tpu.memory_space<vmem_shared>>)
          tpu.yield
        }) : () -> ()
      } else {
      }
      %eq3A_414 = arith.constant 1 : i32
      %eq3A_415 = arith.cmpi eq, %arg0, %eq3A_414 : i32
      %convert_element_type3A_416 = arith.extui %eq3A_415 : i1 to i32
      %cond3A_417 = arith.constant 0 : i32
      %cond3A_418 = arith.cmpi ne, %convert_element_type3A_416, %cond3A_417 : i32
      scf.if %cond3A_418 {
        "tpu.region"() ({
          %run_scoped3A = tpu.sem_alloc : memref<!tpu.dma_semaphore, #tpu.memory_space<semaphore_mem>>
          %dma_start3A_419 = arith.constant 0 : i32
          %dma_start3A_420 = tpu.memref_slice %arg15[%mul3A_19, %dma_start3A_419] : memref<10016x128xf32, #tpu.memory_space<vmem_shared>> -> memref<632x128xf32, #tpu.memory_space<vmem_shared>>
          %dma_start3A_421 = arith.constant 0 : i32
          %dma_start3A_422 = arith.constant 0 : i32
          %dma_start3A_423 = tpu.memref_slice %arg5[%dma_start3A_421, %dma_start3A_422] : memref<632x128xf32, #tpu.memory_space<hbm>> -> memref<632x128xf32, #tpu.memory_space<hbm>>
          tpu.enqueue_dma source(%dma_start3A_423 : memref<632x128xf32, #tpu.memory_space<hbm>>) target(%dma_start3A_420 : memref<632x128xf32, #tpu.memory_space<vmem_shared>>) target_semaphore(%run_scoped3A : memref<!tpu.dma_semaphore, #tpu.memory_space<semaphore_mem>>)
          %dma_wait3A_424 = arith.constant 0 : i32
          %dma_wait3A_425 = tpu.memref_slice %arg15[%mul3A_19, %dma_wait3A_424] : memref<10016x128xf32, #tpu.memory_space<vmem_shared>> -> memref<632x128xf32, #tpu.memory_space<vmem_shared>>
          %dma_wait3A_426 = arith.constant 0 : i32
          %dma_wait3A_427 = arith.constant 0 : i32
          %dma_wait3A_428 = tpu.memref_slice %arg5[%dma_wait3A_426, %dma_wait3A_427] : memref<632x128xf32, #tpu.memory_space<hbm>> -> memref<632x128xf32, #tpu.memory_space<hbm>>
          tpu.wait_dma2 semaphore(%run_scoped3A : memref<!tpu.dma_semaphore, #tpu.memory_space<semaphore_mem>>) src(%dma_wait3A_428 : memref<632x128xf32, #tpu.memory_space<hbm>>) dst(%dma_wait3A_425 : memref<632x128xf32, #tpu.memory_space<vmem_shared>>)
          tpu.yield
        }) : () -> ()
      } else {
      }
    } else {
    }
    %eq3A = arith.constant 15 : i32
    %eq3A_22 = arith.cmpi eq, %arg1, %eq3A : i32
    %convert_element_type3A_23 = arith.extui %eq3A_22 : i1 to i32
    %cond3A_24 = arith.constant 0 : i32
    %cond3A_25 = arith.cmpi ne, %convert_element_type3A_23, %cond3A_24 : i32
    scf.if %cond3A_25 {
      %eq3A_409 = arith.constant 0 : i32
      %eq3A_410 = arith.cmpi eq, %arg0, %eq3A_409 : i32
      %convert_element_type3A_411 = arith.extui %eq3A_410 : i1 to i32
      %cond3A_412 = arith.constant 0 : i32
      %cond3A_413 = arith.cmpi ne, %convert_element_type3A_411, %cond3A_412 : i32
      scf.if %cond3A_413 {
        "tpu.region"() ({
          %run_scoped3A = tpu.sem_alloc : memref<!tpu.dma_semaphore, #tpu.memory_space<semaphore_mem>>
          %dma_start3A_419 = arith.constant 9480 : i32
          %dma_start3A_420 = arith.constant 0 : i32
          %dma_start3A_421 = tpu.memref_slice %arg15[%dma_start3A_419, %dma_start3A_420] : memref<10016x128xf32, #tpu.memory_space<vmem_shared>> -> memref<520x128xf32, #tpu.memory_space<vmem_shared>>
          %dma_start3A_422 = arith.constant 9480 : i32
          %dma_start3A_423 = arith.constant 0 : i32
          %dma_start3A_424 = tpu.memref_slice %arg2[%dma_start3A_422, %dma_start3A_423] : memref<10000x128xf32, #tpu.memory_space<hbm>> -> memref<520x128xf32, #tpu.memory_space<hbm>>
          tpu.enqueue_dma source(%dma_start3A_424 : memref<520x128xf32, #tpu.memory_space<hbm>>) target(%dma_start3A_421 : memref<520x128xf32, #tpu.memory_space<vmem_shared>>) target_semaphore(%run_scoped3A : memref<!tpu.dma_semaphore, #tpu.memory_space<semaphore_mem>>)
          %dma_wait3A_425 = arith.constant 9480 : i32
          %dma_wait3A_426 = arith.constant 0 : i32
          %dma_wait3A_427 = tpu.memref_slice %arg15[%dma_wait3A_425, %dma_wait3A_426] : memref<10016x128xf32, #tpu.memory_space<vmem_shared>> -> memref<520x128xf32, #tpu.memory_space<vmem_shared>>
          %dma_wait3A_428 = arith.constant 9480 : i32
          %dma_wait3A_429 = arith.constant 0 : i32
          %dma_wait3A_430 = tpu.memref_slice %arg2[%dma_wait3A_428, %dma_wait3A_429] : memref<10000x128xf32, #tpu.memory_space<hbm>> -> memref<520x128xf32, #tpu.memory_space<hbm>>
          tpu.wait_dma2 semaphore(%run_scoped3A : memref<!tpu.dma_semaphore, #tpu.memory_space<semaphore_mem>>) src(%dma_wait3A_430 : memref<520x128xf32, #tpu.memory_space<hbm>>) dst(%dma_wait3A_427 : memref<520x128xf32, #tpu.memory_space<vmem_shared>>)
          tpu.yield
        }) : () -> ()
      } else {
      }
      %eq3A_414 = arith.constant 1 : i32
      %eq3A_415 = arith.cmpi eq, %arg0, %eq3A_414 : i32
      %convert_element_type3A_416 = arith.extui %eq3A_415 : i1 to i32
      %cond3A_417 = arith.constant 0 : i32
      %cond3A_418 = arith.cmpi ne, %convert_element_type3A_416, %cond3A_417 : i32
      scf.if %cond3A_418 {
        "tpu.region"() ({
          %run_scoped3A = tpu.sem_alloc : memref<!tpu.dma_semaphore, #tpu.memory_space<semaphore_mem>>
          %dma_start3A_419 = arith.constant 9480 : i32
          %dma_start3A_420 = arith.constant 0 : i32
          %dma_start3A_421 = tpu.memref_slice %arg15[%dma_start3A_419, %dma_start3A_420] : memref<10016x128xf32, #tpu.memory_space<vmem_shared>> -> memref<520x128xf32, #tpu.memory_space<vmem_shared>>
          %dma_start3A_422 = arith.constant 0 : i32
          %dma_start3A_423 = arith.constant 0 : i32
          %dma_start3A_424 = tpu.memref_slice %arg5[%dma_start3A_422, %dma_start3A_423] : memref<632x128xf32, #tpu.memory_space<hbm>> -> memref<520x128xf32, #tpu.memory_space<hbm>>
          tpu.enqueue_dma source(%dma_start3A_424 : memref<520x128xf32, #tpu.memory_space<hbm>>) target(%dma_start3A_421 : memref<520x128xf32, #tpu.memory_space<vmem_shared>>) target_semaphore(%run_scoped3A : memref<!tpu.dma_semaphore, #tpu.memory_space<semaphore_mem>>)
          %dma_wait3A_425 = arith.constant 9480 : i32
          %dma_wait3A_426 = arith.constant 0 : i32
          %dma_wait3A_427 = tpu.memref_slice %arg15[%dma_wait3A_425, %dma_wait3A_426] : memref<10016x128xf32, #tpu.memory_space<vmem_shared>> -> memref<520x128xf32, #tpu.memory_space<vmem_shared>>
          %dma_wait3A_428 = arith.constant 0 : i32
          %dma_wait3A_429 = arith.constant 0 : i32
          %dma_wait3A_430 = tpu.memref_slice %arg5[%dma_wait3A_428, %dma_wait3A_429] : memref<632x128xf32, #tpu.memory_space<hbm>> -> memref<520x128xf32, #tpu.memory_space<hbm>>
          tpu.wait_dma2 semaphore(%run_scoped3A : memref<!tpu.dma_semaphore, #tpu.memory_space<semaphore_mem>>) src(%dma_wait3A_430 : memref<520x128xf32, #tpu.memory_space<hbm>>) dst(%dma_wait3A_427 : memref<520x128xf32, #tpu.memory_space<vmem_shared>>)
          tpu.yield
        }) : () -> ()
      } else {
      }
    } else {
    }
    %add3A_26 = arith.constant 0 : i32
    %add3A_27 = arith.addi %mul3A_2, %add3A_26 : i32
    %mul3A_28 = arith.constant 128 : i32
    %mul3A_29 = arith.muli %add3A_27, %mul3A_28 : i32
    %dma_wait3A = tpu.memref_slice %arg3[%mul3A_29] : memref<327680xi32, #tpu.memory_space<hbm>> -> memref<128xi32, #tpu.memory_space<hbm>>
    %dma_wait3A_30 = tpu.memref_slice %arg3[%mul3A_29] : memref<327680xi32, #tpu.memory_space<hbm>> -> memref<128xi32, #tpu.memory_space<hbm>>
    tpu.wait_dma2 semaphore(%arg22 : memref<!tpu.dma_semaphore, #tpu.memory_space<semaphore_mem>>) src(%dma_wait3A_30 : memref<128xi32, #tpu.memory_space<hbm>>) dst(%arg7 : memref<128xi32, #tpu.memory_space<vmem>>)
    %dma_wait3A_31 = tpu.memref_slice %arg4[%mul3A_29] : memref<327680xi32, #tpu.memory_space<hbm>> -> memref<128xi32, #tpu.memory_space<hbm>>
    %dma_wait3A_32 = tpu.memref_slice %arg4[%mul3A_29] : memref<327680xi32, #tpu.memory_space<hbm>> -> memref<128xi32, #tpu.memory_space<hbm>>
    tpu.wait_dma2 semaphore(%arg25 : memref<!tpu.dma_semaphore, #tpu.memory_space<semaphore_mem>>) src(%dma_wait3A_32 : memref<128xi32, #tpu.memory_space<hbm>>) dst(%arg10 : memref<128xi32, #tpu.memory_space<vmem>>)
    %dma_start3A_33 = arith.constant 0 : i32
    %dma_start3A_34 = arith.constant 0 : i32
    %dma_start3A_35 = arith.constant 0 : i32
    %dma_start3A_36 = tpu.memref_slice %arg14[%dma_start3A_33, %dma_start3A_34, %dma_start3A_35] : memref<3x128x128xf32, #tpu.memory_space<vmem>> -> memref<1x128x128xf32, #tpu.memory_space<vmem>>
    %dma_start3A_37 = tpu.memref_squeeze %dma_start3A_36 : memref<1x128x128xf32, #tpu.memory_space<vmem>> -> memref<128x128xf32, #tpu.memory_space<vmem>>
    %dma_start3A_38 = arith.constant 0 : i32
    %dma_start3A_39 = arith.constant 0 : i32
    %dma_start3A_40 = tpu.memref_slice %arg2[%dma_start3A_38, %dma_start3A_39] : memref<10000x128xf32, #tpu.memory_space<hbm>> -> memref<10000x128xf32, #tpu.memory_space<hbm>>
    tpu.enqueue_indirect_dma source(%dma_start3A_40 : memref<10000x128xf32, #tpu.memory_space<hbm>>) target(%dma_start3A_37 : memref<128x128xf32, #tpu.memory_space<vmem>>) offsets(%arg7 : memref<128xi32, #tpu.memory_space<vmem>>) semaphore(%arg16 : memref<!tpu.dma_semaphore, #tpu.memory_space<semaphore_mem>>)
    %barrier3A = arith.constant 0 : index
    tpu.barrier barrier_id(%barrier3A)
    %add3A_41 = arith.constant 1 : i32
    %add3A_42 = arith.addi %mul3A_2, %add3A_41 : i32
    %mul3A_43 = arith.constant 128 : i32
    %mul3A_44 = arith.muli %add3A_42, %mul3A_43 : i32
    %dma_wait3A_45 = tpu.memref_slice %arg3[%mul3A_44] : memref<327680xi32, #tpu.memory_space<hbm>> -> memref<128xi32, #tpu.memory_space<hbm>>
    %dma_wait3A_46 = tpu.memref_slice %arg3[%mul3A_44] : memref<327680xi32, #tpu.memory_space<hbm>> -> memref<128xi32, #tpu.memory_space<hbm>>
    tpu.wait_dma2 semaphore(%arg23 : memref<!tpu.dma_semaphore, #tpu.memory_space<semaphore_mem>>) src(%dma_wait3A_46 : memref<128xi32, #tpu.memory_space<hbm>>) dst(%arg8 : memref<128xi32, #tpu.memory_space<vmem>>)
    %dma_wait3A_47 = tpu.memref_slice %arg4[%mul3A_44] : memref<327680xi32, #tpu.memory_space<hbm>> -> memref<128xi32, #tpu.memory_space<hbm>>
    %dma_wait3A_48 = tpu.memref_slice %arg4[%mul3A_44] : memref<327680xi32, #tpu.memory_space<hbm>> -> memref<128xi32, #tpu.memory_space<hbm>>
    tpu.wait_dma2 semaphore(%arg26 : memref<!tpu.dma_semaphore, #tpu.memory_space<semaphore_mem>>) src(%dma_wait3A_48 : memref<128xi32, #tpu.memory_space<hbm>>) dst(%arg11 : memref<128xi32, #tpu.memory_space<vmem>>)
    %dma_start3A_49 = arith.constant 1 : i32
    %dma_start3A_50 = arith.constant 0 : i32
    %dma_start3A_51 = arith.constant 0 : i32
    %dma_start3A_52 = tpu.memref_slice %arg14[%dma_start3A_49, %dma_start3A_50, %dma_start3A_51] : memref<3x128x128xf32, #tpu.memory_space<vmem>> -> memref<1x128x128xf32, #tpu.memory_space<vmem>>
    %dma_start3A_53 = tpu.memref_squeeze %dma_start3A_52 : memref<1x128x128xf32, #tpu.memory_space<vmem>> -> memref<128x128xf32, #tpu.memory_space<vmem>>
    %dma_start3A_54 = arith.constant 0 : i32
    %dma_start3A_55 = arith.constant 0 : i32
    %dma_start3A_56 = tpu.memref_slice %arg2[%dma_start3A_54, %dma_start3A_55] : memref<10000x128xf32, #tpu.memory_space<hbm>> -> memref<10000x128xf32, #tpu.memory_space<hbm>>
    tpu.enqueue_indirect_dma source(%dma_start3A_56 : memref<10000x128xf32, #tpu.memory_space<hbm>>) target(%dma_start3A_53 : memref<128x128xf32, #tpu.memory_space<vmem>>) offsets(%arg8 : memref<128xi32, #tpu.memory_space<vmem>>) semaphore(%arg17 : memref<!tpu.dma_semaphore, #tpu.memory_space<semaphore_mem>>)
    %add3A_57 = arith.constant 2 : i32
    %add3A_58 = arith.addi %mul3A_2, %add3A_57 : i32
    %mul3A_59 = arith.constant 128 : i32
    %mul3A_60 = arith.muli %add3A_58, %mul3A_59 : i32
    %dma_start3A_61 = tpu.memref_slice %arg3[%mul3A_60] : memref<327680xi32, #tpu.memory_space<hbm>> -> memref<128xi32, #tpu.memory_space<hbm>>
    %dma_start3A_62 = tpu.memref_slice %arg3[%mul3A_60] : memref<327680xi32, #tpu.memory_space<hbm>> -> memref<128xi32, #tpu.memory_space<hbm>>
    tpu.enqueue_dma source(%dma_start3A_62 : memref<128xi32, #tpu.memory_space<hbm>>) target(%arg9 : memref<128xi32, #tpu.memory_space<vmem>>) target_semaphore(%arg24 : memref<!tpu.dma_semaphore, #tpu.memory_space<semaphore_mem>>)
    %dma_start3A_63 = tpu.memref_slice %arg4[%mul3A_60] : memref<327680xi32, #tpu.memory_space<hbm>> -> memref<128xi32, #tpu.memory_space<hbm>>
    %dma_start3A_64 = tpu.memref_slice %arg4[%mul3A_60] : memref<327680xi32, #tpu.memory_space<hbm>> -> memref<128xi32, #tpu.memory_space<hbm>>
    tpu.enqueue_dma source(%dma_start3A_64 : memref<128xi32, #tpu.memory_space<hbm>>) target(%arg12 : memref<128xi32, #tpu.memory_space<vmem>>) target_semaphore(%arg27 : memref<!tpu.dma_semaphore, #tpu.memory_space<semaphore_mem>>)
    %dma_wait3A_65 = arith.constant 0 : i32
    %dma_wait3A_66 = arith.constant 0 : i32
    %dma_wait3A_67 = arith.constant 0 : i32
    %dma_wait3A_68 = tpu.memref_slice %arg14[%dma_wait3A_65, %dma_wait3A_66, %dma_wait3A_67] : memref<3x128x128xf32, #tpu.memory_space<vmem>> -> memref<1x128x128xf32, #tpu.memory_space<vmem>>
    %dma_wait3A_69 = tpu.memref_squeeze %dma_wait3A_68 : memref<1x128x128xf32, #tpu.memory_space<vmem>> -> memref<128x128xf32, #tpu.memory_space<vmem>>
    %dma_wait3A_70 = arith.constant 0 : i32
    %dma_wait3A_71 = arith.constant 0 : i32
    %dma_wait3A_72 = tpu.memref_slice %arg2[%dma_wait3A_70, %dma_wait3A_71] : memref<10000x128xf32, #tpu.memory_space<hbm>> -> memref<10000x128xf32, #tpu.memory_space<hbm>>
    tpu.wait_indirect_dma semaphore(%arg16 : memref<!tpu.dma_semaphore, #tpu.memory_space<semaphore_mem>>) src(%dma_wait3A_72 : memref<10000x128xf32, #tpu.memory_space<hbm>>) dst(%dma_wait3A_69 : memref<128x128xf32, #tpu.memory_space<vmem>>)
    %dma_start3A_73 = arith.constant 0 : i32
    %dma_start3A_74 = arith.constant 0 : i32
    %dma_start3A_75 = arith.constant 0 : i32
    %dma_start3A_76 = tpu.memref_slice %arg14[%dma_start3A_73, %dma_start3A_74, %dma_start3A_75] : memref<3x128x128xf32, #tpu.memory_space<vmem>> -> memref<1x128x128xf32, #tpu.memory_space<vmem>>
    %dma_start3A_77 = tpu.memref_squeeze %dma_start3A_76 : memref<1x128x128xf32, #tpu.memory_space<vmem>> -> memref<128x128xf32, #tpu.memory_space<vmem>>
    %dma_start3A_78 = arith.constant 0 : i32
    %dma_start3A_79 = arith.constant 0 : i32
    %dma_start3A_80 = tpu.memref_slice %arg15[%dma_start3A_78, %dma_start3A_79] : memref<10016x128xf32, #tpu.memory_space<vmem_shared>> -> memref<10016x128xf32, #tpu.memory_space<vmem_shared>>
    tpu.enqueue_indirect_dma source(%dma_start3A_77 : memref<128x128xf32, #tpu.memory_space<vmem>>) target(%dma_start3A_80 : memref<10016x128xf32, #tpu.memory_space<vmem_shared>>) offsets(%arg10 : memref<128xi32, #tpu.memory_space<vmem>>) semaphore(%arg18 : memref<!tpu.dma_semaphore, #tpu.memory_space<semaphore_mem>>) {add = true}
    %add3A_81 = arith.constant 2 : i32
    %add3A_82 = arith.addi %mul3A_2, %add3A_81 : i32
    %mul3A_83 = arith.constant 128 : i32
    %mul3A_84 = arith.muli %add3A_82, %mul3A_83 : i32
    %dma_wait3A_85 = tpu.memref_slice %arg3[%mul3A_84] : memref<327680xi32, #tpu.memory_space<hbm>> -> memref<128xi32, #tpu.memory_space<hbm>>
    %dma_wait3A_86 = tpu.memref_slice %arg3[%mul3A_84] : memref<327680xi32, #tpu.memory_space<hbm>> -> memref<128xi32, #tpu.memory_space<hbm>>
    tpu.wait_dma2 semaphore(%arg24 : memref<!tpu.dma_semaphore, #tpu.memory_space<semaphore_mem>>) src(%dma_wait3A_86 : memref<128xi32, #tpu.memory_space<hbm>>) dst(%arg9 : memref<128xi32, #tpu.memory_space<vmem>>)
    %dma_wait3A_87 = tpu.memref_slice %arg4[%mul3A_84] : memref<327680xi32, #tpu.memory_space<hbm>> -> memref<128xi32, #tpu.memory_space<hbm>>
    %dma_wait3A_88 = tpu.memref_slice %arg4[%mul3A_84] : memref<327680xi32, #tpu.memory_space<hbm>> -> memref<128xi32, #tpu.memory_space<hbm>>
    tpu.wait_dma2 semaphore(%arg27 : memref<!tpu.dma_semaphore, #tpu.memory_space<semaphore_mem>>) src(%dma_wait3A_88 : memref<128xi32, #tpu.memory_space<hbm>>) dst(%arg12 : memref<128xi32, #tpu.memory_space<vmem>>)
    %dma_start3A_89 = arith.constant 2 : i32
    %dma_start3A_90 = arith.constant 0 : i32
    %dma_start3A_91 = arith.constant 0 : i32
    %dma_start3A_92 = tpu.memref_slice %arg14[%dma_start3A_89, %dma_start3A_90, %dma_start3A_91] : memref<3x128x128xf32, #tpu.memory_space<vmem>> -> memref<1x128x128xf32, #tpu.memory_space<vmem>>
    %dma_start3A_93 = tpu.memref_squeeze %dma_start3A_92 : memref<1x128x128xf32, #tpu.memory_space<vmem>> -> memref<128x128xf32, #tpu.memory_space<vmem>>
    %dma_start3A_94 = arith.constant 0 : i32
    %dma_start3A_95 = arith.constant 0 : i32
    %dma_start3A_96 = tpu.memref_slice %arg2[%dma_start3A_94, %dma_start3A_95] : memref<10000x128xf32, #tpu.memory_space<hbm>> -> memref<10000x128xf32, #tpu.memory_space<hbm>>
    tpu.enqueue_indirect_dma source(%dma_start3A_96 : memref<10000x128xf32, #tpu.memory_space<hbm>>) target(%dma_start3A_93 : memref<128x128xf32, #tpu.memory_space<vmem>>) offsets(%arg9 : memref<128xi32, #tpu.memory_space<vmem>>) semaphore(%arg16 : memref<!tpu.dma_semaphore, #tpu.memory_space<semaphore_mem>>)
    %add3A_97 = arith.constant 3 : i32
    %add3A_98 = arith.addi %mul3A_2, %add3A_97 : i32
    %mul3A_99 = arith.constant 128 : i32
    %mul3A_100 = arith.muli %add3A_98, %mul3A_99 : i32
    %dma_start3A_101 = tpu.memref_slice %arg3[%mul3A_100] : memref<327680xi32, #tpu.memory_space<hbm>> -> memref<128xi32, #tpu.memory_space<hbm>>
    %dma_start3A_102 = tpu.memref_slice %arg3[%mul3A_100] : memref<327680xi32, #tpu.memory_space<hbm>> -> memref<128xi32, #tpu.memory_space<hbm>>
    tpu.enqueue_dma source(%dma_start3A_102 : memref<128xi32, #tpu.memory_space<hbm>>) target(%arg7 : memref<128xi32, #tpu.memory_space<vmem>>) target_semaphore(%arg22 : memref<!tpu.dma_semaphore, #tpu.memory_space<semaphore_mem>>)
    %dma_start3A_103 = tpu.memref_slice %arg4[%mul3A_100] : memref<327680xi32, #tpu.memory_space<hbm>> -> memref<128xi32, #tpu.memory_space<hbm>>
    %dma_start3A_104 = tpu.memref_slice %arg4[%mul3A_100] : memref<327680xi32, #tpu.memory_space<hbm>> -> memref<128xi32, #tpu.memory_space<hbm>>
    tpu.enqueue_dma source(%dma_start3A_104 : memref<128xi32, #tpu.memory_space<hbm>>) target(%arg13 : memref<128xi32, #tpu.memory_space<vmem>>) target_semaphore(%arg28 : memref<!tpu.dma_semaphore, #tpu.memory_space<semaphore_mem>>)
    %dma_wait3A_105 = arith.constant 1 : i32
    %dma_wait3A_106 = arith.constant 0 : i32
    %dma_wait3A_107 = arith.constant 0 : i32
    %dma_wait3A_108 = tpu.memref_slice %arg14[%dma_wait3A_105, %dma_wait3A_106, %dma_wait3A_107] : memref<3x128x128xf32, #tpu.memory_space<vmem>> -> memref<1x128x128xf32, #tpu.memory_space<vmem>>
    %dma_wait3A_109 = tpu.memref_squeeze %dma_wait3A_108 : memref<1x128x128xf32, #tpu.memory_space<vmem>> -> memref<128x128xf32, #tpu.memory_space<vmem>>
    %dma_wait3A_110 = arith.constant 0 : i32
    %dma_wait3A_111 = arith.constant 0 : i32
    %dma_wait3A_112 = tpu.memref_slice %arg2[%dma_wait3A_110, %dma_wait3A_111] : memref<10000x128xf32, #tpu.memory_space<hbm>> -> memref<10000x128xf32, #tpu.memory_space<hbm>>
    tpu.wait_indirect_dma semaphore(%arg17 : memref<!tpu.dma_semaphore, #tpu.memory_space<semaphore_mem>>) src(%dma_wait3A_112 : memref<10000x128xf32, #tpu.memory_space<hbm>>) dst(%dma_wait3A_109 : memref<128x128xf32, #tpu.memory_space<vmem>>)
    %dma_start3A_113 = arith.constant 1 : i32
    %dma_start3A_114 = arith.constant 0 : i32
    %dma_start3A_115 = arith.constant 0 : i32
    %dma_start3A_116 = tpu.memref_slice %arg14[%dma_start3A_113, %dma_start3A_114, %dma_start3A_115] : memref<3x128x128xf32, #tpu.memory_space<vmem>> -> memref<1x128x128xf32, #tpu.memory_space<vmem>>
    %dma_start3A_117 = tpu.memref_squeeze %dma_start3A_116 : memref<1x128x128xf32, #tpu.memory_space<vmem>> -> memref<128x128xf32, #tpu.memory_space<vmem>>
    %dma_start3A_118 = arith.constant 0 : i32
    %dma_start3A_119 = arith.constant 0 : i32
    %dma_start3A_120 = tpu.memref_slice %arg15[%dma_start3A_118, %dma_start3A_119] : memref<10016x128xf32, #tpu.memory_space<vmem_shared>> -> memref<10016x128xf32, #tpu.memory_space<vmem_shared>>
    tpu.enqueue_indirect_dma source(%dma_start3A_117 : memref<128x128xf32, #tpu.memory_space<vmem>>) target(%dma_start3A_120 : memref<10016x128xf32, #tpu.memory_space<vmem_shared>>) offsets(%arg11 : memref<128xi32, #tpu.memory_space<vmem>>) semaphore(%arg19 : memref<!tpu.dma_semaphore, #tpu.memory_space<semaphore_mem>>) {add = true}
    %dma_wait3A_121 = arith.constant 0 : i32
    %dma_wait3A_122 = arith.constant 0 : i32
    %dma_wait3A_123 = arith.constant 0 : i32
    %dma_wait3A_124 = tpu.memref_slice %arg14[%dma_wait3A_121, %dma_wait3A_122, %dma_wait3A_123] : memref<3x128x128xf32, #tpu.memory_space<vmem>> -> memref<1x128x128xf32, #tpu.memory_space<vmem>>
    %dma_wait3A_125 = tpu.memref_squeeze %dma_wait3A_124 : memref<1x128x128xf32, #tpu.memory_space<vmem>> -> memref<128x128xf32, #tpu.memory_space<vmem>>
    %dma_wait3A_126 = arith.constant 0 : i32
    %dma_wait3A_127 = arith.constant 0 : i32
    %dma_wait3A_128 = tpu.memref_slice %arg15[%dma_wait3A_126, %dma_wait3A_127] : memref<10016x128xf32, #tpu.memory_space<vmem_shared>> -> memref<10016x128xf32, #tpu.memory_space<vmem_shared>>
    tpu.wait_indirect_dma semaphore(%arg18 : memref<!tpu.dma_semaphore, #tpu.memory_space<semaphore_mem>>) src(%dma_wait3A_125 : memref<128x128xf32, #tpu.memory_space<vmem>>) dst(%dma_wait3A_128 : memref<10016x128xf32, #tpu.memory_space<vmem_shared>>)
    %add3A_129 = arith.constant 3 : i32
    %add3A_130 = arith.addi %mul3A_2, %add3A_129 : i32
    %mul3A_131 = arith.constant 128 : i32
    %mul3A_132 = arith.muli %add3A_130, %mul3A_131 : i32
    %dma_wait3A_133 = tpu.memref_slice %arg3[%mul3A_132] : memref<327680xi32, #tpu.memory_space<hbm>> -> memref<128xi32, #tpu.memory_space<hbm>>
    %dma_wait3A_134 = tpu.memref_slice %arg3[%mul3A_132] : memref<327680xi32, #tpu.memory_space<hbm>> -> memref<128xi32, #tpu.memory_space<hbm>>
    tpu.wait_dma2 semaphore(%arg22 : memref<!tpu.dma_semaphore, #tpu.memory_space<semaphore_mem>>) src(%dma_wait3A_134 : memref<128xi32, #tpu.memory_space<hbm>>) dst(%arg7 : memref<128xi32, #tpu.memory_space<vmem>>)
    %dma_wait3A_135 = tpu.memref_slice %arg4[%mul3A_132] : memref<327680xi32, #tpu.memory_space<hbm>> -> memref<128xi32, #tpu.memory_space<hbm>>
    %dma_wait3A_136 = tpu.memref_slice %arg4[%mul3A_132] : memref<327680xi32, #tpu.memory_space<hbm>> -> memref<128xi32, #tpu.memory_space<hbm>>
    tpu.wait_dma2 semaphore(%arg28 : memref<!tpu.dma_semaphore, #tpu.memory_space<semaphore_mem>>) src(%dma_wait3A_136 : memref<128xi32, #tpu.memory_space<hbm>>) dst(%arg13 : memref<128xi32, #tpu.memory_space<vmem>>)
    %dma_start3A_137 = arith.constant 0 : i32
    %dma_start3A_138 = arith.constant 0 : i32
    %dma_start3A_139 = arith.constant 0 : i32
    %dma_start3A_140 = tpu.memref_slice %arg14[%dma_start3A_137, %dma_start3A_138, %dma_start3A_139] : memref<3x128x128xf32, #tpu.memory_space<vmem>> -> memref<1x128x128xf32, #tpu.memory_space<vmem>>
    %dma_start3A_141 = tpu.memref_squeeze %dma_start3A_140 : memref<1x128x128xf32, #tpu.memory_space<vmem>> -> memref<128x128xf32, #tpu.memory_space<vmem>>
    %dma_start3A_142 = arith.constant 0 : i32
    %dma_start3A_143 = arith.constant 0 : i32
    %dma_start3A_144 = tpu.memref_slice %arg2[%dma_start3A_142, %dma_start3A_143] : memref<10000x128xf32, #tpu.memory_space<hbm>> -> memref<10000x128xf32, #tpu.memory_space<hbm>>
    tpu.enqueue_indirect_dma source(%dma_start3A_144 : memref<10000x128xf32, #tpu.memory_space<hbm>>) target(%dma_start3A_141 : memref<128x128xf32, #tpu.memory_space<vmem>>) offsets(%arg7 : memref<128xi32, #tpu.memory_space<vmem>>) semaphore(%arg17 : memref<!tpu.dma_semaphore, #tpu.memory_space<semaphore_mem>>)
    %add3A_145 = arith.constant 4 : i32
    %add3A_146 = arith.addi %mul3A_2, %add3A_145 : i32
    %mul3A_147 = arith.constant 128 : i32
    %mul3A_148 = arith.muli %add3A_146, %mul3A_147 : i32
    %dma_start3A_149 = tpu.memref_slice %arg3[%mul3A_148] : memref<327680xi32, #tpu.memory_space<hbm>> -> memref<128xi32, #tpu.memory_space<hbm>>
    %dma_start3A_150 = tpu.memref_slice %arg3[%mul3A_148] : memref<327680xi32, #tpu.memory_space<hbm>> -> memref<128xi32, #tpu.memory_space<hbm>>
    tpu.enqueue_dma source(%dma_start3A_150 : memref<128xi32, #tpu.memory_space<hbm>>) target(%arg8 : memref<128xi32, #tpu.memory_space<vmem>>) target_semaphore(%arg23 : memref<!tpu.dma_semaphore, #tpu.memory_space<semaphore_mem>>)
    %dma_start3A_151 = tpu.memref_slice %arg4[%mul3A_148] : memref<327680xi32, #tpu.memory_space<hbm>> -> memref<128xi32, #tpu.memory_space<hbm>>
    %dma_start3A_152 = tpu.memref_slice %arg4[%mul3A_148] : memref<327680xi32, #tpu.memory_space<hbm>> -> memref<128xi32, #tpu.memory_space<hbm>>
    tpu.enqueue_dma source(%dma_start3A_152 : memref<128xi32, #tpu.memory_space<hbm>>) target(%arg10 : memref<128xi32, #tpu.memory_space<vmem>>) target_semaphore(%arg25 : memref<!tpu.dma_semaphore, #tpu.memory_space<semaphore_mem>>)
    %dma_wait3A_153 = arith.constant 2 : i32
    %dma_wait3A_154 = arith.constant 0 : i32
    %dma_wait3A_155 = arith.constant 0 : i32
    %dma_wait3A_156 = tpu.memref_slice %arg14[%dma_wait3A_153, %dma_wait3A_154, %dma_wait3A_155] : memref<3x128x128xf32, #tpu.memory_space<vmem>> -> memref<1x128x128xf32, #tpu.memory_space<vmem>>
    %dma_wait3A_157 = tpu.memref_squeeze %dma_wait3A_156 : memref<1x128x128xf32, #tpu.memory_space<vmem>> -> memref<128x128xf32, #tpu.memory_space<vmem>>
    %dma_wait3A_158 = arith.constant 0 : i32
    %dma_wait3A_159 = arith.constant 0 : i32
    %dma_wait3A_160 = tpu.memref_slice %arg2[%dma_wait3A_158, %dma_wait3A_159] : memref<10000x128xf32, #tpu.memory_space<hbm>> -> memref<10000x128xf32, #tpu.memory_space<hbm>>
    tpu.wait_indirect_dma semaphore(%arg16 : memref<!tpu.dma_semaphore, #tpu.memory_space<semaphore_mem>>) src(%dma_wait3A_160 : memref<10000x128xf32, #tpu.memory_space<hbm>>) dst(%dma_wait3A_157 : memref<128x128xf32, #tpu.memory_space<vmem>>)
    %dma_start3A_161 = arith.constant 2 : i32
    %dma_start3A_162 = arith.constant 0 : i32
    %dma_start3A_163 = arith.constant 0 : i32
    %dma_start3A_164 = tpu.memref_slice %arg14[%dma_start3A_161, %dma_start3A_162, %dma_start3A_163] : memref<3x128x128xf32, #tpu.memory_space<vmem>> -> memref<1x128x128xf32, #tpu.memory_space<vmem>>
    %dma_start3A_165 = tpu.memref_squeeze %dma_start3A_164 : memref<1x128x128xf32, #tpu.memory_space<vmem>> -> memref<128x128xf32, #tpu.memory_space<vmem>>
    %dma_start3A_166 = arith.constant 0 : i32
    %dma_start3A_167 = arith.constant 0 : i32
    %dma_start3A_168 = tpu.memref_slice %arg15[%dma_start3A_166, %dma_start3A_167] : memref<10016x128xf32, #tpu.memory_space<vmem_shared>> -> memref<10016x128xf32, #tpu.memory_space<vmem_shared>>
    tpu.enqueue_indirect_dma source(%dma_start3A_165 : memref<128x128xf32, #tpu.memory_space<vmem>>) target(%dma_start3A_168 : memref<10016x128xf32, #tpu.memory_space<vmem_shared>>) offsets(%arg12 : memref<128xi32, #tpu.memory_space<vmem>>) semaphore(%arg20 : memref<!tpu.dma_semaphore, #tpu.memory_space<semaphore_mem>>) {add = true}
    %dma_wait3A_169 = arith.constant 1 : i32
    %dma_wait3A_170 = arith.constant 0 : i32
    %dma_wait3A_171 = arith.constant 0 : i32
    %dma_wait3A_172 = tpu.memref_slice %arg14[%dma_wait3A_169, %dma_wait3A_170, %dma_wait3A_171] : memref<3x128x128xf32, #tpu.memory_space<vmem>> -> memref<1x128x128xf32, #tpu.memory_space<vmem>>
    %dma_wait3A_173 = tpu.memref_squeeze %dma_wait3A_172 : memref<1x128x128xf32, #tpu.memory_space<vmem>> -> memref<128x128xf32, #tpu.memory_space<vmem>>
    %dma_wait3A_174 = arith.constant 0 : i32
    %dma_wait3A_175 = arith.constant 0 : i32
    %dma_wait3A_176 = tpu.memref_slice %arg15[%dma_wait3A_174, %dma_wait3A_175] : memref<10016x128xf32, #tpu.memory_space<vmem_shared>> -> memref<10016x128xf32, #tpu.memory_space<vmem_shared>>
    tpu.wait_indirect_dma semaphore(%arg19 : memref<!tpu.dma_semaphore, #tpu.memory_space<semaphore_mem>>) src(%dma_wait3A_173 : memref<128x128xf32, #tpu.memory_space<vmem>>) dst(%dma_wait3A_176 : memref<10016x128xf32, #tpu.memory_space<vmem_shared>>)
    %add3A_177 = arith.constant 4 : i32
    %add3A_178 = arith.addi %mul3A_2, %add3A_177 : i32
    %mul3A_179 = arith.constant 128 : i32
    %mul3A_180 = arith.muli %add3A_178, %mul3A_179 : i32
    %dma_wait3A_181 = tpu.memref_slice %arg3[%mul3A_180] : memref<327680xi32, #tpu.memory_space<hbm>> -> memref<128xi32, #tpu.memory_space<hbm>>
    %dma_wait3A_182 = tpu.memref_slice %arg3[%mul3A_180] : memref<327680xi32, #tpu.memory_space<hbm>> -> memref<128xi32, #tpu.memory_space<hbm>>
    tpu.wait_dma2 semaphore(%arg23 : memref<!tpu.dma_semaphore, #tpu.memory_space<semaphore_mem>>) src(%dma_wait3A_182 : memref<128xi32, #tpu.memory_space<hbm>>) dst(%arg8 : memref<128xi32, #tpu.memory_space<vmem>>)
    %dma_wait3A_183 = tpu.memref_slice %arg4[%mul3A_180] : memref<327680xi32, #tpu.memory_space<hbm>> -> memref<128xi32, #tpu.memory_space<hbm>>
    %dma_wait3A_184 = tpu.memref_slice %arg4[%mul3A_180] : memref<327680xi32, #tpu.memory_space<hbm>> -> memref<128xi32, #tpu.memory_space<hbm>>
    tpu.wait_dma2 semaphore(%arg25 : memref<!tpu.dma_semaphore, #tpu.memory_space<semaphore_mem>>) src(%dma_wait3A_184 : memref<128xi32, #tpu.memory_space<hbm>>) dst(%arg10 : memref<128xi32, #tpu.memory_space<vmem>>)
    %dma_start3A_185 = arith.constant 1 : i32
    %dma_start3A_186 = arith.constant 0 : i32
    %dma_start3A_187 = arith.constant 0 : i32
    %dma_start3A_188 = tpu.memref_slice %arg14[%dma_start3A_185, %dma_start3A_186, %dma_start3A_187] : memref<3x128x128xf32, #tpu.memory_space<vmem>> -> memref<1x128x128xf32, #tpu.memory_space<vmem>>
    %dma_start3A_189 = tpu.memref_squeeze %dma_start3A_188 : memref<1x128x128xf32, #tpu.memory_space<vmem>> -> memref<128x128xf32, #tpu.memory_space<vmem>>
    %dma_start3A_190 = arith.constant 0 : i32
    %dma_start3A_191 = arith.constant 0 : i32
    %dma_start3A_192 = tpu.memref_slice %arg2[%dma_start3A_190, %dma_start3A_191] : memref<10000x128xf32, #tpu.memory_space<hbm>> -> memref<10000x128xf32, #tpu.memory_space<hbm>>
    tpu.enqueue_indirect_dma source(%dma_start3A_192 : memref<10000x128xf32, #tpu.memory_space<hbm>>) target(%dma_start3A_189 : memref<128x128xf32, #tpu.memory_space<vmem>>) offsets(%arg8 : memref<128xi32, #tpu.memory_space<vmem>>) semaphore(%arg16 : memref<!tpu.dma_semaphore, #tpu.memory_space<semaphore_mem>>)
    %add3A_193 = arith.constant 5 : i32
    %add3A_194 = arith.addi %mul3A_2, %add3A_193 : i32
    %mul3A_195 = arith.constant 128 : i32
    %mul3A_196 = arith.muli %add3A_194, %mul3A_195 : i32
    %dma_start3A_197 = tpu.memref_slice %arg3[%mul3A_196] : memref<327680xi32, #tpu.memory_space<hbm>> -> memref<128xi32, #tpu.memory_space<hbm>>
    %dma_start3A_198 = tpu.memref_slice %arg3[%mul3A_196] : memref<327680xi32, #tpu.memory_space<hbm>> -> memref<128xi32, #tpu.memory_space<hbm>>
    tpu.enqueue_dma source(%dma_start3A_198 : memref<128xi32, #tpu.memory_space<hbm>>) target(%arg9 : memref<128xi32, #tpu.memory_space<vmem>>) target_semaphore(%arg24 : memref<!tpu.dma_semaphore, #tpu.memory_space<semaphore_mem>>)
    %dma_start3A_199 = tpu.memref_slice %arg4[%mul3A_196] : memref<327680xi32, #tpu.memory_space<hbm>> -> memref<128xi32, #tpu.memory_space<hbm>>
    %dma_start3A_200 = tpu.memref_slice %arg4[%mul3A_196] : memref<327680xi32, #tpu.memory_space<hbm>> -> memref<128xi32, #tpu.memory_space<hbm>>
    tpu.enqueue_dma source(%dma_start3A_200 : memref<128xi32, #tpu.memory_space<hbm>>) target(%arg11 : memref<128xi32, #tpu.memory_space<vmem>>) target_semaphore(%arg26 : memref<!tpu.dma_semaphore, #tpu.memory_space<semaphore_mem>>)
    %dma_wait3A_201 = arith.constant 0 : i32
    %dma_wait3A_202 = arith.constant 0 : i32
    %dma_wait3A_203 = arith.constant 0 : i32
    %dma_wait3A_204 = tpu.memref_slice %arg14[%dma_wait3A_201, %dma_wait3A_202, %dma_wait3A_203] : memref<3x128x128xf32, #tpu.memory_space<vmem>> -> memref<1x128x128xf32, #tpu.memory_space<vmem>>
    %dma_wait3A_205 = tpu.memref_squeeze %dma_wait3A_204 : memref<1x128x128xf32, #tpu.memory_space<vmem>> -> memref<128x128xf32, #tpu.memory_space<vmem>>
    %dma_wait3A_206 = arith.constant 0 : i32
    %dma_wait3A_207 = arith.constant 0 : i32
    %dma_wait3A_208 = tpu.memref_slice %arg2[%dma_wait3A_206, %dma_wait3A_207] : memref<10000x128xf32, #tpu.memory_space<hbm>> -> memref<10000x128xf32, #tpu.memory_space<hbm>>
    tpu.wait_indirect_dma semaphore(%arg17 : memref<!tpu.dma_semaphore, #tpu.memory_space<semaphore_mem>>) src(%dma_wait3A_208 : memref<10000x128xf32, #tpu.memory_space<hbm>>) dst(%dma_wait3A_205 : memref<128x128xf32, #tpu.memory_space<vmem>>)
    %dma_start3A_209 = arith.constant 0 : i32
    %dma_start3A_210 = arith.constant 0 : i32
    %dma_start3A_211 = arith.constant 0 : i32
    %dma_start3A_212 = tpu.memref_slice %arg14[%dma_start3A_209, %dma_start3A_210, %dma_start3A_211] : memref<3x128x128xf32, #tpu.memory_space<vmem>> -> memref<1x128x128xf32, #tpu.memory_space<vmem>>
    %dma_start3A_213 = tpu.memref_squeeze %dma_start3A_212 : memref<1x128x128xf32, #tpu.memory_space<vmem>> -> memref<128x128xf32, #tpu.memory_space<vmem>>
    %dma_start3A_214 = arith.constant 0 : i32
    %dma_start3A_215 = arith.constant 0 : i32
    %dma_start3A_216 = tpu.memref_slice %arg15[%dma_start3A_214, %dma_start3A_215] : memref<10016x128xf32, #tpu.memory_space<vmem_shared>> -> memref<10016x128xf32, #tpu.memory_space<vmem_shared>>
    tpu.enqueue_indirect_dma source(%dma_start3A_213 : memref<128x128xf32, #tpu.memory_space<vmem>>) target(%dma_start3A_216 : memref<10016x128xf32, #tpu.memory_space<vmem_shared>>) offsets(%arg13 : memref<128xi32, #tpu.memory_space<vmem>>) semaphore(%arg21 : memref<!tpu.dma_semaphore, #tpu.memory_space<semaphore_mem>>) {add = true}
    %scan3A = arith.constant 0 : i32
    %scan3A_217 = arith.constant 0 : i32
    %scan3A_218 = arith.constant 6 : i32
    %scan3A_219 = arith.addi %scan3A_217, %scan3A_218 : i32
    %scan3A_220 = arith.constant 1 : i32
    scf.for %scan3A_409 = %scan3A_217 to %scan3A_219 step %scan3A_220  : i32 {
      %mul3A_410 = arith.constant 12 : i32
      %mul3A_411 = arith.muli %mul3A_410, %scan3A_409 : i32
      %add3A_412 = arith.constant 4 : i32
      %add3A_413 = arith.addi %add3A_412, %mul3A_411 : i32
      %add3A_414 = arith.constant 0 : i32
      %add3A_415 = arith.addi %add3A_413, %add3A_414 : i32
      %dma_wait3A_416 = arith.constant 2 : i32
      %dma_wait3A_417 = arith.constant 0 : i32
      %dma_wait3A_418 = arith.constant 0 : i32
      %dma_wait3A_419 = tpu.memref_slice %arg14[%dma_wait3A_416, %dma_wait3A_417, %dma_wait3A_418] : memref<3x128x128xf32, #tpu.memory_space<vmem>> -> memref<1x128x128xf32, #tpu.memory_space<vmem>>
      %dma_wait3A_420 = tpu.memref_squeeze %dma_wait3A_419 : memref<1x128x128xf32, #tpu.memory_space<vmem>> -> memref<128x128xf32, #tpu.memory_space<vmem>>
      %dma_wait3A_421 = arith.constant 0 : i32
      %dma_wait3A_422 = arith.constant 0 : i32
      %dma_wait3A_423 = tpu.memref_slice %arg15[%dma_wait3A_421, %dma_wait3A_422] : memref<10016x128xf32, #tpu.memory_space<vmem_shared>> -> memref<10016x128xf32, #tpu.memory_space<vmem_shared>>
      tpu.wait_indirect_dma semaphore(%arg20 : memref<!tpu.dma_semaphore, #tpu.memory_space<semaphore_mem>>) src(%dma_wait3A_420 : memref<128x128xf32, #tpu.memory_space<vmem>>) dst(%dma_wait3A_423 : memref<10016x128xf32, #tpu.memory_space<vmem_shared>>)
      %add3A_424 = arith.constant 1 : i32
      %add3A_425 = arith.addi %add3A_415, %add3A_424 : i32
      %add3A_426 = arith.addi %mul3A_2, %add3A_425 : i32
      %mul3A_427 = arith.constant 128 : i32
      %mul3A_428 = arith.muli %add3A_426, %mul3A_427 : i32
      %dma_wait3A_429 = tpu.memref_slice %arg3[%mul3A_428] : memref<327680xi32, #tpu.memory_space<hbm>> -> memref<128xi32, #tpu.memory_space<hbm>>
      %dma_wait3A_430 = tpu.memref_slice %arg3[%mul3A_428] : memref<327680xi32, #tpu.memory_space<hbm>> -> memref<128xi32, #tpu.memory_space<hbm>>
      tpu.wait_dma2 semaphore(%arg24 : memref<!tpu.dma_semaphore, #tpu.memory_space<semaphore_mem>>) src(%dma_wait3A_430 : memref<128xi32, #tpu.memory_space<hbm>>) dst(%arg9 : memref<128xi32, #tpu.memory_space<vmem>>)
      %dma_wait3A_431 = tpu.memref_slice %arg4[%mul3A_428] : memref<327680xi32, #tpu.memory_space<hbm>> -> memref<128xi32, #tpu.memory_space<hbm>>
      %dma_wait3A_432 = tpu.memref_slice %arg4[%mul3A_428] : memref<327680xi32, #tpu.memory_space<hbm>> -> memref<128xi32, #tpu.memory_space<hbm>>
      tpu.wait_dma2 semaphore(%arg26 : memref<!tpu.dma_semaphore, #tpu.memory_space<semaphore_mem>>) src(%dma_wait3A_432 : memref<128xi32, #tpu.memory_space<hbm>>) dst(%arg11 : memref<128xi32, #tpu.memory_space<vmem>>)
      %dma_start3A_433 = arith.constant 2 : i32
      %dma_start3A_434 = arith.constant 0 : i32
      %dma_start3A_435 = arith.constant 0 : i32
      %dma_start3A_436 = tpu.memref_slice %arg14[%dma_start3A_433, %dma_start3A_434, %dma_start3A_435] : memref<3x128x128xf32, #tpu.memory_space<vmem>> -> memref<1x128x128xf32, #tpu.memory_space<vmem>>
      %dma_start3A_437 = tpu.memref_squeeze %dma_start3A_436 : memref<1x128x128xf32, #tpu.memory_space<vmem>> -> memref<128x128xf32, #tpu.memory_space<vmem>>
      %dma_start3A_438 = arith.constant 0 : i32
      %dma_start3A_439 = arith.constant 0 : i32
      %dma_start3A_440 = tpu.memref_slice %arg2[%dma_start3A_438, %dma_start3A_439] : memref<10000x128xf32, #tpu.memory_space<hbm>> -> memref<10000x128xf32, #tpu.memory_space<hbm>>
      tpu.enqueue_indirect_dma source(%dma_start3A_440 : memref<10000x128xf32, #tpu.memory_space<hbm>>) target(%dma_start3A_437 : memref<128x128xf32, #tpu.memory_space<vmem>>) offsets(%arg9 : memref<128xi32, #tpu.memory_space<vmem>>) semaphore(%arg17 : memref<!tpu.dma_semaphore, #tpu.memory_space<semaphore_mem>>)
      %add3A_441 = arith.constant 2 : i32
      %add3A_442 = arith.addi %add3A_415, %add3A_441 : i32
      %add3A_443 = arith.addi %mul3A_2, %add3A_442 : i32
      %mul3A_444 = arith.constant 128 : i32
      %mul3A_445 = arith.muli %add3A_443, %mul3A_444 : i32
      %dma_start3A_446 = tpu.memref_slice %arg3[%mul3A_445] : memref<327680xi32, #tpu.memory_space<hbm>> -> memref<128xi32, #tpu.memory_space<hbm>>
      %dma_start3A_447 = tpu.memref_slice %arg3[%mul3A_445] : memref<327680xi32, #tpu.memory_space<hbm>> -> memref<128xi32, #tpu.memory_space<hbm>>
      tpu.enqueue_dma source(%dma_start3A_447 : memref<128xi32, #tpu.memory_space<hbm>>) target(%arg7 : memref<128xi32, #tpu.memory_space<vmem>>) target_semaphore(%arg22 : memref<!tpu.dma_semaphore, #tpu.memory_space<semaphore_mem>>)
      %dma_start3A_448 = tpu.memref_slice %arg4[%mul3A_445] : memref<327680xi32, #tpu.memory_space<hbm>> -> memref<128xi32, #tpu.memory_space<hbm>>
      %dma_start3A_449 = tpu.memref_slice %arg4[%mul3A_445] : memref<327680xi32, #tpu.memory_space<hbm>> -> memref<128xi32, #tpu.memory_space<hbm>>
      tpu.enqueue_dma source(%dma_start3A_449 : memref<128xi32, #tpu.memory_space<hbm>>) target(%arg12 : memref<128xi32, #tpu.memory_space<vmem>>) target_semaphore(%arg27 : memref<!tpu.dma_semaphore, #tpu.memory_space<semaphore_mem>>)
      %dma_wait3A_450 = arith.constant 1 : i32
      %dma_wait3A_451 = arith.constant 0 : i32
      %dma_wait3A_452 = arith.constant 0 : i32
      %dma_wait3A_453 = tpu.memref_slice %arg14[%dma_wait3A_450, %dma_wait3A_451, %dma_wait3A_452] : memref<3x128x128xf32, #tpu.memory_space<vmem>> -> memref<1x128x128xf32, #tpu.memory_space<vmem>>
      %dma_wait3A_454 = tpu.memref_squeeze %dma_wait3A_453 : memref<1x128x128xf32, #tpu.memory_space<vmem>> -> memref<128x128xf32, #tpu.memory_space<vmem>>
      %dma_wait3A_455 = arith.constant 0 : i32
      %dma_wait3A_456 = arith.constant 0 : i32
      %dma_wait3A_457 = tpu.memref_slice %arg2[%dma_wait3A_455, %dma_wait3A_456] : memref<10000x128xf32, #tpu.memory_space<hbm>> -> memref<10000x128xf32, #tpu.memory_space<hbm>>
      tpu.wait_indirect_dma semaphore(%arg16 : memref<!tpu.dma_semaphore, #tpu.memory_space<semaphore_mem>>) src(%dma_wait3A_457 : memref<10000x128xf32, #tpu.memory_space<hbm>>) dst(%dma_wait3A_454 : memref<128x128xf32, #tpu.memory_space<vmem>>)
      %dma_start3A_458 = arith.constant 1 : i32
      %dma_start3A_459 = arith.constant 0 : i32
      %dma_start3A_460 = arith.constant 0 : i32
      %dma_start3A_461 = tpu.memref_slice %arg14[%dma_start3A_458, %dma_start3A_459, %dma_start3A_460] : memref<3x128x128xf32, #tpu.memory_space<vmem>> -> memref<1x128x128xf32, #tpu.memory_space<vmem>>
      %dma_start3A_462 = tpu.memref_squeeze %dma_start3A_461 : memref<1x128x128xf32, #tpu.memory_space<vmem>> -> memref<128x128xf32, #tpu.memory_space<vmem>>
      %dma_start3A_463 = arith.constant 0 : i32
      %dma_start3A_464 = arith.constant 0 : i32
      %dma_start3A_465 = tpu.memref_slice %arg15[%dma_start3A_463, %dma_start3A_464] : memref<10016x128xf32, #tpu.memory_space<vmem_shared>> -> memref<10016x128xf32, #tpu.memory_space<vmem_shared>>
      tpu.enqueue_indirect_dma source(%dma_start3A_462 : memref<128x128xf32, #tpu.memory_space<vmem>>) target(%dma_start3A_465 : memref<10016x128xf32, #tpu.memory_space<vmem_shared>>) offsets(%arg10 : memref<128xi32, #tpu.memory_space<vmem>>) semaphore(%arg18 : memref<!tpu.dma_semaphore, #tpu.memory_space<semaphore_mem>>) {add = true}
      %add3A_466 = arith.constant 1 : i32
      %add3A_467 = arith.addi %add3A_413, %add3A_466 : i32
      %dma_wait3A_468 = arith.constant 0 : i32
      %dma_wait3A_469 = arith.constant 0 : i32
      %dma_wait3A_470 = arith.constant 0 : i32
      %dma_wait3A_471 = tpu.memref_slice %arg14[%dma_wait3A_468, %dma_wait3A_469, %dma_wait3A_470] : memref<3x128x128xf32, #tpu.memory_space<vmem>> -> memref<1x128x128xf32, #tpu.memory_space<vmem>>
      %dma_wait3A_472 = tpu.memref_squeeze %dma_wait3A_471 : memref<1x128x128xf32, #tpu.memory_space<vmem>> -> memref<128x128xf32, #tpu.memory_space<vmem>>
      %dma_wait3A_473 = arith.constant 0 : i32
      %dma_wait3A_474 = arith.constant 0 : i32
      %dma_wait3A_475 = tpu.memref_slice %arg15[%dma_wait3A_473, %dma_wait3A_474] : memref<10016x128xf32, #tpu.memory_space<vmem_shared>> -> memref<10016x128xf32, #tpu.memory_space<vmem_shared>>
      tpu.wait_indirect_dma semaphore(%arg21 : memref<!tpu.dma_semaphore, #tpu.memory_space<semaphore_mem>>) src(%dma_wait3A_472 : memref<128x128xf32, #tpu.memory_space<vmem>>) dst(%dma_wait3A_475 : memref<10016x128xf32, #tpu.memory_space<vmem_shared>>)
      %add3A_476 = arith.constant 1 : i32
      %add3A_477 = arith.addi %add3A_467, %add3A_476 : i32
      %add3A_478 = arith.addi %mul3A_2, %add3A_477 : i32
      %mul3A_479 = arith.constant 128 : i32
      %mul3A_480 = arith.muli %add3A_478, %mul3A_479 : i32
      %dma_wait3A_481 = tpu.memref_slice %arg3[%mul3A_480] : memref<327680xi32, #tpu.memory_space<hbm>> -> memref<128xi32, #tpu.memory_space<hbm>>
      %dma_wait3A_482 = tpu.memref_slice %arg3[%mul3A_480] : memref<327680xi32, #tpu.memory_space<hbm>> -> memref<128xi32, #tpu.memory_space<hbm>>
      tpu.wait_dma2 semaphore(%arg22 : memref<!tpu.dma_semaphore, #tpu.memory_space<semaphore_mem>>) src(%dma_wait3A_482 : memref<128xi32, #tpu.memory_space<hbm>>) dst(%arg7 : memref<128xi32, #tpu.memory_space<vmem>>)
      %dma_wait3A_483 = tpu.memref_slice %arg4[%mul3A_480] : memref<327680xi32, #tpu.memory_space<hbm>> -> memref<128xi32, #tpu.memory_space<hbm>>
      %dma_wait3A_484 = tpu.memref_slice %arg4[%mul3A_480] : memref<327680xi32, #tpu.memory_space<hbm>> -> memref<128xi32, #tpu.memory_space<hbm>>
      tpu.wait_dma2 semaphore(%arg27 : memref<!tpu.dma_semaphore, #tpu.memory_space<semaphore_mem>>) src(%dma_wait3A_484 : memref<128xi32, #tpu.memory_space<hbm>>) dst(%arg12 : memref<128xi32, #tpu.memory_space<vmem>>)
      %dma_start3A_485 = arith.constant 0 : i32
      %dma_start3A_486 = arith.constant 0 : i32
      %dma_start3A_487 = arith.constant 0 : i32
      %dma_start3A_488 = tpu.memref_slice %arg14[%dma_start3A_485, %dma_start3A_486, %dma_start3A_487] : memref<3x128x128xf32, #tpu.memory_space<vmem>> -> memref<1x128x128xf32, #tpu.memory_space<vmem>>
      %dma_start3A_489 = tpu.memref_squeeze %dma_start3A_488 : memref<1x128x128xf32, #tpu.memory_space<vmem>> -> memref<128x128xf32, #tpu.memory_space<vmem>>
      %dma_start3A_490 = arith.constant 0 : i32
      %dma_start3A_491 = arith.constant 0 : i32
      %dma_start3A_492 = tpu.memref_slice %arg2[%dma_start3A_490, %dma_start3A_491] : memref<10000x128xf32, #tpu.memory_space<hbm>> -> memref<10000x128xf32, #tpu.memory_space<hbm>>
      tpu.enqueue_indirect_dma source(%dma_start3A_492 : memref<10000x128xf32, #tpu.memory_space<hbm>>) target(%dma_start3A_489 : memref<128x128xf32, #tpu.memory_space<vmem>>) offsets(%arg7 : memref<128xi32, #tpu.memory_space<vmem>>) semaphore(%arg16 : memref<!tpu.dma_semaphore, #tpu.memory_space<semaphore_mem>>)
      %add3A_493 = arith.constant 2 : i32
      %add3A_494 = arith.addi %add3A_467, %add3A_493 : i32
      %add3A_495 = arith.addi %mul3A_2, %add3A_494 : i32
      %mul3A_496 = arith.constant 128 : i32
      %mul3A_497 = arith.muli %add3A_495, %mul3A_496 : i32
      %dma_start3A_498 = tpu.memref_slice %arg3[%mul3A_497] : memref<327680xi32, #tpu.memory_space<hbm>> -> memref<128xi32, #tpu.memory_space<hbm>>
      %dma_start3A_499 = tpu.memref_slice %arg3[%mul3A_497] : memref<327680xi32, #tpu.memory_space<hbm>> -> memref<128xi32, #tpu.memory_space<hbm>>
      tpu.enqueue_dma source(%dma_start3A_499 : memref<128xi32, #tpu.memory_space<hbm>>) target(%arg8 : memref<128xi32, #tpu.memory_space<vmem>>) target_semaphore(%arg23 : memref<!tpu.dma_semaphore, #tpu.memory_space<semaphore_mem>>)
      %dma_start3A_500 = tpu.memref_slice %arg4[%mul3A_497] : memref<327680xi32, #tpu.memory_space<hbm>> -> memref<128xi32, #tpu.memory_space<hbm>>
      %dma_start3A_501 = tpu.memref_slice %arg4[%mul3A_497] : memref<327680xi32, #tpu.memory_space<hbm>> -> memref<128xi32, #tpu.memory_space<hbm>>
      tpu.enqueue_dma source(%dma_start3A_501 : memref<128xi32, #tpu.memory_space<hbm>>) target(%arg13 : memref<128xi32, #tpu.memory_space<vmem>>) target_semaphore(%arg28 : memref<!tpu.dma_semaphore, #tpu.memory_space<semaphore_mem>>)
      %dma_wait3A_502 = arith.constant 2 : i32
      %dma_wait3A_503 = arith.constant 0 : i32
      %dma_wait3A_504 = arith.constant 0 : i32
      %dma_wait3A_505 = tpu.memref_slice %arg14[%dma_wait3A_502, %dma_wait3A_503, %dma_wait3A_504] : memref<3x128x128xf32, #tpu.memory_space<vmem>> -> memref<1x128x128xf32, #tpu.memory_space<vmem>>
      %dma_wait3A_506 = tpu.memref_squeeze %dma_wait3A_505 : memref<1x128x128xf32, #tpu.memory_space<vmem>> -> memref<128x128xf32, #tpu.memory_space<vmem>>
      %dma_wait3A_507 = arith.constant 0 : i32
      %dma_wait3A_508 = arith.constant 0 : i32
      %dma_wait3A_509 = tpu.memref_slice %arg2[%dma_wait3A_507, %dma_wait3A_508] : memref<10000x128xf32, #tpu.memory_space<hbm>> -> memref<10000x128xf32, #tpu.memory_space<hbm>>
      tpu.wait_indirect_dma semaphore(%arg17 : memref<!tpu.dma_semaphore, #tpu.memory_space<semaphore_mem>>) src(%dma_wait3A_509 : memref<10000x128xf32, #tpu.memory_space<hbm>>) dst(%dma_wait3A_506 : memref<128x128xf32, #tpu.memory_space<vmem>>)
      %dma_start3A_510 = arith.constant 2 : i32
      %dma_start3A_511 = arith.constant 0 : i32
      %dma_start3A_512 = arith.constant 0 : i32
      %dma_start3A_513 = tpu.memref_slice %arg14[%dma_start3A_510, %dma_start3A_511, %dma_start3A_512] : memref<3x128x128xf32, #tpu.memory_space<vmem>> -> memref<1x128x128xf32, #tpu.memory_space<vmem>>
      %dma_start3A_514 = tpu.memref_squeeze %dma_start3A_513 : memref<1x128x128xf32, #tpu.memory_space<vmem>> -> memref<128x128xf32, #tpu.memory_space<vmem>>
      %dma_start3A_515 = arith.constant 0 : i32
      %dma_start3A_516 = arith.constant 0 : i32
      %dma_start3A_517 = tpu.memref_slice %arg15[%dma_start3A_515, %dma_start3A_516] : memref<10016x128xf32, #tpu.memory_space<vmem_shared>> -> memref<10016x128xf32, #tpu.memory_space<vmem_shared>>
      tpu.enqueue_indirect_dma source(%dma_start3A_514 : memref<128x128xf32, #tpu.memory_space<vmem>>) target(%dma_start3A_517 : memref<10016x128xf32, #tpu.memory_space<vmem_shared>>) offsets(%arg11 : memref<128xi32, #tpu.memory_space<vmem>>) semaphore(%arg19 : memref<!tpu.dma_semaphore, #tpu.memory_space<semaphore_mem>>) {add = true}
      %add3A_518 = arith.constant 2 : i32
      %add3A_519 = arith.addi %add3A_413, %add3A_518 : i32
      %dma_wait3A_520 = arith.constant 1 : i32
      %dma_wait3A_521 = arith.constant 0 : i32
      %dma_wait3A_522 = arith.constant 0 : i32
      %dma_wait3A_523 = tpu.memref_slice %arg14[%dma_wait3A_520, %dma_wait3A_521, %dma_wait3A_522] : memref<3x128x128xf32, #tpu.memory_space<vmem>> -> memref<1x128x128xf32, #tpu.memory_space<vmem>>
      %dma_wait3A_524 = tpu.memref_squeeze %dma_wait3A_523 : memref<1x128x128xf32, #tpu.memory_space<vmem>> -> memref<128x128xf32, #tpu.memory_space<vmem>>
      %dma_wait3A_525 = arith.constant 0 : i32
      %dma_wait3A_526 = arith.constant 0 : i32
      %dma_wait3A_527 = tpu.memref_slice %arg15[%dma_wait3A_525, %dma_wait3A_526] : memref<10016x128xf32, #tpu.memory_space<vmem_shared>> -> memref<10016x128xf32, #tpu.memory_space<vmem_shared>>
      tpu.wait_indirect_dma semaphore(%arg18 : memref<!tpu.dma_semaphore, #tpu.memory_space<semaphore_mem>>) src(%dma_wait3A_524 : memref<128x128xf32, #tpu.memory_space<vmem>>) dst(%dma_wait3A_527 : memref<10016x128xf32, #tpu.memory_space<vmem_shared>>)
      %add3A_528 = arith.constant 1 : i32
      %add3A_529 = arith.addi %add3A_519, %add3A_528 : i32
      %add3A_530 = arith.addi %mul3A_2, %add3A_529 : i32
      %mul3A_531 = arith.constant 128 : i32
      %mul3A_532 = arith.muli %add3A_530, %mul3A_531 : i32
      %dma_wait3A_533 = tpu.memref_slice %arg3[%mul3A_532] : memref<327680xi32, #tpu.memory_space<hbm>> -> memref<128xi32, #tpu.memory_space<hbm>>
      %dma_wait3A_534 = tpu.memref_slice %arg3[%mul3A_532] : memref<327680xi32, #tpu.memory_space<hbm>> -> memref<128xi32, #tpu.memory_space<hbm>>
      tpu.wait_dma2 semaphore(%arg23 : memref<!tpu.dma_semaphore, #tpu.memory_space<semaphore_mem>>) src(%dma_wait3A_534 : memref<128xi32, #tpu.memory_space<hbm>>) dst(%arg8 : memref<128xi32, #tpu.memory_space<vmem>>)
      %dma_wait3A_535 = tpu.memref_slice %arg4[%mul3A_532] : memref<327680xi32, #tpu.memory_space<hbm>> -> memref<128xi32, #tpu.memory_space<hbm>>
      %dma_wait3A_536 = tpu.memref_slice %arg4[%mul3A_532] : memref<327680xi32, #tpu.memory_space<hbm>> -> memref<128xi32, #tpu.memory_space<hbm>>
      tpu.wait_dma2 semaphore(%arg28 : memref<!tpu.dma_semaphore, #tpu.memory_space<semaphore_mem>>) src(%dma_wait3A_536 : memref<128xi32, #tpu.memory_space<hbm>>) dst(%arg13 : memref<128xi32, #tpu.memory_space<vmem>>)
      %dma_start3A_537 = arith.constant 1 : i32
      %dma_start3A_538 = arith.constant 0 : i32
      %dma_start3A_539 = arith.constant 0 : i32
      %dma_start3A_540 = tpu.memref_slice %arg14[%dma_start3A_537, %dma_start3A_538, %dma_start3A_539] : memref<3x128x128xf32, #tpu.memory_space<vmem>> -> memref<1x128x128xf32, #tpu.memory_space<vmem>>
      %dma_start3A_541 = tpu.memref_squeeze %dma_start3A_540 : memref<1x128x128xf32, #tpu.memory_space<vmem>> -> memref<128x128xf32, #tpu.memory_space<vmem>>
      %dma_start3A_542 = arith.constant 0 : i32
      %dma_start3A_543 = arith.constant 0 : i32
      %dma_start3A_544 = tpu.memref_slice %arg2[%dma_start3A_542, %dma_start3A_543] : memref<10000x128xf32, #tpu.memory_space<hbm>> -> memref<10000x128xf32, #tpu.memory_space<hbm>>
      tpu.enqueue_indirect_dma source(%dma_start3A_544 : memref<10000x128xf32, #tpu.memory_space<hbm>>) target(%dma_start3A_541 : memref<128x128xf32, #tpu.memory_space<vmem>>) offsets(%arg8 : memref<128xi32, #tpu.memory_space<vmem>>) semaphore(%arg17 : memref<!tpu.dma_semaphore, #tpu.memory_space<semaphore_mem>>)
      %add3A_545 = arith.constant 2 : i32
      %add3A_546 = arith.addi %add3A_519, %add3A_545 : i32
      %add3A_547 = arith.addi %mul3A_2, %add3A_546 : i32
      %mul3A_548 = arith.constant 128 : i32
      %mul3A_549 = arith.muli %add3A_547, %mul3A_548 : i32
      %dma_start3A_550 = tpu.memref_slice %arg3[%mul3A_549] : memref<327680xi32, #tpu.memory_space<hbm>> -> memref<128xi32, #tpu.memory_space<hbm>>
      %dma_start3A_551 = tpu.memref_slice %arg3[%mul3A_549] : memref<327680xi32, #tpu.memory_space<hbm>> -> memref<128xi32, #tpu.memory_space<hbm>>
      tpu.enqueue_dma source(%dma_start3A_551 : memref<128xi32, #tpu.memory_space<hbm>>) target(%arg9 : memref<128xi32, #tpu.memory_space<vmem>>) target_semaphore(%arg24 : memref<!tpu.dma_semaphore, #tpu.memory_space<semaphore_mem>>)
      %dma_start3A_552 = tpu.memref_slice %arg4[%mul3A_549] : memref<327680xi32, #tpu.memory_space<hbm>> -> memref<128xi32, #tpu.memory_space<hbm>>
      %dma_start3A_553 = tpu.memref_slice %arg4[%mul3A_549] : memref<327680xi32, #tpu.memory_space<hbm>> -> memref<128xi32, #tpu.memory_space<hbm>>
      tpu.enqueue_dma source(%dma_start3A_553 : memref<128xi32, #tpu.memory_space<hbm>>) target(%arg10 : memref<128xi32, #tpu.memory_space<vmem>>) target_semaphore(%arg25 : memref<!tpu.dma_semaphore, #tpu.memory_space<semaphore_mem>>)
      %dma_wait3A_554 = arith.constant 0 : i32
      %dma_wait3A_555 = arith.constant 0 : i32
      %dma_wait3A_556 = arith.constant 0 : i32
      %dma_wait3A_557 = tpu.memref_slice %arg14[%dma_wait3A_554, %dma_wait3A_555, %dma_wait3A_556] : memref<3x128x128xf32, #tpu.memory_space<vmem>> -> memref<1x128x128xf32, #tpu.memory_space<vmem>>
      %dma_wait3A_558 = tpu.memref_squeeze %dma_wait3A_557 : memref<1x128x128xf32, #tpu.memory_space<vmem>> -> memref<128x128xf32, #tpu.memory_space<vmem>>
      %dma_wait3A_559 = arith.constant 0 : i32
      %dma_wait3A_560 = arith.constant 0 : i32
      %dma_wait3A_561 = tpu.memref_slice %arg2[%dma_wait3A_559, %dma_wait3A_560] : memref<10000x128xf32, #tpu.memory_space<hbm>> -> memref<10000x128xf32, #tpu.memory_space<hbm>>
      tpu.wait_indirect_dma semaphore(%arg16 : memref<!tpu.dma_semaphore, #tpu.memory_space<semaphore_mem>>) src(%dma_wait3A_561 : memref<10000x128xf32, #tpu.memory_space<hbm>>) dst(%dma_wait3A_558 : memref<128x128xf32, #tpu.memory_space<vmem>>)
      %dma_start3A_562 = arith.constant 0 : i32
      %dma_start3A_563 = arith.constant 0 : i32
      %dma_start3A_564 = arith.constant 0 : i32
      %dma_start3A_565 = tpu.memref_slice %arg14[%dma_start3A_562, %dma_start3A_563, %dma_start3A_564] : memref<3x128x128xf32, #tpu.memory_space<vmem>> -> memref<1x128x128xf32, #tpu.memory_space<vmem>>
      %dma_start3A_566 = tpu.memref_squeeze %dma_start3A_565 : memref<1x128x128xf32, #tpu.memory_space<vmem>> -> memref<128x128xf32, #tpu.memory_space<vmem>>
      %dma_start3A_567 = arith.constant 0 : i32
      %dma_start3A_568 = arith.constant 0 : i32
      %dma_start3A_569 = tpu.memref_slice %arg15[%dma_start3A_567, %dma_start3A_568] : memref<10016x128xf32, #tpu.memory_space<vmem_shared>> -> memref<10016x128xf32, #tpu.memory_space<vmem_shared>>
      tpu.enqueue_indirect_dma source(%dma_start3A_566 : memref<128x128xf32, #tpu.memory_space<vmem>>) target(%dma_start3A_569 : memref<10016x128xf32, #tpu.memory_space<vmem_shared>>) offsets(%arg12 : memref<128xi32, #tpu.memory_space<vmem>>) semaphore(%arg20 : memref<!tpu.dma_semaphore, #tpu.memory_space<semaphore_mem>>) {add = true}
      %add3A_570 = arith.constant 3 : i32
      %add3A_571 = arith.addi %add3A_413, %add3A_570 : i32
      %dma_wait3A_572 = arith.constant 2 : i32
      %dma_wait3A_573 = arith.constant 0 : i32
      %dma_wait3A_574 = arith.constant 0 : i32
      %dma_wait3A_575 = tpu.memref_slice %arg14[%dma_wait3A_572, %dma_wait3A_573, %dma_wait3A_574] : memref<3x128x128xf32, #tpu.memory_space<vmem>> -> memref<1x128x128xf32, #tpu.memory_space<vmem>>
      %dma_wait3A_576 = tpu.memref_squeeze %dma_wait3A_575 : memref<1x128x128xf32, #tpu.memory_space<vmem>> -> memref<128x128xf32, #tpu.memory_space<vmem>>
      %dma_wait3A_577 = arith.constant 0 : i32
      %dma_wait3A_578 = arith.constant 0 : i32
      %dma_wait3A_579 = tpu.memref_slice %arg15[%dma_wait3A_577, %dma_wait3A_578] : memref<10016x128xf32, #tpu.memory_space<vmem_shared>> -> memref<10016x128xf32, #tpu.memory_space<vmem_shared>>
      tpu.wait_indirect_dma semaphore(%arg19 : memref<!tpu.dma_semaphore, #tpu.memory_space<semaphore_mem>>) src(%dma_wait3A_576 : memref<128x128xf32, #tpu.memory_space<vmem>>) dst(%dma_wait3A_579 : memref<10016x128xf32, #tpu.memory_space<vmem_shared>>)
      %add3A_580 = arith.constant 1 : i32
      %add3A_581 = arith.addi %add3A_571, %add3A_580 : i32
      %add3A_582 = arith.addi %mul3A_2, %add3A_581 : i32
      %mul3A_583 = arith.constant 128 : i32
      %mul3A_584 = arith.muli %add3A_582, %mul3A_583 : i32
      %dma_wait3A_585 = tpu.memref_slice %arg3[%mul3A_584] : memref<327680xi32, #tpu.memory_space<hbm>> -> memref<128xi32, #tpu.memory_space<hbm>>
      %dma_wait3A_586 = tpu.memref_slice %arg3[%mul3A_584] : memref<327680xi32, #tpu.memory_space<hbm>> -> memref<128xi32, #tpu.memory_space<hbm>>
      tpu.wait_dma2 semaphore(%arg24 : memref<!tpu.dma_semaphore, #tpu.memory_space<semaphore_mem>>) src(%dma_wait3A_586 : memref<128xi32, #tpu.memory_space<hbm>>) dst(%arg9 : memref<128xi32, #tpu.memory_space<vmem>>)
      %dma_wait3A_587 = tpu.memref_slice %arg4[%mul3A_584] : memref<327680xi32, #tpu.memory_space<hbm>> -> memref<128xi32, #tpu.memory_space<hbm>>
      %dma_wait3A_588 = tpu.memref_slice %arg4[%mul3A_584] : memref<327680xi32, #tpu.memory_space<hbm>> -> memref<128xi32, #tpu.memory_space<hbm>>
      tpu.wait_dma2 semaphore(%arg25 : memref<!tpu.dma_semaphore, #tpu.memory_space<semaphore_mem>>) src(%dma_wait3A_588 : memref<128xi32, #tpu.memory_space<hbm>>) dst(%arg10 : memref<128xi32, #tpu.memory_space<vmem>>)
      %dma_start3A_589 = arith.constant 2 : i32
      %dma_start3A_590 = arith.constant 0 : i32
      %dma_start3A_591 = arith.constant 0 : i32
      %dma_start3A_592 = tpu.memref_slice %arg14[%dma_start3A_589, %dma_start3A_590, %dma_start3A_591] : memref<3x128x128xf32, #tpu.memory_space<vmem>> -> memref<1x128x128xf32, #tpu.memory_space<vmem>>
      %dma_start3A_593 = tpu.memref_squeeze %dma_start3A_592 : memref<1x128x128xf32, #tpu.memory_space<vmem>> -> memref<128x128xf32, #tpu.memory_space<vmem>>
      %dma_start3A_594 = arith.constant 0 : i32
      %dma_start3A_595 = arith.constant 0 : i32
      %dma_start3A_596 = tpu.memref_slice %arg2[%dma_start3A_594, %dma_start3A_595] : memref<10000x128xf32, #tpu.memory_space<hbm>> -> memref<10000x128xf32, #tpu.memory_space<hbm>>
      tpu.enqueue_indirect_dma source(%dma_start3A_596 : memref<10000x128xf32, #tpu.memory_space<hbm>>) target(%dma_start3A_593 : memref<128x128xf32, #tpu.memory_space<vmem>>) offsets(%arg9 : memref<128xi32, #tpu.memory_space<vmem>>) semaphore(%arg16 : memref<!tpu.dma_semaphore, #tpu.memory_space<semaphore_mem>>)
      %add3A_597 = arith.constant 2 : i32
      %add3A_598 = arith.addi %add3A_571, %add3A_597 : i32
      %add3A_599 = arith.addi %mul3A_2, %add3A_598 : i32
      %mul3A_600 = arith.constant 128 : i32
      %mul3A_601 = arith.muli %add3A_599, %mul3A_600 : i32
      %dma_start3A_602 = tpu.memref_slice %arg3[%mul3A_601] : memref<327680xi32, #tpu.memory_space<hbm>> -> memref<128xi32, #tpu.memory_space<hbm>>
      %dma_start3A_603 = tpu.memref_slice %arg3[%mul3A_601] : memref<327680xi32, #tpu.memory_space<hbm>> -> memref<128xi32, #tpu.memory_space<hbm>>
      tpu.enqueue_dma source(%dma_start3A_603 : memref<128xi32, #tpu.memory_space<hbm>>) target(%arg7 : memref<128xi32, #tpu.memory_space<vmem>>) target_semaphore(%arg22 : memref<!tpu.dma_semaphore, #tpu.memory_space<semaphore_mem>>)
      %dma_start3A_604 = tpu.memref_slice %arg4[%mul3A_601] : memref<327680xi32, #tpu.memory_space<hbm>> -> memref<128xi32, #tpu.memory_space<hbm>>
      %dma_start3A_605 = tpu.memref_slice %arg4[%mul3A_601] : memref<327680xi32, #tpu.memory_space<hbm>> -> memref<128xi32, #tpu.memory_space<hbm>>
      tpu.enqueue_dma source(%dma_start3A_605 : memref<128xi32, #tpu.memory_space<hbm>>) target(%arg11 : memref<128xi32, #tpu.memory_space<vmem>>) target_semaphore(%arg26 : memref<!tpu.dma_semaphore, #tpu.memory_space<semaphore_mem>>)
      %dma_wait3A_606 = arith.constant 1 : i32
      %dma_wait3A_607 = arith.constant 0 : i32
      %dma_wait3A_608 = arith.constant 0 : i32
      %dma_wait3A_609 = tpu.memref_slice %arg14[%dma_wait3A_606, %dma_wait3A_607, %dma_wait3A_608] : memref<3x128x128xf32, #tpu.memory_space<vmem>> -> memref<1x128x128xf32, #tpu.memory_space<vmem>>
      %dma_wait3A_610 = tpu.memref_squeeze %dma_wait3A_609 : memref<1x128x128xf32, #tpu.memory_space<vmem>> -> memref<128x128xf32, #tpu.memory_space<vmem>>
      %dma_wait3A_611 = arith.constant 0 : i32
      %dma_wait3A_612 = arith.constant 0 : i32
      %dma_wait3A_613 = tpu.memref_slice %arg2[%dma_wait3A_611, %dma_wait3A_612] : memref<10000x128xf32, #tpu.memory_space<hbm>> -> memref<10000x128xf32, #tpu.memory_space<hbm>>
      tpu.wait_indirect_dma semaphore(%arg17 : memref<!tpu.dma_semaphore, #tpu.memory_space<semaphore_mem>>) src(%dma_wait3A_613 : memref<10000x128xf32, #tpu.memory_space<hbm>>) dst(%dma_wait3A_610 : memref<128x128xf32, #tpu.memory_space<vmem>>)
      %dma_start3A_614 = arith.constant 1 : i32
      %dma_start3A_615 = arith.constant 0 : i32
      %dma_start3A_616 = arith.constant 0 : i32
      %dma_start3A_617 = tpu.memref_slice %arg14[%dma_start3A_614, %dma_start3A_615, %dma_start3A_616] : memref<3x128x128xf32, #tpu.memory_space<vmem>> -> memref<1x128x128xf32, #tpu.memory_space<vmem>>
      %dma_start3A_618 = tpu.memref_squeeze %dma_start3A_617 : memref<1x128x128xf32, #tpu.memory_space<vmem>> -> memref<128x128xf32, #tpu.memory_space<vmem>>
      %dma_start3A_619 = arith.constant 0 : i32
      %dma_start3A_620 = arith.constant 0 : i32
      %dma_start3A_621 = tpu.memref_slice %arg15[%dma_start3A_619, %dma_start3A_620] : memref<10016x128xf32, #tpu.memory_space<vmem_shared>> -> memref<10016x128xf32, #tpu.memory_space<vmem_shared>>
      tpu.enqueue_indirect_dma source(%dma_start3A_618 : memref<128x128xf32, #tpu.memory_space<vmem>>) target(%dma_start3A_621 : memref<10016x128xf32, #tpu.memory_space<vmem_shared>>) offsets(%arg13 : memref<128xi32, #tpu.memory_space<vmem>>) semaphore(%arg21 : memref<!tpu.dma_semaphore, #tpu.memory_space<semaphore_mem>>) {add = true}
      %add3A_622 = arith.constant 4 : i32
      %add3A_623 = arith.addi %add3A_413, %add3A_622 : i32
      %dma_wait3A_624 = arith.constant 0 : i32
      %dma_wait3A_625 = arith.constant 0 : i32
      %dma_wait3A_626 = arith.constant 0 : i32
      %dma_wait3A_627 = tpu.memref_slice %arg14[%dma_wait3A_624, %dma_wait3A_625, %dma_wait3A_626] : memref<3x128x128xf32, #tpu.memory_space<vmem>> -> memref<1x128x128xf32, #tpu.memory_space<vmem>>
      %dma_wait3A_628 = tpu.memref_squeeze %dma_wait3A_627 : memref<1x128x128xf32, #tpu.memory_space<vmem>> -> memref<128x128xf32, #tpu.memory_space<vmem>>
      %dma_wait3A_629 = arith.constant 0 : i32
      %dma_wait3A_630 = arith.constant 0 : i32
      %dma_wait3A_631 = tpu.memref_slice %arg15[%dma_wait3A_629, %dma_wait3A_630] : memref<10016x128xf32, #tpu.memory_space<vmem_shared>> -> memref<10016x128xf32, #tpu.memory_space<vmem_shared>>
      tpu.wait_indirect_dma semaphore(%arg20 : memref<!tpu.dma_semaphore, #tpu.memory_space<semaphore_mem>>) src(%dma_wait3A_628 : memref<128x128xf32, #tpu.memory_space<vmem>>) dst(%dma_wait3A_631 : memref<10016x128xf32, #tpu.memory_space<vmem_shared>>)
      %add3A_632 = arith.constant 1 : i32
      %add3A_633 = arith.addi %add3A_623, %add3A_632 : i32
      %add3A_634 = arith.addi %mul3A_2, %add3A_633 : i32
      %mul3A_635 = arith.constant 128 : i32
      %mul3A_636 = arith.muli %add3A_634, %mul3A_635 : i32
      %dma_wait3A_637 = tpu.memref_slice %arg3[%mul3A_636] : memref<327680xi32, #tpu.memory_space<hbm>> -> memref<128xi32, #tpu.memory_space<hbm>>
      %dma_wait3A_638 = tpu.memref_slice %arg3[%mul3A_636] : memref<327680xi32, #tpu.memory_space<hbm>> -> memref<128xi32, #tpu.memory_space<hbm>>
      tpu.wait_dma2 semaphore(%arg22 : memref<!tpu.dma_semaphore, #tpu.memory_space<semaphore_mem>>) src(%dma_wait3A_638 : memref<128xi32, #tpu.memory_space<hbm>>) dst(%arg7 : memref<128xi32, #tpu.memory_space<vmem>>)
      %dma_wait3A_639 = tpu.memref_slice %arg4[%mul3A_636] : memref<327680xi32, #tpu.memory_space<hbm>> -> memref<128xi32, #tpu.memory_space<hbm>>
      %dma_wait3A_640 = tpu.memref_slice %arg4[%mul3A_636] : memref<327680xi32, #tpu.memory_space<hbm>> -> memref<128xi32, #tpu.memory_space<hbm>>
      tpu.wait_dma2 semaphore(%arg26 : memref<!tpu.dma_semaphore, #tpu.memory_space<semaphore_mem>>) src(%dma_wait3A_640 : memref<128xi32, #tpu.memory_space<hbm>>) dst(%arg11 : memref<128xi32, #tpu.memory_space<vmem>>)
      %dma_start3A_641 = arith.constant 0 : i32
      %dma_start3A_642 = arith.constant 0 : i32
      %dma_start3A_643 = arith.constant 0 : i32
      %dma_start3A_644 = tpu.memref_slice %arg14[%dma_start3A_641, %dma_start3A_642, %dma_start3A_643] : memref<3x128x128xf32, #tpu.memory_space<vmem>> -> memref<1x128x128xf32, #tpu.memory_space<vmem>>
      %dma_start3A_645 = tpu.memref_squeeze %dma_start3A_644 : memref<1x128x128xf32, #tpu.memory_space<vmem>> -> memref<128x128xf32, #tpu.memory_space<vmem>>
      %dma_start3A_646 = arith.constant 0 : i32
      %dma_start3A_647 = arith.constant 0 : i32
      %dma_start3A_648 = tpu.memref_slice %arg2[%dma_start3A_646, %dma_start3A_647] : memref<10000x128xf32, #tpu.memory_space<hbm>> -> memref<10000x128xf32, #tpu.memory_space<hbm>>
      tpu.enqueue_indirect_dma source(%dma_start3A_648 : memref<10000x128xf32, #tpu.memory_space<hbm>>) target(%dma_start3A_645 : memref<128x128xf32, #tpu.memory_space<vmem>>) offsets(%arg7 : memref<128xi32, #tpu.memory_space<vmem>>) semaphore(%arg17 : memref<!tpu.dma_semaphore, #tpu.memory_space<semaphore_mem>>)
      %add3A_649 = arith.constant 2 : i32
      %add3A_650 = arith.addi %add3A_623, %add3A_649 : i32
      %add3A_651 = arith.addi %mul3A_2, %add3A_650 : i32
      %mul3A_652 = arith.constant 128 : i32
      %mul3A_653 = arith.muli %add3A_651, %mul3A_652 : i32
      %dma_start3A_654 = tpu.memref_slice %arg3[%mul3A_653] : memref<327680xi32, #tpu.memory_space<hbm>> -> memref<128xi32, #tpu.memory_space<hbm>>
      %dma_start3A_655 = tpu.memref_slice %arg3[%mul3A_653] : memref<327680xi32, #tpu.memory_space<hbm>> -> memref<128xi32, #tpu.memory_space<hbm>>
      tpu.enqueue_dma source(%dma_start3A_655 : memref<128xi32, #tpu.memory_space<hbm>>) target(%arg8 : memref<128xi32, #tpu.memory_space<vmem>>) target_semaphore(%arg23 : memref<!tpu.dma_semaphore, #tpu.memory_space<semaphore_mem>>)
      %dma_start3A_656 = tpu.memref_slice %arg4[%mul3A_653] : memref<327680xi32, #tpu.memory_space<hbm>> -> memref<128xi32, #tpu.memory_space<hbm>>
      %dma_start3A_657 = tpu.memref_slice %arg4[%mul3A_653] : memref<327680xi32, #tpu.memory_space<hbm>> -> memref<128xi32, #tpu.memory_space<hbm>>
      tpu.enqueue_dma source(%dma_start3A_657 : memref<128xi32, #tpu.memory_space<hbm>>) target(%arg12 : memref<128xi32, #tpu.memory_space<vmem>>) target_semaphore(%arg27 : memref<!tpu.dma_semaphore, #tpu.memory_space<semaphore_mem>>)
      %dma_wait3A_658 = arith.constant 2 : i32
      %dma_wait3A_659 = arith.constant 0 : i32
      %dma_wait3A_660 = arith.constant 0 : i32
      %dma_wait3A_661 = tpu.memref_slice %arg14[%dma_wait3A_658, %dma_wait3A_659, %dma_wait3A_660] : memref<3x128x128xf32, #tpu.memory_space<vmem>> -> memref<1x128x128xf32, #tpu.memory_space<vmem>>
      %dma_wait3A_662 = tpu.memref_squeeze %dma_wait3A_661 : memref<1x128x128xf32, #tpu.memory_space<vmem>> -> memref<128x128xf32, #tpu.memory_space<vmem>>
      %dma_wait3A_663 = arith.constant 0 : i32
      %dma_wait3A_664 = arith.constant 0 : i32
      %dma_wait3A_665 = tpu.memref_slice %arg2[%dma_wait3A_663, %dma_wait3A_664] : memref<10000x128xf32, #tpu.memory_space<hbm>> -> memref<10000x128xf32, #tpu.memory_space<hbm>>
      tpu.wait_indirect_dma semaphore(%arg16 : memref<!tpu.dma_semaphore, #tpu.memory_space<semaphore_mem>>) src(%dma_wait3A_665 : memref<10000x128xf32, #tpu.memory_space<hbm>>) dst(%dma_wait3A_662 : memref<128x128xf32, #tpu.memory_space<vmem>>)
      %dma_start3A_666 = arith.constant 2 : i32
      %dma_start3A_667 = arith.constant 0 : i32
      %dma_start3A_668 = arith.constant 0 : i32
      %dma_start3A_669 = tpu.memref_slice %arg14[%dma_start3A_666, %dma_start3A_667, %dma_start3A_668] : memref<3x128x128xf32, #tpu.memory_space<vmem>> -> memref<1x128x128xf32, #tpu.memory_space<vmem>>
      %dma_start3A_670 = tpu.memref_squeeze %dma_start3A_669 : memref<1x128x128xf32, #tpu.memory_space<vmem>> -> memref<128x128xf32, #tpu.memory_space<vmem>>
      %dma_start3A_671 = arith.constant 0 : i32
      %dma_start3A_672 = arith.constant 0 : i32
      %dma_start3A_673 = tpu.memref_slice %arg15[%dma_start3A_671, %dma_start3A_672] : memref<10016x128xf32, #tpu.memory_space<vmem_shared>> -> memref<10016x128xf32, #tpu.memory_space<vmem_shared>>
      tpu.enqueue_indirect_dma source(%dma_start3A_670 : memref<128x128xf32, #tpu.memory_space<vmem>>) target(%dma_start3A_673 : memref<10016x128xf32, #tpu.memory_space<vmem_shared>>) offsets(%arg10 : memref<128xi32, #tpu.memory_space<vmem>>) semaphore(%arg18 : memref<!tpu.dma_semaphore, #tpu.memory_space<semaphore_mem>>) {add = true}
      %add3A_674 = arith.constant 5 : i32
      %add3A_675 = arith.addi %add3A_413, %add3A_674 : i32
      %dma_wait3A_676 = arith.constant 1 : i32
      %dma_wait3A_677 = arith.constant 0 : i32
      %dma_wait3A_678 = arith.constant 0 : i32
      %dma_wait3A_679 = tpu.memref_slice %arg14[%dma_wait3A_676, %dma_wait3A_677, %dma_wait3A_678] : memref<3x128x128xf32, #tpu.memory_space<vmem>> -> memref<1x128x128xf32, #tpu.memory_space<vmem>>
      %dma_wait3A_680 = tpu.memref_squeeze %dma_wait3A_679 : memref<1x128x128xf32, #tpu.memory_space<vmem>> -> memref<128x128xf32, #tpu.memory_space<vmem>>
      %dma_wait3A_681 = arith.constant 0 : i32
      %dma_wait3A_682 = arith.constant 0 : i32
      %dma_wait3A_683 = tpu.memref_slice %arg15[%dma_wait3A_681, %dma_wait3A_682] : memref<10016x128xf32, #tpu.memory_space<vmem_shared>> -> memref<10016x128xf32, #tpu.memory_space<vmem_shared>>
      tpu.wait_indirect_dma semaphore(%arg21 : memref<!tpu.dma_semaphore, #tpu.memory_space<semaphore_mem>>) src(%dma_wait3A_680 : memref<128x128xf32, #tpu.memory_space<vmem>>) dst(%dma_wait3A_683 : memref<10016x128xf32, #tpu.memory_space<vmem_shared>>)
      %add3A_684 = arith.constant 1 : i32
      %add3A_685 = arith.addi %add3A_675, %add3A_684 : i32
      %add3A_686 = arith.addi %mul3A_2, %add3A_685 : i32
      %mul3A_687 = arith.constant 128 : i32
      %mul3A_688 = arith.muli %add3A_686, %mul3A_687 : i32
      %dma_wait3A_689 = tpu.memref_slice %arg3[%mul3A_688] : memref<327680xi32, #tpu.memory_space<hbm>> -> memref<128xi32, #tpu.memory_space<hbm>>
      %dma_wait3A_690 = tpu.memref_slice %arg3[%mul3A_688] : memref<327680xi32, #tpu.memory_space<hbm>> -> memref<128xi32, #tpu.memory_space<hbm>>
      tpu.wait_dma2 semaphore(%arg23 : memref<!tpu.dma_semaphore, #tpu.memory_space<semaphore_mem>>) src(%dma_wait3A_690 : memref<128xi32, #tpu.memory_space<hbm>>) dst(%arg8 : memref<128xi32, #tpu.memory_space<vmem>>)
      %dma_wait3A_691 = tpu.memref_slice %arg4[%mul3A_688] : memref<327680xi32, #tpu.memory_space<hbm>> -> memref<128xi32, #tpu.memory_space<hbm>>
      %dma_wait3A_692 = tpu.memref_slice %arg4[%mul3A_688] : memref<327680xi32, #tpu.memory_space<hbm>> -> memref<128xi32, #tpu.memory_space<hbm>>
      tpu.wait_dma2 semaphore(%arg27 : memref<!tpu.dma_semaphore, #tpu.memory_space<semaphore_mem>>) src(%dma_wait3A_692 : memref<128xi32, #tpu.memory_space<hbm>>) dst(%arg12 : memref<128xi32, #tpu.memory_space<vmem>>)
      %dma_start3A_693 = arith.constant 1 : i32
      %dma_start3A_694 = arith.constant 0 : i32
      %dma_start3A_695 = arith.constant 0 : i32
      %dma_start3A_696 = tpu.memref_slice %arg14[%dma_start3A_693, %dma_start3A_694, %dma_start3A_695] : memref<3x128x128xf32, #tpu.memory_space<vmem>> -> memref<1x128x128xf32, #tpu.memory_space<vmem>>
      %dma_start3A_697 = tpu.memref_squeeze %dma_start3A_696 : memref<1x128x128xf32, #tpu.memory_space<vmem>> -> memref<128x128xf32, #tpu.memory_space<vmem>>
      %dma_start3A_698 = arith.constant 0 : i32
      %dma_start3A_699 = arith.constant 0 : i32
      %dma_start3A_700 = tpu.memref_slice %arg2[%dma_start3A_698, %dma_start3A_699] : memref<10000x128xf32, #tpu.memory_space<hbm>> -> memref<10000x128xf32, #tpu.memory_space<hbm>>
      tpu.enqueue_indirect_dma source(%dma_start3A_700 : memref<10000x128xf32, #tpu.memory_space<hbm>>) target(%dma_start3A_697 : memref<128x128xf32, #tpu.memory_space<vmem>>) offsets(%arg8 : memref<128xi32, #tpu.memory_space<vmem>>) semaphore(%arg16 : memref<!tpu.dma_semaphore, #tpu.memory_space<semaphore_mem>>)
      %add3A_701 = arith.constant 2 : i32
      %add3A_702 = arith.addi %add3A_675, %add3A_701 : i32
      %add3A_703 = arith.addi %mul3A_2, %add3A_702 : i32
      %mul3A_704 = arith.constant 128 : i32
      %mul3A_705 = arith.muli %add3A_703, %mul3A_704 : i32
      %dma_start3A_706 = tpu.memref_slice %arg3[%mul3A_705] : memref<327680xi32, #tpu.memory_space<hbm>> -> memref<128xi32, #tpu.memory_space<hbm>>
      %dma_start3A_707 = tpu.memref_slice %arg3[%mul3A_705] : memref<327680xi32, #tpu.memory_space<hbm>> -> memref<128xi32, #tpu.memory_space<hbm>>
      tpu.enqueue_dma source(%dma_start3A_707 : memref<128xi32, #tpu.memory_space<hbm>>) target(%arg9 : memref<128xi32, #tpu.memory_space<vmem>>) target_semaphore(%arg24 : memref<!tpu.dma_semaphore, #tpu.memory_space<semaphore_mem>>)
      %dma_start3A_708 = tpu.memref_slice %arg4[%mul3A_705] : memref<327680xi32, #tpu.memory_space<hbm>> -> memref<128xi32, #tpu.memory_space<hbm>>
      %dma_start3A_709 = tpu.memref_slice %arg4[%mul3A_705] : memref<327680xi32, #tpu.memory_space<hbm>> -> memref<128xi32, #tpu.memory_space<hbm>>
      tpu.enqueue_dma source(%dma_start3A_709 : memref<128xi32, #tpu.memory_space<hbm>>) target(%arg13 : memref<128xi32, #tpu.memory_space<vmem>>) target_semaphore(%arg28 : memref<!tpu.dma_semaphore, #tpu.memory_space<semaphore_mem>>)
      %dma_wait3A_710 = arith.constant 0 : i32
      %dma_wait3A_711 = arith.constant 0 : i32
      %dma_wait3A_712 = arith.constant 0 : i32
      %dma_wait3A_713 = tpu.memref_slice %arg14[%dma_wait3A_710, %dma_wait3A_711, %dma_wait3A_712] : memref<3x128x128xf32, #tpu.memory_space<vmem>> -> memref<1x128x128xf32, #tpu.memory_space<vmem>>
      %dma_wait3A_714 = tpu.memref_squeeze %dma_wait3A_713 : memref<1x128x128xf32, #tpu.memory_space<vmem>> -> memref<128x128xf32, #tpu.memory_space<vmem>>
      %dma_wait3A_715 = arith.constant 0 : i32
      %dma_wait3A_716 = arith.constant 0 : i32
      %dma_wait3A_717 = tpu.memref_slice %arg2[%dma_wait3A_715, %dma_wait3A_716] : memref<10000x128xf32, #tpu.memory_space<hbm>> -> memref<10000x128xf32, #tpu.memory_space<hbm>>
      tpu.wait_indirect_dma semaphore(%arg17 : memref<!tpu.dma_semaphore, #tpu.memory_space<semaphore_mem>>) src(%dma_wait3A_717 : memref<10000x128xf32, #tpu.memory_space<hbm>>) dst(%dma_wait3A_714 : memref<128x128xf32, #tpu.memory_space<vmem>>)
      %dma_start3A_718 = arith.constant 0 : i32
      %dma_start3A_719 = arith.constant 0 : i32
      %dma_start3A_720 = arith.constant 0 : i32
      %dma_start3A_721 = tpu.memref_slice %arg14[%dma_start3A_718, %dma_start3A_719, %dma_start3A_720] : memref<3x128x128xf32, #tpu.memory_space<vmem>> -> memref<1x128x128xf32, #tpu.memory_space<vmem>>
      %dma_start3A_722 = tpu.memref_squeeze %dma_start3A_721 : memref<1x128x128xf32, #tpu.memory_space<vmem>> -> memref<128x128xf32, #tpu.memory_space<vmem>>
      %dma_start3A_723 = arith.constant 0 : i32
      %dma_start3A_724 = arith.constant 0 : i32
      %dma_start3A_725 = tpu.memref_slice %arg15[%dma_start3A_723, %dma_start3A_724] : memref<10016x128xf32, #tpu.memory_space<vmem_shared>> -> memref<10016x128xf32, #tpu.memory_space<vmem_shared>>
      tpu.enqueue_indirect_dma source(%dma_start3A_722 : memref<128x128xf32, #tpu.memory_space<vmem>>) target(%dma_start3A_725 : memref<10016x128xf32, #tpu.memory_space<vmem_shared>>) offsets(%arg11 : memref<128xi32, #tpu.memory_space<vmem>>) semaphore(%arg19 : memref<!tpu.dma_semaphore, #tpu.memory_space<semaphore_mem>>) {add = true}
      %add3A_726 = arith.constant 6 : i32
      %add3A_727 = arith.addi %add3A_413, %add3A_726 : i32
      %dma_wait3A_728 = arith.constant 2 : i32
      %dma_wait3A_729 = arith.constant 0 : i32
      %dma_wait3A_730 = arith.constant 0 : i32
      %dma_wait3A_731 = tpu.memref_slice %arg14[%dma_wait3A_728, %dma_wait3A_729, %dma_wait3A_730] : memref<3x128x128xf32, #tpu.memory_space<vmem>> -> memref<1x128x128xf32, #tpu.memory_space<vmem>>
      %dma_wait3A_732 = tpu.memref_squeeze %dma_wait3A_731 : memref<1x128x128xf32, #tpu.memory_space<vmem>> -> memref<128x128xf32, #tpu.memory_space<vmem>>
      %dma_wait3A_733 = arith.constant 0 : i32
      %dma_wait3A_734 = arith.constant 0 : i32
      %dma_wait3A_735 = tpu.memref_slice %arg15[%dma_wait3A_733, %dma_wait3A_734] : memref<10016x128xf32, #tpu.memory_space<vmem_shared>> -> memref<10016x128xf32, #tpu.memory_space<vmem_shared>>
      tpu.wait_indirect_dma semaphore(%arg18 : memref<!tpu.dma_semaphore, #tpu.memory_space<semaphore_mem>>) src(%dma_wait3A_732 : memref<128x128xf32, #tpu.memory_space<vmem>>) dst(%dma_wait3A_735 : memref<10016x128xf32, #tpu.memory_space<vmem_shared>>)
      %add3A_736 = arith.constant 1 : i32
      %add3A_737 = arith.addi %add3A_727, %add3A_736 : i32
      %add3A_738 = arith.addi %mul3A_2, %add3A_737 : i32
      %mul3A_739 = arith.constant 128 : i32
      %mul3A_740 = arith.muli %add3A_738, %mul3A_739 : i32
      %dma_wait3A_741 = tpu.memref_slice %arg3[%mul3A_740] : memref<327680xi32, #tpu.memory_space<hbm>> -> memref<128xi32, #tpu.memory_space<hbm>>
      %dma_wait3A_742 = tpu.memref_slice %arg3[%mul3A_740] : memref<327680xi32, #tpu.memory_space<hbm>> -> memref<128xi32, #tpu.memory_space<hbm>>
      tpu.wait_dma2 semaphore(%arg24 : memref<!tpu.dma_semaphore, #tpu.memory_space<semaphore_mem>>) src(%dma_wait3A_742 : memref<128xi32, #tpu.memory_space<hbm>>) dst(%arg9 : memref<128xi32, #tpu.memory_space<vmem>>)
      %dma_wait3A_743 = tpu.memref_slice %arg4[%mul3A_740] : memref<327680xi32, #tpu.memory_space<hbm>> -> memref<128xi32, #tpu.memory_space<hbm>>
      %dma_wait3A_744 = tpu.memref_slice %arg4[%mul3A_740] : memref<327680xi32, #tpu.memory_space<hbm>> -> memref<128xi32, #tpu.memory_space<hbm>>
      tpu.wait_dma2 semaphore(%arg28 : memref<!tpu.dma_semaphore, #tpu.memory_space<semaphore_mem>>) src(%dma_wait3A_744 : memref<128xi32, #tpu.memory_space<hbm>>) dst(%arg13 : memref<128xi32, #tpu.memory_space<vmem>>)
      %dma_start3A_745 = arith.constant 2 : i32
      %dma_start3A_746 = arith.constant 0 : i32
      %dma_start3A_747 = arith.constant 0 : i32
      %dma_start3A_748 = tpu.memref_slice %arg14[%dma_start3A_745, %dma_start3A_746, %dma_start3A_747] : memref<3x128x128xf32, #tpu.memory_space<vmem>> -> memref<1x128x128xf32, #tpu.memory_space<vmem>>
      %dma_start3A_749 = tpu.memref_squeeze %dma_start3A_748 : memref<1x128x128xf32, #tpu.memory_space<vmem>> -> memref<128x128xf32, #tpu.memory_space<vmem>>
      %dma_start3A_750 = arith.constant 0 : i32
      %dma_start3A_751 = arith.constant 0 : i32
      %dma_start3A_752 = tpu.memref_slice %arg2[%dma_start3A_750, %dma_start3A_751] : memref<10000x128xf32, #tpu.memory_space<hbm>> -> memref<10000x128xf32, #tpu.memory_space<hbm>>
      tpu.enqueue_indirect_dma source(%dma_start3A_752 : memref<10000x128xf32, #tpu.memory_space<hbm>>) target(%dma_start3A_749 : memref<128x128xf32, #tpu.memory_space<vmem>>) offsets(%arg9 : memref<128xi32, #tpu.memory_space<vmem>>) semaphore(%arg17 : memref<!tpu.dma_semaphore, #tpu.memory_space<semaphore_mem>>)
      %add3A_753 = arith.constant 2 : i32
      %add3A_754 = arith.addi %add3A_727, %add3A_753 : i32
      %add3A_755 = arith.addi %mul3A_2, %add3A_754 : i32
      %mul3A_756 = arith.constant 128 : i32
      %mul3A_757 = arith.muli %add3A_755, %mul3A_756 : i32
      %dma_start3A_758 = tpu.memref_slice %arg3[%mul3A_757] : memref<327680xi32, #tpu.memory_space<hbm>> -> memref<128xi32, #tpu.memory_space<hbm>>
      %dma_start3A_759 = tpu.memref_slice %arg3[%mul3A_757] : memref<327680xi32, #tpu.memory_space<hbm>> -> memref<128xi32, #tpu.memory_space<hbm>>
      tpu.enqueue_dma source(%dma_start3A_759 : memref<128xi32, #tpu.memory_space<hbm>>) target(%arg7 : memref<128xi32, #tpu.memory_space<vmem>>) target_semaphore(%arg22 : memref<!tpu.dma_semaphore, #tpu.memory_space<semaphore_mem>>)
      %dma_start3A_760 = tpu.memref_slice %arg4[%mul3A_757] : memref<327680xi32, #tpu.memory_space<hbm>> -> memref<128xi32, #tpu.memory_space<hbm>>
      %dma_start3A_761 = tpu.memref_slice %arg4[%mul3A_757] : memref<327680xi32, #tpu.memory_space<hbm>> -> memref<128xi32, #tpu.memory_space<hbm>>
      tpu.enqueue_dma source(%dma_start3A_761 : memref<128xi32, #tpu.memory_space<hbm>>) target(%arg10 : memref<128xi32, #tpu.memory_space<vmem>>) target_semaphore(%arg25 : memref<!tpu.dma_semaphore, #tpu.memory_space<semaphore_mem>>)
      %dma_wait3A_762 = arith.constant 1 : i32
      %dma_wait3A_763 = arith.constant 0 : i32
      %dma_wait3A_764 = arith.constant 0 : i32
      %dma_wait3A_765 = tpu.memref_slice %arg14[%dma_wait3A_762, %dma_wait3A_763, %dma_wait3A_764] : memref<3x128x128xf32, #tpu.memory_space<vmem>> -> memref<1x128x128xf32, #tpu.memory_space<vmem>>
      %dma_wait3A_766 = tpu.memref_squeeze %dma_wait3A_765 : memref<1x128x128xf32, #tpu.memory_space<vmem>> -> memref<128x128xf32, #tpu.memory_space<vmem>>
      %dma_wait3A_767 = arith.constant 0 : i32
      %dma_wait3A_768 = arith.constant 0 : i32
      %dma_wait3A_769 = tpu.memref_slice %arg2[%dma_wait3A_767, %dma_wait3A_768] : memref<10000x128xf32, #tpu.memory_space<hbm>> -> memref<10000x128xf32, #tpu.memory_space<hbm>>
      tpu.wait_indirect_dma semaphore(%arg16 : memref<!tpu.dma_semaphore, #tpu.memory_space<semaphore_mem>>) src(%dma_wait3A_769 : memref<10000x128xf32, #tpu.memory_space<hbm>>) dst(%dma_wait3A_766 : memref<128x128xf32, #tpu.memory_space<vmem>>)
      %dma_start3A_770 = arith.constant 1 : i32
      %dma_start3A_771 = arith.constant 0 : i32
      %dma_start3A_772 = arith.constant 0 : i32
      %dma_start3A_773 = tpu.memref_slice %arg14[%dma_start3A_770, %dma_start3A_771, %dma_start3A_772] : memref<3x128x128xf32, #tpu.memory_space<vmem>> -> memref<1x128x128xf32, #tpu.memory_space<vmem>>
      %dma_start3A_774 = tpu.memref_squeeze %dma_start3A_773 : memref<1x128x128xf32, #tpu.memory_space<vmem>> -> memref<128x128xf32, #tpu.memory_space<vmem>>
      %dma_start3A_775 = arith.constant 0 : i32
      %dma_start3A_776 = arith.constant 0 : i32
      %dma_start3A_777 = tpu.memref_slice %arg15[%dma_start3A_775, %dma_start3A_776] : memref<10016x128xf32, #tpu.memory_space<vmem_shared>> -> memref<10016x128xf32, #tpu.memory_space<vmem_shared>>
      tpu.enqueue_indirect_dma source(%dma_start3A_774 : memref<128x128xf32, #tpu.memory_space<vmem>>) target(%dma_start3A_777 : memref<10016x128xf32, #tpu.memory_space<vmem_shared>>) offsets(%arg12 : memref<128xi32, #tpu.memory_space<vmem>>) semaphore(%arg20 : memref<!tpu.dma_semaphore, #tpu.memory_space<semaphore_mem>>) {add = true}
      %add3A_778 = arith.constant 7 : i32
      %add3A_779 = arith.addi %add3A_413, %add3A_778 : i32
      %dma_wait3A_780 = arith.constant 0 : i32
      %dma_wait3A_781 = arith.constant 0 : i32
      %dma_wait3A_782 = arith.constant 0 : i32
      %dma_wait3A_783 = tpu.memref_slice %arg14[%dma_wait3A_780, %dma_wait3A_781, %dma_wait3A_782] : memref<3x128x128xf32, #tpu.memory_space<vmem>> -> memref<1x128x128xf32, #tpu.memory_space<vmem>>
      %dma_wait3A_784 = tpu.memref_squeeze %dma_wait3A_783 : memref<1x128x128xf32, #tpu.memory_space<vmem>> -> memref<128x128xf32, #tpu.memory_space<vmem>>
      %dma_wait3A_785 = arith.constant 0 : i32
      %dma_wait3A_786 = arith.constant 0 : i32
      %dma_wait3A_787 = tpu.memref_slice %arg15[%dma_wait3A_785, %dma_wait3A_786] : memref<10016x128xf32, #tpu.memory_space<vmem_shared>> -> memref<10016x128xf32, #tpu.memory_space<vmem_shared>>
      tpu.wait_indirect_dma semaphore(%arg19 : memref<!tpu.dma_semaphore, #tpu.memory_space<semaphore_mem>>) src(%dma_wait3A_784 : memref<128x128xf32, #tpu.memory_space<vmem>>) dst(%dma_wait3A_787 : memref<10016x128xf32, #tpu.memory_space<vmem_shared>>)
      %add3A_788 = arith.constant 1 : i32
      %add3A_789 = arith.addi %add3A_779, %add3A_788 : i32
      %add3A_790 = arith.addi %mul3A_2, %add3A_789 : i32
      %mul3A_791 = arith.constant 128 : i32
      %mul3A_792 = arith.muli %add3A_790, %mul3A_791 : i32
      %dma_wait3A_793 = tpu.memref_slice %arg3[%mul3A_792] : memref<327680xi32, #tpu.memory_space<hbm>> -> memref<128xi32, #tpu.memory_space<hbm>>
      %dma_wait3A_794 = tpu.memref_slice %arg3[%mul3A_792] : memref<327680xi32, #tpu.memory_space<hbm>> -> memref<128xi32, #tpu.memory_space<hbm>>
      tpu.wait_dma2 semaphore(%arg22 : memref<!tpu.dma_semaphore, #tpu.memory_space<semaphore_mem>>) src(%dma_wait3A_794 : memref<128xi32, #tpu.memory_space<hbm>>) dst(%arg7 : memref<128xi32, #tpu.memory_space<vmem>>)
      %dma_wait3A_795 = tpu.memref_slice %arg4[%mul3A_792] : memref<327680xi32, #tpu.memory_space<hbm>> -> memref<128xi32, #tpu.memory_space<hbm>>
      %dma_wait3A_796 = tpu.memref_slice %arg4[%mul3A_792] : memref<327680xi32, #tpu.memory_space<hbm>> -> memref<128xi32, #tpu.memory_space<hbm>>
      tpu.wait_dma2 semaphore(%arg25 : memref<!tpu.dma_semaphore, #tpu.memory_space<semaphore_mem>>) src(%dma_wait3A_796 : memref<128xi32, #tpu.memory_space<hbm>>) dst(%arg10 : memref<128xi32, #tpu.memory_space<vmem>>)
      %dma_start3A_797 = arith.constant 0 : i32
      %dma_start3A_798 = arith.constant 0 : i32
      %dma_start3A_799 = arith.constant 0 : i32
      %dma_start3A_800 = tpu.memref_slice %arg14[%dma_start3A_797, %dma_start3A_798, %dma_start3A_799] : memref<3x128x128xf32, #tpu.memory_space<vmem>> -> memref<1x128x128xf32, #tpu.memory_space<vmem>>
      %dma_start3A_801 = tpu.memref_squeeze %dma_start3A_800 : memref<1x128x128xf32, #tpu.memory_space<vmem>> -> memref<128x128xf32, #tpu.memory_space<vmem>>
      %dma_start3A_802 = arith.constant 0 : i32
      %dma_start3A_803 = arith.constant 0 : i32
      %dma_start3A_804 = tpu.memref_slice %arg2[%dma_start3A_802, %dma_start3A_803] : memref<10000x128xf32, #tpu.memory_space<hbm>> -> memref<10000x128xf32, #tpu.memory_space<hbm>>
      tpu.enqueue_indirect_dma source(%dma_start3A_804 : memref<10000x128xf32, #tpu.memory_space<hbm>>) target(%dma_start3A_801 : memref<128x128xf32, #tpu.memory_space<vmem>>) offsets(%arg7 : memref<128xi32, #tpu.memory_space<vmem>>) semaphore(%arg16 : memref<!tpu.dma_semaphore, #tpu.memory_space<semaphore_mem>>)
      %add3A_805 = arith.constant 2 : i32
      %add3A_806 = arith.addi %add3A_779, %add3A_805 : i32
      %add3A_807 = arith.addi %mul3A_2, %add3A_806 : i32
      %mul3A_808 = arith.constant 128 : i32
      %mul3A_809 = arith.muli %add3A_807, %mul3A_808 : i32
      %dma_start3A_810 = tpu.memref_slice %arg3[%mul3A_809] : memref<327680xi32, #tpu.memory_space<hbm>> -> memref<128xi32, #tpu.memory_space<hbm>>
      %dma_start3A_811 = tpu.memref_slice %arg3[%mul3A_809] : memref<327680xi32, #tpu.memory_space<hbm>> -> memref<128xi32, #tpu.memory_space<hbm>>
      tpu.enqueue_dma source(%dma_start3A_811 : memref<128xi32, #tpu.memory_space<hbm>>) target(%arg8 : memref<128xi32, #tpu.memory_space<vmem>>) target_semaphore(%arg23 : memref<!tpu.dma_semaphore, #tpu.memory_space<semaphore_mem>>)
      %dma_start3A_812 = tpu.memref_slice %arg4[%mul3A_809] : memref<327680xi32, #tpu.memory_space<hbm>> -> memref<128xi32, #tpu.memory_space<hbm>>
      %dma_start3A_813 = tpu.memref_slice %arg4[%mul3A_809] : memref<327680xi32, #tpu.memory_space<hbm>> -> memref<128xi32, #tpu.memory_space<hbm>>
      tpu.enqueue_dma source(%dma_start3A_813 : memref<128xi32, #tpu.memory_space<hbm>>) target(%arg11 : memref<128xi32, #tpu.memory_space<vmem>>) target_semaphore(%arg26 : memref<!tpu.dma_semaphore, #tpu.memory_space<semaphore_mem>>)
      %dma_wait3A_814 = arith.constant 2 : i32
      %dma_wait3A_815 = arith.constant 0 : i32
      %dma_wait3A_816 = arith.constant 0 : i32
      %dma_wait3A_817 = tpu.memref_slice %arg14[%dma_wait3A_814, %dma_wait3A_815, %dma_wait3A_816] : memref<3x128x128xf32, #tpu.memory_space<vmem>> -> memref<1x128x128xf32, #tpu.memory_space<vmem>>
      %dma_wait3A_818 = tpu.memref_squeeze %dma_wait3A_817 : memref<1x128x128xf32, #tpu.memory_space<vmem>> -> memref<128x128xf32, #tpu.memory_space<vmem>>
      %dma_wait3A_819 = arith.constant 0 : i32
      %dma_wait3A_820 = arith.constant 0 : i32
      %dma_wait3A_821 = tpu.memref_slice %arg2[%dma_wait3A_819, %dma_wait3A_820] : memref<10000x128xf32, #tpu.memory_space<hbm>> -> memref<10000x128xf32, #tpu.memory_space<hbm>>
      tpu.wait_indirect_dma semaphore(%arg17 : memref<!tpu.dma_semaphore, #tpu.memory_space<semaphore_mem>>) src(%dma_wait3A_821 : memref<10000x128xf32, #tpu.memory_space<hbm>>) dst(%dma_wait3A_818 : memref<128x128xf32, #tpu.memory_space<vmem>>)
      %dma_start3A_822 = arith.constant 2 : i32
      %dma_start3A_823 = arith.constant 0 : i32
      %dma_start3A_824 = arith.constant 0 : i32
      %dma_start3A_825 = tpu.memref_slice %arg14[%dma_start3A_822, %dma_start3A_823, %dma_start3A_824] : memref<3x128x128xf32, #tpu.memory_space<vmem>> -> memref<1x128x128xf32, #tpu.memory_space<vmem>>
      %dma_start3A_826 = tpu.memref_squeeze %dma_start3A_825 : memref<1x128x128xf32, #tpu.memory_space<vmem>> -> memref<128x128xf32, #tpu.memory_space<vmem>>
      %dma_start3A_827 = arith.constant 0 : i32
      %dma_start3A_828 = arith.constant 0 : i32
      %dma_start3A_829 = tpu.memref_slice %arg15[%dma_start3A_827, %dma_start3A_828] : memref<10016x128xf32, #tpu.memory_space<vmem_shared>> -> memref<10016x128xf32, #tpu.memory_space<vmem_shared>>
      tpu.enqueue_indirect_dma source(%dma_start3A_826 : memref<128x128xf32, #tpu.memory_space<vmem>>) target(%dma_start3A_829 : memref<10016x128xf32, #tpu.memory_space<vmem_shared>>) offsets(%arg13 : memref<128xi32, #tpu.memory_space<vmem>>) semaphore(%arg21 : memref<!tpu.dma_semaphore, #tpu.memory_space<semaphore_mem>>) {add = true}
      %add3A_830 = arith.constant 8 : i32
      %add3A_831 = arith.addi %add3A_413, %add3A_830 : i32
      %dma_wait3A_832 = arith.constant 1 : i32
      %dma_wait3A_833 = arith.constant 0 : i32
      %dma_wait3A_834 = arith.constant 0 : i32
      %dma_wait3A_835 = tpu.memref_slice %arg14[%dma_wait3A_832, %dma_wait3A_833, %dma_wait3A_834] : memref<3x128x128xf32, #tpu.memory_space<vmem>> -> memref<1x128x128xf32, #tpu.memory_space<vmem>>
      %dma_wait3A_836 = tpu.memref_squeeze %dma_wait3A_835 : memref<1x128x128xf32, #tpu.memory_space<vmem>> -> memref<128x128xf32, #tpu.memory_space<vmem>>
      %dma_wait3A_837 = arith.constant 0 : i32
      %dma_wait3A_838 = arith.constant 0 : i32
      %dma_wait3A_839 = tpu.memref_slice %arg15[%dma_wait3A_837, %dma_wait3A_838] : memref<10016x128xf32, #tpu.memory_space<vmem_shared>> -> memref<10016x128xf32, #tpu.memory_space<vmem_shared>>
      tpu.wait_indirect_dma semaphore(%arg20 : memref<!tpu.dma_semaphore, #tpu.memory_space<semaphore_mem>>) src(%dma_wait3A_836 : memref<128x128xf32, #tpu.memory_space<vmem>>) dst(%dma_wait3A_839 : memref<10016x128xf32, #tpu.memory_space<vmem_shared>>)
      %add3A_840 = arith.constant 1 : i32
      %add3A_841 = arith.addi %add3A_831, %add3A_840 : i32
      %add3A_842 = arith.addi %mul3A_2, %add3A_841 : i32
      %mul3A_843 = arith.constant 128 : i32
      %mul3A_844 = arith.muli %add3A_842, %mul3A_843 : i32
      %dma_wait3A_845 = tpu.memref_slice %arg3[%mul3A_844] : memref<327680xi32, #tpu.memory_space<hbm>> -> memref<128xi32, #tpu.memory_space<hbm>>
      %dma_wait3A_846 = tpu.memref_slice %arg3[%mul3A_844] : memref<327680xi32, #tpu.memory_space<hbm>> -> memref<128xi32, #tpu.memory_space<hbm>>
      tpu.wait_dma2 semaphore(%arg23 : memref<!tpu.dma_semaphore, #tpu.memory_space<semaphore_mem>>) src(%dma_wait3A_846 : memref<128xi32, #tpu.memory_space<hbm>>) dst(%arg8 : memref<128xi32, #tpu.memory_space<vmem>>)
      %dma_wait3A_847 = tpu.memref_slice %arg4[%mul3A_844] : memref<327680xi32, #tpu.memory_space<hbm>> -> memref<128xi32, #tpu.memory_space<hbm>>
      %dma_wait3A_848 = tpu.memref_slice %arg4[%mul3A_844] : memref<327680xi32, #tpu.memory_space<hbm>> -> memref<128xi32, #tpu.memory_space<hbm>>
      tpu.wait_dma2 semaphore(%arg26 : memref<!tpu.dma_semaphore, #tpu.memory_space<semaphore_mem>>) src(%dma_wait3A_848 : memref<128xi32, #tpu.memory_space<hbm>>) dst(%arg11 : memref<128xi32, #tpu.memory_space<vmem>>)
      %dma_start3A_849 = arith.constant 1 : i32
      %dma_start3A_850 = arith.constant 0 : i32
      %dma_start3A_851 = arith.constant 0 : i32
      %dma_start3A_852 = tpu.memref_slice %arg14[%dma_start3A_849, %dma_start3A_850, %dma_start3A_851] : memref<3x128x128xf32, #tpu.memory_space<vmem>> -> memref<1x128x128xf32, #tpu.memory_space<vmem>>
      %dma_start3A_853 = tpu.memref_squeeze %dma_start3A_852 : memref<1x128x128xf32, #tpu.memory_space<vmem>> -> memref<128x128xf32, #tpu.memory_space<vmem>>
      %dma_start3A_854 = arith.constant 0 : i32
      %dma_start3A_855 = arith.constant 0 : i32
      %dma_start3A_856 = tpu.memref_slice %arg2[%dma_start3A_854, %dma_start3A_855] : memref<10000x128xf32, #tpu.memory_space<hbm>> -> memref<10000x128xf32, #tpu.memory_space<hbm>>
      tpu.enqueue_indirect_dma source(%dma_start3A_856 : memref<10000x128xf32, #tpu.memory_space<hbm>>) target(%dma_start3A_853 : memref<128x128xf32, #tpu.memory_space<vmem>>) offsets(%arg8 : memref<128xi32, #tpu.memory_space<vmem>>) semaphore(%arg17 : memref<!tpu.dma_semaphore, #tpu.memory_space<semaphore_mem>>)
      %add3A_857 = arith.constant 2 : i32
      %add3A_858 = arith.addi %add3A_831, %add3A_857 : i32
      %add3A_859 = arith.addi %mul3A_2, %add3A_858 : i32
      %mul3A_860 = arith.constant 128 : i32
      %mul3A_861 = arith.muli %add3A_859, %mul3A_860 : i32
      %dma_start3A_862 = tpu.memref_slice %arg3[%mul3A_861] : memref<327680xi32, #tpu.memory_space<hbm>> -> memref<128xi32, #tpu.memory_space<hbm>>
      %dma_start3A_863 = tpu.memref_slice %arg3[%mul3A_861] : memref<327680xi32, #tpu.memory_space<hbm>> -> memref<128xi32, #tpu.memory_space<hbm>>
      tpu.enqueue_dma source(%dma_start3A_863 : memref<128xi32, #tpu.memory_space<hbm>>) target(%arg9 : memref<128xi32, #tpu.memory_space<vmem>>) target_semaphore(%arg24 : memref<!tpu.dma_semaphore, #tpu.memory_space<semaphore_mem>>)
      %dma_start3A_864 = tpu.memref_slice %arg4[%mul3A_861] : memref<327680xi32, #tpu.memory_space<hbm>> -> memref<128xi32, #tpu.memory_space<hbm>>
      %dma_start3A_865 = tpu.memref_slice %arg4[%mul3A_861] : memref<327680xi32, #tpu.memory_space<hbm>> -> memref<128xi32, #tpu.memory_space<hbm>>
      tpu.enqueue_dma source(%dma_start3A_865 : memref<128xi32, #tpu.memory_space<hbm>>) target(%arg12 : memref<128xi32, #tpu.memory_space<vmem>>) target_semaphore(%arg27 : memref<!tpu.dma_semaphore, #tpu.memory_space<semaphore_mem>>)
      %dma_wait3A_866 = arith.constant 0 : i32
      %dma_wait3A_867 = arith.constant 0 : i32
      %dma_wait3A_868 = arith.constant 0 : i32
      %dma_wait3A_869 = tpu.memref_slice %arg14[%dma_wait3A_866, %dma_wait3A_867, %dma_wait3A_868] : memref<3x128x128xf32, #tpu.memory_space<vmem>> -> memref<1x128x128xf32, #tpu.memory_space<vmem>>
      %dma_wait3A_870 = tpu.memref_squeeze %dma_wait3A_869 : memref<1x128x128xf32, #tpu.memory_space<vmem>> -> memref<128x128xf32, #tpu.memory_space<vmem>>
      %dma_wait3A_871 = arith.constant 0 : i32
      %dma_wait3A_872 = arith.constant 0 : i32
      %dma_wait3A_873 = tpu.memref_slice %arg2[%dma_wait3A_871, %dma_wait3A_872] : memref<10000x128xf32, #tpu.memory_space<hbm>> -> memref<10000x128xf32, #tpu.memory_space<hbm>>
      tpu.wait_indirect_dma semaphore(%arg16 : memref<!tpu.dma_semaphore, #tpu.memory_space<semaphore_mem>>) src(%dma_wait3A_873 : memref<10000x128xf32, #tpu.memory_space<hbm>>) dst(%dma_wait3A_870 : memref<128x128xf32, #tpu.memory_space<vmem>>)
      %dma_start3A_874 = arith.constant 0 : i32
      %dma_start3A_875 = arith.constant 0 : i32
      %dma_start3A_876 = arith.constant 0 : i32
      %dma_start3A_877 = tpu.memref_slice %arg14[%dma_start3A_874, %dma_start3A_875, %dma_start3A_876] : memref<3x128x128xf32, #tpu.memory_space<vmem>> -> memref<1x128x128xf32, #tpu.memory_space<vmem>>
      %dma_start3A_878 = tpu.memref_squeeze %dma_start3A_877 : memref<1x128x128xf32, #tpu.memory_space<vmem>> -> memref<128x128xf32, #tpu.memory_space<vmem>>
      %dma_start3A_879 = arith.constant 0 : i32
      %dma_start3A_880 = arith.constant 0 : i32
      %dma_start3A_881 = tpu.memref_slice %arg15[%dma_start3A_879, %dma_start3A_880] : memref<10016x128xf32, #tpu.memory_space<vmem_shared>> -> memref<10016x128xf32, #tpu.memory_space<vmem_shared>>
      tpu.enqueue_indirect_dma source(%dma_start3A_878 : memref<128x128xf32, #tpu.memory_space<vmem>>) target(%dma_start3A_881 : memref<10016x128xf32, #tpu.memory_space<vmem_shared>>) offsets(%arg10 : memref<128xi32, #tpu.memory_space<vmem>>) semaphore(%arg18 : memref<!tpu.dma_semaphore, #tpu.memory_space<semaphore_mem>>) {add = true}
      %add3A_882 = arith.constant 9 : i32
      %add3A_883 = arith.addi %add3A_413, %add3A_882 : i32
      %dma_wait3A_884 = arith.constant 2 : i32
      %dma_wait3A_885 = arith.constant 0 : i32
      %dma_wait3A_886 = arith.constant 0 : i32
      %dma_wait3A_887 = tpu.memref_slice %arg14[%dma_wait3A_884, %dma_wait3A_885, %dma_wait3A_886] : memref<3x128x128xf32, #tpu.memory_space<vmem>> -> memref<1x128x128xf32, #tpu.memory_space<vmem>>
      %dma_wait3A_888 = tpu.memref_squeeze %dma_wait3A_887 : memref<1x128x128xf32, #tpu.memory_space<vmem>> -> memref<128x128xf32, #tpu.memory_space<vmem>>
      %dma_wait3A_889 = arith.constant 0 : i32
      %dma_wait3A_890 = arith.constant 0 : i32
      %dma_wait3A_891 = tpu.memref_slice %arg15[%dma_wait3A_889, %dma_wait3A_890] : memref<10016x128xf32, #tpu.memory_space<vmem_shared>> -> memref<10016x128xf32, #tpu.memory_space<vmem_shared>>
      tpu.wait_indirect_dma semaphore(%arg21 : memref<!tpu.dma_semaphore, #tpu.memory_space<semaphore_mem>>) src(%dma_wait3A_888 : memref<128x128xf32, #tpu.memory_space<vmem>>) dst(%dma_wait3A_891 : memref<10016x128xf32, #tpu.memory_space<vmem_shared>>)
      %add3A_892 = arith.constant 1 : i32
      %add3A_893 = arith.addi %add3A_883, %add3A_892 : i32
      %add3A_894 = arith.addi %mul3A_2, %add3A_893 : i32
      %mul3A_895 = arith.constant 128 : i32
      %mul3A_896 = arith.muli %add3A_894, %mul3A_895 : i32
      %dma_wait3A_897 = tpu.memref_slice %arg3[%mul3A_896] : memref<327680xi32, #tpu.memory_space<hbm>> -> memref<128xi32, #tpu.memory_space<hbm>>
      %dma_wait3A_898 = tpu.memref_slice %arg3[%mul3A_896] : memref<327680xi32, #tpu.memory_space<hbm>> -> memref<128xi32, #tpu.memory_space<hbm>>
      tpu.wait_dma2 semaphore(%arg24 : memref<!tpu.dma_semaphore, #tpu.memory_space<semaphore_mem>>) src(%dma_wait3A_898 : memref<128xi32, #tpu.memory_space<hbm>>) dst(%arg9 : memref<128xi32, #tpu.memory_space<vmem>>)
      %dma_wait3A_899 = tpu.memref_slice %arg4[%mul3A_896] : memref<327680xi32, #tpu.memory_space<hbm>> -> memref<128xi32, #tpu.memory_space<hbm>>
      %dma_wait3A_900 = tpu.memref_slice %arg4[%mul3A_896] : memref<327680xi32, #tpu.memory_space<hbm>> -> memref<128xi32, #tpu.memory_space<hbm>>
      tpu.wait_dma2 semaphore(%arg27 : memref<!tpu.dma_semaphore, #tpu.memory_space<semaphore_mem>>) src(%dma_wait3A_900 : memref<128xi32, #tpu.memory_space<hbm>>) dst(%arg12 : memref<128xi32, #tpu.memory_space<vmem>>)
      %dma_start3A_901 = arith.constant 2 : i32
      %dma_start3A_902 = arith.constant 0 : i32
      %dma_start3A_903 = arith.constant 0 : i32
      %dma_start3A_904 = tpu.memref_slice %arg14[%dma_start3A_901, %dma_start3A_902, %dma_start3A_903] : memref<3x128x128xf32, #tpu.memory_space<vmem>> -> memref<1x128x128xf32, #tpu.memory_space<vmem>>
      %dma_start3A_905 = tpu.memref_squeeze %dma_start3A_904 : memref<1x128x128xf32, #tpu.memory_space<vmem>> -> memref<128x128xf32, #tpu.memory_space<vmem>>
      %dma_start3A_906 = arith.constant 0 : i32
      %dma_start3A_907 = arith.constant 0 : i32
      %dma_start3A_908 = tpu.memref_slice %arg2[%dma_start3A_906, %dma_start3A_907] : memref<10000x128xf32, #tpu.memory_space<hbm>> -> memref<10000x128xf32, #tpu.memory_space<hbm>>
      tpu.enqueue_indirect_dma source(%dma_start3A_908 : memref<10000x128xf32, #tpu.memory_space<hbm>>) target(%dma_start3A_905 : memref<128x128xf32, #tpu.memory_space<vmem>>) offsets(%arg9 : memref<128xi32, #tpu.memory_space<vmem>>) semaphore(%arg16 : memref<!tpu.dma_semaphore, #tpu.memory_space<semaphore_mem>>)
      %add3A_909 = arith.constant 2 : i32
      %add3A_910 = arith.addi %add3A_883, %add3A_909 : i32
      %add3A_911 = arith.addi %mul3A_2, %add3A_910 : i32
      %mul3A_912 = arith.constant 128 : i32
      %mul3A_913 = arith.muli %add3A_911, %mul3A_912 : i32
      %dma_start3A_914 = tpu.memref_slice %arg3[%mul3A_913] : memref<327680xi32, #tpu.memory_space<hbm>> -> memref<128xi32, #tpu.memory_space<hbm>>
      %dma_start3A_915 = tpu.memref_slice %arg3[%mul3A_913] : memref<327680xi32, #tpu.memory_space<hbm>> -> memref<128xi32, #tpu.memory_space<hbm>>
      tpu.enqueue_dma source(%dma_start3A_915 : memref<128xi32, #tpu.memory_space<hbm>>) target(%arg7 : memref<128xi32, #tpu.memory_space<vmem>>) target_semaphore(%arg22 : memref<!tpu.dma_semaphore, #tpu.memory_space<semaphore_mem>>)
      %dma_start3A_916 = tpu.memref_slice %arg4[%mul3A_913] : memref<327680xi32, #tpu.memory_space<hbm>> -> memref<128xi32, #tpu.memory_space<hbm>>
      %dma_start3A_917 = tpu.memref_slice %arg4[%mul3A_913] : memref<327680xi32, #tpu.memory_space<hbm>> -> memref<128xi32, #tpu.memory_space<hbm>>
      tpu.enqueue_dma source(%dma_start3A_917 : memref<128xi32, #tpu.memory_space<hbm>>) target(%arg13 : memref<128xi32, #tpu.memory_space<vmem>>) target_semaphore(%arg28 : memref<!tpu.dma_semaphore, #tpu.memory_space<semaphore_mem>>)
      %dma_wait3A_918 = arith.constant 1 : i32
      %dma_wait3A_919 = arith.constant 0 : i32
      %dma_wait3A_920 = arith.constant 0 : i32
      %dma_wait3A_921 = tpu.memref_slice %arg14[%dma_wait3A_918, %dma_wait3A_919, %dma_wait3A_920] : memref<3x128x128xf32, #tpu.memory_space<vmem>> -> memref<1x128x128xf32, #tpu.memory_space<vmem>>
      %dma_wait3A_922 = tpu.memref_squeeze %dma_wait3A_921 : memref<1x128x128xf32, #tpu.memory_space<vmem>> -> memref<128x128xf32, #tpu.memory_space<vmem>>
      %dma_wait3A_923 = arith.constant 0 : i32
      %dma_wait3A_924 = arith.constant 0 : i32
      %dma_wait3A_925 = tpu.memref_slice %arg2[%dma_wait3A_923, %dma_wait3A_924] : memref<10000x128xf32, #tpu.memory_space<hbm>> -> memref<10000x128xf32, #tpu.memory_space<hbm>>
      tpu.wait_indirect_dma semaphore(%arg17 : memref<!tpu.dma_semaphore, #tpu.memory_space<semaphore_mem>>) src(%dma_wait3A_925 : memref<10000x128xf32, #tpu.memory_space<hbm>>) dst(%dma_wait3A_922 : memref<128x128xf32, #tpu.memory_space<vmem>>)
      %dma_start3A_926 = arith.constant 1 : i32
      %dma_start3A_927 = arith.constant 0 : i32
      %dma_start3A_928 = arith.constant 0 : i32
      %dma_start3A_929 = tpu.memref_slice %arg14[%dma_start3A_926, %dma_start3A_927, %dma_start3A_928] : memref<3x128x128xf32, #tpu.memory_space<vmem>> -> memref<1x128x128xf32, #tpu.memory_space<vmem>>
      %dma_start3A_930 = tpu.memref_squeeze %dma_start3A_929 : memref<1x128x128xf32, #tpu.memory_space<vmem>> -> memref<128x128xf32, #tpu.memory_space<vmem>>
      %dma_start3A_931 = arith.constant 0 : i32
      %dma_start3A_932 = arith.constant 0 : i32
      %dma_start3A_933 = tpu.memref_slice %arg15[%dma_start3A_931, %dma_start3A_932] : memref<10016x128xf32, #tpu.memory_space<vmem_shared>> -> memref<10016x128xf32, #tpu.memory_space<vmem_shared>>
      tpu.enqueue_indirect_dma source(%dma_start3A_930 : memref<128x128xf32, #tpu.memory_space<vmem>>) target(%dma_start3A_933 : memref<10016x128xf32, #tpu.memory_space<vmem_shared>>) offsets(%arg11 : memref<128xi32, #tpu.memory_space<vmem>>) semaphore(%arg19 : memref<!tpu.dma_semaphore, #tpu.memory_space<semaphore_mem>>) {add = true}
      %add3A_934 = arith.constant 10 : i32
      %add3A_935 = arith.addi %add3A_413, %add3A_934 : i32
      %dma_wait3A_936 = arith.constant 0 : i32
      %dma_wait3A_937 = arith.constant 0 : i32
      %dma_wait3A_938 = arith.constant 0 : i32
      %dma_wait3A_939 = tpu.memref_slice %arg14[%dma_wait3A_936, %dma_wait3A_937, %dma_wait3A_938] : memref<3x128x128xf32, #tpu.memory_space<vmem>> -> memref<1x128x128xf32, #tpu.memory_space<vmem>>
      %dma_wait3A_940 = tpu.memref_squeeze %dma_wait3A_939 : memref<1x128x128xf32, #tpu.memory_space<vmem>> -> memref<128x128xf32, #tpu.memory_space<vmem>>
      %dma_wait3A_941 = arith.constant 0 : i32
      %dma_wait3A_942 = arith.constant 0 : i32
      %dma_wait3A_943 = tpu.memref_slice %arg15[%dma_wait3A_941, %dma_wait3A_942] : memref<10016x128xf32, #tpu.memory_space<vmem_shared>> -> memref<10016x128xf32, #tpu.memory_space<vmem_shared>>
      tpu.wait_indirect_dma semaphore(%arg18 : memref<!tpu.dma_semaphore, #tpu.memory_space<semaphore_mem>>) src(%dma_wait3A_940 : memref<128x128xf32, #tpu.memory_space<vmem>>) dst(%dma_wait3A_943 : memref<10016x128xf32, #tpu.memory_space<vmem_shared>>)
      %add3A_944 = arith.constant 1 : i32
      %add3A_945 = arith.addi %add3A_935, %add3A_944 : i32
      %add3A_946 = arith.addi %mul3A_2, %add3A_945 : i32
      %mul3A_947 = arith.constant 128 : i32
      %mul3A_948 = arith.muli %add3A_946, %mul3A_947 : i32
      %dma_wait3A_949 = tpu.memref_slice %arg3[%mul3A_948] : memref<327680xi32, #tpu.memory_space<hbm>> -> memref<128xi32, #tpu.memory_space<hbm>>
      %dma_wait3A_950 = tpu.memref_slice %arg3[%mul3A_948] : memref<327680xi32, #tpu.memory_space<hbm>> -> memref<128xi32, #tpu.memory_space<hbm>>
      tpu.wait_dma2 semaphore(%arg22 : memref<!tpu.dma_semaphore, #tpu.memory_space<semaphore_mem>>) src(%dma_wait3A_950 : memref<128xi32, #tpu.memory_space<hbm>>) dst(%arg7 : memref<128xi32, #tpu.memory_space<vmem>>)
      %dma_wait3A_951 = tpu.memref_slice %arg4[%mul3A_948] : memref<327680xi32, #tpu.memory_space<hbm>> -> memref<128xi32, #tpu.memory_space<hbm>>
      %dma_wait3A_952 = tpu.memref_slice %arg4[%mul3A_948] : memref<327680xi32, #tpu.memory_space<hbm>> -> memref<128xi32, #tpu.memory_space<hbm>>
      tpu.wait_dma2 semaphore(%arg28 : memref<!tpu.dma_semaphore, #tpu.memory_space<semaphore_mem>>) src(%dma_wait3A_952 : memref<128xi32, #tpu.memory_space<hbm>>) dst(%arg13 : memref<128xi32, #tpu.memory_space<vmem>>)
      %dma_start3A_953 = arith.constant 0 : i32
      %dma_start3A_954 = arith.constant 0 : i32
      %dma_start3A_955 = arith.constant 0 : i32
      %dma_start3A_956 = tpu.memref_slice %arg14[%dma_start3A_953, %dma_start3A_954, %dma_start3A_955] : memref<3x128x128xf32, #tpu.memory_space<vmem>> -> memref<1x128x128xf32, #tpu.memory_space<vmem>>
      %dma_start3A_957 = tpu.memref_squeeze %dma_start3A_956 : memref<1x128x128xf32, #tpu.memory_space<vmem>> -> memref<128x128xf32, #tpu.memory_space<vmem>>
      %dma_start3A_958 = arith.constant 0 : i32
      %dma_start3A_959 = arith.constant 0 : i32
      %dma_start3A_960 = tpu.memref_slice %arg2[%dma_start3A_958, %dma_start3A_959] : memref<10000x128xf32, #tpu.memory_space<hbm>> -> memref<10000x128xf32, #tpu.memory_space<hbm>>
      tpu.enqueue_indirect_dma source(%dma_start3A_960 : memref<10000x128xf32, #tpu.memory_space<hbm>>) target(%dma_start3A_957 : memref<128x128xf32, #tpu.memory_space<vmem>>) offsets(%arg7 : memref<128xi32, #tpu.memory_space<vmem>>) semaphore(%arg17 : memref<!tpu.dma_semaphore, #tpu.memory_space<semaphore_mem>>)
      %add3A_961 = arith.constant 2 : i32
      %add3A_962 = arith.addi %add3A_935, %add3A_961 : i32
      %add3A_963 = arith.addi %mul3A_2, %add3A_962 : i32
      %mul3A_964 = arith.constant 128 : i32
      %mul3A_965 = arith.muli %add3A_963, %mul3A_964 : i32
      %dma_start3A_966 = tpu.memref_slice %arg3[%mul3A_965] : memref<327680xi32, #tpu.memory_space<hbm>> -> memref<128xi32, #tpu.memory_space<hbm>>
      %dma_start3A_967 = tpu.memref_slice %arg3[%mul3A_965] : memref<327680xi32, #tpu.memory_space<hbm>> -> memref<128xi32, #tpu.memory_space<hbm>>
      tpu.enqueue_dma source(%dma_start3A_967 : memref<128xi32, #tpu.memory_space<hbm>>) target(%arg8 : memref<128xi32, #tpu.memory_space<vmem>>) target_semaphore(%arg23 : memref<!tpu.dma_semaphore, #tpu.memory_space<semaphore_mem>>)
      %dma_start3A_968 = tpu.memref_slice %arg4[%mul3A_965] : memref<327680xi32, #tpu.memory_space<hbm>> -> memref<128xi32, #tpu.memory_space<hbm>>
      %dma_start3A_969 = tpu.memref_slice %arg4[%mul3A_965] : memref<327680xi32, #tpu.memory_space<hbm>> -> memref<128xi32, #tpu.memory_space<hbm>>
      tpu.enqueue_dma source(%dma_start3A_969 : memref<128xi32, #tpu.memory_space<hbm>>) target(%arg10 : memref<128xi32, #tpu.memory_space<vmem>>) target_semaphore(%arg25 : memref<!tpu.dma_semaphore, #tpu.memory_space<semaphore_mem>>)
      %dma_wait3A_970 = arith.constant 2 : i32
      %dma_wait3A_971 = arith.constant 0 : i32
      %dma_wait3A_972 = arith.constant 0 : i32
      %dma_wait3A_973 = tpu.memref_slice %arg14[%dma_wait3A_970, %dma_wait3A_971, %dma_wait3A_972] : memref<3x128x128xf32, #tpu.memory_space<vmem>> -> memref<1x128x128xf32, #tpu.memory_space<vmem>>
      %dma_wait3A_974 = tpu.memref_squeeze %dma_wait3A_973 : memref<1x128x128xf32, #tpu.memory_space<vmem>> -> memref<128x128xf32, #tpu.memory_space<vmem>>
      %dma_wait3A_975 = arith.constant 0 : i32
      %dma_wait3A_976 = arith.constant 0 : i32
      %dma_wait3A_977 = tpu.memref_slice %arg2[%dma_wait3A_975, %dma_wait3A_976] : memref<10000x128xf32, #tpu.memory_space<hbm>> -> memref<10000x128xf32, #tpu.memory_space<hbm>>
      tpu.wait_indirect_dma semaphore(%arg16 : memref<!tpu.dma_semaphore, #tpu.memory_space<semaphore_mem>>) src(%dma_wait3A_977 : memref<10000x128xf32, #tpu.memory_space<hbm>>) dst(%dma_wait3A_974 : memref<128x128xf32, #tpu.memory_space<vmem>>)
      %dma_start3A_978 = arith.constant 2 : i32
      %dma_start3A_979 = arith.constant 0 : i32
      %dma_start3A_980 = arith.constant 0 : i32
      %dma_start3A_981 = tpu.memref_slice %arg14[%dma_start3A_978, %dma_start3A_979, %dma_start3A_980] : memref<3x128x128xf32, #tpu.memory_space<vmem>> -> memref<1x128x128xf32, #tpu.memory_space<vmem>>
      %dma_start3A_982 = tpu.memref_squeeze %dma_start3A_981 : memref<1x128x128xf32, #tpu.memory_space<vmem>> -> memref<128x128xf32, #tpu.memory_space<vmem>>
      %dma_start3A_983 = arith.constant 0 : i32
      %dma_start3A_984 = arith.constant 0 : i32
      %dma_start3A_985 = tpu.memref_slice %arg15[%dma_start3A_983, %dma_start3A_984] : memref<10016x128xf32, #tpu.memory_space<vmem_shared>> -> memref<10016x128xf32, #tpu.memory_space<vmem_shared>>
      tpu.enqueue_indirect_dma source(%dma_start3A_982 : memref<128x128xf32, #tpu.memory_space<vmem>>) target(%dma_start3A_985 : memref<10016x128xf32, #tpu.memory_space<vmem_shared>>) offsets(%arg12 : memref<128xi32, #tpu.memory_space<vmem>>) semaphore(%arg20 : memref<!tpu.dma_semaphore, #tpu.memory_space<semaphore_mem>>) {add = true}
      %add3A_986 = arith.constant 11 : i32
      %add3A_987 = arith.addi %add3A_413, %add3A_986 : i32
      %dma_wait3A_988 = arith.constant 1 : i32
      %dma_wait3A_989 = arith.constant 0 : i32
      %dma_wait3A_990 = arith.constant 0 : i32
      %dma_wait3A_991 = tpu.memref_slice %arg14[%dma_wait3A_988, %dma_wait3A_989, %dma_wait3A_990] : memref<3x128x128xf32, #tpu.memory_space<vmem>> -> memref<1x128x128xf32, #tpu.memory_space<vmem>>
      %dma_wait3A_992 = tpu.memref_squeeze %dma_wait3A_991 : memref<1x128x128xf32, #tpu.memory_space<vmem>> -> memref<128x128xf32, #tpu.memory_space<vmem>>
      %dma_wait3A_993 = arith.constant 0 : i32
      %dma_wait3A_994 = arith.constant 0 : i32
      %dma_wait3A_995 = tpu.memref_slice %arg15[%dma_wait3A_993, %dma_wait3A_994] : memref<10016x128xf32, #tpu.memory_space<vmem_shared>> -> memref<10016x128xf32, #tpu.memory_space<vmem_shared>>
      tpu.wait_indirect_dma semaphore(%arg19 : memref<!tpu.dma_semaphore, #tpu.memory_space<semaphore_mem>>) src(%dma_wait3A_992 : memref<128x128xf32, #tpu.memory_space<vmem>>) dst(%dma_wait3A_995 : memref<10016x128xf32, #tpu.memory_space<vmem_shared>>)
      %add3A_996 = arith.constant 1 : i32
      %add3A_997 = arith.addi %add3A_987, %add3A_996 : i32
      %add3A_998 = arith.addi %mul3A_2, %add3A_997 : i32
      %mul3A_999 = arith.constant 128 : i32
      %mul3A_1000 = arith.muli %add3A_998, %mul3A_999 : i32
      %dma_wait3A_1001 = tpu.memref_slice %arg3[%mul3A_1000] : memref<327680xi32, #tpu.memory_space<hbm>> -> memref<128xi32, #tpu.memory_space<hbm>>
      %dma_wait3A_1002 = tpu.memref_slice %arg3[%mul3A_1000] : memref<327680xi32, #tpu.memory_space<hbm>> -> memref<128xi32, #tpu.memory_space<hbm>>
      tpu.wait_dma2 semaphore(%arg23 : memref<!tpu.dma_semaphore, #tpu.memory_space<semaphore_mem>>) src(%dma_wait3A_1002 : memref<128xi32, #tpu.memory_space<hbm>>) dst(%arg8 : memref<128xi32, #tpu.memory_space<vmem>>)
      %dma_wait3A_1003 = tpu.memref_slice %arg4[%mul3A_1000] : memref<327680xi32, #tpu.memory_space<hbm>> -> memref<128xi32, #tpu.memory_space<hbm>>
      %dma_wait3A_1004 = tpu.memref_slice %arg4[%mul3A_1000] : memref<327680xi32, #tpu.memory_space<hbm>> -> memref<128xi32, #tpu.memory_space<hbm>>
      tpu.wait_dma2 semaphore(%arg25 : memref<!tpu.dma_semaphore, #tpu.memory_space<semaphore_mem>>) src(%dma_wait3A_1004 : memref<128xi32, #tpu.memory_space<hbm>>) dst(%arg10 : memref<128xi32, #tpu.memory_space<vmem>>)
      %dma_start3A_1005 = arith.constant 1 : i32
      %dma_start3A_1006 = arith.constant 0 : i32
      %dma_start3A_1007 = arith.constant 0 : i32
      %dma_start3A_1008 = tpu.memref_slice %arg14[%dma_start3A_1005, %dma_start3A_1006, %dma_start3A_1007] : memref<3x128x128xf32, #tpu.memory_space<vmem>> -> memref<1x128x128xf32, #tpu.memory_space<vmem>>
      %dma_start3A_1009 = tpu.memref_squeeze %dma_start3A_1008 : memref<1x128x128xf32, #tpu.memory_space<vmem>> -> memref<128x128xf32, #tpu.memory_space<vmem>>
      %dma_start3A_1010 = arith.constant 0 : i32
      %dma_start3A_1011 = arith.constant 0 : i32
      %dma_start3A_1012 = tpu.memref_slice %arg2[%dma_start3A_1010, %dma_start3A_1011] : memref<10000x128xf32, #tpu.memory_space<hbm>> -> memref<10000x128xf32, #tpu.memory_space<hbm>>
      tpu.enqueue_indirect_dma source(%dma_start3A_1012 : memref<10000x128xf32, #tpu.memory_space<hbm>>) target(%dma_start3A_1009 : memref<128x128xf32, #tpu.memory_space<vmem>>) offsets(%arg8 : memref<128xi32, #tpu.memory_space<vmem>>) semaphore(%arg16 : memref<!tpu.dma_semaphore, #tpu.memory_space<semaphore_mem>>)
      %add3A_1013 = arith.constant 2 : i32
      %add3A_1014 = arith.addi %add3A_987, %add3A_1013 : i32
      %add3A_1015 = arith.addi %mul3A_2, %add3A_1014 : i32
      %mul3A_1016 = arith.constant 128 : i32
      %mul3A_1017 = arith.muli %add3A_1015, %mul3A_1016 : i32
      %dma_start3A_1018 = tpu.memref_slice %arg3[%mul3A_1017] : memref<327680xi32, #tpu.memory_space<hbm>> -> memref<128xi32, #tpu.memory_space<hbm>>
      %dma_start3A_1019 = tpu.memref_slice %arg3[%mul3A_1017] : memref<327680xi32, #tpu.memory_space<hbm>> -> memref<128xi32, #tpu.memory_space<hbm>>
      tpu.enqueue_dma source(%dma_start3A_1019 : memref<128xi32, #tpu.memory_space<hbm>>) target(%arg9 : memref<128xi32, #tpu.memory_space<vmem>>) target_semaphore(%arg24 : memref<!tpu.dma_semaphore, #tpu.memory_space<semaphore_mem>>)
      %dma_start3A_1020 = tpu.memref_slice %arg4[%mul3A_1017] : memref<327680xi32, #tpu.memory_space<hbm>> -> memref<128xi32, #tpu.memory_space<hbm>>
      %dma_start3A_1021 = tpu.memref_slice %arg4[%mul3A_1017] : memref<327680xi32, #tpu.memory_space<hbm>> -> memref<128xi32, #tpu.memory_space<hbm>>
      tpu.enqueue_dma source(%dma_start3A_1021 : memref<128xi32, #tpu.memory_space<hbm>>) target(%arg11 : memref<128xi32, #tpu.memory_space<vmem>>) target_semaphore(%arg26 : memref<!tpu.dma_semaphore, #tpu.memory_space<semaphore_mem>>)
      %dma_wait3A_1022 = arith.constant 0 : i32
      %dma_wait3A_1023 = arith.constant 0 : i32
      %dma_wait3A_1024 = arith.constant 0 : i32
      %dma_wait3A_1025 = tpu.memref_slice %arg14[%dma_wait3A_1022, %dma_wait3A_1023, %dma_wait3A_1024] : memref<3x128x128xf32, #tpu.memory_space<vmem>> -> memref<1x128x128xf32, #tpu.memory_space<vmem>>
      %dma_wait3A_1026 = tpu.memref_squeeze %dma_wait3A_1025 : memref<1x128x128xf32, #tpu.memory_space<vmem>> -> memref<128x128xf32, #tpu.memory_space<vmem>>
      %dma_wait3A_1027 = arith.constant 0 : i32
      %dma_wait3A_1028 = arith.constant 0 : i32
      %dma_wait3A_1029 = tpu.memref_slice %arg2[%dma_wait3A_1027, %dma_wait3A_1028] : memref<10000x128xf32, #tpu.memory_space<hbm>> -> memref<10000x128xf32, #tpu.memory_space<hbm>>
      tpu.wait_indirect_dma semaphore(%arg17 : memref<!tpu.dma_semaphore, #tpu.memory_space<semaphore_mem>>) src(%dma_wait3A_1029 : memref<10000x128xf32, #tpu.memory_space<hbm>>) dst(%dma_wait3A_1026 : memref<128x128xf32, #tpu.memory_space<vmem>>)
      %dma_start3A_1030 = arith.constant 0 : i32
      %dma_start3A_1031 = arith.constant 0 : i32
      %dma_start3A_1032 = arith.constant 0 : i32
      %dma_start3A_1033 = tpu.memref_slice %arg14[%dma_start3A_1030, %dma_start3A_1031, %dma_start3A_1032] : memref<3x128x128xf32, #tpu.memory_space<vmem>> -> memref<1x128x128xf32, #tpu.memory_space<vmem>>
      %dma_start3A_1034 = tpu.memref_squeeze %dma_start3A_1033 : memref<1x128x128xf32, #tpu.memory_space<vmem>> -> memref<128x128xf32, #tpu.memory_space<vmem>>
      %dma_start3A_1035 = arith.constant 0 : i32
      %dma_start3A_1036 = arith.constant 0 : i32
      %dma_start3A_1037 = tpu.memref_slice %arg15[%dma_start3A_1035, %dma_start3A_1036] : memref<10016x128xf32, #tpu.memory_space<vmem_shared>> -> memref<10016x128xf32, #tpu.memory_space<vmem_shared>>
      tpu.enqueue_indirect_dma source(%dma_start3A_1034 : memref<128x128xf32, #tpu.memory_space<vmem>>) target(%dma_start3A_1037 : memref<10016x128xf32, #tpu.memory_space<vmem_shared>>) offsets(%arg13 : memref<128xi32, #tpu.memory_space<vmem>>) semaphore(%arg21 : memref<!tpu.dma_semaphore, #tpu.memory_space<semaphore_mem>>) {add = true}
    }
    %scan3A_221 = arith.constant 6 : i32
    %dma_wait3A_222 = arith.constant 2 : i32
    %dma_wait3A_223 = arith.constant 0 : i32
    %dma_wait3A_224 = arith.constant 0 : i32
    %dma_wait3A_225 = tpu.memref_slice %arg14[%dma_wait3A_222, %dma_wait3A_223, %dma_wait3A_224] : memref<3x128x128xf32, #tpu.memory_space<vmem>> -> memref<1x128x128xf32, #tpu.memory_space<vmem>>
    %dma_wait3A_226 = tpu.memref_squeeze %dma_wait3A_225 : memref<1x128x128xf32, #tpu.memory_space<vmem>> -> memref<128x128xf32, #tpu.memory_space<vmem>>
    %dma_wait3A_227 = arith.constant 0 : i32
    %dma_wait3A_228 = arith.constant 0 : i32
    %dma_wait3A_229 = tpu.memref_slice %arg15[%dma_wait3A_227, %dma_wait3A_228] : memref<10016x128xf32, #tpu.memory_space<vmem_shared>> -> memref<10016x128xf32, #tpu.memory_space<vmem_shared>>
    tpu.wait_indirect_dma semaphore(%arg20 : memref<!tpu.dma_semaphore, #tpu.memory_space<semaphore_mem>>) src(%dma_wait3A_226 : memref<128x128xf32, #tpu.memory_space<vmem>>) dst(%dma_wait3A_229 : memref<10016x128xf32, #tpu.memory_space<vmem_shared>>)
    %add3A_230 = arith.constant 77 : i32
    %add3A_231 = arith.addi %mul3A_2, %add3A_230 : i32
    %mul3A_232 = arith.constant 128 : i32
    %mul3A_233 = arith.muli %add3A_231, %mul3A_232 : i32
    %dma_wait3A_234 = tpu.memref_slice %arg3[%mul3A_233] : memref<327680xi32, #tpu.memory_space<hbm>> -> memref<128xi32, #tpu.memory_space<hbm>>
    %dma_wait3A_235 = tpu.memref_slice %arg3[%mul3A_233] : memref<327680xi32, #tpu.memory_space<hbm>> -> memref<128xi32, #tpu.memory_space<hbm>>
    tpu.wait_dma2 semaphore(%arg24 : memref<!tpu.dma_semaphore, #tpu.memory_space<semaphore_mem>>) src(%dma_wait3A_235 : memref<128xi32, #tpu.memory_space<hbm>>) dst(%arg9 : memref<128xi32, #tpu.memory_space<vmem>>)
    %dma_wait3A_236 = tpu.memref_slice %arg4[%mul3A_233] : memref<327680xi32, #tpu.memory_space<hbm>> -> memref<128xi32, #tpu.memory_space<hbm>>
    %dma_wait3A_237 = tpu.memref_slice %arg4[%mul3A_233] : memref<327680xi32, #tpu.memory_space<hbm>> -> memref<128xi32, #tpu.memory_space<hbm>>
    tpu.wait_dma2 semaphore(%arg26 : memref<!tpu.dma_semaphore, #tpu.memory_space<semaphore_mem>>) src(%dma_wait3A_237 : memref<128xi32, #tpu.memory_space<hbm>>) dst(%arg11 : memref<128xi32, #tpu.memory_space<vmem>>)
    %dma_start3A_238 = arith.constant 2 : i32
    %dma_start3A_239 = arith.constant 0 : i32
    %dma_start3A_240 = arith.constant 0 : i32
    %dma_start3A_241 = tpu.memref_slice %arg14[%dma_start3A_238, %dma_start3A_239, %dma_start3A_240] : memref<3x128x128xf32, #tpu.memory_space<vmem>> -> memref<1x128x128xf32, #tpu.memory_space<vmem>>
    %dma_start3A_242 = tpu.memref_squeeze %dma_start3A_241 : memref<1x128x128xf32, #tpu.memory_space<vmem>> -> memref<128x128xf32, #tpu.memory_space<vmem>>
    %dma_start3A_243 = arith.constant 0 : i32
    %dma_start3A_244 = arith.constant 0 : i32
    %dma_start3A_245 = tpu.memref_slice %arg2[%dma_start3A_243, %dma_start3A_244] : memref<10000x128xf32, #tpu.memory_space<hbm>> -> memref<10000x128xf32, #tpu.memory_space<hbm>>
    tpu.enqueue_indirect_dma source(%dma_start3A_245 : memref<10000x128xf32, #tpu.memory_space<hbm>>) target(%dma_start3A_242 : memref<128x128xf32, #tpu.memory_space<vmem>>) offsets(%arg9 : memref<128xi32, #tpu.memory_space<vmem>>) semaphore(%arg17 : memref<!tpu.dma_semaphore, #tpu.memory_space<semaphore_mem>>)
    %add3A_246 = arith.constant 78 : i32
    %add3A_247 = arith.addi %mul3A_2, %add3A_246 : i32
    %mul3A_248 = arith.constant 128 : i32
    %mul3A_249 = arith.muli %add3A_247, %mul3A_248 : i32
    %dma_start3A_250 = tpu.memref_slice %arg3[%mul3A_249] : memref<327680xi32, #tpu.memory_space<hbm>> -> memref<128xi32, #tpu.memory_space<hbm>>
    %dma_start3A_251 = tpu.memref_slice %arg3[%mul3A_249] : memref<327680xi32, #tpu.memory_space<hbm>> -> memref<128xi32, #tpu.memory_space<hbm>>
    tpu.enqueue_dma source(%dma_start3A_251 : memref<128xi32, #tpu.memory_space<hbm>>) target(%arg7 : memref<128xi32, #tpu.memory_space<vmem>>) target_semaphore(%arg22 : memref<!tpu.dma_semaphore, #tpu.memory_space<semaphore_mem>>)
    %dma_start3A_252 = tpu.memref_slice %arg4[%mul3A_249] : memref<327680xi32, #tpu.memory_space<hbm>> -> memref<128xi32, #tpu.memory_space<hbm>>
    %dma_start3A_253 = tpu.memref_slice %arg4[%mul3A_249] : memref<327680xi32, #tpu.memory_space<hbm>> -> memref<128xi32, #tpu.memory_space<hbm>>
    tpu.enqueue_dma source(%dma_start3A_253 : memref<128xi32, #tpu.memory_space<hbm>>) target(%arg12 : memref<128xi32, #tpu.memory_space<vmem>>) target_semaphore(%arg27 : memref<!tpu.dma_semaphore, #tpu.memory_space<semaphore_mem>>)
    %dma_wait3A_254 = arith.constant 1 : i32
    %dma_wait3A_255 = arith.constant 0 : i32
    %dma_wait3A_256 = arith.constant 0 : i32
    %dma_wait3A_257 = tpu.memref_slice %arg14[%dma_wait3A_254, %dma_wait3A_255, %dma_wait3A_256] : memref<3x128x128xf32, #tpu.memory_space<vmem>> -> memref<1x128x128xf32, #tpu.memory_space<vmem>>
    %dma_wait3A_258 = tpu.memref_squeeze %dma_wait3A_257 : memref<1x128x128xf32, #tpu.memory_space<vmem>> -> memref<128x128xf32, #tpu.memory_space<vmem>>
    %dma_wait3A_259 = arith.constant 0 : i32
    %dma_wait3A_260 = arith.constant 0 : i32
    %dma_wait3A_261 = tpu.memref_slice %arg2[%dma_wait3A_259, %dma_wait3A_260] : memref<10000x128xf32, #tpu.memory_space<hbm>> -> memref<10000x128xf32, #tpu.memory_space<hbm>>
    tpu.wait_indirect_dma semaphore(%arg16 : memref<!tpu.dma_semaphore, #tpu.memory_space<semaphore_mem>>) src(%dma_wait3A_261 : memref<10000x128xf32, #tpu.memory_space<hbm>>) dst(%dma_wait3A_258 : memref<128x128xf32, #tpu.memory_space<vmem>>)
    %dma_start3A_262 = arith.constant 1 : i32
    %dma_start3A_263 = arith.constant 0 : i32
    %dma_start3A_264 = arith.constant 0 : i32
    %dma_start3A_265 = tpu.memref_slice %arg14[%dma_start3A_262, %dma_start3A_263, %dma_start3A_264] : memref<3x128x128xf32, #tpu.memory_space<vmem>> -> memref<1x128x128xf32, #tpu.memory_space<vmem>>
    %dma_start3A_266 = tpu.memref_squeeze %dma_start3A_265 : memref<1x128x128xf32, #tpu.memory_space<vmem>> -> memref<128x128xf32, #tpu.memory_space<vmem>>
    %dma_start3A_267 = arith.constant 0 : i32
    %dma_start3A_268 = arith.constant 0 : i32
    %dma_start3A_269 = tpu.memref_slice %arg15[%dma_start3A_267, %dma_start3A_268] : memref<10016x128xf32, #tpu.memory_space<vmem_shared>> -> memref<10016x128xf32, #tpu.memory_space<vmem_shared>>
    tpu.enqueue_indirect_dma source(%dma_start3A_266 : memref<128x128xf32, #tpu.memory_space<vmem>>) target(%dma_start3A_269 : memref<10016x128xf32, #tpu.memory_space<vmem_shared>>) offsets(%arg10 : memref<128xi32, #tpu.memory_space<vmem>>) semaphore(%arg18 : memref<!tpu.dma_semaphore, #tpu.memory_space<semaphore_mem>>) {add = true}
    %dma_wait3A_270 = arith.constant 0 : i32
    %dma_wait3A_271 = arith.constant 0 : i32
    %dma_wait3A_272 = arith.constant 0 : i32
    %dma_wait3A_273 = tpu.memref_slice %arg14[%dma_wait3A_270, %dma_wait3A_271, %dma_wait3A_272] : memref<3x128x128xf32, #tpu.memory_space<vmem>> -> memref<1x128x128xf32, #tpu.memory_space<vmem>>
    %dma_wait3A_274 = tpu.memref_squeeze %dma_wait3A_273 : memref<1x128x128xf32, #tpu.memory_space<vmem>> -> memref<128x128xf32, #tpu.memory_space<vmem>>
    %dma_wait3A_275 = arith.constant 0 : i32
    %dma_wait3A_276 = arith.constant 0 : i32
    %dma_wait3A_277 = tpu.memref_slice %arg15[%dma_wait3A_275, %dma_wait3A_276] : memref<10016x128xf32, #tpu.memory_space<vmem_shared>> -> memref<10016x128xf32, #tpu.memory_space<vmem_shared>>
    tpu.wait_indirect_dma semaphore(%arg21 : memref<!tpu.dma_semaphore, #tpu.memory_space<semaphore_mem>>) src(%dma_wait3A_274 : memref<128x128xf32, #tpu.memory_space<vmem>>) dst(%dma_wait3A_277 : memref<10016x128xf32, #tpu.memory_space<vmem_shared>>)
    %add3A_278 = arith.constant 78 : i32
    %add3A_279 = arith.addi %mul3A_2, %add3A_278 : i32
    %mul3A_280 = arith.constant 128 : i32
    %mul3A_281 = arith.muli %add3A_279, %mul3A_280 : i32
    %dma_wait3A_282 = tpu.memref_slice %arg3[%mul3A_281] : memref<327680xi32, #tpu.memory_space<hbm>> -> memref<128xi32, #tpu.memory_space<hbm>>
    %dma_wait3A_283 = tpu.memref_slice %arg3[%mul3A_281] : memref<327680xi32, #tpu.memory_space<hbm>> -> memref<128xi32, #tpu.memory_space<hbm>>
    tpu.wait_dma2 semaphore(%arg22 : memref<!tpu.dma_semaphore, #tpu.memory_space<semaphore_mem>>) src(%dma_wait3A_283 : memref<128xi32, #tpu.memory_space<hbm>>) dst(%arg7 : memref<128xi32, #tpu.memory_space<vmem>>)
    %dma_wait3A_284 = tpu.memref_slice %arg4[%mul3A_281] : memref<327680xi32, #tpu.memory_space<hbm>> -> memref<128xi32, #tpu.memory_space<hbm>>
    %dma_wait3A_285 = tpu.memref_slice %arg4[%mul3A_281] : memref<327680xi32, #tpu.memory_space<hbm>> -> memref<128xi32, #tpu.memory_space<hbm>>
    tpu.wait_dma2 semaphore(%arg27 : memref<!tpu.dma_semaphore, #tpu.memory_space<semaphore_mem>>) src(%dma_wait3A_285 : memref<128xi32, #tpu.memory_space<hbm>>) dst(%arg12 : memref<128xi32, #tpu.memory_space<vmem>>)
    %dma_start3A_286 = arith.constant 0 : i32
    %dma_start3A_287 = arith.constant 0 : i32
    %dma_start3A_288 = arith.constant 0 : i32
    %dma_start3A_289 = tpu.memref_slice %arg14[%dma_start3A_286, %dma_start3A_287, %dma_start3A_288] : memref<3x128x128xf32, #tpu.memory_space<vmem>> -> memref<1x128x128xf32, #tpu.memory_space<vmem>>
    %dma_start3A_290 = tpu.memref_squeeze %dma_start3A_289 : memref<1x128x128xf32, #tpu.memory_space<vmem>> -> memref<128x128xf32, #tpu.memory_space<vmem>>
    %dma_start3A_291 = arith.constant 0 : i32
    %dma_start3A_292 = arith.constant 0 : i32
    %dma_start3A_293 = tpu.memref_slice %arg2[%dma_start3A_291, %dma_start3A_292] : memref<10000x128xf32, #tpu.memory_space<hbm>> -> memref<10000x128xf32, #tpu.memory_space<hbm>>
    tpu.enqueue_indirect_dma source(%dma_start3A_293 : memref<10000x128xf32, #tpu.memory_space<hbm>>) target(%dma_start3A_290 : memref<128x128xf32, #tpu.memory_space<vmem>>) offsets(%arg7 : memref<128xi32, #tpu.memory_space<vmem>>) semaphore(%arg16 : memref<!tpu.dma_semaphore, #tpu.memory_space<semaphore_mem>>)
    %add3A_294 = arith.constant 79 : i32
    %add3A_295 = arith.addi %mul3A_2, %add3A_294 : i32
    %mul3A_296 = arith.constant 128 : i32
    %mul3A_297 = arith.muli %add3A_295, %mul3A_296 : i32
    %dma_start3A_298 = tpu.memref_slice %arg3[%mul3A_297] : memref<327680xi32, #tpu.memory_space<hbm>> -> memref<128xi32, #tpu.memory_space<hbm>>
    %dma_start3A_299 = tpu.memref_slice %arg3[%mul3A_297] : memref<327680xi32, #tpu.memory_space<hbm>> -> memref<128xi32, #tpu.memory_space<hbm>>
    tpu.enqueue_dma source(%dma_start3A_299 : memref<128xi32, #tpu.memory_space<hbm>>) target(%arg8 : memref<128xi32, #tpu.memory_space<vmem>>) target_semaphore(%arg23 : memref<!tpu.dma_semaphore, #tpu.memory_space<semaphore_mem>>)
    %dma_start3A_300 = tpu.memref_slice %arg4[%mul3A_297] : memref<327680xi32, #tpu.memory_space<hbm>> -> memref<128xi32, #tpu.memory_space<hbm>>
    %dma_start3A_301 = tpu.memref_slice %arg4[%mul3A_297] : memref<327680xi32, #tpu.memory_space<hbm>> -> memref<128xi32, #tpu.memory_space<hbm>>
    tpu.enqueue_dma source(%dma_start3A_301 : memref<128xi32, #tpu.memory_space<hbm>>) target(%arg13 : memref<128xi32, #tpu.memory_space<vmem>>) target_semaphore(%arg28 : memref<!tpu.dma_semaphore, #tpu.memory_space<semaphore_mem>>)
    %dma_wait3A_302 = arith.constant 2 : i32
    %dma_wait3A_303 = arith.constant 0 : i32
    %dma_wait3A_304 = arith.constant 0 : i32
    %dma_wait3A_305 = tpu.memref_slice %arg14[%dma_wait3A_302, %dma_wait3A_303, %dma_wait3A_304] : memref<3x128x128xf32, #tpu.memory_space<vmem>> -> memref<1x128x128xf32, #tpu.memory_space<vmem>>
    %dma_wait3A_306 = tpu.memref_squeeze %dma_wait3A_305 : memref<1x128x128xf32, #tpu.memory_space<vmem>> -> memref<128x128xf32, #tpu.memory_space<vmem>>
    %dma_wait3A_307 = arith.constant 0 : i32
    %dma_wait3A_308 = arith.constant 0 : i32
    %dma_wait3A_309 = tpu.memref_slice %arg2[%dma_wait3A_307, %dma_wait3A_308] : memref<10000x128xf32, #tpu.memory_space<hbm>> -> memref<10000x128xf32, #tpu.memory_space<hbm>>
    tpu.wait_indirect_dma semaphore(%arg17 : memref<!tpu.dma_semaphore, #tpu.memory_space<semaphore_mem>>) src(%dma_wait3A_309 : memref<10000x128xf32, #tpu.memory_space<hbm>>) dst(%dma_wait3A_306 : memref<128x128xf32, #tpu.memory_space<vmem>>)
    %dma_start3A_310 = arith.constant 2 : i32
    %dma_start3A_311 = arith.constant 0 : i32
    %dma_start3A_312 = arith.constant 0 : i32
    %dma_start3A_313 = tpu.memref_slice %arg14[%dma_start3A_310, %dma_start3A_311, %dma_start3A_312] : memref<3x128x128xf32, #tpu.memory_space<vmem>> -> memref<1x128x128xf32, #tpu.memory_space<vmem>>
    %dma_start3A_314 = tpu.memref_squeeze %dma_start3A_313 : memref<1x128x128xf32, #tpu.memory_space<vmem>> -> memref<128x128xf32, #tpu.memory_space<vmem>>
    %dma_start3A_315 = arith.constant 0 : i32
    %dma_start3A_316 = arith.constant 0 : i32
    %dma_start3A_317 = tpu.memref_slice %arg15[%dma_start3A_315, %dma_start3A_316] : memref<10016x128xf32, #tpu.memory_space<vmem_shared>> -> memref<10016x128xf32, #tpu.memory_space<vmem_shared>>
    tpu.enqueue_indirect_dma source(%dma_start3A_314 : memref<128x128xf32, #tpu.memory_space<vmem>>) target(%dma_start3A_317 : memref<10016x128xf32, #tpu.memory_space<vmem_shared>>) offsets(%arg11 : memref<128xi32, #tpu.memory_space<vmem>>) semaphore(%arg19 : memref<!tpu.dma_semaphore, #tpu.memory_space<semaphore_mem>>) {add = true}
    %dma_wait3A_318 = arith.constant 1 : i32
    %dma_wait3A_319 = arith.constant 0 : i32
    %dma_wait3A_320 = arith.constant 0 : i32
    %dma_wait3A_321 = tpu.memref_slice %arg14[%dma_wait3A_318, %dma_wait3A_319, %dma_wait3A_320] : memref<3x128x128xf32, #tpu.memory_space<vmem>> -> memref<1x128x128xf32, #tpu.memory_space<vmem>>
    %dma_wait3A_322 = tpu.memref_squeeze %dma_wait3A_321 : memref<1x128x128xf32, #tpu.memory_space<vmem>> -> memref<128x128xf32, #tpu.memory_space<vmem>>
    %dma_wait3A_323 = arith.constant 0 : i32
    %dma_wait3A_324 = arith.constant 0 : i32
    %dma_wait3A_325 = tpu.memref_slice %arg15[%dma_wait3A_323, %dma_wait3A_324] : memref<10016x128xf32, #tpu.memory_space<vmem_shared>> -> memref<10016x128xf32, #tpu.memory_space<vmem_shared>>
    tpu.wait_indirect_dma semaphore(%arg18 : memref<!tpu.dma_semaphore, #tpu.memory_space<semaphore_mem>>) src(%dma_wait3A_322 : memref<128x128xf32, #tpu.memory_space<vmem>>) dst(%dma_wait3A_325 : memref<10016x128xf32, #tpu.memory_space<vmem_shared>>)
    %add3A_326 = arith.constant 79 : i32
    %add3A_327 = arith.addi %mul3A_2, %add3A_326 : i32
    %mul3A_328 = arith.constant 128 : i32
    %mul3A_329 = arith.muli %add3A_327, %mul3A_328 : i32
    %dma_wait3A_330 = tpu.memref_slice %arg3[%mul3A_329] : memref<327680xi32, #tpu.memory_space<hbm>> -> memref<128xi32, #tpu.memory_space<hbm>>
    %dma_wait3A_331 = tpu.memref_slice %arg3[%mul3A_329] : memref<327680xi32, #tpu.memory_space<hbm>> -> memref<128xi32, #tpu.memory_space<hbm>>
    tpu.wait_dma2 semaphore(%arg23 : memref<!tpu.dma_semaphore, #tpu.memory_space<semaphore_mem>>) src(%dma_wait3A_331 : memref<128xi32, #tpu.memory_space<hbm>>) dst(%arg8 : memref<128xi32, #tpu.memory_space<vmem>>)
    %dma_wait3A_332 = tpu.memref_slice %arg4[%mul3A_329] : memref<327680xi32, #tpu.memory_space<hbm>> -> memref<128xi32, #tpu.memory_space<hbm>>
    %dma_wait3A_333 = tpu.memref_slice %arg4[%mul3A_329] : memref<327680xi32, #tpu.memory_space<hbm>> -> memref<128xi32, #tpu.memory_space<hbm>>
    tpu.wait_dma2 semaphore(%arg28 : memref<!tpu.dma_semaphore, #tpu.memory_space<semaphore_mem>>) src(%dma_wait3A_333 : memref<128xi32, #tpu.memory_space<hbm>>) dst(%arg13 : memref<128xi32, #tpu.memory_space<vmem>>)
    %dma_start3A_334 = arith.constant 1 : i32
    %dma_start3A_335 = arith.constant 0 : i32
    %dma_start3A_336 = arith.constant 0 : i32
    %dma_start3A_337 = tpu.memref_slice %arg14[%dma_start3A_334, %dma_start3A_335, %dma_start3A_336] : memref<3x128x128xf32, #tpu.memory_space<vmem>> -> memref<1x128x128xf32, #tpu.memory_space<vmem>>
    %dma_start3A_338 = tpu.memref_squeeze %dma_start3A_337 : memref<1x128x128xf32, #tpu.memory_space<vmem>> -> memref<128x128xf32, #tpu.memory_space<vmem>>
    %dma_start3A_339 = arith.constant 0 : i32
    %dma_start3A_340 = arith.constant 0 : i32
    %dma_start3A_341 = tpu.memref_slice %arg2[%dma_start3A_339, %dma_start3A_340] : memref<10000x128xf32, #tpu.memory_space<hbm>> -> memref<10000x128xf32, #tpu.memory_space<hbm>>
    tpu.enqueue_indirect_dma source(%dma_start3A_341 : memref<10000x128xf32, #tpu.memory_space<hbm>>) target(%dma_start3A_338 : memref<128x128xf32, #tpu.memory_space<vmem>>) offsets(%arg8 : memref<128xi32, #tpu.memory_space<vmem>>) semaphore(%arg17 : memref<!tpu.dma_semaphore, #tpu.memory_space<semaphore_mem>>)
    %dma_wait3A_342 = arith.constant 0 : i32
    %dma_wait3A_343 = arith.constant 0 : i32
    %dma_wait3A_344 = arith.constant 0 : i32
    %dma_wait3A_345 = tpu.memref_slice %arg14[%dma_wait3A_342, %dma_wait3A_343, %dma_wait3A_344] : memref<3x128x128xf32, #tpu.memory_space<vmem>> -> memref<1x128x128xf32, #tpu.memory_space<vmem>>
    %dma_wait3A_346 = tpu.memref_squeeze %dma_wait3A_345 : memref<1x128x128xf32, #tpu.memory_space<vmem>> -> memref<128x128xf32, #tpu.memory_space<vmem>>
    %dma_wait3A_347 = arith.constant 0 : i32
    %dma_wait3A_348 = arith.constant 0 : i32
    %dma_wait3A_349 = tpu.memref_slice %arg2[%dma_wait3A_347, %dma_wait3A_348] : memref<10000x128xf32, #tpu.memory_space<hbm>> -> memref<10000x128xf32, #tpu.memory_space<hbm>>
    tpu.wait_indirect_dma semaphore(%arg16 : memref<!tpu.dma_semaphore, #tpu.memory_space<semaphore_mem>>) src(%dma_wait3A_349 : memref<10000x128xf32, #tpu.memory_space<hbm>>) dst(%dma_wait3A_346 : memref<128x128xf32, #tpu.memory_space<vmem>>)
    %dma_start3A_350 = arith.constant 0 : i32
    %dma_start3A_351 = arith.constant 0 : i32
    %dma_start3A_352 = arith.constant 0 : i32
    %dma_start3A_353 = tpu.memref_slice %arg14[%dma_start3A_350, %dma_start3A_351, %dma_start3A_352] : memref<3x128x128xf32, #tpu.memory_space<vmem>> -> memref<1x128x128xf32, #tpu.memory_space<vmem>>
    %dma_start3A_354 = tpu.memref_squeeze %dma_start3A_353 : memref<1x128x128xf32, #tpu.memory_space<vmem>> -> memref<128x128xf32, #tpu.memory_space<vmem>>
    %dma_start3A_355 = arith.constant 0 : i32
    %dma_start3A_356 = arith.constant 0 : i32
    %dma_start3A_357 = tpu.memref_slice %arg15[%dma_start3A_355, %dma_start3A_356] : memref<10016x128xf32, #tpu.memory_space<vmem_shared>> -> memref<10016x128xf32, #tpu.memory_space<vmem_shared>>
    tpu.enqueue_indirect_dma source(%dma_start3A_354 : memref<128x128xf32, #tpu.memory_space<vmem>>) target(%dma_start3A_357 : memref<10016x128xf32, #tpu.memory_space<vmem_shared>>) offsets(%arg12 : memref<128xi32, #tpu.memory_space<vmem>>) semaphore(%arg20 : memref<!tpu.dma_semaphore, #tpu.memory_space<semaphore_mem>>) {add = true}
    %dma_wait3A_358 = arith.constant 2 : i32
    %dma_wait3A_359 = arith.constant 0 : i32
    %dma_wait3A_360 = arith.constant 0 : i32
    %dma_wait3A_361 = tpu.memref_slice %arg14[%dma_wait3A_358, %dma_wait3A_359, %dma_wait3A_360] : memref<3x128x128xf32, #tpu.memory_space<vmem>> -> memref<1x128x128xf32, #tpu.memory_space<vmem>>
    %dma_wait3A_362 = tpu.memref_squeeze %dma_wait3A_361 : memref<1x128x128xf32, #tpu.memory_space<vmem>> -> memref<128x128xf32, #tpu.memory_space<vmem>>
    %dma_wait3A_363 = arith.constant 0 : i32
    %dma_wait3A_364 = arith.constant 0 : i32
    %dma_wait3A_365 = tpu.memref_slice %arg15[%dma_wait3A_363, %dma_wait3A_364] : memref<10016x128xf32, #tpu.memory_space<vmem_shared>> -> memref<10016x128xf32, #tpu.memory_space<vmem_shared>>
    tpu.wait_indirect_dma semaphore(%arg19 : memref<!tpu.dma_semaphore, #tpu.memory_space<semaphore_mem>>) src(%dma_wait3A_362 : memref<128x128xf32, #tpu.memory_space<vmem>>) dst(%dma_wait3A_365 : memref<10016x128xf32, #tpu.memory_space<vmem_shared>>)
    %dma_wait3A_366 = arith.constant 1 : i32
    %dma_wait3A_367 = arith.constant 0 : i32
    %dma_wait3A_368 = arith.constant 0 : i32
    %dma_wait3A_369 = tpu.memref_slice %arg14[%dma_wait3A_366, %dma_wait3A_367, %dma_wait3A_368] : memref<3x128x128xf32, #tpu.memory_space<vmem>> -> memref<1x128x128xf32, #tpu.memory_space<vmem>>
    %dma_wait3A_370 = tpu.memref_squeeze %dma_wait3A_369 : memref<1x128x128xf32, #tpu.memory_space<vmem>> -> memref<128x128xf32, #tpu.memory_space<vmem>>
    %dma_wait3A_371 = arith.constant 0 : i32
    %dma_wait3A_372 = arith.constant 0 : i32
    %dma_wait3A_373 = tpu.memref_slice %arg2[%dma_wait3A_371, %dma_wait3A_372] : memref<10000x128xf32, #tpu.memory_space<hbm>> -> memref<10000x128xf32, #tpu.memory_space<hbm>>
    tpu.wait_indirect_dma semaphore(%arg17 : memref<!tpu.dma_semaphore, #tpu.memory_space<semaphore_mem>>) src(%dma_wait3A_373 : memref<10000x128xf32, #tpu.memory_space<hbm>>) dst(%dma_wait3A_370 : memref<128x128xf32, #tpu.memory_space<vmem>>)
    %dma_start3A_374 = arith.constant 1 : i32
    %dma_start3A_375 = arith.constant 0 : i32
    %dma_start3A_376 = arith.constant 0 : i32
    %dma_start3A_377 = tpu.memref_slice %arg14[%dma_start3A_374, %dma_start3A_375, %dma_start3A_376] : memref<3x128x128xf32, #tpu.memory_space<vmem>> -> memref<1x128x128xf32, #tpu.memory_space<vmem>>
    %dma_start3A_378 = tpu.memref_squeeze %dma_start3A_377 : memref<1x128x128xf32, #tpu.memory_space<vmem>> -> memref<128x128xf32, #tpu.memory_space<vmem>>
    %dma_start3A_379 = arith.constant 0 : i32
    %dma_start3A_380 = arith.constant 0 : i32
    %dma_start3A_381 = tpu.memref_slice %arg15[%dma_start3A_379, %dma_start3A_380] : memref<10016x128xf32, #tpu.memory_space<vmem_shared>> -> memref<10016x128xf32, #tpu.memory_space<vmem_shared>>
    tpu.enqueue_indirect_dma source(%dma_start3A_378 : memref<128x128xf32, #tpu.memory_space<vmem>>) target(%dma_start3A_381 : memref<10016x128xf32, #tpu.memory_space<vmem_shared>>) offsets(%arg13 : memref<128xi32, #tpu.memory_space<vmem>>) semaphore(%arg21 : memref<!tpu.dma_semaphore, #tpu.memory_space<semaphore_mem>>) {add = true}
    %dma_wait3A_382 = arith.constant 0 : i32
    %dma_wait3A_383 = arith.constant 0 : i32
    %dma_wait3A_384 = arith.constant 0 : i32
    %dma_wait3A_385 = tpu.memref_slice %arg14[%dma_wait3A_382, %dma_wait3A_383, %dma_wait3A_384] : memref<3x128x128xf32, #tpu.memory_space<vmem>> -> memref<1x128x128xf32, #tpu.memory_space<vmem>>
    %dma_wait3A_386 = tpu.memref_squeeze %dma_wait3A_385 : memref<1x128x128xf32, #tpu.memory_space<vmem>> -> memref<128x128xf32, #tpu.memory_space<vmem>>
    %dma_wait3A_387 = arith.constant 0 : i32
    %dma_wait3A_388 = arith.constant 0 : i32
    %dma_wait3A_389 = tpu.memref_slice %arg15[%dma_wait3A_387, %dma_wait3A_388] : memref<10016x128xf32, #tpu.memory_space<vmem_shared>> -> memref<10016x128xf32, #tpu.memory_space<vmem_shared>>
    tpu.wait_indirect_dma semaphore(%arg20 : memref<!tpu.dma_semaphore, #tpu.memory_space<semaphore_mem>>) src(%dma_wait3A_386 : memref<128x128xf32, #tpu.memory_space<vmem>>) dst(%dma_wait3A_389 : memref<10016x128xf32, #tpu.memory_space<vmem_shared>>)
    %dma_wait3A_390 = arith.constant 1 : i32
    %dma_wait3A_391 = arith.constant 0 : i32
    %dma_wait3A_392 = arith.constant 0 : i32
    %dma_wait3A_393 = tpu.memref_slice %arg14[%dma_wait3A_390, %dma_wait3A_391, %dma_wait3A_392] : memref<3x128x128xf32, #tpu.memory_space<vmem>> -> memref<1x128x128xf32, #tpu.memory_space<vmem>>
    %dma_wait3A_394 = tpu.memref_squeeze %dma_wait3A_393 : memref<1x128x128xf32, #tpu.memory_space<vmem>> -> memref<128x128xf32, #tpu.memory_space<vmem>>
    %dma_wait3A_395 = arith.constant 0 : i32
    %dma_wait3A_396 = arith.constant 0 : i32
    %dma_wait3A_397 = tpu.memref_slice %arg15[%dma_wait3A_395, %dma_wait3A_396] : memref<10016x128xf32, #tpu.memory_space<vmem_shared>> -> memref<10016x128xf32, #tpu.memory_space<vmem_shared>>
    tpu.wait_indirect_dma semaphore(%arg21 : memref<!tpu.dma_semaphore, #tpu.memory_space<semaphore_mem>>) src(%dma_wait3A_394 : memref<128x128xf32, #tpu.memory_space<vmem>>) dst(%dma_wait3A_397 : memref<10016x128xf32, #tpu.memory_space<vmem_shared>>)
    %barrier3A_398 = arith.constant 0 : index
    tpu.barrier barrier_id(%barrier3A_398)
    %lt3A_399 = arith.constant 15 : i32
    %lt3A_400 = arith.cmpi slt, %arg1, %lt3A_399 : i32
    %convert_element_type3A_401 = arith.extui %lt3A_400 : i1 to i32
    %cond3A_402 = arith.constant 0 : i32
    %cond3A_403 = arith.cmpi ne, %convert_element_type3A_401, %cond3A_402 : i32
    scf.if %cond3A_403 {
      %mul3A_409 = arith.constant 10000 : i32
      %mul3A_410 = arith.muli %arg0, %mul3A_409 : i32
      %add3A_411 = arith.addi %mul3A_410, %mul3A_19 : i32
      "tpu.region"() ({
        %run_scoped3A = tpu.sem_alloc : memref<!tpu.dma_semaphore, #tpu.memory_space<semaphore_mem>>
        %dma_start3A_412 = arith.constant 0 : i32
        %dma_start3A_413 = tpu.memref_slice %arg6[%add3A_411, %dma_start3A_412] : memref<20000x128xf32, #tpu.memory_space<hbm>> -> memref<632x128xf32, #tpu.memory_space<hbm>>
        %dma_start3A_414 = arith.constant 0 : i32
        %dma_start3A_415 = tpu.memref_slice %arg15[%mul3A_19, %dma_start3A_414] : memref<10016x128xf32, #tpu.memory_space<vmem_shared>> -> memref<632x128xf32, #tpu.memory_space<vmem_shared>>
        tpu.enqueue_dma source(%dma_start3A_415 : memref<632x128xf32, #tpu.memory_space<vmem_shared>>) target(%dma_start3A_413 : memref<632x128xf32, #tpu.memory_space<hbm>>) target_semaphore(%run_scoped3A : memref<!tpu.dma_semaphore, #tpu.memory_space<semaphore_mem>>)
        %dma_wait3A_416 = arith.constant 0 : i32
        %dma_wait3A_417 = tpu.memref_slice %arg6[%add3A_411, %dma_wait3A_416] : memref<20000x128xf32, #tpu.memory_space<hbm>> -> memref<632x128xf32, #tpu.memory_space<hbm>>
        %dma_wait3A_418 = arith.constant 0 : i32
        %dma_wait3A_419 = tpu.memref_slice %arg15[%mul3A_19, %dma_wait3A_418] : memref<10016x128xf32, #tpu.memory_space<vmem_shared>> -> memref<632x128xf32, #tpu.memory_space<vmem_shared>>
        tpu.wait_dma2 semaphore(%run_scoped3A : memref<!tpu.dma_semaphore, #tpu.memory_space<semaphore_mem>>) src(%dma_wait3A_419 : memref<632x128xf32, #tpu.memory_space<vmem_shared>>) dst(%dma_wait3A_417 : memref<632x128xf32, #tpu.memory_space<hbm>>)
        tpu.yield
      }) : () -> ()
    } else {
    }
    %eq3A_404 = arith.constant 15 : i32
    %eq3A_405 = arith.cmpi eq, %arg1, %eq3A_404 : i32
    %convert_element_type3A_406 = arith.extui %eq3A_405 : i1 to i32
    %cond3A_407 = arith.constant 0 : i32
    %cond3A_408 = arith.cmpi ne, %convert_element_type3A_406, %cond3A_407 : i32
    scf.if %cond3A_408 {
      %mul3A_409 = arith.constant 10000 : i32
      %mul3A_410 = arith.muli %arg0, %mul3A_409 : i32
      %add3A_411 = arith.constant 9480 : i32
      %add3A_412 = arith.addi %mul3A_410, %add3A_411 : i32
      "tpu.region"() ({
        %run_scoped3A = tpu.sem_alloc : memref<!tpu.dma_semaphore, #tpu.memory_space<semaphore_mem>>
        %dma_start3A_413 = arith.constant 0 : i32
        %dma_start3A_414 = tpu.memref_slice %arg6[%add3A_412, %dma_start3A_413] : memref<20000x128xf32, #tpu.memory_space<hbm>> -> memref<520x128xf32, #tpu.memory_space<hbm>>
        %dma_start3A_415 = arith.constant 9480 : i32
        %dma_start3A_416 = arith.constant 0 : i32
        %dma_start3A_417 = tpu.memref_slice %arg15[%dma_start3A_415, %dma_start3A_416] : memref<10016x128xf32, #tpu.memory_space<vmem_shared>> -> memref<520x128xf32, #tpu.memory_space<vmem_shared>>
        tpu.enqueue_dma source(%dma_start3A_417 : memref<520x128xf32, #tpu.memory_space<vmem_shared>>) target(%dma_start3A_414 : memref<520x128xf32, #tpu.memory_space<hbm>>) target_semaphore(%run_scoped3A : memref<!tpu.dma_semaphore, #tpu.memory_space<semaphore_mem>>)
        %dma_wait3A_418 = arith.constant 0 : i32
        %dma_wait3A_419 = tpu.memref_slice %arg6[%add3A_412, %dma_wait3A_418] : memref<20000x128xf32, #tpu.memory_space<hbm>> -> memref<520x128xf32, #tpu.memory_space<hbm>>
        %dma_wait3A_420 = arith.constant 9480 : i32
        %dma_wait3A_421 = arith.constant 0 : i32
        %dma_wait3A_422 = tpu.memref_slice %arg15[%dma_wait3A_420, %dma_wait3A_421] : memref<10016x128xf32, #tpu.memory_space<vmem_shared>> -> memref<520x128xf32, #tpu.memory_space<vmem_shared>>
        tpu.wait_dma2 semaphore(%run_scoped3A : memref<!tpu.dma_semaphore, #tpu.memory_space<semaphore_mem>>) src(%dma_wait3A_422 : memref<520x128xf32, #tpu.memory_space<vmem_shared>>) dst(%dma_wait3A_419 : memref<520x128xf32, #tpu.memory_space<hbm>>)
        tpu.yield
      }) : () -> ()
    } else {
    }
    return
  }
}

module attributes {stable_mosaic.version = 14 : i64} {
  func.func @_mlp_body(%arg0: i32, %arg1: memref<2000x128xf32, #tpu.memory_space<vmem>>, %arg2: memref<2000x128xf32, #tpu.memory_space<vmem>>, %arg3: memref<128x128xf32, #tpu.memory_space<vmem>>, %arg4: memref<1x128xf32, #tpu.memory_space<vmem>>, %arg5: memref<128x128xf32, #tpu.memory_space<vmem>>, %arg6: memref<1x128xf32, #tpu.memory_space<vmem>>, %arg7: memref<2000x128xf32, #tpu.memory_space<vmem>>) attributes {dimension_semantics = [#tpu.dimension_semantics<arbitrary>], iteration_bounds = array<i64: 5>, scalar_prefetch = 0 : i64, scratch_operands = 0 : i64, tpu.core_type = #tpu.core_type<tc>, window_params = [{transform_indices = @transform_0, window_bounds = array<i64: 2000, 128>}, {transform_indices = @transform_1, window_bounds = array<i64: 2000, 128>}, {pipeline_mode = #tpu.pipeline_mode<synchronous>, transform_indices = @transform_2, window_bounds = array<i64: 128, 128>}, {pipeline_mode = #tpu.pipeline_mode<synchronous>, transform_indices = @transform_3, window_bounds = array<i64: 1, 128>}, {pipeline_mode = #tpu.pipeline_mode<synchronous>, transform_indices = @transform_4, window_bounds = array<i64: 128, 128>}, {pipeline_mode = #tpu.pipeline_mode<synchronous>, transform_indices = @transform_5, window_bounds = array<i64: 1, 128>}, {transform_indices = @transform_6, window_bounds = array<i64: 2000, 128>}]} {
    %get3A = arith.constant 0 : index
    %get3A_0 = arith.constant 0 : index
    %get3A_1 = vector.load %arg1[%get3A, %get3A_0] : memref<2000x128xf32, #tpu.memory_space<vmem>>, vector<2000x128xf32>
    %get3A_2 = arith.constant 0 : index
    %get3A_3 = arith.constant 0 : index
    %get3A_4 = vector.load %arg2[%get3A_2, %get3A_3] : memref<2000x128xf32, #tpu.memory_space<vmem>>, vector<2000x128xf32>
    %add3A = arith.addf %get3A_1, %get3A_4 : vector<2000x128xf32>
    %get3A_5 = arith.constant 0 : index
    %get3A_6 = arith.constant 0 : index
    %get3A_7 = vector.load %arg3[%get3A_5, %get3A_6] : memref<128x128xf32, #tpu.memory_space<vmem>>, vector<128x128xf32>
    %dot_general3A = arith.constant dense<0.000000e+00> : vector<2000x128xf32>
    %dot_general3A_8 = tpu.matmul %add3A, %get3A_7, %dot_general3A {dimension_numbers = #tpu.dot_dimension_numbers<[1], [0], [0], [1], [0, 0, 1, 1], [], []>, transpose_lhs_hint = false} : vector<2000x128xf32>, vector<128x128xf32>, vector<2000x128xf32> -> vector<2000x128xf32>
    %get3A_9 = arith.constant 0 : index
    %get3A_10 = arith.constant 0 : index
    %get3A_11 = vector.load %arg4[%get3A_9, %get3A_10] : memref<1x128xf32, #tpu.memory_space<vmem>>, vector<1x128xf32>
    %add3A_12 = vector.broadcast %get3A_11 : vector<1x128xf32> to vector<2000x128xf32>
    %add3A_13 = arith.addf %dot_general3A_8, %add3A_12 : vector<2000x128xf32>
    %max3A = arith.constant 0.000000e+00 : f32
    %max3A_14 = vector.broadcast %max3A : f32 to vector<2000x128xf32>
    %max3A_15 = arith.maximumf %add3A_13, %max3A_14 : vector<2000x128xf32>
    %get3A_16 = arith.constant 0 : index
    %get3A_17 = arith.constant 0 : index
    %get3A_18 = vector.load %arg5[%get3A_16, %get3A_17] : memref<128x128xf32, #tpu.memory_space<vmem>>, vector<128x128xf32>
    %dot_general3A_19 = arith.constant dense<0.000000e+00> : vector<2000x128xf32>
    %dot_general3A_20 = tpu.matmul %max3A_15, %get3A_18, %dot_general3A_19 {dimension_numbers = #tpu.dot_dimension_numbers<[1], [0], [0], [1], [0, 0, 1, 1], [], []>, transpose_lhs_hint = false} : vector<2000x128xf32>, vector<128x128xf32>, vector<2000x128xf32> -> vector<2000x128xf32>
    %get3A_21 = arith.constant 0 : index
    %get3A_22 = arith.constant 0 : index
    %get3A_23 = vector.load %arg6[%get3A_21, %get3A_22] : memref<1x128xf32, #tpu.memory_space<vmem>>, vector<1x128xf32>
    %add3A_24 = vector.broadcast %get3A_23 : vector<1x128xf32> to vector<2000x128xf32>
    %add3A_25 = arith.addf %dot_general3A_20, %add3A_24 : vector<2000x128xf32>
    %max3A_26 = arith.constant 0.000000e+00 : f32
    %max3A_27 = vector.broadcast %max3A_26 : f32 to vector<2000x128xf32>
    %max3A_28 = arith.maximumf %add3A_25, %max3A_27 : vector<2000x128xf32>
    %swap3A = arith.constant 0 : index
    %swap3A_29 = arith.constant 0 : index
    %swap3A_30 = vector.load %arg7[%swap3A, %swap3A_29] : memref<2000x128xf32, #tpu.memory_space<vmem>>, vector<2000x128xf32>
    tpu.vector_store %arg7[%swap3A, %swap3A_29], %max3A_28 {strides = array<i32>} : memref<2000x128xf32, #tpu.memory_space<vmem>>, vector<2000x128xf32>,
    return
  }
  func.func @transform_0(%arg0: i32) -> (i32, i32) {
    %add3A = arith.constant 0 : i32
    %add3A_0 = arith.addi %arg0, %add3A : i32
    %c0_i32 = arith.constant 0 : i32
    %c0_i32_1 = arith.constant 0 : i32
    return %add3A_0, %c0_i32 : i32, i32
  }
  func.func @transform_1(%arg0: i32) -> (i32, i32) {
    %add3A = arith.constant 5 : i32
    %add3A_0 = arith.addi %arg0, %add3A : i32
    %c0_i32 = arith.constant 0 : i32
    %c0_i32_1 = arith.constant 0 : i32
    return %add3A_0, %c0_i32 : i32, i32
  }
  func.func @transform_2(%arg0: i32) -> (i32, i32) {
    %c0_i32 = arith.constant 0 : i32
    %c0_i32_0 = arith.constant 0 : i32
    %c0_i32_1 = arith.constant 0 : i32
    return %c0_i32, %c0_i32_0 : i32, i32
  }
  func.func @transform_3(%arg0: i32) -> (i32, i32) {
    %c0_i32 = arith.constant 0 : i32
    %c0_i32_0 = arith.constant 0 : i32
    %c0_i32_1 = arith.constant 0 : i32
    return %c0_i32, %c0_i32_0 : i32, i32
  }
  func.func @transform_4(%arg0: i32) -> (i32, i32) {
    %c0_i32 = arith.constant 0 : i32
    %c0_i32_0 = arith.constant 0 : i32
    %c0_i32_1 = arith.constant 0 : i32
    return %c0_i32, %c0_i32_0 : i32, i32
  }
  func.func @transform_5(%arg0: i32) -> (i32, i32) {
    %c0_i32 = arith.constant 0 : i32
    %c0_i32_0 = arith.constant 0 : i32
    %c0_i32_1 = arith.constant 0 : i32
    return %c0_i32, %c0_i32_0 : i32, i32
  }
  func.func @transform_6(%arg0: i32) -> (i32, i32) {
    %c0_i32 = arith.constant 0 : i32
    %c0_i32_0 = arith.constant 0 : i32
    return %arg0, %c0_i32 : i32, i32
  }
}

module attributes {stable_mosaic.version = 14 : i64} {
  func.func @_tail_body(%arg0: i32, %arg1: memref<2000x128xf32, #tpu.memory_space<vmem>>, %arg2: memref<2000x128xf32, #tpu.memory_space<vmem>>, %arg3: memref<128x128xf32, #tpu.memory_space<vmem>>, %arg4: memref<1x128xf32, #tpu.memory_space<vmem>>, %arg5: memref<128x128xf32, #tpu.memory_space<vmem>>, %arg6: memref<1x128xf32, #tpu.memory_space<vmem>>, %arg7: memref<1x128xf32, #tpu.memory_space<vmem>>, %arg8: memref<1x128xf32, #tpu.memory_space<vmem>>, %arg9: memref<128x128xf32, #tpu.memory_space<vmem>>, %arg10: memref<1x128xf32, #tpu.memory_space<vmem>>, %arg11: memref<1x128xf32, #tpu.memory_space<vmem>>, %arg12: memref<1x128xf32, #tpu.memory_space<vmem>>, %arg13: memref<1x1xf32, #tpu.memory_space<smem>>, %arg14: memref<2000x128xf32, #tpu.memory_space<vmem>>, %arg15: memref<2000x128xf32, #tpu.memory_space<vmem>>) attributes {dimension_semantics = [#tpu.dimension_semantics<arbitrary>], iteration_bounds = array<i64: 5>, scalar_prefetch = 0 : i64, scratch_operands = 0 : i64, tpu.core_type = #tpu.core_type<tc>, window_params = [{transform_indices = @transform_0, window_bounds = array<i64: 2000, 128>}, {transform_indices = @transform_1, window_bounds = array<i64: 2000, 128>}, {pipeline_mode = #tpu.pipeline_mode<synchronous>, transform_indices = @transform_2, window_bounds = array<i64: 128, 128>}, {pipeline_mode = #tpu.pipeline_mode<synchronous>, transform_indices = @transform_3, window_bounds = array<i64: 1, 128>}, {pipeline_mode = #tpu.pipeline_mode<synchronous>, transform_indices = @transform_4, window_bounds = array<i64: 128, 128>}, {pipeline_mode = #tpu.pipeline_mode<synchronous>, transform_indices = @transform_5, window_bounds = array<i64: 1, 128>}, {pipeline_mode = #tpu.pipeline_mode<synchronous>, transform_indices = @transform_6, window_bounds = array<i64: 1, 128>}, {pipeline_mode = #tpu.pipeline_mode<synchronous>, transform_indices = @transform_7, window_bounds = array<i64: 1, 128>}, {pipeline_mode = #tpu.pipeline_mode<synchronous>, transform_indices = @transform_8, window_bounds = array<i64: 128, 128>}, {pipeline_mode = #tpu.pipeline_mode<synchronous>, transform_indices = @transform_9, window_bounds = array<i64: 1, 128>}, {pipeline_mode = #tpu.pipeline_mode<synchronous>, transform_indices = @transform_10, window_bounds = array<i64: 1, 128>}, {pipeline_mode = #tpu.pipeline_mode<synchronous>, transform_indices = @transform_11, window_bounds = array<i64: 1, 128>}, {transform_indices = @transform_12, window_bounds = array<i64: 1, 1>}, {transform_indices = @transform_13, window_bounds = array<i64: 2000, 128>}, {transform_indices = @transform_14, window_bounds = array<i64: 2000, 128>}]} {
    %get3A = arith.constant 0 : index
    %get3A_0 = arith.constant 0 : index
    %get3A_1 = vector.load %arg1[%get3A, %get3A_0] : memref<2000x128xf32, #tpu.memory_space<vmem>>, vector<2000x128xf32>
    %get3A_2 = arith.constant 0 : index
    %get3A_3 = arith.constant 0 : index
    %get3A_4 = vector.load %arg2[%get3A_2, %get3A_3] : memref<2000x128xf32, #tpu.memory_space<vmem>>, vector<2000x128xf32>
    %add3A = arith.addf %get3A_1, %get3A_4 : vector<2000x128xf32>
    %get3A_5 = arith.constant 0 : index
    %get3A_6 = arith.constant 0 : index
    %get3A_7 = vector.load %arg3[%get3A_5, %get3A_6] : memref<128x128xf32, #tpu.memory_space<vmem>>, vector<128x128xf32>
    %dot_general3A = arith.constant dense<0.000000e+00> : vector<2000x128xf32>
    %dot_general3A_8 = tpu.matmul %add3A, %get3A_7, %dot_general3A {dimension_numbers = #tpu.dot_dimension_numbers<[1], [0], [0], [1], [0, 0, 1, 1], [], []>, transpose_lhs_hint = false} : vector<2000x128xf32>, vector<128x128xf32>, vector<2000x128xf32> -> vector<2000x128xf32>
    %get3A_9 = arith.constant 0 : index
    %get3A_10 = arith.constant 0 : index
    %get3A_11 = vector.load %arg4[%get3A_9, %get3A_10] : memref<1x128xf32, #tpu.memory_space<vmem>>, vector<1x128xf32>
    %add3A_12 = vector.broadcast %get3A_11 : vector<1x128xf32> to vector<2000x128xf32>
    %add3A_13 = arith.addf %dot_general3A_8, %add3A_12 : vector<2000x128xf32>
    %max3A = arith.constant 0.000000e+00 : f32
    %max3A_14 = vector.broadcast %max3A : f32 to vector<2000x128xf32>
    %max3A_15 = arith.maximumf %add3A_13, %max3A_14 : vector<2000x128xf32>
    %get3A_16 = arith.constant 0 : index
    %get3A_17 = arith.constant 0 : index
    %get3A_18 = vector.load %arg5[%get3A_16, %get3A_17] : memref<128x128xf32, #tpu.memory_space<vmem>>, vector<128x128xf32>
    %dot_general3A_19 = arith.constant dense<0.000000e+00> : vector<2000x128xf32>
    %dot_general3A_20 = tpu.matmul %max3A_15, %get3A_18, %dot_general3A_19 {dimension_numbers = #tpu.dot_dimension_numbers<[1], [0], [0], [1], [0, 0, 1, 1], [], []>, transpose_lhs_hint = false} : vector<2000x128xf32>, vector<128x128xf32>, vector<2000x128xf32> -> vector<2000x128xf32>
    %get3A_21 = arith.constant 0 : index
    %get3A_22 = arith.constant 0 : index
    %get3A_23 = vector.load %arg6[%get3A_21, %get3A_22] : memref<1x128xf32, #tpu.memory_space<vmem>>, vector<1x128xf32>
    %add3A_24 = vector.broadcast %get3A_23 : vector<1x128xf32> to vector<2000x128xf32>
    %add3A_25 = arith.addf %dot_general3A_20, %add3A_24 : vector<2000x128xf32>
    %max3A_26 = arith.constant 0.000000e+00 : f32
    %max3A_27 = vector.broadcast %max3A_26 : f32 to vector<2000x128xf32>
    %max3A_28 = arith.maximumf %add3A_25, %max3A_27 : vector<2000x128xf32>
    %get3A_29 = arith.constant 0 : index
    %get3A_30 = arith.constant 0 : index
    %get3A_31 = vector.load %arg7[%get3A_29, %get3A_30] : memref<1x128xf32, #tpu.memory_space<vmem>>, vector<1x128xf32>
    %mul3A = arith.constant 0.999994993 : f32
    %mul3A_32 = vector.broadcast %mul3A : f32 to vector<1x128xf32>
    %mul3A_33 = arith.mulf %get3A_31, %mul3A_32 : vector<1x128xf32>
    %mul3A_34 = vector.broadcast %mul3A_33 : vector<1x128xf32> to vector<2000x128xf32>
    %mul3A_35 = arith.mulf %max3A_28, %mul3A_34 : vector<2000x128xf32>
    %get3A_36 = arith.constant 0 : index
    %get3A_37 = arith.constant 0 : index
    %get3A_38 = vector.load %arg8[%get3A_36, %get3A_37] : memref<1x128xf32, #tpu.memory_space<vmem>>, vector<1x128xf32>
    %add3A_39 = vector.broadcast %get3A_38 : vector<1x128xf32> to vector<2000x128xf32>
    %add3A_40 = arith.addf %mul3A_35, %add3A_39 : vector<2000x128xf32>
    %swap3A = arith.constant 0 : index
    %swap3A_41 = arith.constant 0 : index
    %swap3A_42 = vector.load %arg14[%swap3A, %swap3A_41] : memref<2000x128xf32, #tpu.memory_space<vmem>>, vector<2000x128xf32>
    tpu.vector_store %arg14[%swap3A, %swap3A_41], %add3A_40 {strides = array<i32>} : memref<2000x128xf32, #tpu.memory_space<vmem>>, vector<2000x128xf32>,
    %get3A_43 = arith.constant 0 : index
    %get3A_44 = arith.constant 0 : index
    %get3A_45 = vector.load %arg9[%get3A_43, %get3A_44] : memref<128x128xf32, #tpu.memory_space<vmem>>, vector<128x128xf32>
    %dot_general3A_46 = arith.constant dense<0.000000e+00> : vector<2000x128xf32>
    %dot_general3A_47 = tpu.matmul %add3A_40, %get3A_45, %dot_general3A_46 {dimension_numbers = #tpu.dot_dimension_numbers<[1], [0], [0], [1], [0, 0, 1, 1], [], []>, transpose_lhs_hint = false} : vector<2000x128xf32>, vector<128x128xf32>, vector<2000x128xf32> -> vector<2000x128xf32>
    %get3A_48 = arith.constant 0 : index
    %get3A_49 = arith.constant 0 : index
    %get3A_50 = vector.load %arg10[%get3A_48, %get3A_49] : memref<1x128xf32, #tpu.memory_space<vmem>>, vector<1x128xf32>
    %add3A_51 = vector.broadcast %get3A_50 : vector<1x128xf32> to vector<2000x128xf32>
    %add3A_52 = arith.addf %dot_general3A_47, %add3A_51 : vector<2000x128xf32>
    %get3A_53 = arith.constant 0 : index
    %get3A_54 = arith.constant 0 : index
    %get3A_55 = vector.load %arg11[%get3A_53, %get3A_54] : memref<1x128xf32, #tpu.memory_space<vmem>>, vector<1x128xf32>
    %mul3A_56 = arith.constant 0.999994993 : f32
    %mul3A_57 = vector.broadcast %mul3A_56 : f32 to vector<1x128xf32>
    %mul3A_58 = arith.mulf %get3A_55, %mul3A_57 : vector<1x128xf32>
    %mul3A_59 = vector.broadcast %mul3A_58 : vector<1x128xf32> to vector<2000x128xf32>
    %mul3A_60 = arith.mulf %add3A_52, %mul3A_59 : vector<2000x128xf32>
    %get3A_61 = arith.constant 0 : index
    %get3A_62 = arith.constant 0 : index
    %get3A_63 = vector.load %arg12[%get3A_61, %get3A_62] : memref<1x128xf32, #tpu.memory_space<vmem>>, vector<1x128xf32>
    %add3A_64 = vector.broadcast %get3A_63 : vector<1x128xf32> to vector<2000x128xf32>
    %add3A_65 = arith.addf %mul3A_60, %add3A_64 : vector<2000x128xf32>
    %gt3A = arith.constant 0.000000e+00 : f32
    %gt3A_66 = vector.broadcast %gt3A : f32 to vector<2000x128xf32>
    %gt3A_67 = arith.cmpf ogt, %add3A_65, %gt3A_66 : vector<2000x128xf32>
    %get3A_68 = arith.constant 0 : index
    %get3A_69 = arith.constant 0 : index
    %get3A_70 = memref.load %arg13[%get3A_68, %get3A_69] : memref<1x1xf32, #tpu.memory_space<smem>>
    %mul3A_71 = vector.broadcast %get3A_70 : f32 to vector<2000x128xf32>
    %mul3A_72 = arith.mulf %mul3A_71, %add3A_65 : vector<2000x128xf32>
    %select_n3A = arith.select %gt3A_67, %add3A_65, %mul3A_72 : vector<2000x128xi1>, vector<2000x128xf32>
    %swap3A_73 = arith.constant 0 : index
    %swap3A_74 = arith.constant 0 : index
    %swap3A_75 = vector.load %arg15[%swap3A_73, %swap3A_74] : memref<2000x128xf32, #tpu.memory_space<vmem>>, vector<2000x128xf32>
    tpu.vector_store %arg15[%swap3A_73, %swap3A_74], %select_n3A {strides = array<i32>} : memref<2000x128xf32, #tpu.memory_space<vmem>>, vector<2000x128xf32>,
    return
  }
  func.func @transform_0(%arg0: i32) -> (i32, i32) {
    %add3A = arith.constant 0 : i32
    %add3A_0 = arith.addi %arg0, %add3A : i32
    %c0_i32 = arith.constant 0 : i32
    %c0_i32_1 = arith.constant 0 : i32
    return %add3A_0, %c0_i32 : i32, i32
  }
  func.func @transform_1(%arg0: i32) -> (i32, i32) {
    %add3A = arith.constant 5 : i32
    %add3A_0 = arith.addi %arg0, %add3A : i32
    %c0_i32 = arith.constant 0 : i32
    %c0_i32_1 = arith.constant 0 : i32
    return %add3A_0, %c0_i32 : i32, i32
  }
  func.func @transform_2(%arg0: i32) -> (i32, i32) {
    %c0_i32 = arith.constant 0 : i32
    %c0_i32_0 = arith.constant 0 : i32
    %c0_i32_1 = arith.constant 0 : i32
    return %c0_i32, %c0_i32_0 : i32, i32
  }
  func.func @transform_3(%arg0: i32) -> (i32, i32) {
    %c0_i32 = arith.constant 0 : i32
    %c0_i32_0 = arith.constant 0 : i32
    %c0_i32_1 = arith.constant 0 : i32
    return %c0_i32, %c0_i32_0 : i32, i32
  }
  func.func @transform_4(%arg0: i32) -> (i32, i32) {
    %c0_i32 = arith.constant 0 : i32
    %c0_i32_0 = arith.constant 0 : i32
    %c0_i32_1 = arith.constant 0 : i32
    return %c0_i32, %c0_i32_0 : i32, i32
  }
  func.func @transform_5(%arg0: i32) -> (i32, i32) {
    %c0_i32 = arith.constant 0 : i32
    %c0_i32_0 = arith.constant 0 : i32
    %c0_i32_1 = arith.constant 0 : i32
    return %c0_i32, %c0_i32_0 : i32, i32
  }
  func.func @transform_6(%arg0: i32) -> (i32, i32) {
    %c0_i32 = arith.constant 0 : i32
    %c0_i32_0 = arith.constant 0 : i32
    %c0_i32_1 = arith.constant 0 : i32
    return %c0_i32, %c0_i32_0 : i32, i32
  }
  func.func @transform_7(%arg0: i32) -> (i32, i32) {
    %c0_i32 = arith.constant 0 : i32
    %c0_i32_0 = arith.constant 0 : i32
    %c0_i32_1 = arith.constant 0 : i32
    return %c0_i32, %c0_i32_0 : i32, i32
  }
  func.func @transform_8(%arg0: i32) -> (i32, i32) {
    %c0_i32 = arith.constant 0 : i32
    %c0_i32_0 = arith.constant 0 : i32
    %c0_i32_1 = arith.constant 0 : i32
    return %c0_i32, %c0_i32_0 : i32, i32
  }
  func.func @transform_9(%arg0: i32) -> (i32, i32) {
    %c0_i32 = arith.constant 0 : i32
    %c0_i32_0 = arith.constant 0 : i32
    %c0_i32_1 = arith.constant 0 : i32
    return %c0_i32, %c0_i32_0 : i32, i32
  }
  func.func @transform_10(%arg0: i32) -> (i32, i32) {
    %c0_i32 = arith.constant 0 : i32
    %c0_i32_0 = arith.constant 0 : i32
    %c0_i32_1 = arith.constant 0 : i32
    return %c0_i32, %c0_i32_0 : i32, i32
  }
  func.func @transform_11(%arg0: i32) -> (i32, i32) {
    %c0_i32 = arith.constant 0 : i32
    %c0_i32_0 = arith.constant 0 : i32
    %c0_i32_1 = arith.constant 0 : i32
    return %c0_i32, %c0_i32_0 : i32, i32
  }
  func.func @transform_12(%arg0: i32) -> (i32, i32) {
    %c0_i32 = arith.constant 0 : i32
    %c0_i32_0 = arith.constant 0 : i32
    %c0_i32_1 = arith.constant 0 : i32
    return %c0_i32, %c0_i32_0 : i32, i32
  }
  func.func @transform_13(%arg0: i32) -> (i32, i32) {
    %c0_i32 = arith.constant 0 : i32
    %c0_i32_0 = arith.constant 0 : i32
    return %arg0, %c0_i32 : i32, i32
  }
  func.func @transform_14(%arg0: i32) -> (i32, i32) {
    %c0_i32 = arith.constant 0 : i32
    %c0_i32_0 = arith.constant 0 : i32
    return %arg0, %c0_i32 : i32, i32
  }
}

</mosaic_0001>

<sc_bundles>
// kernel: kernel.6.cloned.1.call-start
scs
__scs_entry_jumppad:
0x0: {  	(pc) =	sbr.rel $0x88, $3  }
0x1: {  	(tag) =	ssettag $0x0;
	lr =	simm.s32 $0x1  }
0x2: {  	[smem:$0x3F90] =	sst lr;
	_ =	strace $0xD0000000  }
0x3: {  	_ = 	snop  }
0x4: {  	_ = 	snop  }
0x5: {  	_ = 	snop  }
0x6: {  	_ = 	snop  }
0x7: {  	_ = 	snop  }
__scs_overlays_trampoline_lowered:
0x8: {  	[smem:$0x3F9F] =	sst s0  }
0x9: {  	[smem:$0x3FA0] =	sst s1  }
0xa: {  	[smem:$0x3FA1] =	sst s2  }
0xb: {  	[smem:$0x3FA2] =	sst s3  }
0xc: {  	[smem:$0x3FA3] =	sst s4  }
0xd: {  	[smem:$0x3FA4] =	sst s5  }
0xe: {  	[smem:$0x3FA5] =	sst s6  }
0xf: {  	[smem:$0x3FA6] =	sst s7  }
0x10: {  	[smem:$0x3FA7] =	sst s8  }
0x11: {  	[smem:$0x3FA8] =	sst s9;
	s0 =	simm.s32 @!p0 $0x0  }
0x12: {  	s1 =	sld [smem:$0x3F8E];
	s0 =	simm.s32 @p0 $0x1  }
0x13: {  	[smem:$0x3FA9] =	sst s0;
	s0 =	simm.s32 @!p1 $0x0  }
0x14: {  	s2 =	sld [smem:$0x3F8D];
	s0 =	simm.s32 @p1 $0x1  }
0x15: {  	[smem:$0x3FAA] =	sst s0;
	s0 =	simm.s32 @!p2 $0x0  }
0x16: {  	s3 =	sld [smem:$0x3FDB];
	s0 =	simm.s32 @p2 $0x1  }
0x17: {  	s4 =	simm.s32 $0x1BF5;
	[smem:$0x3FAC] =	sst s0  }
0x18: {  	s0 =	sld [smem:$0x3F8F];
	_ =	swait.ge [sflag:s4], $0x0  }
0x19: {  	s7 =	sld [smem:$0x3F90]  }
0x1a: {  	s8 =	sadd.s32 $0xFFFFE003, lr  }
0x1b: {  	s9 =	sadd.s32 $0xFFFFFEF7, lr;
	s5 =	simm.s32 $0xFFFFFFFF;
	p2 =	slt.u32 s8, $0xFFFFF086  }
0x1c: {  	p1 =	slt.u32 s9, $0xF7A;
	s5 =	simm.s32 @!p2 $0x0  }
0x1d: {  	s5 =	simm.s32 @p1 $0x1;
	p0 =	seq.s32 s7, s2  }
0x1e: {  	s7 =	smul.u32 @!p0 $0xF7A, s2;
	p2 =	seq.s32 @!p0 s5, $0x0  }
0x1f: {  	s9 =	smul.u32 $0xF7A, s1;
	s8 =	simm.s32 @!p0 $0x1BF5;
	p2 =	por !p2, p0  }
0x20: {  	[sflag:s8] =	ssyncset.s32 @!p0 $0xFFFFF086;
	s6 =	sadd.s32 @!p0 s3, s7;
	s7 =	simm.s32 @!p0 $0x108  }
0x21: {  	s3 =	sadd.s32 s3, s9;
	s6 =	sadd.s32 @!p0 $0x88, s6;
	s7 =	simm.s32 @p2 $0x1082  }
0x22: {  	[simem:s7], [sflag:s8] =	dma.local @!p0 [hbm:s6], $0xF7A  }
0x23: {  	s9 =	sor.u32 $0xD0000000, s2;
	s6 =	simm.s32 $0x108;
	_ =	swait.ge @!p0 [sflag:s8], $0x0  }
0x24: {  	s3 =	sadd.s32 $0x88, s3;
	s6 =	simm.s32 @!p1 $0x1082;
	[sflag:s4] =	ssyncset.s32 $0xFFFFF086  }
0x25: {  	[simem:s6], [sflag:s4] =	dma.local [hbm:s3], $0xF7A  }
0x26: {  	[smem:$0x3F90] =	sst s1;
	(tag) =	ssettag s2;
	_ =	strace s9  }
0x27: {  	s1 =	sld [smem:$0x3FA0]  }
0x28: {  	s2 =	sld [smem:$0x3FA1]  }
0x29: {  	s4 =	sld [smem:$0x3FA3]  }
0x2a: {  	p0 =	seq.s32 s5, $0x0;
	s5 =	sld [smem:$0x3FA4]  }
0x2b: {  	s6 =	sld [smem:$0x3FA5]  }
0x2c: {  	s7 =	sld [smem:$0x3FA6]  }
0x2d: {  	s3 =	simm.s32 $0x108;
	s8 =	sld [smem:$0x3FA7]  }
0x2e: {  	s3 =	simm.s32 @!p0 $0x1082;
	s9 =	sld [smem:$0x3FA8]  }
0x2f: {  	lr =	sadd.s32 s0, s3;
	s0 =	sld [smem:$0x3F9F]  }
0x30: {  	s3 =	sld [smem:$0x3FA2]  }
0x31: {  	[smem:$0x3FAB] =	sst s10  }
0x32: {  	s10 =	sld [smem:$0x3FA9];
	_ =	sdelay $0x3  }
0x33: {  	p0 =	seq.s32 s10, $0x1;
	s10 =	sld [smem:$0x3FAB];
	_ =	sdelay $0x3  }
0x34: {  	[smem:$0x3FAB] =	sst s10  }
0x35: {  	s10 =	sld [smem:$0x3FAA];
	_ =	sdelay $0x3  }
0x36: {  	p1 =	seq.s32 s10, $0x1;
	s10 =	sld [smem:$0x3FAB];
	_ =	sdelay $0x3  }
0x37: {  	[smem:$0x3FAB] =	sst s10  }
0x38: {  	s10 =	sld [smem:$0x3FAC]  }
0x39: {  	_ = 	snop;
	(pc) =	sbr.ind lr, $3  }
0x3a: {  	_ = 	snop  }
0x3b: {  	_ = 	snop  }
0x3c: {  	p2 =	seq.s32 s10, $0x1;
	s10 =	sld [smem:$0x3FAB]  }
0x3d: {  	_ =	shalt  }
0x3e: {  	_ =	shalt  }
0x3f: {  	_ =	shalt  }
0x40: {  	_ =	shalt  }
0x41: {  	_ =	shalt  }
0x42: {  	_ =	shalt  }
0x43: {  	_ =	shalt  }
0x44: {  	_ =	shalt  }
0x45: {  	_ =	shalt  }
0x46: {  	_ =	shalt  }
0x47: {  	_ =	shalt  }
0x48: {  	_ =	shalt  }
0x49: {  	_ =	shalt  }
0x4a: {  	_ =	shalt  }
0x4b: {  	_ =	shalt  }
0x4c: {  	_ =	shalt  }
0x4d: {  	_ =	shalt  }
0x4e: {  	_ =	shalt  }
0x4f: {  	_ =	shalt  }
0x50: {  	_ =	shalt  }
0x51: {  	_ =	shalt  }
0x52: {  	_ =	shalt  }
0x53: {  	_ =	shalt  }
0x54: {  	_ =	shalt  }
0x55: {  	_ =	shalt  }
0x56: {  	_ =	shalt  }
0x57: {  	_ =	shalt  }
0x58: {  	_ =	shalt  }
0x59: {  	_ =	shalt  }
0x5a: {  	_ =	shalt  }
0x5b: {  	_ =	shalt  }
0x5c: {  	_ =	shalt  }
0x5d: {  	_ =	shalt  }
0x5e: {  	_ =	shalt  }
0x5f: {  	_ =	shalt  }
0x60: {  	_ =	shalt  }
0x61: {  	_ =	shalt  }
0x62: {  	_ =	shalt  }
0x63: {  	_ =	shalt  }
0x64: {  	_ =	shalt  }
0x65: {  	_ =	shalt  }
0x66: {  	_ =	shalt  }
0x67: {  	_ =	shalt  }
0x68: {  	_ =	shalt  }
0x69: {  	_ =	shalt  }
0x6a: {  	_ =	shalt  }
0x6b: {  	_ =	shalt  }
0x6c: {  	_ =	shalt  }
0x6d: {  	_ =	shalt  }
0x6e: {  	_ =	shalt  }
0x6f: {  	_ =	shalt  }
0x70: {  	_ =	shalt  }
0x71: {  	_ =	shalt  }
0x72: {  	_ =	shalt  }
0x73: {  	_ =	shalt  }
0x74: {  	_ =	shalt  }
0x75: {  	_ =	shalt  }
0x76: {  	_ =	shalt  }
0x77: {  	_ =	shalt  }
0x78: {  	_ =	shalt  }
0x79: {  	_ =	shalt  }
0x7a: {  	_ =	shalt  }
0x7b: {  	_ =	shalt  }
0x7c: {  	_ =	shalt  }
0x7d: {  	_ =	shalt  }
0x7e: {  	_ =	shalt  }
0x7f: {  	_ =	shalt  }
0x80: {  	_ =	shalt  }
0x81: {  	_ =	shalt  }
0x82: {  	_ =	shalt  }
0x83: {  	_ =	shalt  }
0x84: {  	_ =	shalt  }
0x85: {  	_ =	shalt  }
0x86: {  	_ =	shalt  }
0x87: {  	_ =	shalt  }
.Lfunc_end0:
.L_simem_size_0:
called_computation_lowered:
.L_overlay_start_0:
0x88: {  	s2 =	sld [smem:$0x3FD9]  }
0x89: {  	s3 =	sld [smem:$0x3FFE];
	_ =	sdelay $0x1  }
0x8a: {  	s1 =	srdreg.scid  }
0x8b: {  	s0 =	sand.u32 $0x1, s1  }
0x8c: {  	s14 =	sshll.u32 s0, $0xA;
	s2 =	sadd.s32 s3, s2  }
0x8d: {  	s2 =	sadd.s32 s2, s14  }
0x8e: {  	[smem:$0x3FB7] =	sst s2  }
0x8f: {  	_ = 	snop  }
0x90: {  	s2 =	sld [smem:$0x3FD0];
	_ =	sdelay $0x2  }
0x91: {  	s4 =	simm.s32 $0xA;
	s5 =	simm.s32 $0x10;
	s15 =	sld [smem:$0x3FC9]  }
0x92: {  	[smem:s5], [sflag:s4] =	dma.local [hbm:s2], $0x1  }
0x93: {  	_ =	swait.eq [sflag:s4], $0x1  }
0x94: {  	[sflag:s4] =	ssyncset.done $0x0  }
0x95: {  	[sflag:s4] =	ssyncadd.s32 $0xFFFFFFFF  }
0x96: {  	s16 =	sld [smem:$0x10];
	(tm) =	ssettm $0x1  }
0x97: {  	s17 =	sld [smem:$0x3FFB];
	_ =	sdelay $0x3  }
0x98: {  	_ =	strace s17  }
0x99: {  	s4 =	sld [smem:$0x3FFC];
	_ =	sdelay $0x3  }
0x9a: {  	_ =	strace s4  }
0x9b: {  	s4 =	sld [smem:$0x3FFD];
	_ =	sdelay $0x3  }
0x9c: {  	_ =	strace s4  }
0x9d: {  	_ =	strace $0x8FFFFFFF  }
0x9e: {  	s18 =	sld [smem:$0x3FDB];
	_ =	sdelay $0x1  }
0x9f: {  	s19 =	simm.s32 $_scs_section_size  }
0xa0: {  	s6 =	simm.s32 $_size__tile_overlayer_lowered;
	s7 =	simm.s32 $_tile_overlayer_lowered  }
0xa1: {  	s22 =	simm.s32 $0x1BFF;
	s21 =	sshll.u32 s7, $0x1;
	s4 =	sadd.s32 s19, s18  }
0xa2: {  	s8 =	simm.s32 $0x0;
	s20 =	sshll.u32 s6, $0x1;
	s6 =	sadd.s32 s21, s4  }
0xa3: {  	[timem:s8], [sflag:s22] =	dma.local [hbm:s6], s20  }
0xa4: {  	_ =	swait.ge [sflag:s22], s20  }
0xa5: {  	s5 =	ssub.s32 $0x0, s20;
	[sflag:s22] =	ssyncset.done $0x0  }
0xa6: {  	[sflag:s22] =	ssyncadd.s32 s5;
	_ =	sdelay $0x1  }
0xa7: {  	s23 =	simm.s32 $0x1B8B  }
0xa8: {  	_ =	swait.ge [sflag:s23], $0x1  }
0xa9: {  	[sflag:s23] =	ssyncset.done $0x0  }
0xaa: {  	s25 =	simm.s32 $0x1B8E;
	s24 =	sld [smem:$0x3FFE];
	[sflag:s23] =	ssyncadd.s32 $0xFFFFFFFF  }
0xab: {  	s26 =	simm.s32 $execute0_lowered;
	[smem:$0x3FD2] =	sst s25  }
0xac: {  	s6 =	sshll.u32 s26, $0x1;
	_ =	strace $0x80000046;
	[dreg:$0x1] =	wrdreg $0xFFFFFFFF  }
0xad: {  	s28 =	simm.s32 $_size_execute0_lowered;
	s4 =	sadd.s32 s4, s6;
	[dreg:$0x0] =	wrdreg $0x0  }
0xae: {  	s6 =	sshll.u32 s28, $0x1;
	[dreg:$0x2] =	wrdreg s4  }
0xaf: {  	[dreg:$0x3] =	wrdreg s6  }
0xb0: {  	[dreg:$0x4] =	wrdreg $0xC0  }
0xb1: {  	_ =	task [dreg:s8], $0x5FFFF  }
0xb2: {  	[dreg:$0x1] =	wrdreg $0xFFFFFFFF  }
0xb3: {  	[dreg:$0x0] =	wrdreg $0x60  }
0xb4: {  	[dreg:$0x2] =	wrdreg s15  }
0xb5: {  	[dreg:$0x3] =	wrdreg s16  }
0xb6: {  	[dreg:$0x4] =	wrdreg s24  }
0xb7: {  	[dreg:$0x5] =	wrdreg $0xC3800  }
0xb8: {  	[dreg:$0x6] =	wrdreg $0x9  }
0xb9: {  	_ =	task.clear_ibuf [dreg:s8], $0x7FFFF;
	_ =	strace $0x90000046  }
0xba: {  	s29 =	simm.s32 $0x9;
	_ =	strace $0x80000048  }
0xbb: {  	_ =	swait.ge [sflag:s29], $0x1  }
0xbc: {  	[sflag:s29] =	ssyncadd.s32 $0xFFFFFFFF  }
0xbd: {  	_ =	strace $0x90000048  }
0xbe: {  	_ =	sfence  }
0xbf: {  	s30 =	sld [smem:$0x0];
	_ =	sdelay $0x2  }
0xc0: {  	s31 =	sshll.u32 s1, $0xD;
	s1 =	sshrl.u32 s1, $0x2  }
0xc1: {  	s3 =	sand.u32 $0x4000, s31;
	s1 =	sadd.s32 s1, s30  }
0xc2: {  	s0 =	sor.u32 s3, s0;
	s1 =	sshll.u32 s1, $0x11  }
0xc3: {  	s0 =	sor.u32 s1, s0  }
0xc4: {  	s0 =	sadd.s32 $0x8F2B, s0  }
0xc5: {  	[sflag:s0] =	ssyncadd.remote.s32 $0x1  }
0xc6: {  	_ =	sfence.sel $0xFFFF  }
0xc7: {  	[dreg:$0x0] =	wrdreg $0xFFFFFFFF;
	(pc) =	sbr.abs _section_cstart, $3  }
0xc8: {  	[dreg:$0x1] =	wrdreg $0xFFFFFFFF  }
0xc9: {  	_ =	task.clear_ibuf [dreg:s8], $0x2FFFF;
	_ =	strace $0x9FFFFFFF  }
0xca: {  	(tm) =	ssettm $0x7FFFFFFF  }
0xcb: {  	_ =	shalt  }
tec
execute0_lowered:
.L_overlay_start_1:
0x0: {  	(tag) =	ssettag $0x1  }
0x1: {  	s1 =	rddreg [dreg:$0x0]  }
0x2: {  	s3 =	rddreg [dreg:$0x1]  }
0x3: {  	s0 =	rddreg [dreg:$0x2];
	s4 =	srdreg.scid  }
0x4: {  	s2 =	rddreg [dreg:$0x3];
	s25 =	stileid.u32;
	s12 =	sand.u32 $0x1, s4  }
0x5: {  	s4 =	simm.s32 $0x0;
	s13 =	sadd.s32 $0xEC00, s0;
	s14 =	smul.u32 $0x50, s25  }
0x6: {  	s5 =	sshll.u32 s12, $0x4;
	[smem:$0x7FF] =	sst s4;
	s10 =	smul.u32 $0x500, s12  }
0x7: {  	s6 =	ssub.s32 $0x2, s12;
	s15 =	smul.u32 $0x27100, s12;
	s8 =	sor.u32 s25, s5  }
0x8: {  	_ =	strace $0x80000047;
	s5 =	sadd.s32 $0x2400, s0;
	s9 =	smul.u32 $0x500, s8  }
0x9: {  	s7 =	sshrl.u32 s6, $0x1;
	s0 =	sadd.s32 $0xC400, s0;
	s10 =	sadd.s32 s14, s10  }
0xa: {  	[smem:$0x7F7] =	sst s0;
	s14 =	sshll.u32 s10, $0x4;
	s16 =	sadd.s32 s3, s9  }
0xb: {  	s6 =	ssub.s32 s6, s7;
	s23 =	sadd.s32 s14, s3;
	[dreg:$0x15] =	wrdreg s16  }
0xc: {  	s11 =	sor.u32 $0x10, s9;
	s24 =	sadd.s32 s14, s5;
	[dreg:$0x7] =	wrdreg s23  }
0xd: {  	s7 =	smul.u32 $0x2780, s25;
	s17 =	sadd.s32 s3, s11;
	[dreg:$0x8] =	wrdreg s24  }
0xe: {  	s19 =	sor.u32 $0x20, s9;
	s18 =	sadd.s32 s5, s11;
	[dreg:$0x16] =	wrdreg s17  }
0xf: {  	s20 =	sadd.s32 s3, s19;
	[dreg:$0x17] =	wrdreg s18  }
0x10: {  	s15 =	sadd.s32 s7, s15;
	s21 =	sadd.s32 s5, s19;
	[dreg:$0x18] =	wrdreg s20  }
0x11: {  	s26 =	sor.u32 $0xE0, s14;
	s15 =	sadd.s32 s13, s15;
	[dreg:$0x19] =	wrdreg s21  }
0x12: {  	s28 =	sadd.s32 s26, s3;
	[dreg:$0x1a] =	wrdreg s15  }
0x13: {  	s31 =	sor.u32 $0xC0, s14;
	s29 =	sadd.s32 s26, s5;
	[dreg:$0x9] =	wrdreg s28  }
0x14: {  	s10 =	sadd.s32 s31, s3;
	[dreg:$0xa] =	wrdreg s29  }
0x15: {  	s23 =	sor.u32 $0x80, s14;
	[dreg:$0xb] =	wrdreg s10;
	s15 =	sadd.s32 s31, s5  }
0x16: {  	s16 =	sadd.s32 $0x100, s14;
	s26 =	sadd.s32 s23, s3;
	[dreg:$0xc] =	wrdreg s15  }
0x17: {  	s11 =	sadd.s32 s16, s3;
	s28 =	sadd.s32 s23, s5;
	[dreg:$0xf] =	wrdreg s26  }
0x18: {  	s19 =	sadd.s32 s16, s5;
	s16 =	sadd.s32 s5, s9;
	[dreg:$0x10] =	wrdreg s28  }
0x19: {  	[dreg:$0x1f] =	wrdreg s16  }
0x1a: {  	p0 =	seq.s32 s25, $0xF;
	[dreg:$0x13] =	wrdreg s19  }
0x1b: {  	p4 =	seq.s32 s12, $0x1;
	s18 =	sadd.s32 $0x10, s11;
	[dreg:$0x14] =	wrdreg s11  }
0x1c: {  	s17 =	sor.u32 $0x30, s9;
	s22 =	sadd.s32 $0x10, s19;
	[dreg:$0x5] =	wrdreg s18  }
0x1d: {  	s12 =	smul.u32 $0x138800, s12;
	s20 =	sadd.s32 s3, s17;
	[dreg:$0x6] =	wrdreg s22  }
0x1e: {  	s29 =	sor.u32 $0x40, s9;
	s24 =	sadd.s32 s5, s17;
	[dreg:$0x1b] =	wrdreg s20  }
0x1f: {  	p1 =	por !p4, !p0;
	s10 =	sadd.s32 s3, s29;
	[dreg:$0x1c] =	wrdreg s24  }
0x20: {  	s9 =	sor.u32 $0x50, s9;
	s15 =	sadd.s32 s5, s29;
	[dreg:$0x1d] =	wrdreg s10  }
0x21: {  	p2 =	por p4, !p0;
	s17 =	sadd.s32 s3, s9;
	[dreg:$0x1e] =	wrdreg s15  }
0x22: {  	s12 =	sshrl.u32 s12, $0x3;
	s9 =	sadd.s32 s5, s9;
	[smem:$0x7F1] =	sst s17  }
0x23: {  	s12 =	sadd.s32 s13, s12;
	s26 =	sadd.s32 s1, s7;
	[smem:$0x7F2] =	sst s9  }
0x24: {  	p3 =	por !p4, p0;
	s28 =	sadd.s32 $0x25080, s12;
	[smem:$0x7F8] =	sst s26  }
0x25: {  	s29 =	smax.u32 s6, $0x1;
	s18 =	sor.u32 $0xA0, s14;
	[smem:$0x7F9] =	sst s28  }
0x26: {  	s8 =	smul.u32 $0x2800, s8;
	[smem:$0x7FA] =	sst s29;
	s21 =	sadd.s32 s18, s3  }
0x27: {  	s14 =	sor.u32 $0x60, s14;
	s22 =	sadd.s32 s18, s5;
	[dreg:$0xd] =	wrdreg s21  }
0x28: {  	s8 =	sshrl.u32 s8, $0x3;
	s31 =	sadd.s32 s14, s3;
	[dreg:$0xe] =	wrdreg s22  }
0x29: {  	s18 =	sadd.s32 $0x4E0, s8;
	s23 =	sadd.s32 s14, s5;
	[dreg:$0x11] =	wrdreg s31  }
0x2a: {  	p4 =	por p4, p0;
	s21 =	sadd.s32 s3, s18;
	[dreg:$0x12] =	wrdreg s23  }
0x2b: {  	s8 =	sadd.s32 $0x4F0, s8;
	s9 =	sadd.s32 s5, s18;
	[smem:$0x7F3] =	sst s21  }
0x2c: {  	s20 =	smul.u32 $0x4F000, s25;
	s3 =	sadd.s32 s3, s8;
	[smem:$0x7F4] =	sst s9  }
0x2d: {  	s0 =	simm.s32 $0x0;
	s22 =	sadd.s32 s5, s8;
	[smem:$0x7F5] =	sst s3  }
0x2e: {  	s24 =	sshrl.u32 s20, $0x2;
	s31 =	sadd.s32 $0x25080, s1;
	[smem:$0x7F6] =	sst s22  }
0x2f: {  	s13 =	simm.s32 $0xA;
	s30 =	sadd.s32 s24, s2;
	[smem:$0x7FB] =	sst s31  }
0x30: {  	s17 =	simm.s32 $0x1;
	s24 =	sadd.s32 $0x128400, s2;
	[smem:$0x7FC] =	sst s30  }
0x31: {  	s5 =	simm.s32 $0x80;
	s22 =	simm.s32 $0x2;
	[smem:$0x7FD] =	sst s24  }
.LBB2_1:
0x32: {  	[smem:$0x7F0] =	sst s0  }
0x33: {  	s3 =	rddreg [dreg:$0x15]  }
0x34: {  	s20 =	rddreg [dreg:$0x1f]  }
0x35: {  	s21 =	rddreg [dreg:$0x16]  }
0x36: {  	[tilespmem:s4], [sflag:$0x7] =	stream.linear.gather [hbm4b:s3+s4], $0x80, $0x38;
	[tilespmem:$0x1FC80] =	vst v63  }
0x37: {  	s16 =	simm.s32 $0x180;
	s23 =	rddreg [dreg:$0x17]  }
0x38: {  	[tilespmem:s16], [sflag:$0xA] =	stream.linear.gather [hbm4b:s20+s4], $0x80, $0x38;
	[tilespmem:$0x1FC80] =	vst v63  }
0x39: {  	s10 =	smov.u32 s24;
	s6 =	sld [smem:$0x7F7]  }
0x3a: {  	[tilespmem:s5], [sflag:$0x8] =	stream.linear.gather [hbm4b:s21+s4], $0x80, $0x38;
	[tilespmem:$0x1FC80] =	vst v63  }
0x3b: {  	s3 =	sshrl.u32 @!p1 s24, $0x3;
	s24 =	simm.s32 @!p1 $0x1FCE;
	s21 =	simm.s32 $0x200  }
0x3c: {  	[tilespmem:s21], [sflag:$0xB] =	stream.linear.gather [hbm4b:s23+s4], $0x80, $0x38;
	[tilespmem:$0x1FC80] =	vst v63  }
0x3d: {  	[spmem:s3], [sflag:s24] =	dma.local @!p1 [hbm:s6], $0x2080  }
0x3e: {  	s3 =	simm.s32 @!p1 $0xE  }
0x3f: {  	_ =	swait.ge @!p1 [sflag:s3], $0x2080  }
0x40: {  	[sflag:s3] =	ssyncset.done @!p1 $0x0  }
0x41: {  	[sflag:s3] =	ssyncadd.s32 @!p1 $0xFFFFDF80;
	s3 =	sshrl.u32 @!p2 s10, $0x3;
	s10 =	sld [smem:$0x7FB]  }
0x42: {  	_ = 	snop  }
0x43: {  	s24 =	simm.s32 @!p2 $0x1FCE  }
0x44: {  	[spmem:s3], [sflag:s24] =	dma.local @!p2 [hbm:s10], $0x2080  }
0x45: {  	s3 =	simm.s32 @!p2 $0xE  }
0x46: {  	_ =	swait.ge @!p2 [sflag:s3], $0x2080  }
0x47: {  	s24 =	sshll.u32 @!p3 s25, $0x6;
	[sflag:s3] =	ssyncset.done @!p2 $0x0  }
0x48: {  	[sflag:s3] =	ssyncadd.s32 @!p2 $0xFFFFDF80;
	s3 =	sor.u32 @!p3 $0x1C0E, s24;
	s24 =	sshrl.u32 @!p3 s30, $0x3  }
0x49: {  	[spmem:s24], [sflag:s3] =	dma.local @!p3 [hbm:s6], $0x2780  }
0x4a: {  	s3 =	simm.s32 @!p3 $0xE  }
0x4b: {  	_ =	swait.ge @!p3 [sflag:s3], $0x2780  }
0x4c: {  	s6 =	sld [smem:$0x7F8]  }
0x4d: {  	s24 =	sshll.u32 @!p4 s25, $0x6;
	[sflag:s3] =	ssyncset.done @!p3 $0x0  }
0x4e: {  	[sflag:s3] =	ssyncadd.s32 @!p3 $0xFFFFD880;
	s3 =	sor.u32 @!p4 $0x1C0E, s24;
	s24 =	sshrl.u32 @!p4 s30, $0x3  }
0x4f: {  	[spmem:s24], [sflag:s3] =	dma.local @!p4 [hbm:s6], $0x2780  }
0x50: {  	s3 =	simm.s32 @!p4 $0xE  }
0x51: {  	_ =	swait.ge @!p4 [sflag:s3], $0x2780  }
0x52: {  	[sflag:s3] =	ssyncset.done @!p4 $0x0  }
0x53: {  	s12 =	simm.s32 $0x7;
	[sflag:s3] =	ssyncadd.s32 @!p4 $0xFFFFD880  }
0x54: {  	_ =	swait.ge [sflag:s12], $0x80  }
0x55: {  	[sflag:s12] =	ssyncset.done $0x0  }
0x56: {  	[sflag:s12] =	ssyncadd.s32 $0xFFFFFF80  }
0x57: {  	_ =	swait.ge [sflag:s13], $0x80  }
0x58: {  	[sflag:s13] =	ssyncset.done $0x0  }
0x59: {  	[sflag:s13] =	ssyncadd.s32 $0xFFFFFF80  }
0x5a: {  	s9 =	simm.s32 $0x380;
	s2 =	rddreg [dreg:$0x0]  }
0x5b: {  	[tilespmem:s9], [sflag:$0x1] =	stream.indirect.gather [hbm4b:s2+s5], $0x80, s4, s5, $0xb8;
	[tilespmem:$0x1FC80] =	vst v63  }
0x5c: {  	s18 =	simm.s32 $0x8;
	[bflag:$0x0] =	sbarrier.arrive $0xFFFF  }
0x5d: {  	_ =	swait.ge [sflag:s18], $0x80  }
0x5e: {  	[sflag:s18] =	ssyncset.done $0x0  }
0x5f: {  	s15 =	simm.s32 $0xB;
	[sflag:s18] =	ssyncadd.s32 $0xFFFFFF80  }
0x60: {  	_ =	swait.ge [sflag:s15], $0x80  }
0x61: {  	[sflag:s15] =	ssyncset.done $0x0  }
0x62: {  	s10 =	simm.s32 $0x4380;
	[sflag:s15] =	ssyncadd.s32 $0xFFFFFF80  }
0x63: {  	[tilespmem:s10], [sflag:$0x2] =	stream.indirect.gather [hbm4b:s2+s5], $0x80, s5, s5, $0xb8;
	[tilespmem:$0x1FC80] =	vst v63  }
0x64: {  	s14 =	simm.s32 $0x100;
	s24 =	rddreg [dreg:$0x18]  }
0x65: {  	[tilespmem:s14], [sflag:$0x9] =	stream.linear.gather [hbm4b:s24+s4], $0x80, $0x38;
	[tilespmem:$0x1FC80] =	vst v63  }
0x66: {  	s6 =	simm.s32 $0x280;
	s25 =	rddreg [dreg:$0x19]  }
0x67: {  	[tilespmem:s6], [sflag:$0xC] =	stream.linear.gather [hbm4b:s25+s4], $0x80, $0x38;
	[tilespmem:$0x1FC80] =	vst v63  }
0x68: {  	_ =	swait.ge [sflag:s17], $0x4000  }
0x69: {  	[sflag:s17] =	ssyncset.done $0x0  }
0x6a: {  	[sflag:s17] =	ssyncadd.s32 $0xFFFFC000  }
0x6b: {  	s29 =	simm.s32 $0x9;
	s7 =	rddreg [dreg:$0x3]  }
0x6c: {  	[spmem:s7] =	stream.indirect.scatter.add.f32 [tilespmem:s9], [sflag:$0x3], $0x80, s16, s5, $0xb8;
	[tilespmem:$0x1FC80] =	vst v63  }
0x6d: {  	_ =	swait.ge [sflag:s29], $0x80  }
0x6e: {  	[sflag:s29] =	ssyncset.done $0x0  }
0x6f: {  	s0 =	simm.s32 $0xC;
	[sflag:s29] =	ssyncadd.s32 $0xFFFFFF80  }
0x70: {  	_ =	swait.ge [sflag:s0], $0x80  }
0x71: {  	[sflag:s0] =	ssyncset.done $0x0  }
0x72: {  	s8 =	simm.s32 $0x8380;
	[sflag:s0] =	ssyncadd.s32 $0xFFFFFF80  }
0x73: {  	[tilespmem:s8], [sflag:$0x1] =	stream.indirect.gather [hbm4b:s2+s5], $0x80, s14, s5, $0xb8;
	[tilespmem:$0x1FC80] =	vst v63  }
0x74: {  	s26 =	rddreg [dreg:$0x1b]  }
0x75: {  	[tilespmem:s4], [sflag:$0x7] =	stream.linear.gather [hbm4b:s26+s4], $0x80, $0x38;
	[tilespmem:$0x1FC80] =	vst v63  }
0x76: {  	s20 =	simm.s32 $0x300;
	s28 =	rddreg [dreg:$0x1c]  }
0x77: {  	[tilespmem:s20], [sflag:$0xD] =	stream.linear.gather [hbm4b:s28+s4], $0x80, $0x38;
	[tilespmem:$0x1FC80] =	vst v63  }
0x78: {  	_ =	swait.ge [sflag:s22], $0x4000  }
0x79: {  	[sflag:s22] =	ssyncset.done $0x0  }
0x7a: {  	s23 =	simm.s32 $0x3;
	[sflag:s22] =	ssyncadd.s32 $0xFFFFC000  }
0x7b: {  	[spmem:s7] =	stream.indirect.scatter.add.f32 [tilespmem:s10], [sflag:$0x4], $0x80, s21, s5, $0xb8;
	[tilespmem:$0x1FC80] =	vst v63  }
0x7c: {  	_ =	swait.ge [sflag:s23], $0x4000  }
0x7d: {  	[sflag:s23] =	ssyncset.done $0x0  }
0x7e: {  	[sflag:s23] =	ssyncadd.s32 $0xFFFFC000  }
0x7f: {  	_ =	swait.ge [sflag:s12], $0x80  }
0x80: {  	[sflag:s12] =	ssyncset.done $0x0  }
0x81: {  	s26 =	simm.s32 $0xD;
	[sflag:s12] =	ssyncadd.s32 $0xFFFFFF80  }
0x82: {  	_ =	swait.ge [sflag:s26], $0x80  }
0x83: {  	[sflag:s26] =	ssyncset.done $0x0  }
0x84: {  	[sflag:s26] =	ssyncadd.s32 $0xFFFFFF80  }
0x85: {  	[tilespmem:s9], [sflag:$0x2] =	stream.indirect.gather [hbm4b:s2+s5], $0x80, s4, s5, $0xb8;
	[tilespmem:$0x1FC80] =	vst v63  }
0x86: {  	s30 =	rddreg [dreg:$0x1d]  }
0x87: {  	[tilespmem:s5], [sflag:$0x8] =	stream.linear.gather [hbm4b:s30+s4], $0x80, $0x38;
	[tilespmem:$0x1FC80] =	vst v63  }
0x88: {  	s31 =	rddreg [dreg:$0x1e]  }
0x89: {  	[tilespmem:s16], [sflag:$0xA] =	stream.linear.gather [hbm4b:s31+s4], $0x80, $0x38;
	[tilespmem:$0x1FC80] =	vst v63  }
0x8a: {  	_ =	swait.ge [sflag:s17], $0x4000  }
0x8b: {  	[sflag:s17] =	ssyncset.done $0x0  }
0x8c: {  	s28 =	simm.s32 $0x4;
	[sflag:s17] =	ssyncadd.s32 $0xFFFFC000  }
0x8d: {  	[spmem:s7] =	stream.indirect.scatter.add.f32 [tilespmem:s8], [sflag:$0x5], $0x80, s6, s5, $0xb8;
	[tilespmem:$0x1FC80] =	vst v63  }
0x8e: {  	_ =	swait.ge [sflag:s28], $0x4000  }
0x8f: {  	[sflag:s28] =	ssyncset.done $0x0  }
0x90: {  	[sflag:s28] =	ssyncadd.s32 $0xFFFFC000  }
0x91: {  	_ =	swait.ge [sflag:s18], $0x80  }
0x92: {  	[sflag:s18] =	ssyncset.done $0x0  }
0x93: {  	[sflag:s18] =	ssyncadd.s32 $0xFFFFFF80  }
0x94: {  	_ =	swait.ge [sflag:s13], $0x80  }
0x95: {  	[sflag:s13] =	ssyncset.done $0x0  }
0x96: {  	s1 =	sld [smem:$0x7F1];
	[sflag:s13] =	ssyncadd.s32 $0xFFFFFF80  }
0x97: {  	[tilespmem:s10], [sflag:$0x1] =	stream.indirect.gather [hbm4b:s2+s5], $0x80, s5, s5, $0xb8;
	[tilespmem:$0x1FC80] =	vst v63  }
0x98: {  	s24 =	sld [smem:$0x7F2]  }
0x99: {  	[tilespmem:s14], [sflag:$0x9] =	stream.linear.gather [hbm4b:s1+s4], $0x80, $0x38;
	[tilespmem:$0x1FC80] =	vst v63  }
0x9a: {  	_ = 	snop  }
0x9b: {  	[tilespmem:s21], [sflag:$0xB] =	stream.linear.gather [hbm4b:s24+s4], $0x80, $0x38;
	[tilespmem:$0x1FC80] =	vst v63  }
0x9c: {  	_ =	swait.ge [sflag:s22], $0x4000  }
0x9d: {  	[sflag:s22] =	ssyncset.done $0x0  }
0x9e: {  	s1 =	simm.s32 $0x5;
	[sflag:s22] =	ssyncadd.s32 $0xFFFFC000  }
0x9f: {  	[spmem:s7] =	stream.indirect.scatter.add.f32 [tilespmem:s9], [sflag:$0x6], $0x80, s20, s5, $0xb8;
	[tilespmem:$0x1FC80] =	vst v63  }
0xa0: {  	_ =	swait.ge [sflag:s1], $0x4000  }
0xa1: {  	[sflag:s1] =	ssyncset.done $0x0  }
0xa2: {  	[sflag:s1] =	ssyncadd.s32 $0xFFFFC000  }
0xa3: {  	_ =	swait.ge [sflag:s29], $0x80  }
0xa4: {  	[sflag:s29] =	ssyncset.done $0x0  }
0xa5: {  	[sflag:s29] =	ssyncadd.s32 $0xFFFFFF80  }
0xa6: {  	_ =	swait.ge [sflag:s15], $0x80  }
0xa7: {  	[sflag:s15] =	ssyncset.done $0x0  }
0xa8: {  	s25 =	rddreg [dreg:$0x11];
	[sflag:s15] =	ssyncadd.s32 $0xFFFFFF80  }
0xa9: {  	[tilespmem:s8], [sflag:$0x2] =	stream.indirect.gather [hbm4b:s2+s5], $0x80, s14, s5, $0xb8;
	[tilespmem:$0x1FC80] =	vst v63  }
0xaa: {  	s30 =	rddreg [dreg:$0x12];
	s3 =	sadd.s32 $0x0, s25  }
0xab: {  	[tilespmem:s4], [sflag:$0x7] =	stream.linear.gather [hbm4b:s3+s4], $0x80, $0x38;
	[tilespmem:$0x1FC80] =	vst v63  }
0xac: {  	s31 =	sadd.s32 $0x0, s30  }
0xad: {  	[tilespmem:s6], [sflag:$0xC] =	stream.linear.gather [hbm4b:s31+s4], $0x80, $0x38;
	[tilespmem:$0x1FC80] =	vst v63  }
0xae: {  	_ =	swait.ge [sflag:s17], $0x4000  }
0xaf: {  	[sflag:s17] =	ssyncset.done $0x0  }
0xb0: {  	s31 =	simm.s32 $0x6;
	[sflag:s17] =	ssyncadd.s32 $0xFFFFC000  }
0xb1: {  	[spmem:s7] =	stream.indirect.scatter.add.f32 [tilespmem:s10], [sflag:$0x3], $0x80, s16, s5, $0xb8;
	[tilespmem:$0x1FC80] =	vst v63  }
0xb2: {  	_ =	swait.ge [sflag:s31], $0x4000  }
0xb3: {  	[sflag:s31] =	ssyncset.done $0x0  }
0xb4: {  	[sflag:s31] =	ssyncadd.s32 $0xFFFFC000  }
0xb5: {  	_ =	swait.ge [sflag:s12], $0x80  }
0xb6: {  	[sflag:s12] =	ssyncset.done $0x0  }
0xb7: {  	[sflag:s12] =	ssyncadd.s32 $0xFFFFFF80  }
0xb8: {  	_ =	swait.ge [sflag:s0], $0x80  }
0xb9: {  	[sflag:s0] =	ssyncset.done $0x0;
	s24 =	rddreg [dreg:$0x7]  }
0xba: {  	s25 =	rddreg [dreg:$0x8];
	[sflag:s0] =	ssyncadd.s32 $0xFFFFFF80;
	s3 =	sadd.s32 $0x0, s24  }
0xbb: {  	[tilespmem:s9], [sflag:$0x1] =	stream.indirect.gather [hbm4b:s2+s5], $0x80, s4, s5, $0xb8;
	[tilespmem:$0x1FC80] =	vst v63  }
0xbc: {  	s24 =	sadd.s32 $0x0, s25;
	s30 =	sadd.s32 $0x70, s3  }
0xbd: {  	[tilespmem:s5], [sflag:$0x8] =	stream.linear.gather [hbm4b:s30+s4], $0x80, $0x38;
	[tilespmem:$0x1FC80] =	vst v63  }
0xbe: {  	s30 =	sadd.s32 $0x70, s24  }
0xbf: {  	[tilespmem:s20], [sflag:$0xD] =	stream.linear.gather [hbm4b:s30+s4], $0x80, $0x38;
	[tilespmem:$0x1FC80] =	vst v63  }
0xc0: {  	_ =	swait.ge [sflag:s22], $0x4000  }
0xc1: {  	[sflag:s22] =	ssyncset.done $0x0  }
0xc2: {  	[sflag:s22] =	ssyncadd.s32 $0xFFFFC000  }
0xc3: {  	[spmem:s7] =	stream.indirect.scatter.add.f32 [tilespmem:s8], [sflag:$0x4], $0x80, s21, s5, $0xb8;
	[tilespmem:$0x1FC80] =	vst v63  }
0xc4: {  	_ =	swait.ge [sflag:s23], $0x4000  }
0xc5: {  	[sflag:s23] =	ssyncset.done $0x0  }
0xc6: {  	[sflag:s23] =	ssyncadd.s32 $0xFFFFC000  }
0xc7: {  	_ =	swait.ge [sflag:s18], $0x80  }
0xc8: {  	[sflag:s18] =	ssyncset.done $0x0  }
0xc9: {  	[sflag:s18] =	ssyncadd.s32 $0xFFFFFF80  }
0xca: {  	_ =	swait.ge [sflag:s26], $0x80  }
0xcb: {  	[sflag:s26] =	ssyncset.done $0x0  }
0xcc: {  	s25 =	rddreg [dreg:$0xf];
	[sflag:s26] =	ssyncadd.s32 $0xFFFFFF80  }
0xcd: {  	[tilespmem:s10], [sflag:$0x2] =	stream.indirect.gather [hbm4b:s2+s5], $0x80, s5, s5, $0xb8;
	[tilespmem:$0x1FC80] =	vst v63  }
0xce: {  	s30 =	rddreg [dreg:$0x10];
	s25 =	sadd.s32 $0x0, s25  }
0xcf: {  	[tilespmem:s14], [sflag:$0x9] =	stream.linear.gather [hbm4b:s25+s4], $0x80, $0x38;
	[tilespmem:$0x1FC80] =	vst v63  }
0xd0: {  	s30 =	sadd.s32 $0x0, s30  }
0xd1: {  	[tilespmem:s16], [sflag:$0xA] =	stream.linear.gather [hbm4b:s30+s4], $0x80, $0x38;
	[tilespmem:$0x1FC80] =	vst v63  }
0xd2: {  	_ =	swait.ge [sflag:s17], $0x4000  }
0xd3: {  	[sflag:s17] =	ssyncset.done $0x0  }
0xd4: {  	[sflag:s17] =	ssyncadd.s32 $0xFFFFC000  }
0xd5: {  	[spmem:s7] =	stream.indirect.scatter.add.f32 [tilespmem:s9], [sflag:$0x5], $0x80, s6, s5, $0xb8;
	[tilespmem:$0x1FC80] =	vst v63  }
0xd6: {  	_ =	swait.ge [sflag:s28], $0x4000  }
0xd7: {  	[sflag:s28] =	ssyncset.done $0x0  }
0xd8: {  	[sflag:s28] =	ssyncadd.s32 $0xFFFFC000  }
0xd9: {  	_ =	swait.ge [sflag:s29], $0x80  }
0xda: {  	[sflag:s29] =	ssyncset.done $0x0  }
0xdb: {  	[sflag:s29] =	ssyncadd.s32 $0xFFFFFF80  }
0xdc: {  	_ =	swait.ge [sflag:s13], $0x80  }
0xdd: {  	[sflag:s13] =	ssyncset.done $0x0  }
0xde: {  	[sflag:s13] =	ssyncadd.s32 $0xFFFFFF80  }
0xdf: {  	[tilespmem:s8], [sflag:$0x1] =	stream.indirect.gather [hbm4b:s2+s5], $0x80, s14, s5, $0xb8;
	[tilespmem:$0x1FC80] =	vst v63  }
0xe0: {  	s30 =	sadd.s32 $0x90, s3  }
0xe1: {  	[tilespmem:s4], [sflag:$0x7] =	stream.linear.gather [hbm4b:s30+s4], $0x80, $0x38;
	[tilespmem:$0x1FC80] =	vst v63  }
0xe2: {  	s30 =	sadd.s32 $0x90, s24  }
0xe3: {  	[tilespmem:s21], [sflag:$0xB] =	stream.linear.gather [hbm4b:s30+s4], $0x80, $0x38;
	[tilespmem:$0x1FC80] =	vst v63  }
0xe4: {  	_ =	swait.ge [sflag:s22], $0x4000  }
0xe5: {  	[sflag:s22] =	ssyncset.done $0x0  }
0xe6: {  	[sflag:s22] =	ssyncadd.s32 $0xFFFFC000  }
0xe7: {  	[spmem:s7] =	stream.indirect.scatter.add.f32 [tilespmem:s10], [sflag:$0x6], $0x80, s20, s5, $0xb8;
	[tilespmem:$0x1FC80] =	vst v63  }
0xe8: {  	_ =	swait.ge [sflag:s1], $0x4000  }
0xe9: {  	[sflag:s1] =	ssyncset.done $0x0  }
0xea: {  	[sflag:s1] =	ssyncadd.s32 $0xFFFFC000  }
0xeb: {  	_ =	swait.ge [sflag:s12], $0x80  }
0xec: {  	[sflag:s12] =	ssyncset.done $0x0  }
0xed: {  	[sflag:s12] =	ssyncadd.s32 $0xFFFFFF80  }
0xee: {  	_ =	swait.ge [sflag:s15], $0x80  }
0xef: {  	[sflag:s15] =	ssyncset.done $0x0  }
0xf0: {  	s25 =	rddreg [dreg:$0xd];
	[sflag:s15] =	ssyncadd.s32 $0xFFFFFF80  }
0xf1: {  	[tilespmem:s9], [sflag:$0x2] =	stream.indirect.gather [hbm4b:s2+s5], $0x80, s4, s5, $0xb8;
	[tilespmem:$0x1FC80] =	vst v63  }
0xf2: {  	s30 =	rddreg [dreg:$0xe];
	s25 =	sadd.s32 $0x0, s25  }
0xf3: {  	[tilespmem:s5], [sflag:$0x8] =	stream.linear.gather [hbm4b:s25+s4], $0x80, $0x38;
	[tilespmem:$0x1FC80] =	vst v63  }
0xf4: {  	s30 =	sadd.s32 $0x0, s30  }
0xf5: {  	[tilespmem:s6], [sflag:$0xC] =	stream.linear.gather [hbm4b:s30+s4], $0x80, $0x38;
	[tilespmem:$0x1FC80] =	vst v63  }
0xf6: {  	_ =	swait.ge [sflag:s17], $0x4000  }
0xf7: {  	[sflag:s17] =	ssyncset.done $0x0  }
0xf8: {  	[sflag:s17] =	ssyncadd.s32 $0xFFFFC000  }
0xf9: {  	[spmem:s7] =	stream.indirect.scatter.add.f32 [tilespmem:s8], [sflag:$0x3], $0x80, s16, s5, $0xb8;
	[tilespmem:$0x1FC80] =	vst v63  }
0xfa: {  	_ =	swait.ge [sflag:s31], $0x4000  }
0xfb: {  	[sflag:s31] =	ssyncset.done $0x0  }
0xfc: {  	[sflag:s31] =	ssyncadd.s32 $0xFFFFC000  }
0xfd: {  	_ =	swait.ge [sflag:s18], $0x80  }
0xfe: {  	[sflag:s18] =	ssyncset.done $0x0  }
0xff: {  	[sflag:s18] =	ssyncadd.s32 $0xFFFFFF80  }
0x100: {  	_ =	swait.ge [sflag:s0], $0x80  }
0x101: {  	[sflag:s0] =	ssyncset.done $0x0  }
0x102: {  	[sflag:s0] =	ssyncadd.s32 $0xFFFFFF80  }
0x103: {  	[tilespmem:s10], [sflag:$0x1] =	stream.indirect.gather [hbm4b:s2+s5], $0x80, s5, s5, $0xb8;
	[tilespmem:$0x1FC80] =	vst v63  }
0x104: {  	s30 =	sadd.s32 $0xB0, s3  }
0x105: {  	[tilespmem:s14], [sflag:$0x9] =	stream.linear.gather [hbm4b:s30+s4], $0x80, $0x38;
	[tilespmem:$0x1FC80] =	vst v63  }
0x106: {  	s30 =	sadd.s32 $0xB0, s24  }
0x107: {  	[tilespmem:s20], [sflag:$0xD] =	stream.linear.gather [hbm4b:s30+s4], $0x80, $0x38;
	[tilespmem:$0x1FC80] =	vst v63  }
0x108: {  	_ =	swait.ge [sflag:s22], $0x4000  }
0x109: {  	[sflag:s22] =	ssyncset.done $0x0  }
0x10a: {  	[sflag:s22] =	ssyncadd.s32 $0xFFFFC000  }
0x10b: {  	[spmem:s7] =	stream.indirect.scatter.add.f32 [tilespmem:s9], [sflag:$0x4], $0x80, s21, s5, $0xb8;
	[tilespmem:$0x1FC80] =	vst v63  }
0x10c: {  	_ =	swait.ge [sflag:s23], $0x4000  }
0x10d: {  	[sflag:s23] =	ssyncset.done $0x0  }
0x10e: {  	[sflag:s23] =	ssyncadd.s32 $0xFFFFC000  }
0x10f: {  	_ =	swait.ge [sflag:s29], $0x80  }
0x110: {  	[sflag:s29] =	ssyncset.done $0x0  }
0x111: {  	[sflag:s29] =	ssyncadd.s32 $0xFFFFFF80  }
0x112: {  	_ =	swait.ge [sflag:s26], $0x80  }
0x113: {  	[sflag:s26] =	ssyncset.done $0x0  }
0x114: {  	s25 =	rddreg [dreg:$0xb];
	[sflag:s26] =	ssyncadd.s32 $0xFFFFFF80  }
0x115: {  	[tilespmem:s8], [sflag:$0x2] =	stream.indirect.gather [hbm4b:s2+s5], $0x80, s14, s5, $0xb8;
	[tilespmem:$0x1FC80] =	vst v63  }
0x116: {  	s30 =	rddreg [dreg:$0xc];
	s25 =	sadd.s32 $0x0, s25  }
0x117: {  	[tilespmem:s4], [sflag:$0x7] =	stream.linear.gather [hbm4b:s25+s4], $0x80, $0x38;
	[tilespmem:$0x1FC80] =	vst v63  }
0x118: {  	s30 =	sadd.s32 $0x0, s30  }
0x119: {  	[tilespmem:s16], [sflag:$0xA] =	stream.linear.gather [hbm4b:s30+s4], $0x80, $0x38;
	[tilespmem:$0x1FC80] =	vst v63  }
0x11a: {  	_ =	swait.ge [sflag:s17], $0x4000  }
0x11b: {  	[sflag:s17] =	ssyncset.done $0x0  }
0x11c: {  	[sflag:s17] =	ssyncadd.s32 $0xFFFFC000  }
0x11d: {  	[spmem:s7] =	stream.indirect.scatter.add.f32 [tilespmem:s10], [sflag:$0x5], $0x80, s6, s5, $0xb8;
	[tilespmem:$0x1FC80] =	vst v63  }
0x11e: {  	_ =	swait.ge [sflag:s28], $0x4000  }
0x11f: {  	[sflag:s28] =	ssyncset.done $0x0  }
0x120: {  	[sflag:s28] =	ssyncadd.s32 $0xFFFFC000  }
0x121: {  	_ =	swait.ge [sflag:s12], $0x80  }
0x122: {  	[sflag:s12] =	ssyncset.done $0x0  }
0x123: {  	[sflag:s12] =	ssyncadd.s32 $0xFFFFFF80  }
0x124: {  	_ =	swait.ge [sflag:s13], $0x80  }
0x125: {  	[sflag:s13] =	ssyncset.done $0x0  }
0x126: {  	[sflag:s13] =	ssyncadd.s32 $0xFFFFFF80  }
0x127: {  	[tilespmem:s9], [sflag:$0x1] =	stream.indirect.gather [hbm4b:s2+s5], $0x80, s4, s5, $0xb8;
	[tilespmem:$0x1FC80] =	vst v63  }
0x128: {  	s30 =	sadd.s32 $0xD0, s3  }
0x129: {  	[tilespmem:s5], [sflag:$0x8] =	stream.linear.gather [hbm4b:s30+s4], $0x80, $0x38;
	[tilespmem:$0x1FC80] =	vst v63  }
0x12a: {  	s30 =	sadd.s32 $0xD0, s24  }
0x12b: {  	[tilespmem:s21], [sflag:$0xB] =	stream.linear.gather [hbm4b:s30+s4], $0x80, $0x38;
	[tilespmem:$0x1FC80] =	vst v63  }
0x12c: {  	_ =	swait.ge [sflag:s22], $0x4000  }
0x12d: {  	[sflag:s22] =	ssyncset.done $0x0  }
0x12e: {  	[sflag:s22] =	ssyncadd.s32 $0xFFFFC000  }
0x12f: {  	[spmem:s7] =	stream.indirect.scatter.add.f32 [tilespmem:s8], [sflag:$0x6], $0x80, s20, s5, $0xb8;
	[tilespmem:$0x1FC80] =	vst v63  }
0x130: {  	_ =	swait.ge [sflag:s1], $0x4000  }
0x131: {  	[sflag:s1] =	ssyncset.done $0x0  }
0x132: {  	[sflag:s1] =	ssyncadd.s32 $0xFFFFC000  }
0x133: {  	_ =	swait.ge [sflag:s18], $0x80  }
0x134: {  	[sflag:s18] =	ssyncset.done $0x0  }
0x135: {  	[sflag:s18] =	ssyncadd.s32 $0xFFFFFF80  }
0x136: {  	_ =	swait.ge [sflag:s15], $0x80  }
0x137: {  	[sflag:s15] =	ssyncset.done $0x0  }
0x138: {  	s25 =	rddreg [dreg:$0x9];
	[sflag:s15] =	ssyncadd.s32 $0xFFFFFF80  }
0x139: {  	[tilespmem:s10], [sflag:$0x2] =	stream.indirect.gather [hbm4b:s2+s5], $0x80, s5, s5, $0xb8;
	[tilespmem:$0x1FC80] =	vst v63  }
0x13a: {  	s1 =	rddreg [dreg:$0xa];
	s25 =	sadd.s32 $0x0, s25  }
0x13b: {  	[tilespmem:s14], [sflag:$0x9] =	stream.linear.gather [hbm4b:s25+s4], $0x80, $0x38;
	[tilespmem:$0x1FC80] =	vst v63  }
0x13c: {  	s15 =	sadd.s32 $0x0, s1  }
0x13d: {  	[tilespmem:s6], [sflag:$0xC] =	stream.linear.gather [hbm4b:s15+s4], $0x80, $0x38;
	[tilespmem:$0x1FC80] =	vst v63  }
0x13e: {  	_ =	swait.ge [sflag:s17], $0x4000  }
0x13f: {  	[sflag:s17] =	ssyncset.done $0x0  }
0x140: {  	[sflag:s17] =	ssyncadd.s32 $0xFFFFC000  }
0x141: {  	[spmem:s7] =	stream.indirect.scatter.add.f32 [tilespmem:s9], [sflag:$0x3], $0x80, s16, s5, $0xb8;
	[tilespmem:$0x1FC80] =	vst v63  }
0x142: {  	_ =	swait.ge [sflag:s31], $0x4000  }
0x143: {  	[sflag:s31] =	ssyncset.done $0x0  }
0x144: {  	[sflag:s31] =	ssyncadd.s32 $0xFFFFC000  }
0x145: {  	_ =	swait.ge [sflag:s29], $0x80  }
0x146: {  	[sflag:s29] =	ssyncset.done $0x0  }
0x147: {  	[sflag:s29] =	ssyncadd.s32 $0xFFFFFF80  }
0x148: {  	_ =	swait.ge [sflag:s0], $0x80  }
0x149: {  	[sflag:s0] =	ssyncset.done $0x0  }
0x14a: {  	[sflag:s0] =	ssyncadd.s32 $0xFFFFFF80  }
0x14b: {  	[tilespmem:s8], [sflag:$0x1] =	stream.indirect.gather [hbm4b:s2+s5], $0x80, s14, s5, $0xb8;
	[tilespmem:$0x1FC80] =	vst v63  }
0x14c: {  	s3 =	sadd.s32 $0xF0, s3  }
0x14d: {  	[tilespmem:s4], [sflag:$0x7] =	stream.linear.gather [hbm4b:s3+s4], $0x80, $0x38;
	[tilespmem:$0x1FC80] =	vst v63  }
0x14e: {  	s24 =	sadd.s32 $0xF0, s24  }
0x14f: {  	[tilespmem:s20], [sflag:$0xD] =	stream.linear.gather [hbm4b:s24+s4], $0x80, $0x38;
	[tilespmem:$0x1FC80] =	vst v63  }
0x150: {  	_ =	swait.ge [sflag:s22], $0x4000  }
0x151: {  	[sflag:s22] =	ssyncset.done $0x0  }
0x152: {  	[sflag:s22] =	ssyncadd.s32 $0xFFFFC000  }
0x153: {  	[spmem:s7] =	stream.indirect.scatter.add.f32 [tilespmem:s10], [sflag:$0x4], $0x80, s21, s5, $0xb8;
	[tilespmem:$0x1FC80] =	vst v63  }
0x154: {  	_ =	swait.ge [sflag:s23], $0x4000  }
0x155: {  	[sflag:s23] =	ssyncset.done $0x0  }
0x156: {  	[sflag:s23] =	ssyncadd.s32 $0xFFFFC000  }
0x157: {  	_ =	swait.ge [sflag:s12], $0x80  }
0x158: {  	[sflag:s12] =	ssyncset.done $0x0  }
0x159: {  	[sflag:s12] =	ssyncadd.s32 $0xFFFFFF80  }
0x15a: {  	_ =	swait.ge [sflag:s26], $0x80  }
0x15b: {  	[sflag:s26] =	ssyncset.done $0x0  }
0x15c: {  	[sflag:s26] =	ssyncadd.s32 $0xFFFFFF80  }
0x15d: {  	[tilespmem:s9], [sflag:$0x2] =	stream.indirect.gather [hbm4b:s2+s5], $0x80, s4, s5, $0xb8;
	[tilespmem:$0x1FC80] =	vst v63  }
0x15e: {  	s25 =	sadd.s32 $0x0, s11  }
0x15f: {  	[tilespmem:s5], [sflag:$0x8] =	stream.linear.gather [hbm4b:s25+s4], $0x80, $0x38;
	[tilespmem:$0x1FC80] =	vst v63  }
0x160: {  	s26 =	sadd.s32 $0x0, s19  }
0x161: {  	[tilespmem:s16], [sflag:$0xA] =	stream.linear.gather [hbm4b:s26+s4], $0x80, $0x38;
	[tilespmem:$0x1FC80] =	vst v63  }
0x162: {  	_ =	swait.ge [sflag:s17], $0x4000  }
0x163: {  	[sflag:s17] =	ssyncset.done $0x0  }
0x164: {  	[sflag:s17] =	ssyncadd.s32 $0xFFFFC000  }
0x165: {  	[spmem:s7] =	stream.indirect.scatter.add.f32 [tilespmem:s8], [sflag:$0x5], $0x80, s6, s5, $0xb8;
	[tilespmem:$0x1FC80] =	vst v63  }
0x166: {  	_ =	swait.ge [sflag:s28], $0x4000  }
0x167: {  	[sflag:s28] =	ssyncset.done $0x0  }
0x168: {  	[sflag:s28] =	ssyncadd.s32 $0xFFFFC000  }
0x169: {  	_ =	swait.ge [sflag:s18], $0x80  }
0x16a: {  	[sflag:s18] =	ssyncset.done $0x0  }
0x16b: {  	[sflag:s18] =	ssyncadd.s32 $0xFFFFFF80  }
0x16c: {  	_ =	swait.ge [sflag:s13], $0x80  }
0x16d: {  	[sflag:s13] =	ssyncset.done $0x0  }
0x16e: {  	s29 =	rddreg [dreg:$0x5];
	[sflag:s13] =	ssyncadd.s32 $0xFFFFFF80  }
0x16f: {  	[tilespmem:s10], [sflag:$0x1] =	stream.indirect.gather [hbm4b:s2+s5], $0x80, s5, s5, $0xb8;
	[tilespmem:$0x1FC80] =	vst v63  }
0x170: {  	s30 =	rddreg [dreg:$0x6];
	s3 =	sadd.s32 $0x0, s29  }
0x171: {  	[tilespmem:s14], [sflag:$0x9] =	stream.linear.gather [hbm4b:s3+s4], $0x80, $0x38;
	[tilespmem:$0x1FC80] =	vst v63  }
0x172: {  	s31 =	sadd.s32 $0x0, s30  }
0x173: {  	[tilespmem:s21], [sflag:$0xB] =	stream.linear.gather [hbm4b:s31+s4], $0x80, $0x38;
	[tilespmem:$0x1FC80] =	vst v63  }
0x174: {  	s24 =	simm.s32 $0xC0;
	s26 =	simm.s32 $0xA;
	_ =	swait.ge [sflag:s22], $0x4000  }
.LBB2_2:
0x175: {  	[sflag:s22] =	ssyncset.done $0x0  }
0x176: {  	s14 =	simm.s32 $0x380;
	[sflag:s22] =	ssyncadd.s32 $0xFFFFC000  }
0x177: {  	s6 =	simm.s32 $0x300;
	s1 =	simm.s32 $0x5;
	s7 =	rddreg [dreg:$0x3]  }
0x178: {  	[spmem:s7] =	stream.indirect.scatter.add.f32 [tilespmem:s14], [sflag:$0x6], $0x80, s6, s5, $0xb8;
	[tilespmem:$0x1FC80] =	vst v63  }
0x179: {  	_ =	swait.ge [sflag:s1], $0x4000  }
0x17a: {  	[sflag:s1] =	ssyncset.done $0x0  }
0x17b: {  	s0 =	simm.s32 $0x9;
	[sflag:s1] =	ssyncadd.s32 $0xFFFFC000  }
0x17c: {  	_ =	swait.ge [sflag:s0], $0x80  }
0x17d: {  	[sflag:s0] =	ssyncset.done $0x0  }
0x17e: {  	s19 =	simm.s32 $0xB;
	[sflag:s0] =	ssyncadd.s32 $0xFFFFFF80  }
0x17f: {  	_ =	swait.ge [sflag:s19], $0x80  }
0x180: {  	[sflag:s19] =	ssyncset.done $0x0  }
0x181: {  	s25 =	smov.u32 s24;
	s3 =	rddreg [dreg:$0x11];
	[sflag:s19] =	ssyncadd.s32 $0xFFFFFF80  }
0x182: {  	s20 =	simm.s32 $0x100;
	s8 =	simm.s32 $0x8380;
	s2 =	rddreg [dreg:$0x0]  }
0x183: {  	[tilespmem:s8], [sflag:$0x2] =	stream.indirect.gather [hbm4b:s2+s5], $0x80, s20, s5, $0xb8;
	[tilespmem:$0x1FC80] =	vst v63  }
0x184: {  	s30 =	rddreg [dreg:$0x12];
	s3 =	sadd.s32 s25, s3  }
0x185: {  	[tilespmem:s4], [sflag:$0x7] =	stream.linear.gather [hbm4b:s3+s4], $0x80, $0x38;
	[tilespmem:$0x1FC80] =	vst v63  }
0x186: {  	s9 =	simm.s32 $0x280;
	s28 =	sadd.s32 s25, s30  }
0x187: {  	[tilespmem:s9], [sflag:$0xC] =	stream.linear.gather [hbm4b:s28+s4], $0x80, $0x38;
	[tilespmem:$0x1FC80] =	vst v63  }
0x188: {  	_ =	swait.ge [sflag:s17], $0x4000  }
0x189: {  	s16 =	simm.s32 $0x180;
	[sflag:s17] =	ssyncset.done $0x0  }
0x18a: {  	s15 =	simm.s32 $0x4380;
	s13 =	simm.s32 $0x6;
	[sflag:s17] =	ssyncadd.s32 $0xFFFFC000  }
0x18b: {  	[spmem:s7] =	stream.indirect.scatter.add.f32 [tilespmem:s15], [sflag:$0x3], $0x80, s16, s5, $0xb8;
	[tilespmem:$0x1FC80] =	vst v63  }
0x18c: {  	_ =	swait.ge [sflag:s13], $0x4000  }
0x18d: {  	[sflag:s13] =	ssyncset.done $0x0  }
0x18e: {  	s12 =	simm.s32 $0x7;
	[sflag:s13] =	ssyncadd.s32 $0xFFFFC000  }
0x18f: {  	_ =	swait.ge [sflag:s12], $0x80  }
0x190: {  	[sflag:s12] =	ssyncset.done $0x0  }
0x191: {  	s23 =	simm.s32 $0xC;
	[sflag:s12] =	ssyncadd.s32 $0xFFFFFF80  }
0x192: {  	_ =	swait.ge [sflag:s23], $0x80  }
0x193: {  	[sflag:s23] =	ssyncset.done $0x0;
	s29 =	rddreg [dreg:$0x7]  }
0x194: {  	s31 =	rddreg [dreg:$0x8];
	[sflag:s23] =	ssyncadd.s32 $0xFFFFFF80;
	s3 =	sadd.s32 s25, s29  }
0x195: {  	[tilespmem:s14], [sflag:$0x1] =	stream.indirect.gather [hbm4b:s2+s5], $0x80, s4, s5, $0xb8;
	[tilespmem:$0x1FC80] =	vst v63  }
0x196: {  	s30 =	sadd.s32 s25, s31;
	s10 =	sadd.s32 $0x70, s3  }
0x197: {  	[tilespmem:s5], [sflag:$0x8] =	stream.linear.gather [hbm4b:s10+s4], $0x80, $0x38;
	[tilespmem:$0x1FC80] =	vst v63  }
0x198: {  	s11 =	sadd.s32 $0x70, s30  }
0x199: {  	[tilespmem:s6], [sflag:$0xD] =	stream.linear.gather [hbm4b:s11+s4], $0x80, $0x38;
	[tilespmem:$0x1FC80] =	vst v63  }
0x19a: {  	_ =	swait.ge [sflag:s22], $0x4000  }
0x19b: {  	[sflag:s22] =	ssyncset.done $0x0  }
0x19c: {  	s21 =	simm.s32 $0x200;
	s28 =	simm.s32 $0x3;
	[sflag:s22] =	ssyncadd.s32 $0xFFFFC000  }
0x19d: {  	[spmem:s7] =	stream.indirect.scatter.add.f32 [tilespmem:s8], [sflag:$0x4], $0x80, s21, s5, $0xb8;
	[tilespmem:$0x1FC80] =	vst v63  }
0x19e: {  	_ =	swait.ge [sflag:s28], $0x4000  }
0x19f: {  	[sflag:s28] =	ssyncset.done $0x0  }
0x1a0: {  	s18 =	simm.s32 $0x8;
	[sflag:s28] =	ssyncadd.s32 $0xFFFFC000  }
0x1a1: {  	_ =	swait.ge [sflag:s18], $0x80  }
0x1a2: {  	[sflag:s18] =	ssyncset.done $0x0  }
0x1a3: {  	s29 =	simm.s32 $0xD;
	[sflag:s18] =	ssyncadd.s32 $0xFFFFFF80  }
0x1a4: {  	_ =	swait.ge [sflag:s29], $0x80  }
0x1a5: {  	[sflag:s29] =	ssyncset.done $0x0  }
0x1a6: {  	s11 =	rddreg [dreg:$0xf];
	[sflag:s29] =	ssyncadd.s32 $0xFFFFFF80  }
0x1a7: {  	[tilespmem:s15], [sflag:$0x2] =	stream.indirect.gather [hbm4b:s2+s5], $0x80, s5, s5, $0xb8;
	[tilespmem:$0x1FC80] =	vst v63  }
0x1a8: {  	s31 =	rddreg [dreg:$0x10];
	s10 =	sadd.s32 s25, s11  }
0x1a9: {  	[tilespmem:s20], [sflag:$0x9] =	stream.linear.gather [hbm4b:s10+s4], $0x80, $0x38;
	[tilespmem:$0x1FC80] =	vst v63  }
0x1aa: {  	s31 =	sadd.s32 s25, s31  }
0x1ab: {  	[tilespmem:s16], [sflag:$0xA] =	stream.linear.gather [hbm4b:s31+s4], $0x80, $0x38;
	[tilespmem:$0x1FC80] =	vst v63  }
0x1ac: {  	_ =	swait.ge [sflag:s17], $0x4000  }
0x1ad: {  	[sflag:s17] =	ssyncset.done $0x0  }
0x1ae: {  	s31 =	simm.s32 $0x4;
	[sflag:s17] =	ssyncadd.s32 $0xFFFFC000  }
0x1af: {  	[spmem:s7] =	stream.indirect.scatter.add.f32 [tilespmem:s14], [sflag:$0x5], $0x80, s9, s5, $0xb8;
	[tilespmem:$0x1FC80] =	vst v63  }
0x1b0: {  	_ =	swait.ge [sflag:s31], $0x4000  }
0x1b1: {  	[sflag:s31] =	ssyncset.done $0x0  }
0x1b2: {  	[sflag:s31] =	ssyncadd.s32 $0xFFFFC000  }
0x1b3: {  	_ =	swait.ge [sflag:s0], $0x80  }
0x1b4: {  	[sflag:s0] =	ssyncset.done $0x0  }
0x1b5: {  	[sflag:s0] =	ssyncadd.s32 $0xFFFFFF80  }
0x1b6: {  	_ =	swait.ge [sflag:s26], $0x80  }
0x1b7: {  	[sflag:s26] =	ssyncset.done $0x0  }
0x1b8: {  	[sflag:s26] =	ssyncadd.s32 $0xFFFFFF80  }
0x1b9: {  	[tilespmem:s8], [sflag:$0x1] =	stream.indirect.gather [hbm4b:s2+s5], $0x80, s20, s5, $0xb8;
	[tilespmem:$0x1FC80] =	vst v63  }
0x1ba: {  	s11 =	sadd.s32 $0x90, s3  }
0x1bb: {  	[tilespmem:s4], [sflag:$0x7] =	stream.linear.gather [hbm4b:s11+s4], $0x80, $0x38;
	[tilespmem:$0x1FC80] =	vst v63  }
0x1bc: {  	s11 =	sadd.s32 $0x90, s30  }
0x1bd: {  	[tilespmem:s21], [sflag:$0xB] =	stream.linear.gather [hbm4b:s11+s4], $0x80, $0x38;
	[tilespmem:$0x1FC80] =	vst v63  }
0x1be: {  	_ =	swait.ge [sflag:s22], $0x4000  }
0x1bf: {  	[sflag:s22] =	ssyncset.done $0x0  }
0x1c0: {  	[sflag:s22] =	ssyncadd.s32 $0xFFFFC000  }
0x1c1: {  	[spmem:s7] =	stream.indirect.scatter.add.f32 [tilespmem:s15], [sflag:$0x6], $0x80, s6, s5, $0xb8;
	[tilespmem:$0x1FC80] =	vst v63  }
0x1c2: {  	_ =	swait.ge [sflag:s1], $0x4000  }
0x1c3: {  	[sflag:s1] =	ssyncset.done $0x0  }
0x1c4: {  	[sflag:s1] =	ssyncadd.s32 $0xFFFFC000  }
0x1c5: {  	_ =	swait.ge [sflag:s12], $0x80  }
0x1c6: {  	[sflag:s12] =	ssyncset.done $0x0  }
0x1c7: {  	[sflag:s12] =	ssyncadd.s32 $0xFFFFFF80  }
0x1c8: {  	_ =	swait.ge [sflag:s19], $0x80  }
0x1c9: {  	[sflag:s19] =	ssyncset.done $0x0  }
0x1ca: {  	s10 =	rddreg [dreg:$0xd];
	[sflag:s19] =	ssyncadd.s32 $0xFFFFFF80  }
0x1cb: {  	[tilespmem:s14], [sflag:$0x2] =	stream.indirect.gather [hbm4b:s2+s5], $0x80, s4, s5, $0xb8;
	[tilespmem:$0x1FC80] =	vst v63  }
0x1cc: {  	s11 =	rddreg [dreg:$0xe];
	s10 =	sadd.s32 s25, s10  }
0x1cd: {  	[tilespmem:s5], [sflag:$0x8] =	stream.linear.gather [hbm4b:s10+s4], $0x80, $0x38;
	[tilespmem:$0x1FC80] =	vst v63  }
0x1ce: {  	s11 =	sadd.s32 s25, s11  }
0x1cf: {  	[tilespmem:s9], [sflag:$0xC] =	stream.linear.gather [hbm4b:s11+s4], $0x80, $0x38;
	[tilespmem:$0x1FC80] =	vst v63  }
0x1d0: {  	_ =	swait.ge [sflag:s17], $0x4000  }
0x1d1: {  	[sflag:s17] =	ssyncset.done $0x0  }
0x1d2: {  	[sflag:s17] =	ssyncadd.s32 $0xFFFFC000  }
0x1d3: {  	[spmem:s7] =	stream.indirect.scatter.add.f32 [tilespmem:s8], [sflag:$0x3], $0x80, s16, s5, $0xb8;
	[tilespmem:$0x1FC80] =	vst v63  }
0x1d4: {  	_ =	swait.ge [sflag:s13], $0x4000  }
0x1d5: {  	[sflag:s13] =	ssyncset.done $0x0  }
0x1d6: {  	[sflag:s13] =	ssyncadd.s32 $0xFFFFC000  }
0x1d7: {  	_ =	swait.ge [sflag:s18], $0x80  }
0x1d8: {  	[sflag:s18] =	ssyncset.done $0x0  }
0x1d9: {  	[sflag:s18] =	ssyncadd.s32 $0xFFFFFF80  }
0x1da: {  	_ =	swait.ge [sflag:s23], $0x80  }
0x1db: {  	[sflag:s23] =	ssyncset.done $0x0  }
0x1dc: {  	[sflag:s23] =	ssyncadd.s32 $0xFFFFFF80  }
0x1dd: {  	[tilespmem:s15], [sflag:$0x1] =	stream.indirect.gather [hbm4b:s2+s5], $0x80, s5, s5, $0xb8;
	[tilespmem:$0x1FC80] =	vst v63  }
0x1de: {  	s10 =	sadd.s32 $0xB0, s3  }
0x1df: {  	[tilespmem:s20], [sflag:$0x9] =	stream.linear.gather [hbm4b:s10+s4], $0x80, $0x38;
	[tilespmem:$0x1FC80] =	vst v63  }
0x1e0: {  	s11 =	sadd.s32 $0xB0, s30  }
0x1e1: {  	[tilespmem:s6], [sflag:$0xD] =	stream.linear.gather [hbm4b:s11+s4], $0x80, $0x38;
	[tilespmem:$0x1FC80] =	vst v63  }
0x1e2: {  	_ =	swait.ge [sflag:s22], $0x4000  }
0x1e3: {  	[sflag:s22] =	ssyncset.done $0x0  }
0x1e4: {  	[sflag:s22] =	ssyncadd.s32 $0xFFFFC000  }
0x1e5: {  	[spmem:s7] =	stream.indirect.scatter.add.f32 [tilespmem:s14], [sflag:$0x4], $0x80, s21, s5, $0xb8;
	[tilespmem:$0x1FC80] =	vst v63  }
0x1e6: {  	_ =	swait.ge [sflag:s28], $0x4000  }
0x1e7: {  	[sflag:s28] =	ssyncset.done $0x0  }
0x1e8: {  	[sflag:s28] =	ssyncadd.s32 $0xFFFFC000  }
0x1e9: {  	_ =	swait.ge [sflag:s0], $0x80  }
0x1ea: {  	[sflag:s0] =	ssyncset.done $0x0  }
0x1eb: {  	[sflag:s0] =	ssyncadd.s32 $0xFFFFFF80  }
0x1ec: {  	_ =	swait.ge [sflag:s29], $0x80  }
0x1ed: {  	[sflag:s29] =	ssyncset.done $0x0  }
0x1ee: {  	s10 =	rddreg [dreg:$0xb];
	[sflag:s29] =	ssyncadd.s32 $0xFFFFFF80  }
0x1ef: {  	[tilespmem:s8], [sflag:$0x2] =	stream.indirect.gather [hbm4b:s2+s5], $0x80, s20, s5, $0xb8;
	[tilespmem:$0x1FC80] =	vst v63  }
0x1f0: {  	s11 =	rddreg [dreg:$0xc];
	s10 =	sadd.s32 s25, s10  }
0x1f1: {  	[tilespmem:s4], [sflag:$0x7] =	stream.linear.gather [hbm4b:s10+s4], $0x80, $0x38;
	[tilespmem:$0x1FC80] =	vst v63  }
0x1f2: {  	s11 =	sadd.s32 s25, s11  }
0x1f3: {  	[tilespmem:s16], [sflag:$0xA] =	stream.linear.gather [hbm4b:s11+s4], $0x80, $0x38;
	[tilespmem:$0x1FC80] =	vst v63  }
0x1f4: {  	_ =	swait.ge [sflag:s17], $0x4000  }
0x1f5: {  	[sflag:s17] =	ssyncset.done $0x0  }
0x1f6: {  	[sflag:s17] =	ssyncadd.s32 $0xFFFFC000  }
0x1f7: {  	[spmem:s7] =	stream.indirect.scatter.add.f32 [tilespmem:s15], [sflag:$0x5], $0x80, s9, s5, $0xb8;
	[tilespmem:$0x1FC80] =	vst v63  }
0x1f8: {  	_ =	swait.ge [sflag:s31], $0x4000  }
0x1f9: {  	[sflag:s31] =	ssyncset.done $0x0  }
0x1fa: {  	[sflag:s31] =	ssyncadd.s32 $0xFFFFC000  }
0x1fb: {  	_ =	swait.ge [sflag:s12], $0x80  }
0x1fc: {  	[sflag:s12] =	ssyncset.done $0x0  }
0x1fd: {  	[sflag:s12] =	ssyncadd.s32 $0xFFFFFF80  }
0x1fe: {  	_ =	swait.ge [sflag:s26], $0x80  }
0x1ff: {  	[sflag:s26] =	ssyncset.done $0x0  }
0x200: {  	[sflag:s26] =	ssyncadd.s32 $0xFFFFFF80  }
0x201: {  	[tilespmem:s14], [sflag:$0x1] =	stream.indirect.gather [hbm4b:s2+s5], $0x80, s4, s5, $0xb8;
	[tilespmem:$0x1FC80] =	vst v63  }
0x202: {  	s10 =	sadd.s32 $0xD0, s3  }
0x203: {  	[tilespmem:s5], [sflag:$0x8] =	stream.linear.gather [hbm4b:s10+s4], $0x80, $0x38;
	[tilespmem:$0x1FC80] =	vst v63  }
0x204: {  	s11 =	sadd.s32 $0xD0, s30  }
0x205: {  	[tilespmem:s21], [sflag:$0xB] =	stream.linear.gather [hbm4b:s11+s4], $0x80, $0x38;
	[tilespmem:$0x1FC80] =	vst v63  }
0x206: {  	_ =	swait.ge [sflag:s22], $0x4000  }
0x207: {  	[sflag:s22] =	ssyncset.done $0x0  }
0x208: {  	[sflag:s22] =	ssyncadd.s32 $0xFFFFC000  }
0x209: {  	[spmem:s7] =	stream.indirect.scatter.add.f32 [tilespmem:s8], [sflag:$0x6], $0x80, s6, s5, $0xb8;
	[tilespmem:$0x1FC80] =	vst v63  }
0x20a: {  	_ =	swait.ge [sflag:s1], $0x4000  }
0x20b: {  	[sflag:s1] =	ssyncset.done $0x0  }
0x20c: {  	[sflag:s1] =	ssyncadd.s32 $0xFFFFC000  }
0x20d: {  	_ =	swait.ge [sflag:s18], $0x80  }
0x20e: {  	[sflag:s18] =	ssyncset.done $0x0  }
0x20f: {  	[sflag:s18] =	ssyncadd.s32 $0xFFFFFF80  }
0x210: {  	_ =	swait.ge [sflag:s19], $0x80  }
0x211: {  	[sflag:s19] =	ssyncset.done $0x0  }
0x212: {  	s11 =	rddreg [dreg:$0x9];
	[sflag:s19] =	ssyncadd.s32 $0xFFFFFF80  }
0x213: {  	[tilespmem:s15], [sflag:$0x2] =	stream.indirect.gather [hbm4b:s2+s5], $0x80, s5, s5, $0xb8;
	[tilespmem:$0x1FC80] =	vst v63  }
0x214: {  	s19 =	rddreg [dreg:$0xa];
	s10 =	sadd.s32 s25, s11  }
0x215: {  	[tilespmem:s20], [sflag:$0x9] =	stream.linear.gather [hbm4b:s10+s4], $0x80, $0x38;
	[tilespmem:$0x1FC80] =	vst v63  }
0x216: {  	s11 =	rddreg [dreg:$0x14];
	s1 =	sadd.s32 s25, s19  }
0x217: {  	[tilespmem:s9], [sflag:$0xC] =	stream.linear.gather [hbm4b:s1+s4], $0x80, $0x38;
	[tilespmem:$0x1FC80] =	vst v63  }
0x218: {  	s19 =	rddreg [dreg:$0x13];
	_ =	swait.ge [sflag:s17], $0x4000  }
0x219: {  	[sflag:s17] =	ssyncset.done $0x0  }
0x21a: {  	[sflag:s17] =	ssyncadd.s32 $0xFFFFC000  }
0x21b: {  	[spmem:s7] =	stream.indirect.scatter.add.f32 [tilespmem:s14], [sflag:$0x3], $0x80, s16, s5, $0xb8;
	[tilespmem:$0x1FC80] =	vst v63  }
0x21c: {  	_ =	swait.ge [sflag:s13], $0x4000  }
0x21d: {  	[sflag:s13] =	ssyncset.done $0x0  }
0x21e: {  	[sflag:s13] =	ssyncadd.s32 $0xFFFFC000  }
0x21f: {  	_ =	swait.ge [sflag:s0], $0x80  }
0x220: {  	[sflag:s0] =	ssyncset.done $0x0  }
0x221: {  	[sflag:s0] =	ssyncadd.s32 $0xFFFFFF80  }
0x222: {  	_ =	swait.ge [sflag:s23], $0x80  }
0x223: {  	[sflag:s23] =	ssyncset.done $0x0  }
0x224: {  	[sflag:s23] =	ssyncadd.s32 $0xFFFFFF80  }
0x225: {  	[tilespmem:s8], [sflag:$0x1] =	stream.indirect.gather [hbm4b:s2+s5], $0x80, s20, s5, $0xb8;
	[tilespmem:$0x1FC80] =	vst v63  }
0x226: {  	s3 =	sadd.s32 $0xF0, s3  }
0x227: {  	[tilespmem:s4], [sflag:$0x7] =	stream.linear.gather [hbm4b:s3+s4], $0x80, $0x38;
	[tilespmem:$0x1FC80] =	vst v63  }
0x228: {  	s13 =	sadd.s32 $0xF0, s30  }
0x229: {  	[tilespmem:s6], [sflag:$0xD] =	stream.linear.gather [hbm4b:s13+s4], $0x80, $0x38;
	[tilespmem:$0x1FC80] =	vst v63  }
0x22a: {  	_ =	swait.ge [sflag:s22], $0x4000  }
0x22b: {  	[sflag:s22] =	ssyncset.done $0x0  }
0x22c: {  	[sflag:s22] =	ssyncadd.s32 $0xFFFFC000  }
0x22d: {  	[spmem:s7] =	stream.indirect.scatter.add.f32 [tilespmem:s15], [sflag:$0x4], $0x80, s21, s5, $0xb8;
	[tilespmem:$0x1FC80] =	vst v63  }
0x22e: {  	_ =	swait.ge [sflag:s28], $0x4000  }
0x22f: {  	[sflag:s28] =	ssyncset.done $0x0  }
0x230: {  	[sflag:s28] =	ssyncadd.s32 $0xFFFFC000  }
0x231: {  	_ =	swait.ge [sflag:s12], $0x80  }
0x232: {  	[sflag:s12] =	ssyncset.done $0x0  }
0x233: {  	[sflag:s12] =	ssyncadd.s32 $0xFFFFFF80  }
0x234: {  	_ =	swait.ge [sflag:s29], $0x80  }
0x235: {  	[sflag:s29] =	ssyncset.done $0x0  }
0x236: {  	[sflag:s29] =	ssyncadd.s32 $0xFFFFFF80  }
0x237: {  	[tilespmem:s14], [sflag:$0x2] =	stream.indirect.gather [hbm4b:s2+s5], $0x80, s4, s5, $0xb8;
	[tilespmem:$0x1FC80] =	vst v63  }
0x238: {  	s23 =	sadd.s32 s25, s11  }
0x239: {  	[tilespmem:s5], [sflag:$0x8] =	stream.linear.gather [hbm4b:s23+s4], $0x80, $0x38;
	[tilespmem:$0x1FC80] =	vst v63  }
0x23a: {  	s28 =	sadd.s32 s25, s19  }
0x23b: {  	[tilespmem:s16], [sflag:$0xA] =	stream.linear.gather [hbm4b:s28+s4], $0x80, $0x38;
	[tilespmem:$0x1FC80] =	vst v63  }
0x23c: {  	_ =	swait.ge [sflag:s17], $0x4000  }
0x23d: {  	[sflag:s17] =	ssyncset.done $0x0  }
0x23e: {  	[sflag:s17] =	ssyncadd.s32 $0xFFFFC000  }
0x23f: {  	[spmem:s7] =	stream.indirect.scatter.add.f32 [tilespmem:s8], [sflag:$0x5], $0x80, s9, s5, $0xb8;
	[tilespmem:$0x1FC80] =	vst v63  }
0x240: {  	_ =	swait.ge [sflag:s31], $0x4000  }
0x241: {  	[sflag:s31] =	ssyncset.done $0x0  }
0x242: {  	[sflag:s31] =	ssyncadd.s32 $0xFFFFC000  }
0x243: {  	_ =	swait.ge [sflag:s18], $0x80  }
0x244: {  	[sflag:s18] =	ssyncset.done $0x0  }
0x245: {  	[sflag:s18] =	ssyncadd.s32 $0xFFFFFF80  }
0x246: {  	_ =	swait.ge [sflag:s26], $0x80  }
0x247: {  	[sflag:s26] =	ssyncset.done $0x0  }
0x248: {  	p5 =	sne.s32 s24, $0x3C0;
	s29 =	rddreg [dreg:$0x5];
	[sflag:s26] =	ssyncadd.s32 $0xFFFFFF80  }
0x249: {  	[tilespmem:s15], [sflag:$0x1] =	stream.indirect.gather [hbm4b:s2+s5], $0x80, s5, s5, $0xb8;
	[tilespmem:$0x1FC80] =	vst v63  }
.Ltmp0:
0x24a: {  	s30 =	rddreg [dreg:$0x6];
	s3 =	sadd.s32 s25, s29;
	(pc) =	sbr.rel @p5 .LBB2_2-.Ltmp0, $4  }
0x24b: {  	[tilespmem:s20], [sflag:$0x9] =	stream.linear.gather [hbm4b:s3+s4], $0x80, $0x38;
	[tilespmem:$0x1FC80] =	vst v63  }
0x24c: {  	s24 =	sadd.s32 $0xC0, s24;
	s10 =	simm.s32 $0x200;
	s31 =	sadd.s32 s25, s30  }
0x24d: {  	[tilespmem:s21], [sflag:$0xB] =	stream.linear.gather [hbm4b:s31+s4], $0x80, $0x38;
	[tilespmem:$0x1FC80] =	vst v63  }
0x24e: {  	s6 =	simm.s32 $0x180;
	s9 =	simm.s32 $0x100;
	_ =	swait.ge [sflag:s22], $0x4000  }
0x24f: {  	[sflag:s22] =	ssyncset.done $0x0  }
0x250: {  	s14 =	simm.s32 $0x380;
	[sflag:s22] =	ssyncadd.s32 $0xFFFFC000  }
0x251: {  	s13 =	simm.s32 $0x300;
	s1 =	simm.s32 $0x5;
	s7 =	rddreg [dreg:$0x3]  }
0x252: {  	[spmem:s7] =	stream.indirect.scatter.add.f32 [tilespmem:s14], [sflag:$0x6], $0x80, s13, s5, $0xb8;
	[tilespmem:$0x1FC80] =	vst v63  }
0x253: {  	_ =	swait.ge [sflag:s1], $0x4000  }
0x254: {  	[sflag:s1] =	ssyncset.done $0x0  }
0x255: {  	s0 =	simm.s32 $0x9;
	[sflag:s1] =	ssyncadd.s32 $0xFFFFC000  }
0x256: {  	_ =	swait.ge [sflag:s0], $0x80  }
0x257: {  	[sflag:s0] =	ssyncset.done $0x0  }
0x258: {  	s3 =	simm.s32 $0xB;
	[sflag:s0] =	ssyncadd.s32 $0xFFFFFF80  }
0x259: {  	_ =	swait.ge [sflag:s3], $0x80  }
0x25a: {  	[sflag:s3] =	ssyncset.done $0x0  }
0x25b: {  	s0 =	sld [smem:$0x7F3];
	[sflag:s3] =	ssyncadd.s32 $0xFFFFFF80  }
0x25c: {  	s8 =	simm.s32 $0x8380;
	s2 =	rddreg [dreg:$0x0]  }
0x25d: {  	[tilespmem:s8], [sflag:$0x2] =	stream.indirect.gather [hbm4b:s2+s5], $0x80, s9, s5, $0xb8;
	[tilespmem:$0x1FC80] =	vst v63  }
0x25e: {  	s9 =	sld [smem:$0x7F4]  }
0x25f: {  	[tilespmem:s4], [sflag:$0x7] =	stream.linear.gather [hbm4b:s0+s4], $0x80, $0x38;
	[tilespmem:$0x1FC80] =	vst v63  }
0x260: {  	s12 =	simm.s32 $0x280  }
0x261: {  	[tilespmem:s12], [sflag:$0xC] =	stream.linear.gather [hbm4b:s9+s4], $0x80, $0x38;
	[tilespmem:$0x1FC80] =	vst v63  }
0x262: {  	_ =	swait.ge [sflag:s17], $0x4000  }
0x263: {  	[sflag:s17] =	ssyncset.done $0x0  }
0x264: {  	s15 =	simm.s32 $0x4380;
	s16 =	simm.s32 $0x6;
	[sflag:s17] =	ssyncadd.s32 $0xFFFFC000  }
0x265: {  	[spmem:s7] =	stream.indirect.scatter.add.f32 [tilespmem:s15], [sflag:$0x3], $0x80, s6, s5, $0xb8;
	[tilespmem:$0x1FC80] =	vst v63  }
0x266: {  	_ =	swait.ge [sflag:s16], $0x4000  }
0x267: {  	[sflag:s16] =	ssyncset.done $0x0  }
0x268: {  	s18 =	simm.s32 $0x7;
	[sflag:s16] =	ssyncadd.s32 $0xFFFFC000  }
0x269: {  	_ =	swait.ge [sflag:s18], $0x80  }
0x26a: {  	[sflag:s18] =	ssyncset.done $0x0  }
0x26b: {  	s20 =	simm.s32 $0xC;
	[sflag:s18] =	ssyncadd.s32 $0xFFFFFF80  }
0x26c: {  	_ =	swait.ge [sflag:s20], $0x80  }
0x26d: {  	[sflag:s20] =	ssyncset.done $0x0  }
0x26e: {  	s21 =	sld [smem:$0x7F5];
	[sflag:s20] =	ssyncadd.s32 $0xFFFFFF80  }
0x26f: {  	[tilespmem:s14], [sflag:$0x1] =	stream.indirect.gather [hbm4b:s2+s5], $0x80, s4, s5, $0xb8;
	[tilespmem:$0x1FC80] =	vst v63  }
0x270: {  	s23 =	sld [smem:$0x7F6]  }
0x271: {  	[tilespmem:s5], [sflag:$0x8] =	stream.linear.gather [hbm4b:s21+s4], $0x80, $0x38;
	[tilespmem:$0x1FC80] =	vst v63  }
0x272: {  	_ = 	snop  }
0x273: {  	[tilespmem:s13], [sflag:$0xD] =	stream.linear.gather [hbm4b:s23+s4], $0x80, $0x38;
	[tilespmem:$0x1FC80] =	vst v63  }
0x274: {  	_ =	swait.ge [sflag:s22], $0x4000  }
0x275: {  	[sflag:s22] =	ssyncset.done $0x0  }
0x276: {  	s24 =	simm.s32 $0x3;
	[sflag:s22] =	ssyncadd.s32 $0xFFFFC000  }
0x277: {  	[spmem:s7] =	stream.indirect.scatter.add.f32 [tilespmem:s8], [sflag:$0x4], $0x80, s10, s5, $0xb8;
	[tilespmem:$0x1FC80] =	vst v63  }
0x278: {  	_ =	swait.ge [sflag:s24], $0x4000  }
0x279: {  	[sflag:s24] =	ssyncset.done $0x0  }
0x27a: {  	s25 =	simm.s32 $0x8;
	[sflag:s24] =	ssyncadd.s32 $0xFFFFC000  }
0x27b: {  	_ =	swait.ge [sflag:s25], $0x80  }
0x27c: {  	[sflag:s25] =	ssyncset.done $0x0  }
0x27d: {  	s26 =	simm.s32 $0xD;
	[sflag:s25] =	ssyncadd.s32 $0xFFFFFF80  }
0x27e: {  	_ =	swait.ge [sflag:s26], $0x80  }
0x27f: {  	[sflag:s26] =	ssyncset.done $0x0  }
0x280: {  	[sflag:s26] =	ssyncadd.s32 $0xFFFFFF80  }
0x281: {  	[tilespmem:s15], [sflag:$0x2] =	stream.indirect.gather [hbm4b:s2+s5], $0x80, s5, s5, $0xb8;
	[tilespmem:$0x1FC80] =	vst v63  }
0x282: {  	_ =	swait.ge [sflag:s17], $0x4000  }
0x283: {  	[sflag:s17] =	ssyncset.done $0x0  }
0x284: {  	s28 =	simm.s32 $0x4;
	[sflag:s17] =	ssyncadd.s32 $0xFFFFC000  }
0x285: {  	[spmem:s7] =	stream.indirect.scatter.add.f32 [tilespmem:s14], [sflag:$0x5], $0x80, s12, s5, $0xb8;
	[tilespmem:$0x1FC80] =	vst v63  }
0x286: {  	_ =	swait.ge [sflag:s28], $0x4000  }
0x287: {  	[sflag:s28] =	ssyncset.done $0x0  }
0x288: {  	[sflag:s28] =	ssyncadd.s32 $0xFFFFC000  }
0x289: {  	_ =	swait.ge [sflag:s22], $0x4000  }
0x28a: {  	[sflag:s22] =	ssyncset.done $0x0  }
0x28b: {  	[sflag:s22] =	ssyncadd.s32 $0xFFFFC000  }
0x28c: {  	[spmem:s7] =	stream.indirect.scatter.add.f32 [tilespmem:s15], [sflag:$0x6], $0x80, s13, s5, $0xb8;
	[tilespmem:$0x1FC80] =	vst v63  }
0x28d: {  	_ =	swait.ge [sflag:s1], $0x4000  }
0x28e: {  	[sflag:s1] =	ssyncset.done $0x0  }
0x28f: {  	[sflag:s1] =	ssyncadd.s32 $0xFFFFC000  }
0x290: {  	_ =	swait.ge [sflag:s16], $0x4000  }
0x291: {  	[sflag:s16] =	ssyncset.done $0x0  }
0x292: {  	[sflag:s16] =	ssyncadd.s32 $0xFFFFC000  }
0x293: {  	[bflag:$0x0] =	sbarrier.arrive $0xFFFF  }
0x294: {  	s24 =	sld [smem:$0x7FD]  }
0x295: {  	s6 =	sld [smem:$0x7F9];
	_ =	sdelay $0x1  }
0x296: {  	s10 =	simm.s32 @p0 $0x1FCE;
	s3 =	sshrl.u32 @p0 s24, $0x3  }
0x297: {  	[hbm:s6], [sflag:s10] =	dma.local @p0 [spmem:s3], $0x2080  }
0x298: {  	s3 =	simm.s32 @p0 $0xE  }
0x299: {  	_ =	swait.ge @p0 [sflag:s3], $0x2080  }
0x29a: {  	s30 =	sld [smem:$0x7FC]  }
0x29b: {  	s25 =	stileid.u32  }
0x29c: {  	s10 =	sshll.u32 @!p0 s25, $0x6;
	[sflag:s3] =	ssyncset.done @p0 $0x0;
	s6 =	rddreg [dreg:$0x1a]  }
0x29d: {  	[sflag:s3] =	ssyncadd.s32 @p0 $0xFFFFDF80;
	s3 =	sor.u32 @!p0 $0x1C0E, s10;
	s10 =	sshrl.u32 @!p0 s30, $0x3  }
0x29e: {  	[hbm:s6], [sflag:s3] =	dma.local @!p0 [spmem:s10], $0x2780  }
0x29f: {  	s3 =	simm.s32 @!p0 $0xE  }
0x2a0: {  	_ =	swait.ge @!p0 [sflag:s3], $0x2780  }
0x2a1: {  	s29 =	sld [smem:$0x7F0]  }
0x2a2: {  	s31 =	sld [smem:$0x7FA];
	_ =	sdelay $0x1  }
0x2a3: {  	s0 =	sadd.s32 $0x1, s29  }
0x2a4: {  	p5 =	sne.s32 s0, s31  }
.Ltmp1:
0x2a5: {  	_ = 	snop;
	(pc) =	sbr.rel @p5 .LBB2_1-.Ltmp1, $3  }
0x2a6: {  	_ =	sdelay $0x1  }
0x2a7: {  	[sflag:s3] =	ssyncset.done @!p0 $0x0  }
0x2a8: {  	s13 =	simm.s32 $0xA;
	[sflag:s3] =	ssyncadd.s32 @!p0 $0xFFFFD880  }
0x2a9: {  	_ =	sfence.sel $0x180000  }
0x2aa: {  	[bflag:$0x0] =	sbarrier.arrive $0xFFFF  }
0x2ab: {  	_ =	strace $0x90000047  }
0x2ac: {  	[bflag:$0x2] =	sbarrier.arrive $0xFFFF  }
0x2ad: {  	p0 =	sne.s32 s25, $0x0;
	s0 =	rddreg [dreg:$0x4]  }
0x2ae: {  	s0 =	sadd.s32 @!p0 $0x100000, s0  }
0x2af: {  	[sflag:s0] =	ssyncadd.tile.s32 @!p0 $0x1;
	_ =	shalt  }
.Lfunc_end2:
_tile_overlayer_lowered:
.L_overlay_start_2:
0x2b0: {  	(tag) =	ssettag $0x2  }
0x2b1: {  	s0 =	rddreg [dreg:$0x0];
	s2 =	stileid.u32  }
0x2b2: {  	s1 =	rddreg [dreg:$0x1];
	p0 =	sne.s32 s2, $0x0  }
0x2b3: {  	s3 =	rddreg [dreg:$0x2];
	[bflag:$0x3] =	sbarrier.arrive $0xFFFF;
	s2 =	simm.s32 @!p0 $0x1C0E  }
0x2b4: {  	[timem:s3], [sflag:s2] =	dma.local @!p0 [hbm:s0], s1  }
0x2b5: {  	s0 =	simm.s32 @!p0 $0xE  }
0x2b6: {  	_ =	swait.ge @!p0 [sflag:s0], s1  }
0x2b7: {  	s1 =	ssub.s32 @!p0 $0x0, s1;
	[sflag:s0] =	ssyncset.done @!p0 $0x0  }
0x2b8: {  	[sflag:s0] =	ssyncadd.s32 @!p0 s1  }
0x2b9: {  	[bflag:$0x3] =	sbarrier.arrive $0xFFFF  }
0x2ba: {  	_ =	shalt  }

// kernel: kernel.9.cloned.1.call-start
scs
__scs_entry_jumppad:
0x0: {  	(pc) =	sbr.rel $0x88, $3  }
0x1: {  	(tag) =	ssettag $0x0;
	lr =	simm.s32 $0x1  }
0x2: {  	[smem:$0x3F90] =	sst lr;
	_ =	strace $0xD0000000  }
0x3: {  	_ = 	snop  }
0x4: {  	_ = 	snop  }
0x5: {  	_ = 	snop  }
0x6: {  	_ = 	snop  }
0x7: {  	_ = 	snop  }
__scs_overlays_trampoline_lowered:
0x8: {  	[smem:$0x3F9F] =	sst s0  }
0x9: {  	[smem:$0x3FA0] =	sst s1  }
0xa: {  	[smem:$0x3FA1] =	sst s2  }
0xb: {  	[smem:$0x3FA2] =	sst s3  }
0xc: {  	[smem:$0x3FA3] =	sst s4  }
0xd: {  	[smem:$0x3FA4] =	sst s5  }
0xe: {  	[smem:$0x3FA5] =	sst s6  }
0xf: {  	[smem:$0x3FA6] =	sst s7  }
0x10: {  	[smem:$0x3FA7] =	sst s8  }
0x11: {  	[smem:$0x3FA8] =	sst s9;
	s0 =	simm.s32 @!p0 $0x0  }
0x12: {  	s1 =	sld [smem:$0x3F8E];
	s0 =	simm.s32 @p0 $0x1  }
0x13: {  	[smem:$0x3FA9] =	sst s0;
	s0 =	simm.s32 @!p1 $0x0  }
0x14: {  	s2 =	sld [smem:$0x3F8D];
	s0 =	simm.s32 @p1 $0x1  }
0x15: {  	[smem:$0x3FAA] =	sst s0;
	s0 =	simm.s32 @!p2 $0x0  }
0x16: {  	s3 =	sld [smem:$0x3FDB];
	s0 =	simm.s32 @p2 $0x1  }
0x17: {  	s4 =	simm.s32 $0x1BF5;
	[smem:$0x3FAC] =	sst s0  }
0x18: {  	s0 =	sld [smem:$0x3F8F];
	_ =	swait.ge [sflag:s4], $0x0  }
0x19: {  	s7 =	sld [smem:$0x3F90]  }
0x1a: {  	s8 =	sadd.s32 $0xFFFFE003, lr  }
0x1b: {  	s9 =	sadd.s32 $0xFFFFFEF7, lr;
	s5 =	simm.s32 $0xFFFFFFFF;
	p2 =	slt.u32 s8, $0xFFFFF086  }
0x1c: {  	p1 =	slt.u32 s9, $0xF7A;
	s5 =	simm.s32 @!p2 $0x0  }
0x1d: {  	s5 =	simm.s32 @p1 $0x1;
	p0 =	seq.s32 s7, s2  }
0x1e: {  	s7 =	smul.u32 @!p0 $0xF7A, s2;
	p2 =	seq.s32 @!p0 s5, $0x0  }
0x1f: {  	s9 =	smul.u32 $0xF7A, s1;
	s8 =	simm.s32 @!p0 $0x1BF5;
	p2 =	por !p2, p0  }
0x20: {  	[sflag:s8] =	ssyncset.s32 @!p0 $0xFFFFF086;
	s6 =	sadd.s32 @!p0 s3, s7;
	s7 =	simm.s32 @!p0 $0x108  }
0x21: {  	s3 =	sadd.s32 s3, s9;
	s6 =	sadd.s32 @!p0 $0x88, s6;
	s7 =	simm.s32 @p2 $0x1082  }
0x22: {  	[simem:s7], [sflag:s8] =	dma.local @!p0 [hbm:s6], $0xF7A  }
0x23: {  	s9 =	sor.u32 $0xD0000000, s2;
	s6 =	simm.s32 $0x108;
	_ =	swait.ge @!p0 [sflag:s8], $0x0  }
0x24: {  	s3 =	sadd.s32 $0x88, s3;
	s6 =	simm.s32 @!p1 $0x1082;
	[sflag:s4] =	ssyncset.s32 $0xFFFFF086  }
0x25: {  	[simem:s6], [sflag:s4] =	dma.local [hbm:s3], $0xF7A  }
0x26: {  	[smem:$0x3F90] =	sst s1;
	(tag) =	ssettag s2;
	_ =	strace s9  }
0x27: {  	s1 =	sld [smem:$0x3FA0]  }
0x28: {  	s2 =	sld [smem:$0x3FA1]  }
0x29: {  	s4 =	sld [smem:$0x3FA3]  }
0x2a: {  	p0 =	seq.s32 s5, $0x0;
	s5 =	sld [smem:$0x3FA4]  }
0x2b: {  	s6 =	sld [smem:$0x3FA5]  }
0x2c: {  	s7 =	sld [smem:$0x3FA6]  }
0x2d: {  	s3 =	simm.s32 $0x108;
	s8 =	sld [smem:$0x3FA7]  }
0x2e: {  	s3 =	simm.s32 @!p0 $0x1082;
	s9 =	sld [smem:$0x3FA8]  }
0x2f: {  	lr =	sadd.s32 s0, s3;
	s0 =	sld [smem:$0x3F9F]  }
0x30: {  	s3 =	sld [smem:$0x3FA2]  }
0x31: {  	[smem:$0x3FAB] =	sst s10  }
0x32: {  	s10 =	sld [smem:$0x3FA9];
	_ =	sdelay $0x3  }
0x33: {  	p0 =	seq.s32 s10, $0x1;
	s10 =	sld [smem:$0x3FAB];
	_ =	sdelay $0x3  }
0x34: {  	[smem:$0x3FAB] =	sst s10  }
0x35: {  	s10 =	sld [smem:$0x3FAA];
	_ =	sdelay $0x3  }
0x36: {  	p1 =	seq.s32 s10, $0x1;
	s10 =	sld [smem:$0x3FAB];
	_ =	sdelay $0x3  }
0x37: {  	[smem:$0x3FAB] =	sst s10  }
0x38: {  	s10 =	sld [smem:$0x3FAC]  }
0x39: {  	_ = 	snop;
	(pc) =	sbr.ind lr, $3  }
0x3a: {  	_ = 	snop  }
0x3b: {  	_ = 	snop  }
0x3c: {  	p2 =	seq.s32 s10, $0x1;
	s10 =	sld [smem:$0x3FAB]  }
0x3d: {  	_ =	shalt  }
0x3e: {  	_ =	shalt  }
0x3f: {  	_ =	shalt  }
0x40: {  	_ =	shalt  }
0x41: {  	_ =	shalt  }
0x42: {  	_ =	shalt  }
0x43: {  	_ =	shalt  }
0x44: {  	_ =	shalt  }
0x45: {  	_ =	shalt  }
0x46: {  	_ =	shalt  }
0x47: {  	_ =	shalt  }
0x48: {  	_ =	shalt  }
0x49: {  	_ =	shalt  }
0x4a: {  	_ =	shalt  }
0x4b: {  	_ =	shalt  }
0x4c: {  	_ =	shalt  }
0x4d: {  	_ =	shalt  }
0x4e: {  	_ =	shalt  }
0x4f: {  	_ =	shalt  }
0x50: {  	_ =	shalt  }
0x51: {  	_ =	shalt  }
0x52: {  	_ =	shalt  }
0x53: {  	_ =	shalt  }
0x54: {  	_ =	shalt  }
0x55: {  	_ =	shalt  }
0x56: {  	_ =	shalt  }
0x57: {  	_ =	shalt  }
0x58: {  	_ =	shalt  }
0x59: {  	_ =	shalt  }
0x5a: {  	_ =	shalt  }
0x5b: {  	_ =	shalt  }
0x5c: {  	_ =	shalt  }
0x5d: {  	_ =	shalt  }
0x5e: {  	_ =	shalt  }
0x5f: {  	_ =	shalt  }
0x60: {  	_ =	shalt  }
0x61: {  	_ =	shalt  }
0x62: {  	_ =	shalt  }
0x63: {  	_ =	shalt  }
0x64: {  	_ =	shalt  }
0x65: {  	_ =	shalt  }
0x66: {  	_ =	shalt  }
0x67: {  	_ =	shalt  }
0x68: {  	_ =	shalt  }
0x69: {  	_ =	shalt  }
0x6a: {  	_ =	shalt  }
0x6b: {  	_ =	shalt  }
0x6c: {  	_ =	shalt  }
0x6d: {  	_ =	shalt  }
0x6e: {  	_ =	shalt  }
0x6f: {  	_ =	shalt  }
0x70: {  	_ =	shalt  }
0x71: {  	_ =	shalt  }
0x72: {  	_ =	shalt  }
0x73: {  	_ =	shalt  }
0x74: {  	_ =	shalt  }
0x75: {  	_ =	shalt  }
0x76: {  	_ =	shalt  }
0x77: {  	_ =	shalt  }
0x78: {  	_ =	shalt  }
0x79: {  	_ =	shalt  }
0x7a: {  	_ =	shalt  }
0x7b: {  	_ =	shalt  }
0x7c: {  	_ =	shalt  }
0x7d: {  	_ =	shalt  }
0x7e: {  	_ =	shalt  }
0x7f: {  	_ =	shalt  }
0x80: {  	_ =	shalt  }
0x81: {  	_ =	shalt  }
0x82: {  	_ =	shalt  }
0x83: {  	_ =	shalt  }
0x84: {  	_ =	shalt  }
0x85: {  	_ =	shalt  }
0x86: {  	_ =	shalt  }
0x87: {  	_ =	shalt  }
.Lfunc_end0:
.L_simem_size_0:
called_computation.1_lowered:
.L_overlay_start_0:
0x88: {  	s2 =	sld [smem:$0x3FD9]  }
0x89: {  	s3 =	sld [smem:$0x3FFE];
	_ =	sdelay $0x1  }
0x8a: {  	s1 =	srdreg.scid  }
0x8b: {  	s0 =	sand.u32 $0x1, s1  }
0x8c: {  	s14 =	sshll.u32 s0, $0xA;
	s2 =	sadd.s32 s3, s2  }
0x8d: {  	s2 =	sadd.s32 s2, s14  }
0x8e: {  	[smem:$0x3FB7] =	sst s2  }
0x8f: {  	_ = 	snop  }
0x90: {  	s2 =	sld [smem:$0x3FD0];
	_ =	sdelay $0x2  }
0x91: {  	s15 =	simm.s32 $0xA;
	s4 =	simm.s32 $0x10  }
0x92: {  	[smem:s4], [sflag:s15] =	dma.local [hbm:s2], $0x1  }
0x93: {  	_ =	swait.eq [sflag:s15], $0x1  }
0x94: {  	[sflag:s15] =	ssyncset.done $0x0  }
0x95: {  	s16 =	sld [smem:$0x10];
	[sflag:s15] =	ssyncadd.s32 $0xFFFFFFFF  }
0x96: {  	s17 =	sld [smem:$0x11];
	(tm) =	ssettm $0x1  }
0x97: {  	s18 =	sld [smem:$0x3FFB];
	_ =	sdelay $0x3  }
0x98: {  	_ =	strace s18  }
0x99: {  	s4 =	sld [smem:$0x3FFC];
	_ =	sdelay $0x3  }
0x9a: {  	_ =	strace s4  }
0x9b: {  	s4 =	sld [smem:$0x3FFD];
	_ =	sdelay $0x3  }
0x9c: {  	_ =	strace s4  }
0x9d: {  	_ =	strace $0x8FFFFFFF  }
0x9e: {  	s19 =	sld [smem:$0x3FDB];
	_ =	sdelay $0x1  }
0x9f: {  	s5 =	simm.s32 $_scs_section_size  }
0xa0: {  	s6 =	simm.s32 $_size__tile_overlayer_lowered;
	s7 =	simm.s32 $_tile_overlayer_lowered  }
0xa1: {  	s22 =	simm.s32 $0x1BFF;
	s21 =	sshll.u32 s7, $0x1;
	s4 =	sadd.s32 s5, s19  }
0xa2: {  	s8 =	simm.s32 $0x0;
	s20 =	sshll.u32 s6, $0x1;
	s6 =	sadd.s32 s21, s4  }
0xa3: {  	[timem:s8], [sflag:s22] =	dma.local [hbm:s6], s20  }
0xa4: {  	_ =	swait.ge [sflag:s22], s20  }
0xa5: {  	s5 =	ssub.s32 $0x0, s20;
	[sflag:s22] =	ssyncset.done $0x0  }
0xa6: {  	[sflag:s22] =	ssyncadd.s32 s5;
	_ =	sdelay $0x1  }
0xa7: {  	s23 =	simm.s32 $0x1B8B  }
0xa8: {  	_ =	swait.ge [sflag:s23], $0x1  }
0xa9: {  	[sflag:s23] =	ssyncset.done $0x0  }
0xaa: {  	s25 =	simm.s32 $0x1B8E;
	s24 =	sld [smem:$0x3FFE];
	[sflag:s23] =	ssyncadd.s32 $0xFFFFFFFF  }
0xab: {  	s26 =	simm.s32 $execute0_lowered;
	[smem:$0x3FD2] =	sst s25  }
0xac: {  	s6 =	sshll.u32 s26, $0x1;
	_ =	strace $0x80000049;
	[dreg:$0x1] =	wrdreg $0xFFFFFFFF  }
0xad: {  	s28 =	simm.s32 $_size_execute0_lowered;
	s4 =	sadd.s32 s4, s6;
	[dreg:$0x0] =	wrdreg $0x0  }
0xae: {  	s6 =	sshll.u32 s28, $0x1;
	[dreg:$0x2] =	wrdreg s4  }
0xaf: {  	[dreg:$0x3] =	wrdreg s6  }
0xb0: {  	[dreg:$0x4] =	wrdreg $0xC0  }
0xb1: {  	_ =	task [dreg:s8], $0x5FFFF  }
0xb2: {  	[dreg:$0x1] =	wrdreg $0xFFFFFFFF  }
0xb3: {  	[dreg:$0x0] =	wrdreg $0x60  }
0xb4: {  	[dreg:$0x2] =	wrdreg s17  }
0xb5: {  	[dreg:$0x3] =	wrdreg s16  }
0xb6: {  	[dreg:$0x4] =	wrdreg s24  }
0xb7: {  	[dreg:$0x5] =	wrdreg $0xC3800  }
0xb8: {  	[dreg:$0x6] =	wrdreg $0x9  }
0xb9: {  	_ =	task.clear_ibuf [dreg:s8], $0x7FFFF;
	_ =	strace $0x90000049  }
0xba: {  	s29 =	simm.s32 $0x9;
	_ =	strace $0x8000004B  }
0xbb: {  	_ =	swait.ge [sflag:s29], $0x1  }
0xbc: {  	[sflag:s29] =	ssyncadd.s32 $0xFFFFFFFF  }
0xbd: {  	_ =	strace $0x9000004B  }
0xbe: {  	_ =	sfence  }
0xbf: {  	s30 =	sld [smem:$0x0];
	_ =	sdelay $0x2  }
0xc0: {  	s31 =	sshll.u32 s1, $0xD;
	s1 =	sshrl.u32 s1, $0x2  }
0xc1: {  	s3 =	sand.u32 $0x4000, s31;
	s1 =	sadd.s32 s1, s30  }
0xc2: {  	s0 =	sor.u32 s3, s0;
	s1 =	sshll.u32 s1, $0x11  }
0xc3: {  	s0 =	sor.u32 s1, s0  }
0xc4: {  	s0 =	sadd.s32 $0x8F2B, s0  }
0xc5: {  	[sflag:s0] =	ssyncadd.remote.s32 $0x1  }
0xc6: {  	_ =	sfence.sel $0xFFFF  }
0xc7: {  	[dreg:$0x0] =	wrdreg $0xFFFFFFFF;
	(pc) =	sbr.abs _section_cstart, $3  }
0xc8: {  	[dreg:$0x1] =	wrdreg $0xFFFFFFFF  }
0xc9: {  	_ =	task.clear_ibuf [dreg:s8], $0x2FFFF;
	_ =	strace $0x9FFFFFFF  }
0xca: {  	(tm) =	ssettm $0x7FFFFFFF  }
0xcb: {  	_ =	shalt  }
tec
execute0_lowered:
.L_overlay_start_1:
0x0: {  	(tag) =	ssettag $0x1  }
0x1: {  	s1 =	rddreg [dreg:$0x0]  }
0x2: {  	s3 =	rddreg [dreg:$0x1]  }
0x3: {  	s0 =	rddreg [dreg:$0x2];
	s4 =	srdreg.scid  }
0x4: {  	s2 =	rddreg [dreg:$0x3];
	s25 =	stileid.u32;
	s12 =	sand.u32 $0x1, s4  }
0x5: {  	s4 =	simm.s32 $0x0;
	s13 =	sadd.s32 $0xEC00, s0;
	s14 =	smul.u32 $0x50, s25  }
0x6: {  	s5 =	sshll.u32 s12, $0x4;
	[smem:$0x7FF] =	sst s4;
	s10 =	smul.u32 $0x500, s12  }
0x7: {  	s6 =	ssub.s32 $0x2, s12;
	s15 =	smul.u32 $0x27100, s12;
	s8 =	sor.u32 s25, s5  }
0x8: {  	_ =	strace $0x8000004A;
	s5 =	sadd.s32 $0x2400, s0;
	s9 =	smul.u32 $0x500, s8  }
0x9: {  	s7 =	sshrl.u32 s6, $0x1;
	s0 =	sadd.s32 $0xC400, s0;
	s10 =	sadd.s32 s14, s10  }
0xa: {  	[smem:$0x7F7] =	sst s0;
	s14 =	sshll.u32 s10, $0x4;
	s16 =	sadd.s32 s3, s9  }
0xb: {  	s6 =	ssub.s32 s6, s7;
	s23 =	sadd.s32 s14, s3;
	[dreg:$0x15] =	wrdreg s16  }
0xc: {  	s11 =	sor.u32 $0x10, s9;
	s24 =	sadd.s32 s14, s5;
	[dreg:$0x7] =	wrdreg s23  }
0xd: {  	s7 =	smul.u32 $0x2780, s25;
	s17 =	sadd.s32 s3, s11;
	[dreg:$0x8] =	wrdreg s24  }
0xe: {  	s19 =	sor.u32 $0x20, s9;
	s18 =	sadd.s32 s5, s11;
	[dreg:$0x16] =	wrdreg s17  }
0xf: {  	s20 =	sadd.s32 s3, s19;
	[dreg:$0x17] =	wrdreg s18  }
0x10: {  	s15 =	sadd.s32 s7, s15;
	s21 =	sadd.s32 s5, s19;
	[dreg:$0x18] =	wrdreg s20  }
0x11: {  	s26 =	sor.u32 $0xE0, s14;
	s15 =	sadd.s32 s13, s15;
	[dreg:$0x19] =	wrdreg s21  }
0x12: {  	s28 =	sadd.s32 s26, s3;
	[dreg:$0x1a] =	wrdreg s15  }
0x13: {  	s31 =	sor.u32 $0xC0, s14;
	s29 =	sadd.s32 s26, s5;
	[dreg:$0x9] =	wrdreg s28  }
0x14: {  	s10 =	sadd.s32 s31, s3;
	[dreg:$0xa] =	wrdreg s29  }
0x15: {  	s23 =	sor.u32 $0x80, s14;
	[dreg:$0xb] =	wrdreg s10;
	s15 =	sadd.s32 s31, s5  }
0x16: {  	s16 =	sadd.s32 $0x100, s14;
	s26 =	sadd.s32 s23, s3;
	[dreg:$0xc] =	wrdreg s15  }
0x17: {  	s11 =	sadd.s32 s16, s3;
	s28 =	sadd.s32 s23, s5;
	[dreg:$0xf] =	wrdreg s26  }
0x18: {  	s19 =	sadd.s32 s16, s5;
	s16 =	sadd.s32 s5, s9;
	[dreg:$0x10] =	wrdreg s28  }
0x19: {  	[dreg:$0x1f] =	wrdreg s16  }
0x1a: {  	p0 =	seq.s32 s25, $0xF;
	[dreg:$0x13] =	wrdreg s19  }
0x1b: {  	p4 =	seq.s32 s12, $0x1;
	s18 =	sadd.s32 $0x10, s11;
	[dreg:$0x14] =	wrdreg s11  }
0x1c: {  	s17 =	sor.u32 $0x30, s9;
	s22 =	sadd.s32 $0x10, s19;
	[dreg:$0x5] =	wrdreg s18  }
0x1d: {  	s12 =	smul.u32 $0x138800, s12;
	s20 =	sadd.s32 s3, s17;
	[dreg:$0x6] =	wrdreg s22  }
0x1e: {  	s29 =	sor.u32 $0x40, s9;
	s24 =	sadd.s32 s5, s17;
	[dreg:$0x1b] =	wrdreg s20  }
0x1f: {  	p1 =	por !p4, !p0;
	s10 =	sadd.s32 s3, s29;
	[dreg:$0x1c] =	wrdreg s24  }
0x20: {  	s9 =	sor.u32 $0x50, s9;
	s15 =	sadd.s32 s5, s29;
	[dreg:$0x1d] =	wrdreg s10  }
0x21: {  	p2 =	por p4, !p0;
	s17 =	sadd.s32 s3, s9;
	[dreg:$0x1e] =	wrdreg s15  }
0x22: {  	s12 =	sshrl.u32 s12, $0x3;
	s9 =	sadd.s32 s5, s9;
	[smem:$0x7F1] =	sst s17  }
0x23: {  	s12 =	sadd.s32 s13, s12;
	s26 =	sadd.s32 s1, s7;
	[smem:$0x7F2] =	sst s9  }
0x24: {  	p3 =	por !p4, p0;
	s28 =	sadd.s32 $0x25080, s12;
	[smem:$0x7F8] =	sst s26  }
0x25: {  	s29 =	smax.u32 s6, $0x1;
	s18 =	sor.u32 $0xA0, s14;
	[smem:$0x7F9] =	sst s28  }
0x26: {  	s8 =	smul.u32 $0x2800, s8;
	[smem:$0x7FA] =	sst s29;
	s21 =	sadd.s32 s18, s3  }
0x27: {  	s14 =	sor.u32 $0x60, s14;
	s22 =	sadd.s32 s18, s5;
	[dreg:$0xd] =	wrdreg s21  }
0x28: {  	s8 =	sshrl.u32 s8, $0x3;
	s31 =	sadd.s32 s14, s3;
	[dreg:$0xe] =	wrdreg s22  }
0x29: {  	s18 =	sadd.s32 $0x4E0, s8;
	s23 =	sadd.s32 s14, s5;
	[dreg:$0x11] =	wrdreg s31  }
0x2a: {  	p4 =	por p4, p0;
	s21 =	sadd.s32 s3, s18;
	[dreg:$0x12] =	wrdreg s23  }
0x2b: {  	s8 =	sadd.s32 $0x4F0, s8;
	s9 =	sadd.s32 s5, s18;
	[smem:$0x7F3] =	sst s21  }
0x2c: {  	s20 =	smul.u32 $0x4F000, s25;
	s3 =	sadd.s32 s3, s8;
	[smem:$0x7F4] =	sst s9  }
0x2d: {  	s0 =	simm.s32 $0x0;
	s22 =	sadd.s32 s5, s8;
	[smem:$0x7F5] =	sst s3  }
0x2e: {  	s24 =	sshrl.u32 s20, $0x2;
	s31 =	sadd.s32 $0x25080, s1;
	[smem:$0x7F6] =	sst s22  }
0x2f: {  	s13 =	simm.s32 $0xA;
	s30 =	sadd.s32 s24, s2;
	[smem:$0x7FB] =	sst s31  }
0x30: {  	s17 =	simm.s32 $0x1;
	s24 =	sadd.s32 $0x128400, s2;
	[smem:$0x7FC] =	sst s30  }
0x31: {  	s5 =	simm.s32 $0x80;
	s22 =	simm.s32 $0x2;
	[smem:$0x7FD] =	sst s24  }
.LBB2_1:
0x32: {  	[smem:$0x7F0] =	sst s0  }
0x33: {  	s3 =	rddreg [dreg:$0x15]  }
0x34: {  	s20 =	rddreg [dreg:$0x1f]  }
0x35: {  	s21 =	rddreg [dreg:$0x16]  }
0x36: {  	[tilespmem:s4], [sflag:$0x7] =	stream.linear.gather [hbm4b:s3+s4], $0x80, $0x38;
	[tilespmem:$0x1FC80] =	vst v63  }
0x37: {  	s16 =	simm.s32 $0x180;
	s23 =	rddreg [dreg:$0x17]  }
0x38: {  	[tilespmem:s16], [sflag:$0xA] =	stream.linear.gather [hbm4b:s20+s4], $0x80, $0x38;
	[tilespmem:$0x1FC80] =	vst v63  }
0x39: {  	s10 =	smov.u32 s24;
	s6 =	sld [smem:$0x7F7]  }
0x3a: {  	[tilespmem:s5], [sflag:$0x8] =	stream.linear.gather [hbm4b:s21+s4], $0x80, $0x38;
	[tilespmem:$0x1FC80] =	vst v63  }
0x3b: {  	s3 =	sshrl.u32 @!p1 s24, $0x3;
	s24 =	simm.s32 @!p1 $0x1FCE;
	s21 =	simm.s32 $0x200  }
0x3c: {  	[tilespmem:s21], [sflag:$0xB] =	stream.linear.gather [hbm4b:s23+s4], $0x80, $0x38;
	[tilespmem:$0x1FC80] =	vst v63  }
0x3d: {  	[spmem:s3], [sflag:s24] =	dma.local @!p1 [hbm:s6], $0x2080  }
0x3e: {  	s3 =	simm.s32 @!p1 $0xE  }
0x3f: {  	_ =	swait.ge @!p1 [sflag:s3], $0x2080  }
0x40: {  	[sflag:s3] =	ssyncset.done @!p1 $0x0  }
0x41: {  	[sflag:s3] =	ssyncadd.s32 @!p1 $0xFFFFDF80;
	s3 =	sshrl.u32 @!p2 s10, $0x3;
	s10 =	sld [smem:$0x7FB]  }
0x42: {  	_ = 	snop  }
0x43: {  	s24 =	simm.s32 @!p2 $0x1FCE  }
0x44: {  	[spmem:s3], [sflag:s24] =	dma.local @!p2 [hbm:s10], $0x2080  }
0x45: {  	s3 =	simm.s32 @!p2 $0xE  }
0x46: {  	_ =	swait.ge @!p2 [sflag:s3], $0x2080  }
0x47: {  	s24 =	sshll.u32 @!p3 s25, $0x6;
	[sflag:s3] =	ssyncset.done @!p2 $0x0  }
0x48: {  	[sflag:s3] =	ssyncadd.s32 @!p2 $0xFFFFDF80;
	s3 =	sor.u32 @!p3 $0x1C0E, s24;
	s24 =	sshrl.u32 @!p3 s30, $0x3  }
0x49: {  	[spmem:s24], [sflag:s3] =	dma.local @!p3 [hbm:s6], $0x2780  }
0x4a: {  	s3 =	simm.s32 @!p3 $0xE  }
0x4b: {  	_ =	swait.ge @!p3 [sflag:s3], $0x2780  }
0x4c: {  	s6 =	sld [smem:$0x7F8]  }
0x4d: {  	s24 =	sshll.u32 @!p4 s25, $0x6;
	[sflag:s3] =	ssyncset.done @!p3 $0x0  }
0x4e: {  	[sflag:s3] =	ssyncadd.s32 @!p3 $0xFFFFD880;
	s3 =	sor.u32 @!p4 $0x1C0E, s24;
	s24 =	sshrl.u32 @!p4 s30, $0x3  }
0x4f: {  	[spmem:s24], [sflag:s3] =	dma.local @!p4 [hbm:s6], $0x2780  }
0x50: {  	s3 =	simm.s32 @!p4 $0xE  }
0x51: {  	_ =	swait.ge @!p4 [sflag:s3], $0x2780  }
0x52: {  	[sflag:s3] =	ssyncset.done @!p4 $0x0  }
0x53: {  	s12 =	simm.s32 $0x7;
	[sflag:s3] =	ssyncadd.s32 @!p4 $0xFFFFD880  }
0x54: {  	_ =	swait.ge [sflag:s12], $0x80  }
0x55: {  	[sflag:s12] =	ssyncset.done $0x0  }
0x56: {  	[sflag:s12] =	ssyncadd.s32 $0xFFFFFF80  }
0x57: {  	_ =	swait.ge [sflag:s13], $0x80  }
0x58: {  	[sflag:s13] =	ssyncset.done $0x0  }
0x59: {  	[sflag:s13] =	ssyncadd.s32 $0xFFFFFF80  }
0x5a: {  	s9 =	simm.s32 $0x380;
	s2 =	rddreg [dreg:$0x0]  }
0x5b: {  	[tilespmem:s9], [sflag:$0x1] =	stream.indirect.gather [hbm4b:s2+s5], $0x80, s4, s5, $0xb8;
	[tilespmem:$0x1FC80] =	vst v63  }
0x5c: {  	s18 =	simm.s32 $0x8;
	[bflag:$0x0] =	sbarrier.arrive $0xFFFF  }
0x5d: {  	_ =	swait.ge [sflag:s18], $0x80  }
0x5e: {  	[sflag:s18] =	ssyncset.done $0x0  }
0x5f: {  	s15 =	simm.s32 $0xB;
	[sflag:s18] =	ssyncadd.s32 $0xFFFFFF80  }
0x60: {  	_ =	swait.ge [sflag:s15], $0x80  }
0x61: {  	[sflag:s15] =	ssyncset.done $0x0  }
0x62: {  	s10 =	simm.s32 $0x4380;
	[sflag:s15] =	ssyncadd.s32 $0xFFFFFF80  }
0x63: {  	[tilespmem:s10], [sflag:$0x2] =	stream.indirect.gather [hbm4b:s2+s5], $0x80, s5, s5, $0xb8;
	[tilespmem:$0x1FC80] =	vst v63  }
0x64: {  	s14 =	simm.s32 $0x100;
	s24 =	rddreg [dreg:$0x18]  }
0x65: {  	[tilespmem:s14], [sflag:$0x9] =	stream.linear.gather [hbm4b:s24+s4], $0x80, $0x38;
	[tilespmem:$0x1FC80] =	vst v63  }
0x66: {  	s6 =	simm.s32 $0x280;
	s25 =	rddreg [dreg:$0x19]  }
0x67: {  	[tilespmem:s6], [sflag:$0xC] =	stream.linear.gather [hbm4b:s25+s4], $0x80, $0x38;
	[tilespmem:$0x1FC80] =	vst v63  }
0x68: {  	_ =	swait.ge [sflag:s17], $0x4000  }
0x69: {  	[sflag:s17] =	ssyncset.done $0x0  }
0x6a: {  	[sflag:s17] =	ssyncadd.s32 $0xFFFFC000  }
0x6b: {  	s29 =	simm.s32 $0x9;
	s7 =	rddreg [dreg:$0x3]  }
0x6c: {  	[spmem:s7] =	stream.indirect.scatter.add.f32 [tilespmem:s9], [sflag:$0x3], $0x80, s16, s5, $0xb8;
	[tilespmem:$0x1FC80] =	vst v63  }
0x6d: {  	_ =	swait.ge [sflag:s29], $0x80  }
0x6e: {  	[sflag:s29] =	ssyncset.done $0x0  }
0x6f: {  	s0 =	simm.s32 $0xC;
	[sflag:s29] =	ssyncadd.s32 $0xFFFFFF80  }
0x70: {  	_ =	swait.ge [sflag:s0], $0x80  }
0x71: {  	[sflag:s0] =	ssyncset.done $0x0  }
0x72: {  	s8 =	simm.s32 $0x8380;
	[sflag:s0] =	ssyncadd.s32 $0xFFFFFF80  }
0x73: {  	[tilespmem:s8], [sflag:$0x1] =	stream.indirect.gather [hbm4b:s2+s5], $0x80, s14, s5, $0xb8;
	[tilespmem:$0x1FC80] =	vst v63  }
0x74: {  	s26 =	rddreg [dreg:$0x1b]  }
0x75: {  	[tilespmem:s4], [sflag:$0x7] =	stream.linear.gather [hbm4b:s26+s4], $0x80, $0x38;
	[tilespmem:$0x1FC80] =	vst v63  }
0x76: {  	s20 =	simm.s32 $0x300;
	s28 =	rddreg [dreg:$0x1c]  }
0x77: {  	[tilespmem:s20], [sflag:$0xD] =	stream.linear.gather [hbm4b:s28+s4], $0x80, $0x38;
	[tilespmem:$0x1FC80] =	vst v63  }
0x78: {  	_ =	swait.ge [sflag:s22], $0x4000  }
0x79: {  	[sflag:s22] =	ssyncset.done $0x0  }
0x7a: {  	s23 =	simm.s32 $0x3;
	[sflag:s22] =	ssyncadd.s32 $0xFFFFC000  }
0x7b: {  	[spmem:s7] =	stream.indirect.scatter.add.f32 [tilespmem:s10], [sflag:$0x4], $0x80, s21, s5, $0xb8;
	[tilespmem:$0x1FC80] =	vst v63  }
0x7c: {  	_ =	swait.ge [sflag:s23], $0x4000  }
0x7d: {  	[sflag:s23] =	ssyncset.done $0x0  }
0x7e: {  	[sflag:s23] =	ssyncadd.s32 $0xFFFFC000  }
0x7f: {  	_ =	swait.ge [sflag:s12], $0x80  }
0x80: {  	[sflag:s12] =	ssyncset.done $0x0  }
0x81: {  	s26 =	simm.s32 $0xD;
	[sflag:s12] =	ssyncadd.s32 $0xFFFFFF80  }
0x82: {  	_ =	swait.ge [sflag:s26], $0x80  }
0x83: {  	[sflag:s26] =	ssyncset.done $0x0  }
0x84: {  	[sflag:s26] =	ssyncadd.s32 $0xFFFFFF80  }
0x85: {  	[tilespmem:s9], [sflag:$0x2] =	stream.indirect.gather [hbm4b:s2+s5], $0x80, s4, s5, $0xb8;
	[tilespmem:$0x1FC80] =	vst v63  }
0x86: {  	s30 =	rddreg [dreg:$0x1d]  }
0x87: {  	[tilespmem:s5], [sflag:$0x8] =	stream.linear.gather [hbm4b:s30+s4], $0x80, $0x38;
	[tilespmem:$0x1FC80] =	vst v63  }
0x88: {  	s31 =	rddreg [dreg:$0x1e]  }
0x89: {  	[tilespmem:s16], [sflag:$0xA] =	stream.linear.gather [hbm4b:s31+s4], $0x80, $0x38;
	[tilespmem:$0x1FC80] =	vst v63  }
0x8a: {  	_ =	swait.ge [sflag:s17], $0x4000  }
0x8b: {  	[sflag:s17] =	ssyncset.done $0x0  }
0x8c: {  	s28 =	simm.s32 $0x4;
	[sflag:s17] =	ssyncadd.s32 $0xFFFFC000  }
0x8d: {  	[spmem:s7] =	stream.indirect.scatter.add.f32 [tilespmem:s8], [sflag:$0x5], $0x80, s6, s5, $0xb8;
	[tilespmem:$0x1FC80] =	vst v63  }
0x8e: {  	_ =	swait.ge [sflag:s28], $0x4000  }
0x8f: {  	[sflag:s28] =	ssyncset.done $0x0  }
0x90: {  	[sflag:s28] =	ssyncadd.s32 $0xFFFFC000  }
0x91: {  	_ =	swait.ge [sflag:s18], $0x80  }
0x92: {  	[sflag:s18] =	ssyncset.done $0x0  }
0x93: {  	[sflag:s18] =	ssyncadd.s32 $0xFFFFFF80  }
0x94: {  	_ =	swait.ge [sflag:s13], $0x80  }
0x95: {  	[sflag:s13] =	ssyncset.done $0x0  }
0x96: {  	s1 =	sld [smem:$0x7F1];
	[sflag:s13] =	ssyncadd.s32 $0xFFFFFF80  }
0x97: {  	[tilespmem:s10], [sflag:$0x1] =	stream.indirect.gather [hbm4b:s2+s5], $0x80, s5, s5, $0xb8;
	[tilespmem:$0x1FC80] =	vst v63  }
0x98: {  	s24 =	sld [smem:$0x7F2]  }
0x99: {  	[tilespmem:s14], [sflag:$0x9] =	stream.linear.gather [hbm4b:s1+s4], $0x80, $0x38;
	[tilespmem:$0x1FC80] =	vst v63  }
0x9a: {  	_ = 	snop  }
0x9b: {  	[tilespmem:s21], [sflag:$0xB] =	stream.linear.gather [hbm4b:s24+s4], $0x80, $0x38;
	[tilespmem:$0x1FC80] =	vst v63  }
0x9c: {  	_ =	swait.ge [sflag:s22], $0x4000  }
0x9d: {  	[sflag:s22] =	ssyncset.done $0x0  }
0x9e: {  	s1 =	simm.s32 $0x5;
	[sflag:s22] =	ssyncadd.s32 $0xFFFFC000  }
0x9f: {  	[spmem:s7] =	stream.indirect.scatter.add.f32 [tilespmem:s9], [sflag:$0x6], $0x80, s20, s5, $0xb8;
	[tilespmem:$0x1FC80] =	vst v63  }
0xa0: {  	_ =	swait.ge [sflag:s1], $0x4000  }
0xa1: {  	[sflag:s1] =	ssyncset.done $0x0  }
0xa2: {  	[sflag:s1] =	ssyncadd.s32 $0xFFFFC000  }
0xa3: {  	_ =	swait.ge [sflag:s29], $0x80  }
0xa4: {  	[sflag:s29] =	ssyncset.done $0x0  }
0xa5: {  	[sflag:s29] =	ssyncadd.s32 $0xFFFFFF80  }
0xa6: {  	_ =	swait.ge [sflag:s15], $0x80  }
0xa7: {  	[sflag:s15] =	ssyncset.done $0x0  }
0xa8: {  	s25 =	rddreg [dreg:$0x11];
	[sflag:s15] =	ssyncadd.s32 $0xFFFFFF80  }
0xa9: {  	[tilespmem:s8], [sflag:$0x2] =	stream.indirect.gather [hbm4b:s2+s5], $0x80, s14, s5, $0xb8;
	[tilespmem:$0x1FC80] =	vst v63  }
0xaa: {  	s30 =	rddreg [dreg:$0x12];
	s3 =	sadd.s32 $0x0, s25  }
0xab: {  	[tilespmem:s4], [sflag:$0x7] =	stream.linear.gather [hbm4b:s3+s4], $0x80, $0x38;
	[tilespmem:$0x1FC80] =	vst v63  }
0xac: {  	s31 =	sadd.s32 $0x0, s30  }
0xad: {  	[tilespmem:s6], [sflag:$0xC] =	stream.linear.gather [hbm4b:s31+s4], $0x80, $0x38;
	[tilespmem:$0x1FC80] =	vst v63  }
0xae: {  	_ =	swait.ge [sflag:s17], $0x4000  }
0xaf: {  	[sflag:s17] =	ssyncset.done $0x0  }
0xb0: {  	s31 =	simm.s32 $0x6;
	[sflag:s17] =	ssyncadd.s32 $0xFFFFC000  }
0xb1: {  	[spmem:s7] =	stream.indirect.scatter.add.f32 [tilespmem:s10], [sflag:$0x3], $0x80, s16, s5, $0xb8;
	[tilespmem:$0x1FC80] =	vst v63  }
0xb2: {  	_ =	swait.ge [sflag:s31], $0x4000  }
0xb3: {  	[sflag:s31] =	ssyncset.done $0x0  }
0xb4: {  	[sflag:s31] =	ssyncadd.s32 $0xFFFFC000  }
0xb5: {  	_ =	swait.ge [sflag:s12], $0x80  }
0xb6: {  	[sflag:s12] =	ssyncset.done $0x0  }
0xb7: {  	[sflag:s12] =	ssyncadd.s32 $0xFFFFFF80  }
0xb8: {  	_ =	swait.ge [sflag:s0], $0x80  }
0xb9: {  	[sflag:s0] =	ssyncset.done $0x0;
	s24 =	rddreg [dreg:$0x7]  }
0xba: {  	s25 =	rddreg [dreg:$0x8];
	[sflag:s0] =	ssyncadd.s32 $0xFFFFFF80;
	s3 =	sadd.s32 $0x0, s24  }
0xbb: {  	[tilespmem:s9], [sflag:$0x1] =	stream.indirect.gather [hbm4b:s2+s5], $0x80, s4, s5, $0xb8;
	[tilespmem:$0x1FC80] =	vst v63  }
0xbc: {  	s24 =	sadd.s32 $0x0, s25;
	s30 =	sadd.s32 $0x70, s3  }
0xbd: {  	[tilespmem:s5], [sflag:$0x8] =	stream.linear.gather [hbm4b:s30+s4], $0x80, $0x38;
	[tilespmem:$0x1FC80] =	vst v63  }
0xbe: {  	s30 =	sadd.s32 $0x70, s24  }
0xbf: {  	[tilespmem:s20], [sflag:$0xD] =	stream.linear.gather [hbm4b:s30+s4], $0x80, $0x38;
	[tilespmem:$0x1FC80] =	vst v63  }
0xc0: {  	_ =	swait.ge [sflag:s22], $0x4000  }
0xc1: {  	[sflag:s22] =	ssyncset.done $0x0  }
0xc2: {  	[sflag:s22] =	ssyncadd.s32 $0xFFFFC000  }
0xc3: {  	[spmem:s7] =	stream.indirect.scatter.add.f32 [tilespmem:s8], [sflag:$0x4], $0x80, s21, s5, $0xb8;
	[tilespmem:$0x1FC80] =	vst v63  }
0xc4: {  	_ =	swait.ge [sflag:s23], $0x4000  }
0xc5: {  	[sflag:s23] =	ssyncset.done $0x0  }
0xc6: {  	[sflag:s23] =	ssyncadd.s32 $0xFFFFC000  }
0xc7: {  	_ =	swait.ge [sflag:s18], $0x80  }
0xc8: {  	[sflag:s18] =	ssyncset.done $0x0  }
0xc9: {  	[sflag:s18] =	ssyncadd.s32 $0xFFFFFF80  }
0xca: {  	_ =	swait.ge [sflag:s26], $0x80  }
0xcb: {  	[sflag:s26] =	ssyncset.done $0x0  }
0xcc: {  	s25 =	rddreg [dreg:$0xf];
	[sflag:s26] =	ssyncadd.s32 $0xFFFFFF80  }
0xcd: {  	[tilespmem:s10], [sflag:$0x2] =	stream.indirect.gather [hbm4b:s2+s5], $0x80, s5, s5, $0xb8;
	[tilespmem:$0x1FC80] =	vst v63  }
0xce: {  	s30 =	rddreg [dreg:$0x10];
	s25 =	sadd.s32 $0x0, s25  }
0xcf: {  	[tilespmem:s14], [sflag:$0x9] =	stream.linear.gather [hbm4b:s25+s4], $0x80, $0x38;
	[tilespmem:$0x1FC80] =	vst v63  }
0xd0: {  	s30 =	sadd.s32 $0x0, s30  }
0xd1: {  	[tilespmem:s16], [sflag:$0xA] =	stream.linear.gather [hbm4b:s30+s4], $0x80, $0x38;
	[tilespmem:$0x1FC80] =	vst v63  }
0xd2: {  	_ =	swait.ge [sflag:s17], $0x4000  }
0xd3: {  	[sflag:s17] =	ssyncset.done $0x0  }
0xd4: {  	[sflag:s17] =	ssyncadd.s32 $0xFFFFC000  }
0xd5: {  	[spmem:s7] =	stream.indirect.scatter.add.f32 [tilespmem:s9], [sflag:$0x5], $0x80, s6, s5, $0xb8;
	[tilespmem:$0x1FC80] =	vst v63  }
0xd6: {  	_ =	swait.ge [sflag:s28], $0x4000  }
0xd7: {  	[sflag:s28] =	ssyncset.done $0x0  }
0xd8: {  	[sflag:s28] =	ssyncadd.s32 $0xFFFFC000  }
0xd9: {  	_ =	swait.ge [sflag:s29], $0x80  }
0xda: {  	[sflag:s29] =	ssyncset.done $0x0  }
0xdb: {  	[sflag:s29] =	ssyncadd.s32 $0xFFFFFF80  }
0xdc: {  	_ =	swait.ge [sflag:s13], $0x80  }
0xdd: {  	[sflag:s13] =	ssyncset.done $0x0  }
0xde: {  	[sflag:s13] =	ssyncadd.s32 $0xFFFFFF80  }
0xdf: {  	[tilespmem:s8], [sflag:$0x1] =	stream.indirect.gather [hbm4b:s2+s5], $0x80, s14, s5, $0xb8;
	[tilespmem:$0x1FC80] =	vst v63  }
0xe0: {  	s30 =	sadd.s32 $0x90, s3  }
0xe1: {  	[tilespmem:s4], [sflag:$0x7] =	stream.linear.gather [hbm4b:s30+s4], $0x80, $0x38;
	[tilespmem:$0x1FC80] =	vst v63  }
0xe2: {  	s30 =	sadd.s32 $0x90, s24  }
0xe3: {  	[tilespmem:s21], [sflag:$0xB] =	stream.linear.gather [hbm4b:s30+s4], $0x80, $0x38;
	[tilespmem:$0x1FC80] =	vst v63  }
0xe4: {  	_ =	swait.ge [sflag:s22], $0x4000  }
0xe5: {  	[sflag:s22] =	ssyncset.done $0x0  }
0xe6: {  	[sflag:s22] =	ssyncadd.s32 $0xFFFFC000  }
0xe7: {  	[spmem:s7] =	stream.indirect.scatter.add.f32 [tilespmem:s10], [sflag:$0x6], $0x80, s20, s5, $0xb8;
	[tilespmem:$0x1FC80] =	vst v63  }
0xe8: {  	_ =	swait.ge [sflag:s1], $0x4000  }
0xe9: {  	[sflag:s1] =	ssyncset.done $0x0  }
0xea: {  	[sflag:s1] =	ssyncadd.s32 $0xFFFFC000  }
0xeb: {  	_ =	swait.ge [sflag:s12], $0x80  }
0xec: {  	[sflag:s12] =	ssyncset.done $0x0  }
0xed: {  	[sflag:s12] =	ssyncadd.s32 $0xFFFFFF80  }
0xee: {  	_ =	swait.ge [sflag:s15], $0x80  }
0xef: {  	[sflag:s15] =	ssyncset.done $0x0  }
0xf0: {  	s25 =	rddreg [dreg:$0xd];
	[sflag:s15] =	ssyncadd.s32 $0xFFFFFF80  }
0xf1: {  	[tilespmem:s9], [sflag:$0x2] =	stream.indirect.gather [hbm4b:s2+s5], $0x80, s4, s5, $0xb8;
	[tilespmem:$0x1FC80] =	vst v63  }
0xf2: {  	s30 =	rddreg [dreg:$0xe];
	s25 =	sadd.s32 $0x0, s25  }
0xf3: {  	[tilespmem:s5], [sflag:$0x8] =	stream.linear.gather [hbm4b:s25+s4], $0x80, $0x38;
	[tilespmem:$0x1FC80] =	vst v63  }
0xf4: {  	s30 =	sadd.s32 $0x0, s30  }
0xf5: {  	[tilespmem:s6], [sflag:$0xC] =	stream.linear.gather [hbm4b:s30+s4], $0x80, $0x38;
	[tilespmem:$0x1FC80] =	vst v63  }
0xf6: {  	_ =	swait.ge [sflag:s17], $0x4000  }
0xf7: {  	[sflag:s17] =	ssyncset.done $0x0  }
0xf8: {  	[sflag:s17] =	ssyncadd.s32 $0xFFFFC000  }
0xf9: {  	[spmem:s7] =	stream.indirect.scatter.add.f32 [tilespmem:s8], [sflag:$0x3], $0x80, s16, s5, $0xb8;
	[tilespmem:$0x1FC80] =	vst v63  }
0xfa: {  	_ =	swait.ge [sflag:s31], $0x4000  }
0xfb: {  	[sflag:s31] =	ssyncset.done $0x0  }
0xfc: {  	[sflag:s31] =	ssyncadd.s32 $0xFFFFC000  }
0xfd: {  	_ =	swait.ge [sflag:s18], $0x80  }
0xfe: {  	[sflag:s18] =	ssyncset.done $0x0  }
0xff: {  	[sflag:s18] =	ssyncadd.s32 $0xFFFFFF80  }
0x100: {  	_ =	swait.ge [sflag:s0], $0x80  }
0x101: {  	[sflag:s0] =	ssyncset.done $0x0  }
0x102: {  	[sflag:s0] =	ssyncadd.s32 $0xFFFFFF80  }
0x103: {  	[tilespmem:s10], [sflag:$0x1] =	stream.indirect.gather [hbm4b:s2+s5], $0x80, s5, s5, $0xb8;
	[tilespmem:$0x1FC80] =	vst v63  }
0x104: {  	s30 =	sadd.s32 $0xB0, s3  }
0x105: {  	[tilespmem:s14], [sflag:$0x9] =	stream.linear.gather [hbm4b:s30+s4], $0x80, $0x38;
	[tilespmem:$0x1FC80] =	vst v63  }
0x106: {  	s30 =	sadd.s32 $0xB0, s24  }
0x107: {  	[tilespmem:s20], [sflag:$0xD] =	stream.linear.gather [hbm4b:s30+s4], $0x80, $0x38;
	[tilespmem:$0x1FC80] =	vst v63  }
0x108: {  	_ =	swait.ge [sflag:s22], $0x4000  }
0x109: {  	[sflag:s22] =	ssyncset.done $0x0  }
0x10a: {  	[sflag:s22] =	ssyncadd.s32 $0xFFFFC000  }
0x10b: {  	[spmem:s7] =	stream.indirect.scatter.add.f32 [tilespmem:s9], [sflag:$0x4], $0x80, s21, s5, $0xb8;
	[tilespmem:$0x1FC80] =	vst v63  }
0x10c: {  	_ =	swait.ge [sflag:s23], $0x4000  }
0x10d: {  	[sflag:s23] =	ssyncset.done $0x0  }
0x10e: {  	[sflag:s23] =	ssyncadd.s32 $0xFFFFC000  }
0x10f: {  	_ =	swait.ge [sflag:s29], $0x80  }
0x110: {  	[sflag:s29] =	ssyncset.done $0x0  }
0x111: {  	[sflag:s29] =	ssyncadd.s32 $0xFFFFFF80  }
0x112: {  	_ =	swait.ge [sflag:s26], $0x80  }
0x113: {  	[sflag:s26] =	ssyncset.done $0x0  }
0x114: {  	s25 =	rddreg [dreg:$0xb];
	[sflag:s26] =	ssyncadd.s32 $0xFFFFFF80  }
0x115: {  	[tilespmem:s8], [sflag:$0x2] =	stream.indirect.gather [hbm4b:s2+s5], $0x80, s14, s5, $0xb8;
	[tilespmem:$0x1FC80] =	vst v63  }
0x116: {  	s30 =	rddreg [dreg:$0xc];
	s25 =	sadd.s32 $0x0, s25  }
0x117: {  	[tilespmem:s4], [sflag:$0x7] =	stream.linear.gather [hbm4b:s25+s4], $0x80, $0x38;
	[tilespmem:$0x1FC80] =	vst v63  }
0x118: {  	s30 =	sadd.s32 $0x0, s30  }
0x119: {  	[tilespmem:s16], [sflag:$0xA] =	stream.linear.gather [hbm4b:s30+s4], $0x80, $0x38;
	[tilespmem:$0x1FC80] =	vst v63  }
0x11a: {  	_ =	swait.ge [sflag:s17], $0x4000  }
0x11b: {  	[sflag:s17] =	ssyncset.done $0x0  }
0x11c: {  	[sflag:s17] =	ssyncadd.s32 $0xFFFFC000  }
0x11d: {  	[spmem:s7] =	stream.indirect.scatter.add.f32 [tilespmem:s10], [sflag:$0x5], $0x80, s6, s5, $0xb8;
	[tilespmem:$0x1FC80] =	vst v63  }
0x11e: {  	_ =	swait.ge [sflag:s28], $0x4000  }
0x11f: {  	[sflag:s28] =	ssyncset.done $0x0  }
0x120: {  	[sflag:s28] =	ssyncadd.s32 $0xFFFFC000  }
0x121: {  	_ =	swait.ge [sflag:s12], $0x80  }
0x122: {  	[sflag:s12] =	ssyncset.done $0x0  }
0x123: {  	[sflag:s12] =	ssyncadd.s32 $0xFFFFFF80  }
0x124: {  	_ =	swait.ge [sflag:s13], $0x80  }
0x125: {  	[sflag:s13] =	ssyncset.done $0x0  }
0x126: {  	[sflag:s13] =	ssyncadd.s32 $0xFFFFFF80  }
0x127: {  	[tilespmem:s9], [sflag:$0x1] =	stream.indirect.gather [hbm4b:s2+s5], $0x80, s4, s5, $0xb8;
	[tilespmem:$0x1FC80] =	vst v63  }
0x128: {  	s30 =	sadd.s32 $0xD0, s3  }
0x129: {  	[tilespmem:s5], [sflag:$0x8] =	stream.linear.gather [hbm4b:s30+s4], $0x80, $0x38;
	[tilespmem:$0x1FC80] =	vst v63  }
0x12a: {  	s30 =	sadd.s32 $0xD0, s24  }
0x12b: {  	[tilespmem:s21], [sflag:$0xB] =	stream.linear.gather [hbm4b:s30+s4], $0x80, $0x38;
	[tilespmem:$0x1FC80] =	vst v63  }
0x12c: {  	_ =	swait.ge [sflag:s22], $0x4000  }
0x12d: {  	[sflag:s22] =	ssyncset.done $0x0  }
0x12e: {  	[sflag:s22] =	ssyncadd.s32 $0xFFFFC000  }
0x12f: {  	[spmem:s7] =	stream.indirect.scatter.add.f32 [tilespmem:s8], [sflag:$0x6], $0x80, s20, s5, $0xb8;
	[tilespmem:$0x1FC80] =	vst v63  }
0x130: {  	_ =	swait.ge [sflag:s1], $0x4000  }
0x131: {  	[sflag:s1] =	ssyncset.done $0x0  }
0x132: {  	[sflag:s1] =	ssyncadd.s32 $0xFFFFC000  }
0x133: {  	_ =	swait.ge [sflag:s18], $0x80  }
0x134: {  	[sflag:s18] =	ssyncset.done $0x0  }
0x135: {  	[sflag:s18] =	ssyncadd.s32 $0xFFFFFF80  }
0x136: {  	_ =	swait.ge [sflag:s15], $0x80  }
0x137: {  	[sflag:s15] =	ssyncset.done $0x0  }
0x138: {  	s25 =	rddreg [dreg:$0x9];
	[sflag:s15] =	ssyncadd.s32 $0xFFFFFF80  }
0x139: {  	[tilespmem:s10], [sflag:$0x2] =	stream.indirect.gather [hbm4b:s2+s5], $0x80, s5, s5, $0xb8;
	[tilespmem:$0x1FC80] =	vst v63  }
0x13a: {  	s1 =	rddreg [dreg:$0xa];
	s25 =	sadd.s32 $0x0, s25  }
0x13b: {  	[tilespmem:s14], [sflag:$0x9] =	stream.linear.gather [hbm4b:s25+s4], $0x80, $0x38;
	[tilespmem:$0x1FC80] =	vst v63  }
0x13c: {  	s15 =	sadd.s32 $0x0, s1  }
0x13d: {  	[tilespmem:s6], [sflag:$0xC] =	stream.linear.gather [hbm4b:s15+s4], $0x80, $0x38;
	[tilespmem:$0x1FC80] =	vst v63  }
0x13e: {  	_ =	swait.ge [sflag:s17], $0x4000  }
0x13f: {  	[sflag:s17] =	ssyncset.done $0x0  }
0x140: {  	[sflag:s17] =	ssyncadd.s32 $0xFFFFC000  }
0x141: {  	[spmem:s7] =	stream.indirect.scatter.add.f32 [tilespmem:s9], [sflag:$0x3], $0x80, s16, s5, $0xb8;
	[tilespmem:$0x1FC80] =	vst v63  }
0x142: {  	_ =	swait.ge [sflag:s31], $0x4000  }
0x143: {  	[sflag:s31] =	ssyncset.done $0x0  }
0x144: {  	[sflag:s31] =	ssyncadd.s32 $0xFFFFC000  }
0x145: {  	_ =	swait.ge [sflag:s29], $0x80  }
0x146: {  	[sflag:s29] =	ssyncset.done $0x0  }
0x147: {  	[sflag:s29] =	ssyncadd.s32 $0xFFFFFF80  }
0x148: {  	_ =	swait.ge [sflag:s0], $0x80  }
0x149: {  	[sflag:s0] =	ssyncset.done $0x0  }
0x14a: {  	[sflag:s0] =	ssyncadd.s32 $0xFFFFFF80  }
0x14b: {  	[tilespmem:s8], [sflag:$0x1] =	stream.indirect.gather [hbm4b:s2+s5], $0x80, s14, s5, $0xb8;
	[tilespmem:$0x1FC80] =	vst v63  }
0x14c: {  	s3 =	sadd.s32 $0xF0, s3  }
0x14d: {  	[tilespmem:s4], [sflag:$0x7] =	stream.linear.gather [hbm4b:s3+s4], $0x80, $0x38;
	[tilespmem:$0x1FC80] =	vst v63  }
0x14e: {  	s24 =	sadd.s32 $0xF0, s24  }
0x14f: {  	[tilespmem:s20], [sflag:$0xD] =	stream.linear.gather [hbm4b:s24+s4], $0x80, $0x38;
	[tilespmem:$0x1FC80] =	vst v63  }
0x150: {  	_ =	swait.ge [sflag:s22], $0x4000  }
0x151: {  	[sflag:s22] =	ssyncset.done $0x0  }
0x152: {  	[sflag:s22] =	ssyncadd.s32 $0xFFFFC000  }
0x153: {  	[spmem:s7] =	stream.indirect.scatter.add.f32 [tilespmem:s10], [sflag:$0x4], $0x80, s21, s5, $0xb8;
	[tilespmem:$0x1FC80] =	vst v63  }
0x154: {  	_ =	swait.ge [sflag:s23], $0x4000  }
0x155: {  	[sflag:s23] =	ssyncset.done $0x0  }
0x156: {  	[sflag:s23] =	ssyncadd.s32 $0xFFFFC000  }
0x157: {  	_ =	swait.ge [sflag:s12], $0x80  }
0x158: {  	[sflag:s12] =	ssyncset.done $0x0  }
0x159: {  	[sflag:s12] =	ssyncadd.s32 $0xFFFFFF80  }
0x15a: {  	_ =	swait.ge [sflag:s26], $0x80  }
0x15b: {  	[sflag:s26] =	ssyncset.done $0x0  }
0x15c: {  	[sflag:s26] =	ssyncadd.s32 $0xFFFFFF80  }
0x15d: {  	[tilespmem:s9], [sflag:$0x2] =	stream.indirect.gather [hbm4b:s2+s5], $0x80, s4, s5, $0xb8;
	[tilespmem:$0x1FC80] =	vst v63  }
0x15e: {  	s25 =	sadd.s32 $0x0, s11  }
0x15f: {  	[tilespmem:s5], [sflag:$0x8] =	stream.linear.gather [hbm4b:s25+s4], $0x80, $0x38;
	[tilespmem:$0x1FC80] =	vst v63  }
0x160: {  	s26 =	sadd.s32 $0x0, s19  }
0x161: {  	[tilespmem:s16], [sflag:$0xA] =	stream.linear.gather [hbm4b:s26+s4], $0x80, $0x38;
	[tilespmem:$0x1FC80] =	vst v63  }
0x162: {  	_ =	swait.ge [sflag:s17], $0x4000  }
0x163: {  	[sflag:s17] =	ssyncset.done $0x0  }
0x164: {  	[sflag:s17] =	ssyncadd.s32 $0xFFFFC000  }
0x165: {  	[spmem:s7] =	stream.indirect.scatter.add.f32 [tilespmem:s8], [sflag:$0x5], $0x80, s6, s5, $0xb8;
	[tilespmem:$0x1FC80] =	vst v63  }
0x166: {  	_ =	swait.ge [sflag:s28], $0x4000  }
0x167: {  	[sflag:s28] =	ssyncset.done $0x0  }
0x168: {  	[sflag:s28] =	ssyncadd.s32 $0xFFFFC000  }
0x169: {  	_ =	swait.ge [sflag:s18], $0x80  }
0x16a: {  	[sflag:s18] =	ssyncset.done $0x0  }
0x16b: {  	[sflag:s18] =	ssyncadd.s32 $0xFFFFFF80  }
0x16c: {  	_ =	swait.ge [sflag:s13], $0x80  }
0x16d: {  	[sflag:s13] =	ssyncset.done $0x0  }
0x16e: {  	s29 =	rddreg [dreg:$0x5];
	[sflag:s13] =	ssyncadd.s32 $0xFFFFFF80  }
0x16f: {  	[tilespmem:s10], [sflag:$0x1] =	stream.indirect.gather [hbm4b:s2+s5], $0x80, s5, s5, $0xb8;
	[tilespmem:$0x1FC80] =	vst v63  }
0x170: {  	s30 =	rddreg [dreg:$0x6];
	s3 =	sadd.s32 $0x0, s29  }
0x171: {  	[tilespmem:s14], [sflag:$0x9] =	stream.linear.gather [hbm4b:s3+s4], $0x80, $0x38;
	[tilespmem:$0x1FC80] =	vst v63  }
0x172: {  	s31 =	sadd.s32 $0x0, s30  }
0x173: {  	[tilespmem:s21], [sflag:$0xB] =	stream.linear.gather [hbm4b:s31+s4], $0x80, $0x38;
	[tilespmem:$0x1FC80] =	vst v63  }
0x174: {  	s24 =	simm.s32 $0xC0;
	s26 =	simm.s32 $0xA;
	_ =	swait.ge [sflag:s22], $0x4000  }
.LBB2_2:
0x175: {  	[sflag:s22] =	ssyncset.done $0x0  }
0x176: {  	s14 =	simm.s32 $0x380;
	[sflag:s22] =	ssyncadd.s32 $0xFFFFC000  }
0x177: {  	s6 =	simm.s32 $0x300;
	s1 =	simm.s32 $0x5;
	s7 =	rddreg [dreg:$0x3]  }
0x178: {  	[spmem:s7] =	stream.indirect.scatter.add.f32 [tilespmem:s14], [sflag:$0x6], $0x80, s6, s5, $0xb8;
	[tilespmem:$0x1FC80] =	vst v63  }
0x179: {  	_ =	swait.ge [sflag:s1], $0x4000  }
0x17a: {  	[sflag:s1] =	ssyncset.done $0x0  }
0x17b: {  	s0 =	simm.s32 $0x9;
	[sflag:s1] =	ssyncadd.s32 $0xFFFFC000  }
0x17c: {  	_ =	swait.ge [sflag:s0], $0x80  }
0x17d: {  	[sflag:s0] =	ssyncset.done $0x0  }
0x17e: {  	s19 =	simm.s32 $0xB;
	[sflag:s0] =	ssyncadd.s32 $0xFFFFFF80  }
0x17f: {  	_ =	swait.ge [sflag:s19], $0x80  }
0x180: {  	[sflag:s19] =	ssyncset.done $0x0  }
0x181: {  	s25 =	smov.u32 s24;
	s3 =	rddreg [dreg:$0x11];
	[sflag:s19] =	ssyncadd.s32 $0xFFFFFF80  }
0x182: {  	s20 =	simm.s32 $0x100;
	s8 =	simm.s32 $0x8380;
	s2 =	rddreg [dreg:$0x0]  }
0x183: {  	[tilespmem:s8], [sflag:$0x2] =	stream.indirect.gather [hbm4b:s2+s5], $0x80, s20, s5, $0xb8;
	[tilespmem:$0x1FC80] =	vst v63  }
0x184: {  	s30 =	rddreg [dreg:$0x12];
	s3 =	sadd.s32 s25, s3  }
0x185: {  	[tilespmem:s4], [sflag:$0x7] =	stream.linear.gather [hbm4b:s3+s4], $0x80, $0x38;
	[tilespmem:$0x1FC80] =	vst v63  }
0x186: {  	s9 =	simm.s32 $0x280;
	s28 =	sadd.s32 s25, s30  }
0x187: {  	[tilespmem:s9], [sflag:$0xC] =	stream.linear.gather [hbm4b:s28+s4], $0x80, $0x38;
	[tilespmem:$0x1FC80] =	vst v63  }
0x188: {  	_ =	swait.ge [sflag:s17], $0x4000  }
0x189: {  	s16 =	simm.s32 $0x180;
	[sflag:s17] =	ssyncset.done $0x0  }
0x18a: {  	s15 =	simm.s32 $0x4380;
	s13 =	simm.s32 $0x6;
	[sflag:s17] =	ssyncadd.s32 $0xFFFFC000  }
0x18b: {  	[spmem:s7] =	stream.indirect.scatter.add.f32 [tilespmem:s15], [sflag:$0x3], $0x80, s16, s5, $0xb8;
	[tilespmem:$0x1FC80] =	vst v63  }
0x18c: {  	_ =	swait.ge [sflag:s13], $0x4000  }
0x18d: {  	[sflag:s13] =	ssyncset.done $0x0  }
0x18e: {  	s12 =	simm.s32 $0x7;
	[sflag:s13] =	ssyncadd.s32 $0xFFFFC000  }
0x18f: {  	_ =	swait.ge [sflag:s12], $0x80  }
0x190: {  	[sflag:s12] =	ssyncset.done $0x0  }
0x191: {  	s23 =	simm.s32 $0xC;
	[sflag:s12] =	ssyncadd.s32 $0xFFFFFF80  }
0x192: {  	_ =	swait.ge [sflag:s23], $0x80  }
0x193: {  	[sflag:s23] =	ssyncset.done $0x0;
	s29 =	rddreg [dreg:$0x7]  }
0x194: {  	s31 =	rddreg [dreg:$0x8];
	[sflag:s23] =	ssyncadd.s32 $0xFFFFFF80;
	s3 =	sadd.s32 s25, s29  }
0x195: {  	[tilespmem:s14], [sflag:$0x1] =	stream.indirect.gather [hbm4b:s2+s5], $0x80, s4, s5, $0xb8;
	[tilespmem:$0x1FC80] =	vst v63  }
0x196: {  	s30 =	sadd.s32 s25, s31;
	s10 =	sadd.s32 $0x70, s3  }
0x197: {  	[tilespmem:s5], [sflag:$0x8] =	stream.linear.gather [hbm4b:s10+s4], $0x80, $0x38;
	[tilespmem:$0x1FC80] =	vst v63  }
0x198: {  	s11 =	sadd.s32 $0x70, s30  }
0x199: {  	[tilespmem:s6], [sflag:$0xD] =	stream.linear.gather [hbm4b:s11+s4], $0x80, $0x38;
	[tilespmem:$0x1FC80] =	vst v63  }
0x19a: {  	_ =	swait.ge [sflag:s22], $0x4000  }
0x19b: {  	[sflag:s22] =	ssyncset.done $0x0  }
0x19c: {  	s21 =	simm.s32 $0x200;
	s28 =	simm.s32 $0x3;
	[sflag:s22] =	ssyncadd.s32 $0xFFFFC000  }
0x19d: {  	[spmem:s7] =	stream.indirect.scatter.add.f32 [tilespmem:s8], [sflag:$0x4], $0x80, s21, s5, $0xb8;
	[tilespmem:$0x1FC80] =	vst v63  }
0x19e: {  	_ =	swait.ge [sflag:s28], $0x4000  }
0x19f: {  	[sflag:s28] =	ssyncset.done $0x0  }
0x1a0: {  	s18 =	simm.s32 $0x8;
	[sflag:s28] =	ssyncadd.s32 $0xFFFFC000  }
0x1a1: {  	_ =	swait.ge [sflag:s18], $0x80  }
0x1a2: {  	[sflag:s18] =	ssyncset.done $0x0  }
0x1a3: {  	s29 =	simm.s32 $0xD;
	[sflag:s18] =	ssyncadd.s32 $0xFFFFFF80  }
0x1a4: {  	_ =	swait.ge [sflag:s29], $0x80  }
0x1a5: {  	[sflag:s29] =	ssyncset.done $0x0  }
0x1a6: {  	s11 =	rddreg [dreg:$0xf];
	[sflag:s29] =	ssyncadd.s32 $0xFFFFFF80  }
0x1a7: {  	[tilespmem:s15], [sflag:$0x2] =	stream.indirect.gather [hbm4b:s2+s5], $0x80, s5, s5, $0xb8;
	[tilespmem:$0x1FC80] =	vst v63  }
0x1a8: {  	s31 =	rddreg [dreg:$0x10];
	s10 =	sadd.s32 s25, s11  }
0x1a9: {  	[tilespmem:s20], [sflag:$0x9] =	stream.linear.gather [hbm4b:s10+s4], $0x80, $0x38;
	[tilespmem:$0x1FC80] =	vst v63  }
0x1aa: {  	s31 =	sadd.s32 s25, s31  }
0x1ab: {  	[tilespmem:s16], [sflag:$0xA] =	stream.linear.gather [hbm4b:s31+s4], $0x80, $0x38;
	[tilespmem:$0x1FC80] =	vst v63  }
0x1ac: {  	_ =	swait.ge [sflag:s17], $0x4000  }
0x1ad: {  	[sflag:s17] =	ssyncset.done $0x0  }
0x1ae: {  	s31 =	simm.s32 $0x4;
	[sflag:s17] =	ssyncadd.s32 $0xFFFFC000  }
0x1af: {  	[spmem:s7] =	stream.indirect.scatter.add.f32 [tilespmem:s14], [sflag:$0x5], $0x80, s9, s5, $0xb8;
	[tilespmem:$0x1FC80] =	vst v63  }
0x1b0: {  	_ =	swait.ge [sflag:s31], $0x4000  }
0x1b1: {  	[sflag:s31] =	ssyncset.done $0x0  }
0x1b2: {  	[sflag:s31] =	ssyncadd.s32 $0xFFFFC000  }
0x1b3: {  	_ =	swait.ge [sflag:s0], $0x80  }
0x1b4: {  	[sflag:s0] =	ssyncset.done $0x0  }
0x1b5: {  	[sflag:s0] =	ssyncadd.s32 $0xFFFFFF80  }
0x1b6: {  	_ =	swait.ge [sflag:s26], $0x80  }
0x1b7: {  	[sflag:s26] =	ssyncset.done $0x0  }
0x1b8: {  	[sflag:s26] =	ssyncadd.s32 $0xFFFFFF80  }
0x1b9: {  	[tilespmem:s8], [sflag:$0x1] =	stream.indirect.gather [hbm4b:s2+s5], $0x80, s20, s5, $0xb8;
	[tilespmem:$0x1FC80] =	vst v63  }
0x1ba: {  	s11 =	sadd.s32 $0x90, s3  }
0x1bb: {  	[tilespmem:s4], [sflag:$0x7] =	stream.linear.gather [hbm4b:s11+s4], $0x80, $0x38;
	[tilespmem:$0x1FC80] =	vst v63  }
0x1bc: {  	s11 =	sadd.s32 $0x90, s30  }
0x1bd: {  	[tilespmem:s21], [sflag:$0xB] =	stream.linear.gather [hbm4b:s11+s4], $0x80, $0x38;
	[tilespmem:$0x1FC80] =	vst v63  }
0x1be: {  	_ =	swait.ge [sflag:s22], $0x4000  }
0x1bf: {  	[sflag:s22] =	ssyncset.done $0x0  }
0x1c0: {  	[sflag:s22] =	ssyncadd.s32 $0xFFFFC000  }
0x1c1: {  	[spmem:s7] =	stream.indirect.scatter.add.f32 [tilespmem:s15], [sflag:$0x6], $0x80, s6, s5, $0xb8;
	[tilespmem:$0x1FC80] =	vst v63  }
0x1c2: {  	_ =	swait.ge [sflag:s1], $0x4000  }
0x1c3: {  	[sflag:s1] =	ssyncset.done $0x0  }
0x1c4: {  	[sflag:s1] =	ssyncadd.s32 $0xFFFFC000  }
0x1c5: {  	_ =	swait.ge [sflag:s12], $0x80  }
0x1c6: {  	[sflag:s12] =	ssyncset.done $0x0  }
0x1c7: {  	[sflag:s12] =	ssyncadd.s32 $0xFFFFFF80  }
0x1c8: {  	_ =	swait.ge [sflag:s19], $0x80  }
0x1c9: {  	[sflag:s19] =	ssyncset.done $0x0  }
0x1ca: {  	s10 =	rddreg [dreg:$0xd];
	[sflag:s19] =	ssyncadd.s32 $0xFFFFFF80  }
0x1cb: {  	[tilespmem:s14], [sflag:$0x2] =	stream.indirect.gather [hbm4b:s2+s5], $0x80, s4, s5, $0xb8;
	[tilespmem:$0x1FC80] =	vst v63  }
0x1cc: {  	s11 =	rddreg [dreg:$0xe];
	s10 =	sadd.s32 s25, s10  }
0x1cd: {  	[tilespmem:s5], [sflag:$0x8] =	stream.linear.gather [hbm4b:s10+s4], $0x80, $0x38;
	[tilespmem:$0x1FC80] =	vst v63  }
0x1ce: {  	s11 =	sadd.s32 s25, s11  }
0x1cf: {  	[tilespmem:s9], [sflag:$0xC] =	stream.linear.gather [hbm4b:s11+s4], $0x80, $0x38;
	[tilespmem:$0x1FC80] =	vst v63  }
0x1d0: {  	_ =	swait.ge [sflag:s17], $0x4000  }
0x1d1: {  	[sflag:s17] =	ssyncset.done $0x0  }
0x1d2: {  	[sflag:s17] =	ssyncadd.s32 $0xFFFFC000  }
0x1d3: {  	[spmem:s7] =	stream.indirect.scatter.add.f32 [tilespmem:s8], [sflag:$0x3], $0x80, s16, s5, $0xb8;
	[tilespmem:$0x1FC80] =	vst v63  }
0x1d4: {  	_ =	swait.ge [sflag:s13], $0x4000  }
0x1d5: {  	[sflag:s13] =	ssyncset.done $0x0  }
0x1d6: {  	[sflag:s13] =	ssyncadd.s32 $0xFFFFC000  }
0x1d7: {  	_ =	swait.ge [sflag:s18], $0x80  }
0x1d8: {  	[sflag:s18] =	ssyncset.done $0x0  }
0x1d9: {  	[sflag:s18] =	ssyncadd.s32 $0xFFFFFF80  }
0x1da: {  	_ =	swait.ge [sflag:s23], $0x80  }
0x1db: {  	[sflag:s23] =	ssyncset.done $0x0  }
0x1dc: {  	[sflag:s23] =	ssyncadd.s32 $0xFFFFFF80  }
0x1dd: {  	[tilespmem:s15], [sflag:$0x1] =	stream.indirect.gather [hbm4b:s2+s5], $0x80, s5, s5, $0xb8;
	[tilespmem:$0x1FC80] =	vst v63  }
0x1de: {  	s10 =	sadd.s32 $0xB0, s3  }
0x1df: {  	[tilespmem:s20], [sflag:$0x9] =	stream.linear.gather [hbm4b:s10+s4], $0x80, $0x38;
	[tilespmem:$0x1FC80] =	vst v63  }
0x1e0: {  	s11 =	sadd.s32 $0xB0, s30  }
0x1e1: {  	[tilespmem:s6], [sflag:$0xD] =	stream.linear.gather [hbm4b:s11+s4], $0x80, $0x38;
	[tilespmem:$0x1FC80] =	vst v63  }
0x1e2: {  	_ =	swait.ge [sflag:s22], $0x4000  }
0x1e3: {  	[sflag:s22] =	ssyncset.done $0x0  }
0x1e4: {  	[sflag:s22] =	ssyncadd.s32 $0xFFFFC000  }
0x1e5: {  	[spmem:s7] =	stream.indirect.scatter.add.f32 [tilespmem:s14], [sflag:$0x4], $0x80, s21, s5, $0xb8;
	[tilespmem:$0x1FC80] =	vst v63  }
0x1e6: {  	_ =	swait.ge [sflag:s28], $0x4000  }
0x1e7: {  	[sflag:s28] =	ssyncset.done $0x0  }
0x1e8: {  	[sflag:s28] =	ssyncadd.s32 $0xFFFFC000  }
0x1e9: {  	_ =	swait.ge [sflag:s0], $0x80  }
0x1ea: {  	[sflag:s0] =	ssyncset.done $0x0  }
0x1eb: {  	[sflag:s0] =	ssyncadd.s32 $0xFFFFFF80  }
0x1ec: {  	_ =	swait.ge [sflag:s29], $0x80  }
0x1ed: {  	[sflag:s29] =	ssyncset.done $0x0  }
0x1ee: {  	s10 =	rddreg [dreg:$0xb];
	[sflag:s29] =	ssyncadd.s32 $0xFFFFFF80  }
0x1ef: {  	[tilespmem:s8], [sflag:$0x2] =	stream.indirect.gather [hbm4b:s2+s5], $0x80, s20, s5, $0xb8;
	[tilespmem:$0x1FC80] =	vst v63  }
0x1f0: {  	s11 =	rddreg [dreg:$0xc];
	s10 =	sadd.s32 s25, s10  }
0x1f1: {  	[tilespmem:s4], [sflag:$0x7] =	stream.linear.gather [hbm4b:s10+s4], $0x80, $0x38;
	[tilespmem:$0x1FC80] =	vst v63  }
0x1f2: {  	s11 =	sadd.s32 s25, s11  }
0x1f3: {  	[tilespmem:s16], [sflag:$0xA] =	stream.linear.gather [hbm4b:s11+s4], $0x80, $0x38;
	[tilespmem:$0x1FC80] =	vst v63  }
0x1f4: {  	_ =	swait.ge [sflag:s17], $0x4000  }
0x1f5: {  	[sflag:s17] =	ssyncset.done $0x0  }
0x1f6: {  	[sflag:s17] =	ssyncadd.s32 $0xFFFFC000  }
0x1f7: {  	[spmem:s7] =	stream.indirect.scatter.add.f32 [tilespmem:s15], [sflag:$0x5], $0x80, s9, s5, $0xb8;
	[tilespmem:$0x1FC80] =	vst v63  }
0x1f8: {  	_ =	swait.ge [sflag:s31], $0x4000  }
0x1f9: {  	[sflag:s31] =	ssyncset.done $0x0  }
0x1fa: {  	[sflag:s31] =	ssyncadd.s32 $0xFFFFC000  }
0x1fb: {  	_ =	swait.ge [sflag:s12], $0x80  }
0x1fc: {  	[sflag:s12] =	ssyncset.done $0x0  }
0x1fd: {  	[sflag:s12] =	ssyncadd.s32 $0xFFFFFF80  }
0x1fe: {  	_ =	swait.ge [sflag:s26], $0x80  }
0x1ff: {  	[sflag:s26] =	ssyncset.done $0x0  }
0x200: {  	[sflag:s26] =	ssyncadd.s32 $0xFFFFFF80  }
0x201: {  	[tilespmem:s14], [sflag:$0x1] =	stream.indirect.gather [hbm4b:s2+s5], $0x80, s4, s5, $0xb8;
	[tilespmem:$0x1FC80] =	vst v63  }
0x202: {  	s10 =	sadd.s32 $0xD0, s3  }
0x203: {  	[tilespmem:s5], [sflag:$0x8] =	stream.linear.gather [hbm4b:s10+s4], $0x80, $0x38;
	[tilespmem:$0x1FC80] =	vst v63  }
0x204: {  	s11 =	sadd.s32 $0xD0, s30  }
0x205: {  	[tilespmem:s21], [sflag:$0xB] =	stream.linear.gather [hbm4b:s11+s4], $0x80, $0x38;
	[tilespmem:$0x1FC80] =	vst v63  }
0x206: {  	_ =	swait.ge [sflag:s22], $0x4000  }
0x207: {  	[sflag:s22] =	ssyncset.done $0x0  }
0x208: {  	[sflag:s22] =	ssyncadd.s32 $0xFFFFC000  }
0x209: {  	[spmem:s7] =	stream.indirect.scatter.add.f32 [tilespmem:s8], [sflag:$0x6], $0x80, s6, s5, $0xb8;
	[tilespmem:$0x1FC80] =	vst v63  }
0x20a: {  	_ =	swait.ge [sflag:s1], $0x4000  }
0x20b: {  	[sflag:s1] =	ssyncset.done $0x0  }
0x20c: {  	[sflag:s1] =	ssyncadd.s32 $0xFFFFC000  }
0x20d: {  	_ =	swait.ge [sflag:s18], $0x80  }
0x20e: {  	[sflag:s18] =	ssyncset.done $0x0  }
0x20f: {  	[sflag:s18] =	ssyncadd.s32 $0xFFFFFF80  }
0x210: {  	_ =	swait.ge [sflag:s19], $0x80  }
0x211: {  	[sflag:s19] =	ssyncset.done $0x0  }
0x212: {  	s11 =	rddreg [dreg:$0x9];
	[sflag:s19] =	ssyncadd.s32 $0xFFFFFF80  }
0x213: {  	[tilespmem:s15], [sflag:$0x2] =	stream.indirect.gather [hbm4b:s2+s5], $0x80, s5, s5, $0xb8;
	[tilespmem:$0x1FC80] =	vst v63  }
0x214: {  	s19 =	rddreg [dreg:$0xa];
	s10 =	sadd.s32 s25, s11  }
0x215: {  	[tilespmem:s20], [sflag:$0x9] =	stream.linear.gather [hbm4b:s10+s4], $0x80, $0x38;
	[tilespmem:$0x1FC80] =	vst v63  }
0x216: {  	s11 =	rddreg [dreg:$0x14];
	s1 =	sadd.s32 s25, s19  }
0x217: {  	[tilespmem:s9], [sflag:$0xC] =	stream.linear.gather [hbm4b:s1+s4], $0x80, $0x38;
	[tilespmem:$0x1FC80] =	vst v63  }
0x218: {  	s19 =	rddreg [dreg:$0x13];
	_ =	swait.ge [sflag:s17], $0x4000  }
0x219: {  	[sflag:s17] =	ssyncset.done $0x0  }
0x21a: {  	[sflag:s17] =	ssyncadd.s32 $0xFFFFC000  }
0x21b: {  	[spmem:s7] =	stream.indirect.scatter.add.f32 [tilespmem:s14], [sflag:$0x3], $0x80, s16, s5, $0xb8;
	[tilespmem:$0x1FC80] =	vst v63  }
0x21c: {  	_ =	swait.ge [sflag:s13], $0x4000  }
0x21d: {  	[sflag:s13] =	ssyncset.done $0x0  }
0x21e: {  	[sflag:s13] =	ssyncadd.s32 $0xFFFFC000  }
0x21f: {  	_ =	swait.ge [sflag:s0], $0x80  }
0x220: {  	[sflag:s0] =	ssyncset.done $0x0  }
0x221: {  	[sflag:s0] =	ssyncadd.s32 $0xFFFFFF80  }
0x222: {  	_ =	swait.ge [sflag:s23], $0x80  }
0x223: {  	[sflag:s23] =	ssyncset.done $0x0  }
0x224: {  	[sflag:s23] =	ssyncadd.s32 $0xFFFFFF80  }
0x225: {  	[tilespmem:s8], [sflag:$0x1] =	stream.indirect.gather [hbm4b:s2+s5], $0x80, s20, s5, $0xb8;
	[tilespmem:$0x1FC80] =	vst v63  }
0x226: {  	s3 =	sadd.s32 $0xF0, s3  }
0x227: {  	[tilespmem:s4], [sflag:$0x7] =	stream.linear.gather [hbm4b:s3+s4], $0x80, $0x38;
	[tilespmem:$0x1FC80] =	vst v63  }
0x228: {  	s13 =	sadd.s32 $0xF0, s30  }
0x229: {  	[tilespmem:s6], [sflag:$0xD] =	stream.linear.gather [hbm4b:s13+s4], $0x80, $0x38;
	[tilespmem:$0x1FC80] =	vst v63  }
0x22a: {  	_ =	swait.ge [sflag:s22], $0x4000  }
0x22b: {  	[sflag:s22] =	ssyncset.done $0x0  }
0x22c: {  	[sflag:s22] =	ssyncadd.s32 $0xFFFFC000  }
0x22d: {  	[spmem:s7] =	stream.indirect.scatter.add.f32 [tilespmem:s15], [sflag:$0x4], $0x80, s21, s5, $0xb8;
	[tilespmem:$0x1FC80] =	vst v63  }
0x22e: {  	_ =	swait.ge [sflag:s28], $0x4000  }
0x22f: {  	[sflag:s28] =	ssyncset.done $0x0  }
0x230: {  	[sflag:s28] =	ssyncadd.s32 $0xFFFFC000  }
0x231: {  	_ =	swait.ge [sflag:s12], $0x80  }
0x232: {  	[sflag:s12] =	ssyncset.done $0x0  }
0x233: {  	[sflag:s12] =	ssyncadd.s32 $0xFFFFFF80  }
0x234: {  	_ =	swait.ge [sflag:s29], $0x80  }
0x235: {  	[sflag:s29] =	ssyncset.done $0x0  }
0x236: {  	[sflag:s29] =	ssyncadd.s32 $0xFFFFFF80  }
0x237: {  	[tilespmem:s14], [sflag:$0x2] =	stream.indirect.gather [hbm4b:s2+s5], $0x80, s4, s5, $0xb8;
	[tilespmem:$0x1FC80] =	vst v63  }
0x238: {  	s23 =	sadd.s32 s25, s11  }
0x239: {  	[tilespmem:s5], [sflag:$0x8] =	stream.linear.gather [hbm4b:s23+s4], $0x80, $0x38;
	[tilespmem:$0x1FC80] =	vst v63  }
0x23a: {  	s28 =	sadd.s32 s25, s19  }
0x23b: {  	[tilespmem:s16], [sflag:$0xA] =	stream.linear.gather [hbm4b:s28+s4], $0x80, $0x38;
	[tilespmem:$0x1FC80] =	vst v63  }
0x23c: {  	_ =	swait.ge [sflag:s17], $0x4000  }
0x23d: {  	[sflag:s17] =	ssyncset.done $0x0  }
0x23e: {  	[sflag:s17] =	ssyncadd.s32 $0xFFFFC000  }
0x23f: {  	[spmem:s7] =	stream.indirect.scatter.add.f32 [tilespmem:s8], [sflag:$0x5], $0x80, s9, s5, $0xb8;
	[tilespmem:$0x1FC80] =	vst v63  }
0x240: {  	_ =	swait.ge [sflag:s31], $0x4000  }
0x241: {  	[sflag:s31] =	ssyncset.done $0x0  }
0x242: {  	[sflag:s31] =	ssyncadd.s32 $0xFFFFC000  }
0x243: {  	_ =	swait.ge [sflag:s18], $0x80  }
0x244: {  	[sflag:s18] =	ssyncset.done $0x0  }
0x245: {  	[sflag:s18] =	ssyncadd.s32 $0xFFFFFF80  }
0x246: {  	_ =	swait.ge [sflag:s26], $0x80  }
0x247: {  	[sflag:s26] =	ssyncset.done $0x0  }
0x248: {  	p5 =	sne.s32 s24, $0x3C0;
	s29 =	rddreg [dreg:$0x5];
	[sflag:s26] =	ssyncadd.s32 $0xFFFFFF80  }
0x249: {  	[tilespmem:s15], [sflag:$0x1] =	stream.indirect.gather [hbm4b:s2+s5], $0x80, s5, s5, $0xb8;
	[tilespmem:$0x1FC80] =	vst v63  }
.Ltmp0:
0x24a: {  	s30 =	rddreg [dreg:$0x6];
	s3 =	sadd.s32 s25, s29;
	(pc) =	sbr.rel @p5 .LBB2_2-.Ltmp0, $4  }
0x24b: {  	[tilespmem:s20], [sflag:$0x9] =	stream.linear.gather [hbm4b:s3+s4], $0x80, $0x38;
	[tilespmem:$0x1FC80] =	vst v63  }
0x24c: {  	s24 =	sadd.s32 $0xC0, s24;
	s10 =	simm.s32 $0x200;
	s31 =	sadd.s32 s25, s30  }
0x24d: {  	[tilespmem:s21], [sflag:$0xB] =	stream.linear.gather [hbm4b:s31+s4], $0x80, $0x38;
	[tilespmem:$0x1FC80] =	vst v63  }
0x24e: {  	s6 =	simm.s32 $0x180;
	s9 =	simm.s32 $0x100;
	_ =	swait.ge [sflag:s22], $0x4000  }
0x24f: {  	[sflag:s22] =	ssyncset.done $0x0  }
0x250: {  	s14 =	simm.s32 $0x380;
	[sflag:s22] =	ssyncadd.s32 $0xFFFFC000  }
0x251: {  	s13 =	simm.s32 $0x300;
	s1 =	simm.s32 $0x5;
	s7 =	rddreg [dreg:$0x3]  }
0x252: {  	[spmem:s7] =	stream.indirect.scatter.add.f32 [tilespmem:s14], [sflag:$0x6], $0x80, s13, s5, $0xb8;
	[tilespmem:$0x1FC80] =	vst v63  }
0x253: {  	_ =	swait.ge [sflag:s1], $0x4000  }
0x254: {  	[sflag:s1] =	ssyncset.done $0x0  }
0x255: {  	s0 =	simm.s32 $0x9;
	[sflag:s1] =	ssyncadd.s32 $0xFFFFC000  }
0x256: {  	_ =	swait.ge [sflag:s0], $0x80  }
0x257: {  	[sflag:s0] =	ssyncset.done $0x0  }
0x258: {  	s3 =	simm.s32 $0xB;
	[sflag:s0] =	ssyncadd.s32 $0xFFFFFF80  }
0x259: {  	_ =	swait.ge [sflag:s3], $0x80  }
0x25a: {  	[sflag:s3] =	ssyncset.done $0x0  }
0x25b: {  	s0 =	sld [smem:$0x7F3];
	[sflag:s3] =	ssyncadd.s32 $0xFFFFFF80  }
0x25c: {  	s8 =	simm.s32 $0x8380;
	s2 =	rddreg [dreg:$0x0]  }
0x25d: {  	[tilespmem:s8], [sflag:$0x2] =	stream.indirect.gather [hbm4b:s2+s5], $0x80, s9, s5, $0xb8;
	[tilespmem:$0x1FC80] =	vst v63  }
0x25e: {  	s9 =	sld [smem:$0x7F4]  }
0x25f: {  	[tilespmem:s4], [sflag:$0x7] =	stream.linear.gather [hbm4b:s0+s4], $0x80, $0x38;
	[tilespmem:$0x1FC80] =	vst v63  }
0x260: {  	s12 =	simm.s32 $0x280  }
0x261: {  	[tilespmem:s12], [sflag:$0xC] =	stream.linear.gather [hbm4b:s9+s4], $0x80, $0x38;
	[tilespmem:$0x1FC80] =	vst v63  }
0x262: {  	_ =	swait.ge [sflag:s17], $0x4000  }
0x263: {  	[sflag:s17] =	ssyncset.done $0x0  }
0x264: {  	s15 =	simm.s32 $0x4380;
	s16 =	simm.s32 $0x6;
	[sflag:s17] =	ssyncadd.s32 $0xFFFFC000  }
0x265: {  	[spmem:s7] =	stream.indirect.scatter.add.f32 [tilespmem:s15], [sflag:$0x3], $0x80, s6, s5, $0xb8;
	[tilespmem:$0x1FC80] =	vst v63  }
0x266: {  	_ =	swait.ge [sflag:s16], $0x4000  }
0x267: {  	[sflag:s16] =	ssyncset.done $0x0  }
0x268: {  	s18 =	simm.s32 $0x7;
	[sflag:s16] =	ssyncadd.s32 $0xFFFFC000  }
0x269: {  	_ =	swait.ge [sflag:s18], $0x80  }
0x26a: {  	[sflag:s18] =	ssyncset.done $0x0  }
0x26b: {  	s20 =	simm.s32 $0xC;
	[sflag:s18] =	ssyncadd.s32 $0xFFFFFF80  }
0x26c: {  	_ =	swait.ge [sflag:s20], $0x80  }
0x26d: {  	[sflag:s20] =	ssyncset.done $0x0  }
0x26e: {  	s21 =	sld [smem:$0x7F5];
	[sflag:s20] =	ssyncadd.s32 $0xFFFFFF80  }
0x26f: {  	[tilespmem:s14], [sflag:$0x1] =	stream.indirect.gather [hbm4b:s2+s5], $0x80, s4, s5, $0xb8;
	[tilespmem:$0x1FC80] =	vst v63  }
0x270: {  	s23 =	sld [smem:$0x7F6]  }
0x271: {  	[tilespmem:s5], [sflag:$0x8] =	stream.linear.gather [hbm4b:s21+s4], $0x80, $0x38;
	[tilespmem:$0x1FC80] =	vst v63  }
0x272: {  	_ = 	snop  }
0x273: {  	[tilespmem:s13], [sflag:$0xD] =	stream.linear.gather [hbm4b:s23+s4], $0x80, $0x38;
	[tilespmem:$0x1FC80] =	vst v63  }
0x274: {  	_ =	swait.ge [sflag:s22], $0x4000  }
0x275: {  	[sflag:s22] =	ssyncset.done $0x0  }
0x276: {  	s24 =	simm.s32 $0x3;
	[sflag:s22] =	ssyncadd.s32 $0xFFFFC000  }
0x277: {  	[spmem:s7] =	stream.indirect.scatter.add.f32 [tilespmem:s8], [sflag:$0x4], $0x80, s10, s5, $0xb8;
	[tilespmem:$0x1FC80] =	vst v63  }
0x278: {  	_ =	swait.ge [sflag:s24], $0x4000  }
0x279: {  	[sflag:s24] =	ssyncset.done $0x0  }
0x27a: {  	s25 =	simm.s32 $0x8;
	[sflag:s24] =	ssyncadd.s32 $0xFFFFC000  }
0x27b: {  	_ =	swait.ge [sflag:s25], $0x80  }
0x27c: {  	[sflag:s25] =	ssyncset.done $0x0  }
0x27d: {  	s26 =	simm.s32 $0xD;
	[sflag:s25] =	ssyncadd.s32 $0xFFFFFF80  }
0x27e: {  	_ =	swait.ge [sflag:s26], $0x80  }
0x27f: {  	[sflag:s26] =	ssyncset.done $0x0  }
0x280: {  	[sflag:s26] =	ssyncadd.s32 $0xFFFFFF80  }
0x281: {  	[tilespmem:s15], [sflag:$0x2] =	stream.indirect.gather [hbm4b:s2+s5], $0x80, s5, s5, $0xb8;
	[tilespmem:$0x1FC80] =	vst v63  }
0x282: {  	_ =	swait.ge [sflag:s17], $0x4000  }
0x283: {  	[sflag:s17] =	ssyncset.done $0x0  }
0x284: {  	s28 =	simm.s32 $0x4;
	[sflag:s17] =	ssyncadd.s32 $0xFFFFC000  }
0x285: {  	[spmem:s7] =	stream.indirect.scatter.add.f32 [tilespmem:s14], [sflag:$0x5], $0x80, s12, s5, $0xb8;
	[tilespmem:$0x1FC80] =	vst v63  }
0x286: {  	_ =	swait.ge [sflag:s28], $0x4000  }
0x287: {  	[sflag:s28] =	ssyncset.done $0x0  }
0x288: {  	[sflag:s28] =	ssyncadd.s32 $0xFFFFC000  }
0x289: {  	_ =	swait.ge [sflag:s22], $0x4000  }
0x28a: {  	[sflag:s22] =	ssyncset.done $0x0  }
0x28b: {  	[sflag:s22] =	ssyncadd.s32 $0xFFFFC000  }
0x28c: {  	[spmem:s7] =	stream.indirect.scatter.add.f32 [tilespmem:s15], [sflag:$0x6], $0x80, s13, s5, $0xb8;
	[tilespmem:$0x1FC80] =	vst v63  }
0x28d: {  	_ =	swait.ge [sflag:s1], $0x4000  }
0x28e: {  	[sflag:s1] =	ssyncset.done $0x0  }
0x28f: {  	[sflag:s1] =	ssyncadd.s32 $0xFFFFC000  }
0x290: {  	_ =	swait.ge [sflag:s16], $0x4000  }
0x291: {  	[sflag:s16] =	ssyncset.done $0x0  }
0x292: {  	[sflag:s16] =	ssyncadd.s32 $0xFFFFC000  }
0x293: {  	[bflag:$0x0] =	sbarrier.arrive $0xFFFF  }
0x294: {  	s24 =	sld [smem:$0x7FD]  }
0x295: {  	s6 =	sld [smem:$0x7F9];
	_ =	sdelay $0x1  }
0x296: {  	s10 =	simm.s32 @p0 $0x1FCE;
	s3 =	sshrl.u32 @p0 s24, $0x3  }
0x297: {  	[hbm:s6], [sflag:s10] =	dma.local @p0 [spmem:s3], $0x2080  }
0x298: {  	s3 =	simm.s32 @p0 $0xE  }
0x299: {  	_ =	swait.ge @p0 [sflag:s3], $0x2080  }
0x29a: {  	s30 =	sld [smem:$0x7FC]  }
0x29b: {  	s25 =	stileid.u32  }
0x29c: {  	s10 =	sshll.u32 @!p0 s25, $0x6;
	[sflag:s3] =	ssyncset.done @p0 $0x0;
	s6 =	rddreg [dreg:$0x1a]  }
0x29d: {  	[sflag:s3] =	ssyncadd.s32 @p0 $0xFFFFDF80;
	s3 =	sor.u32 @!p0 $0x1C0E, s10;
	s10 =	sshrl.u32 @!p0 s30, $0x3  }
0x29e: {  	[hbm:s6], [sflag:s3] =	dma.local @!p0 [spmem:s10], $0x2780  }
0x29f: {  	s3 =	simm.s32 @!p0 $0xE  }
0x2a0: {  	_ =	swait.ge @!p0 [sflag:s3], $0x2780  }
0x2a1: {  	s29 =	sld [smem:$0x7F0]  }
0x2a2: {  	s31 =	sld [smem:$0x7FA];
	_ =	sdelay $0x1  }
0x2a3: {  	s0 =	sadd.s32 $0x1, s29  }
0x2a4: {  	p5 =	sne.s32 s0, s31  }
.Ltmp1:
0x2a5: {  	_ = 	snop;
	(pc) =	sbr.rel @p5 .LBB2_1-.Ltmp1, $3  }
0x2a6: {  	_ =	sdelay $0x1  }
0x2a7: {  	[sflag:s3] =	ssyncset.done @!p0 $0x0  }
0x2a8: {  	s13 =	simm.s32 $0xA;
	[sflag:s3] =	ssyncadd.s32 @!p0 $0xFFFFD880  }
0x2a9: {  	_ =	sfence.sel $0x180000  }
0x2aa: {  	[bflag:$0x0] =	sbarrier.arrive $0xFFFF  }
0x2ab: {  	_ =	strace $0x9000004A  }
0x2ac: {  	[bflag:$0x2] =	sbarrier.arrive $0xFFFF  }
0x2ad: {  	p0 =	sne.s32 s25, $0x0;
	s0 =	rddreg [dreg:$0x4]  }
0x2ae: {  	s0 =	sadd.s32 @!p0 $0x100000, s0  }
0x2af: {  	[sflag:s0] =	ssyncadd.tile.s32 @!p0 $0x1;
	_ =	shalt  }
.Lfunc_end2:
_tile_overlayer_lowered:
.L_overlay_start_2:
0x2b0: {  	(tag) =	ssettag $0x2  }
0x2b1: {  	s0 =	rddreg [dreg:$0x0];
	s2 =	stileid.u32  }
0x2b2: {  	s1 =	rddreg [dreg:$0x1];
	p0 =	sne.s32 s2, $0x0  }
0x2b3: {  	s3 =	rddreg [dreg:$0x2];
	[bflag:$0x3] =	sbarrier.arrive $0xFFFF;
	s2 =	simm.s32 @!p0 $0x1C0E  }
0x2b4: {  	[timem:s3], [sflag:s2] =	dma.local @!p0 [hbm:s0], s1  }
0x2b5: {  	s0 =	simm.s32 @!p0 $0xE  }
0x2b6: {  	_ =	swait.ge @!p0 [sflag:s0], s1  }
0x2b7: {  	s1 =	ssub.s32 @!p0 $0x0, s1;
	[sflag:s0] =	ssyncset.done @!p0 $0x0  }
0x2b8: {  	[sflag:s0] =	ssyncadd.s32 @!p0 s1  }
0x2b9: {  	[bflag:$0x3] =	sbarrier.arrive $0xFFFF  }
0x2ba: {  	_ =	shalt  }

</sc_bundles>
